<compile_context>
chip_gen: v7x
topology: tpu7x:2x2x1
jax: 0.10.2.dev20260603
libtpu: 0.0.44.dev20260713+nightly
codegen_flags: <defaults>
</compile_context>

<pallas_src>
import functools

import jax
import jax.numpy as jnp
from jax import lax
from jax.experimental import pallas as pl
from jax.experimental.pallas import tpu as pltpu
from jax.experimental.pallas import tpu_sc as plsc

F = 26
V1 = 100001
E = 16
B = 16384

NC = 2
NS = 16
NW = NC * NS

TPW = (F * E) // NW
OCH = 4096
NOCH = B // OCH
GPC = OCH // 16

_mesh = plsc.VectorSubcoreMesh(core_axis_name="c", subcore_axis_name="s")


@functools.partial(
    pl.kernel,
    mesh=_mesh,
    out_type=jax.ShapeDtypeStruct((F, E, B), jnp.float32),
    scratch_types=[
        pltpu.VMEM((V1,), jnp.float32),
        pltpu.VMEM((B,), jnp.int32),
        pltpu.VMEM((OCH,), jnp.float32),
        pltpu.VMEM((OCH,), jnp.float32),
        pltpu.SemaphoreType.DMA,
        pltpu.SemaphoreType.DMA,
        pltpu.SemaphoreType.DMA,
    ],
    compiler_params=pltpu.CompilerParams(needs_layout_passes=False),
)
def _sc_lookup(idx_hbm, tab_hbm, out_hbm, tab_v, idx_v, out0, out1,
               tsem, w0sem, w1sem):
    wid = lax.axis_index("s") * NC + lax.axis_index("c")
    obufs = (out0, out1)
    wsems = (w0sem, w1sem)
    prev_wb = [None, None]
    for j in range(TPW):
        t = wid * TPW + j
        f = t // E
        e = t % E
        tcopy = pltpu.async_copy(tab_hbm.at[f, e], tab_v, tsem)
        if j == 0:
            pltpu.sync_copy(idx_hbm.at[f], idx_v)
        else:
            @pl.when(e == 0)
            def _():
                pltpu.sync_copy(idx_hbm.at[f], idx_v)
        tcopy.wait()
        for ch in range(NOCH):
            b = ch % 2
            if prev_wb[b] is not None:
                prev_wb[b].wait()
            ob = obufs[b]

            @plsc.parallel_loop(0, GPC, unroll=8)
            def _gather(i, ch=ch, ob=ob):
                idx16 = idx_v[pl.ds(ch * OCH + i * 16, 16)]
                ob[pl.ds(i * 16, 16)] = plsc.load_gather(tab_v, [idx16])

            prev_wb[b] = pltpu.async_copy(
                ob, out_hbm.at[f, e, pl.ds(ch * OCH, OCH)], wsems[b])
    prev_wb[0].wait()
    prev_wb[1].wait()


def kernel(indices, tables):
    idx_t = indices.T
    tab_t = jnp.transpose(tables, (0, 2, 1))
    out_t = _sc_lookup(idx_t, tab_t)
    return jnp.transpose(out_t, (2, 0, 1))

# --- scband reference (transcript-rebuilt; emitter-appended) ---
"""Pipeline reference for scband-embedding-layer-12369505813193 (READ-ONLY COPY).

The authoritative reference and input builder live on the scoring server;
editing this copy changes nothing except your own understanding.
"""

import jax, jax.numpy as jnp
import numpy as np

N_FIELDS = 26
VOCAB = 100000
EMB = 16
BATCH = 16384


def setup_inputs(seed: int = 0) -> dict:
    key = jax.random.key(seed)
    k1, k2 = jax.random.split(key)
    # X in torch is a dict {col: int64[B]}; here we stack the 26 columns into [B, 26]
    indices = jax.random.randint(k1, (BATCH, N_FIELDS), 0, VOCAB, dtype=jnp.int32)
    # One embedding table per field, each (vocab_size + 1, embedding_dim), stacked
    tables = jax.random.normal(k2, (N_FIELDS, VOCAB + 1, EMB), dtype=jnp.float32) * 0.01
    return {"indices": indices, "tables": tables}


def reference(indices, tables):
    # Faithful to: for each col, emb = embedding_layer[col](X[col].view(-1,1)) -> [B,1,E];
    # stack over fields at dim=1 -> [B,F,1,E]; squeeze(2) -> [B,F,E]
    gather = jax.vmap(lambda tab, idx: jnp.take(tab, idx, axis=0), in_axes=(0, 1), out_axes=1)
    return gather(tables, indices)  # [B, F, E]

if __name__ == "__main__":
    import jax
    _d = setup_inputs()
    print(jax.jit(kernel)(*tuple(_d.values())))

</pallas_src>

<mosaic_0001>
#map = affine_map<(d0, d1) -> (0, 0)>
#map1 = affine_map<(d0, d1) -> (0, 0, 0)>
module attributes {stable_mosaic.version = 14 : i64} {
  func.func @_sc_lookup(%arg0: i32, %arg1: i32, %arg2: memref<26x16384xi32, #tpu.memory_space<hbm>>, %arg3: memref<26x16x100001xf32, #tpu.memory_space<hbm>>, %arg4: memref<26x16x16384xf32, #tpu.memory_space<hbm>>, %arg5: memref<100001xf32, #tpu.memory_space<vmem>>, %arg6: memref<16384xi32, #tpu.memory_space<vmem>>, %arg7: memref<4096xf32, #tpu.memory_space<vmem>>, %arg8: memref<4096xf32, #tpu.memory_space<vmem>>, %arg9: memref<!tpu.dma_semaphore, #tpu.memory_space<semaphore_mem>>, %arg10: memref<!tpu.dma_semaphore, #tpu.memory_space<semaphore_mem>>, %arg11: memref<!tpu.dma_semaphore, #tpu.memory_space<semaphore_mem>>) attributes {dimension_semantics = [#tpu.dimension_semantics<core_parallel>, #tpu.dimension_semantics<subcore_parallel>], iteration_bounds = array<i64: 2, 16>, scalar_prefetch = 0 : i64, scratch_operands = 7 : i64, tpu.core_type = #tpu.core_type<sc_vector_subcore>, window_params = [{transform_indices = #map}, {transform_indices = #map1}, {transform_indices = #map1}]} {
    %mul3A = arith.constant 2 : i32
    %mul3A_0 = arith.muli %arg1, %mul3A : i32
    %add3A = arith.addi %mul3A_0, %arg0 : i32
    %mul3A_1 = arith.constant 13 : i32
    %mul3A_2 = arith.muli %add3A, %mul3A_1 : i32
    %add3A_3 = arith.constant 0 : i32
    %add3A_4 = arith.addi %mul3A_2, %add3A_3 : i32
    %jit3A = arith.constant 16 : i32
    %div3A = arith.divsi %add3A_4, %jit3A : i32
    %sign3A = arith.constant 0 : i32
    %sign3A_5 = arith.cmpi sgt, %add3A_4, %sign3A : i32
    %sign3A_6 = arith.extui %sign3A_5 : i1 to i32
    %sign3A_7 = arith.constant 0 : i32
    %sign3A_8 = arith.cmpi slt, %add3A_4, %sign3A_7 : i32
    %sign3A_9 = arith.extui %sign3A_8 : i1 to i32
    %sign3A_10 = arith.subi %sign3A_6, %sign3A_9 : i32
    %sign3A_11 = arith.constant 0 : i32
    %sign3A_12 = arith.cmpi sgt, %jit3A, %sign3A_11 : i32
    %sign3A_13 = arith.extui %sign3A_12 : i1 to i32
    %sign3A_14 = arith.constant 0 : i32
    %sign3A_15 = arith.cmpi slt, %jit3A, %sign3A_14 : i32
    %sign3A_16 = arith.extui %sign3A_15 : i1 to i32
    %sign3A_17 = arith.subi %sign3A_13, %sign3A_16 : i32
    %ne3A = arith.cmpi ne, %sign3A_10, %sign3A_17 : i32
    %rem3A = arith.remsi %add3A_4, %jit3A : i32
    %ne3A_18 = arith.constant 0 : i32
    %ne3A_19 = arith.cmpi ne, %rem3A, %ne3A_18 : i32
    %and3A = arith.andi %ne3A, %ne3A_19 : i1
    %sub3A = arith.constant 1 : i32
    %sub3A_20 = arith.subi %div3A, %sub3A : i32
    %select_n3A = arith.select %and3A, %sub3A_20, %div3A : i32
    %jit3A_21 = arith.constant 16 : i32
    %eq3A = arith.constant 0 : i32
    %eq3A_22 = arith.cmpi eq, %jit3A_21, %eq3A : i32
    %jit3A_23 = arith.constant 1 : i32
    %select_n3A_24 = arith.select %eq3A_22, %jit3A_23, %jit3A_21 : i32
    %rem3A_25 = arith.remsi %add3A_4, %select_n3A_24 : i32
    %ne3A_26 = arith.constant 0 : i32
    %ne3A_27 = arith.cmpi ne, %rem3A_25, %ne3A_26 : i32
    %lt3A = arith.constant 0 : i32
    %lt3A_28 = arith.cmpi slt, %rem3A_25, %lt3A : i32
    %lt3A_29 = arith.constant 0 : i32
    %lt3A_30 = arith.cmpi slt, %select_n3A_24, %lt3A_29 : i32
    %ne3A_31 = arith.xori %lt3A_28, %lt3A_30 : i1
    %and3A_32 = arith.andi %ne3A_31, %ne3A_27 : i1
    %add3A_33 = arith.addi %rem3A_25, %select_n3A_24 : i32
    %select_n3A_34 = arith.select %and3A_32, %add3A_33, %rem3A_25 : i32
    %dma_start3A = arith.constant 0 : i32
    %dma_start3A_35 = tpu.memref_slice %arg3[%select_n3A, %select_n3A_34, %dma_start3A] : memref<26x16x100001xf32, #tpu.memory_space<hbm>> -> memref<1x1x100001xf32, #tpu.memory_space<hbm>>
    %dma_start3A_36 = tpu.memref_squeeze %dma_start3A_35 : memref<1x1x100001xf32, #tpu.memory_space<hbm>> -> memref<100001xf32, #tpu.memory_space<hbm>>
    %dma_start3A_37 = arith.constant 0 : i32
    %dma_start3A_38 = tpu.memref_slice %arg3[%select_n3A, %select_n3A_34, %dma_start3A_37] : memref<26x16x100001xf32, #tpu.memory_space<hbm>> -> memref<1x1x100001xf32, #tpu.memory_space<hbm>>
    %dma_start3A_39 = tpu.memref_squeeze %dma_start3A_38 : memref<1x1x100001xf32, #tpu.memory_space<hbm>> -> memref<100001xf32, #tpu.memory_space<hbm>>
    tpu.enqueue_dma source(%dma_start3A_39 : memref<100001xf32, #tpu.memory_space<hbm>>) target(%arg5 : memref<100001xf32, #tpu.memory_space<vmem>>) target_semaphore(%arg9 : memref<!tpu.dma_semaphore, #tpu.memory_space<semaphore_mem>>)
    "tpu.region"() ({
      %run_scoped3A = tpu.sem_alloc : memref<!tpu.dma_semaphore, #tpu.memory_space<semaphore_mem>>
      %dma_start3A_1554 = arith.constant 0 : i32
      %dma_start3A_1555 = tpu.memref_slice %arg2[%select_n3A, %dma_start3A_1554] : memref<26x16384xi32, #tpu.memory_space<hbm>> -> memref<1x16384xi32, #tpu.memory_space<hbm>>
      %dma_start3A_1556 = tpu.memref_squeeze %dma_start3A_1555 : memref<1x16384xi32, #tpu.memory_space<hbm>> -> memref<16384xi32, #tpu.memory_space<hbm>>
      %dma_start3A_1557 = arith.constant 0 : i32
      %dma_start3A_1558 = tpu.memref_slice %arg2[%select_n3A, %dma_start3A_1557] : memref<26x16384xi32, #tpu.memory_space<hbm>> -> memref<1x16384xi32, #tpu.memory_space<hbm>>
      %dma_start3A_1559 = tpu.memref_squeeze %dma_start3A_1558 : memref<1x16384xi32, #tpu.memory_space<hbm>> -> memref<16384xi32, #tpu.memory_space<hbm>>
      tpu.enqueue_dma source(%dma_start3A_1559 : memref<16384xi32, #tpu.memory_space<hbm>>) target(%arg6 : memref<16384xi32, #tpu.memory_space<vmem>>) target_semaphore(%run_scoped3A : memref<!tpu.dma_semaphore, #tpu.memory_space<semaphore_mem>>)
      %dma_wait3A_1560 = arith.constant 0 : i32
      %dma_wait3A_1561 = tpu.memref_slice %arg2[%select_n3A, %dma_wait3A_1560] : memref<26x16384xi32, #tpu.memory_space<hbm>> -> memref<1x16384xi32, #tpu.memory_space<hbm>>
      %dma_wait3A_1562 = tpu.memref_squeeze %dma_wait3A_1561 : memref<1x16384xi32, #tpu.memory_space<hbm>> -> memref<16384xi32, #tpu.memory_space<hbm>>
      %dma_wait3A_1563 = arith.constant 0 : i32
      %dma_wait3A_1564 = tpu.memref_slice %arg2[%select_n3A, %dma_wait3A_1563] : memref<26x16384xi32, #tpu.memory_space<hbm>> -> memref<1x16384xi32, #tpu.memory_space<hbm>>
      %dma_wait3A_1565 = tpu.memref_squeeze %dma_wait3A_1564 : memref<1x16384xi32, #tpu.memory_space<hbm>> -> memref<16384xi32, #tpu.memory_space<hbm>>
      tpu.wait_dma2 semaphore(%run_scoped3A : memref<!tpu.dma_semaphore, #tpu.memory_space<semaphore_mem>>) src(%dma_wait3A_1565 : memref<16384xi32, #tpu.memory_space<hbm>>) dst(%arg6 : memref<16384xi32, #tpu.memory_space<vmem>>)
      tpu.yield
    }) : () -> ()
    %dma_wait3A = arith.constant 0 : i32
    %dma_wait3A_40 = tpu.memref_slice %arg3[%select_n3A, %select_n3A_34, %dma_wait3A] : memref<26x16x100001xf32, #tpu.memory_space<hbm>> -> memref<1x1x100001xf32, #tpu.memory_space<hbm>>
    %dma_wait3A_41 = tpu.memref_squeeze %dma_wait3A_40 : memref<1x1x100001xf32, #tpu.memory_space<hbm>> -> memref<100001xf32, #tpu.memory_space<hbm>>
    %dma_wait3A_42 = arith.constant 0 : i32
    %dma_wait3A_43 = tpu.memref_slice %arg3[%select_n3A, %select_n3A_34, %dma_wait3A_42] : memref<26x16x100001xf32, #tpu.memory_space<hbm>> -> memref<1x1x100001xf32, #tpu.memory_space<hbm>>
    %dma_wait3A_44 = tpu.memref_squeeze %dma_wait3A_43 : memref<1x1x100001xf32, #tpu.memory_space<hbm>> -> memref<100001xf32, #tpu.memory_space<hbm>>
    tpu.wait_dma2 semaphore(%arg9 : memref<!tpu.dma_semaphore, #tpu.memory_space<semaphore_mem>>) src(%dma_wait3A_44 : memref<100001xf32, #tpu.memory_space<hbm>>) dst(%arg5 : memref<100001xf32, #tpu.memory_space<vmem>>)
    %parallel_loop3A = arith.constant 0 : i32
    %parallel_loop3A_45 = arith.constant 256 : i32
    %parallel_loop3A_46 = arith.constant 1 : i32
    scf.for %parallel_loop3A_1554 = %parallel_loop3A to %parallel_loop3A_45 step %parallel_loop3A_46  : i32 {
      %parallel_loop3A_1555 = arith.constant 16 : i32
      %parallel_loop3A_1556 = arith.muli %parallel_loop3A_1554, %parallel_loop3A_1555 : i32
      %parallel_loop3A_1557 = arith.constant 0 : i32
      %parallel_loop3A_1558 = arith.addi %parallel_loop3A_1557, %parallel_loop3A_1556 : i32
      %parallel_loop3A_1559 = arith.index_cast %parallel_loop3A_1558 : i32 to index
      %parallel_loop3A_1560 = tpu.vector_load %arg6[%parallel_loop3A_1559] {strides = array<i32>} : memref<16384xi32, #tpu.memory_space<vmem>>, vector<16xi32>,
      %parallel_loop3A_1561 = tpu.vector_load_idx %arg5[%parallel_loop3A_1560] : memref<100001xf32, #tpu.memory_space<vmem>>[vector<16xi32>], vector<16xf32>,
      %parallel_loop3A_1562 = arith.constant 16 : i32
      %parallel_loop3A_1563 = arith.muli %parallel_loop3A_1554, %parallel_loop3A_1562 : i32
      %parallel_loop3A_1564 = arith.index_cast %parallel_loop3A_1563 : i32 to index
      %parallel_loop3A_1565 = tpu.vector_load %arg7[%parallel_loop3A_1564] {strides = array<i32>} : memref<4096xf32, #tpu.memory_space<vmem>>, vector<16xf32>,
      tpu.vector_store %arg7[%parallel_loop3A_1564], %parallel_loop3A_1561 {strides = array<i32>} : memref<4096xf32, #tpu.memory_space<vmem>>, vector<16xf32>,
    } {sc.loop_unroll_factor = 8 : i64, sc.parallel_access}
    %dma_start3A_47 = arith.constant 0 : i32
    %dma_start3A_48 = tpu.memref_slice %arg4[%select_n3A, %select_n3A_34, %dma_start3A_47] : memref<26x16x16384xf32, #tpu.memory_space<hbm>> -> memref<1x1x4096xf32, #tpu.memory_space<hbm>>
    %dma_start3A_49 = tpu.memref_squeeze %dma_start3A_48 : memref<1x1x4096xf32, #tpu.memory_space<hbm>> -> memref<4096xf32, #tpu.memory_space<hbm>>
    %dma_start3A_50 = arith.constant 0 : i32
    %dma_start3A_51 = tpu.memref_slice %arg4[%select_n3A, %select_n3A_34, %dma_start3A_50] : memref<26x16x16384xf32, #tpu.memory_space<hbm>> -> memref<1x1x4096xf32, #tpu.memory_space<hbm>>
    %dma_start3A_52 = tpu.memref_squeeze %dma_start3A_51 : memref<1x1x4096xf32, #tpu.memory_space<hbm>> -> memref<4096xf32, #tpu.memory_space<hbm>>
    tpu.enqueue_dma source(%arg7 : memref<4096xf32, #tpu.memory_space<vmem>>) target(%dma_start3A_52 : memref<4096xf32, #tpu.memory_space<hbm>>) target_semaphore(%arg10 : memref<!tpu.dma_semaphore, #tpu.memory_space<semaphore_mem>>)
    %parallel_loop3A_53 = arith.constant 0 : i32
    %parallel_loop3A_54 = arith.constant 256 : i32
    %parallel_loop3A_55 = arith.constant 1 : i32
    scf.for %parallel_loop3A_1554 = %parallel_loop3A_53 to %parallel_loop3A_54 step %parallel_loop3A_55  : i32 {
      %parallel_loop3A_1555 = arith.constant 16 : i32
      %parallel_loop3A_1556 = arith.muli %parallel_loop3A_1554, %parallel_loop3A_1555 : i32
      %parallel_loop3A_1557 = arith.constant 4096 : i32
      %parallel_loop3A_1558 = arith.addi %parallel_loop3A_1557, %parallel_loop3A_1556 : i32
      %parallel_loop3A_1559 = arith.index_cast %parallel_loop3A_1558 : i32 to index
      %parallel_loop3A_1560 = tpu.vector_load %arg6[%parallel_loop3A_1559] {strides = array<i32>} : memref<16384xi32, #tpu.memory_space<vmem>>, vector<16xi32>,
      %parallel_loop3A_1561 = tpu.vector_load_idx %arg5[%parallel_loop3A_1560] : memref<100001xf32, #tpu.memory_space<vmem>>[vector<16xi32>], vector<16xf32>,
      %parallel_loop3A_1562 = arith.constant 16 : i32
      %parallel_loop3A_1563 = arith.muli %parallel_loop3A_1554, %parallel_loop3A_1562 : i32
      %parallel_loop3A_1564 = arith.index_cast %parallel_loop3A_1563 : i32 to index
      %parallel_loop3A_1565 = tpu.vector_load %arg8[%parallel_loop3A_1564] {strides = array<i32>} : memref<4096xf32, #tpu.memory_space<vmem>>, vector<16xf32>,
      tpu.vector_store %arg8[%parallel_loop3A_1564], %parallel_loop3A_1561 {strides = array<i32>} : memref<4096xf32, #tpu.memory_space<vmem>>, vector<16xf32>,
    } {sc.loop_unroll_factor = 8 : i64, sc.parallel_access}
    %dma_start3A_56 = arith.constant 4096 : i32
    %dma_start3A_57 = tpu.memref_slice %arg4[%select_n3A, %select_n3A_34, %dma_start3A_56] : memref<26x16x16384xf32, #tpu.memory_space<hbm>> -> memref<1x1x4096xf32, #tpu.memory_space<hbm>>
    %dma_start3A_58 = tpu.memref_squeeze %dma_start3A_57 : memref<1x1x4096xf32, #tpu.memory_space<hbm>> -> memref<4096xf32, #tpu.memory_space<hbm>>
    %dma_start3A_59 = arith.constant 4096 : i32
    %dma_start3A_60 = tpu.memref_slice %arg4[%select_n3A, %select_n3A_34, %dma_start3A_59] : memref<26x16x16384xf32, #tpu.memory_space<hbm>> -> memref<1x1x4096xf32, #tpu.memory_space<hbm>>
    %dma_start3A_61 = tpu.memref_squeeze %dma_start3A_60 : memref<1x1x4096xf32, #tpu.memory_space<hbm>> -> memref<4096xf32, #tpu.memory_space<hbm>>
    tpu.enqueue_dma source(%arg8 : memref<4096xf32, #tpu.memory_space<vmem>>) target(%dma_start3A_61 : memref<4096xf32, #tpu.memory_space<hbm>>) target_semaphore(%arg11 : memref<!tpu.dma_semaphore, #tpu.memory_space<semaphore_mem>>)
    %dma_wait3A_62 = arith.constant 0 : i32
    %dma_wait3A_63 = tpu.memref_slice %arg4[%select_n3A, %select_n3A_34, %dma_wait3A_62] : memref<26x16x16384xf32, #tpu.memory_space<hbm>> -> memref<1x1x4096xf32, #tpu.memory_space<hbm>>
    %dma_wait3A_64 = tpu.memref_squeeze %dma_wait3A_63 : memref<1x1x4096xf32, #tpu.memory_space<hbm>> -> memref<4096xf32, #tpu.memory_space<hbm>>
    %dma_wait3A_65 = arith.constant 0 : i32
    %dma_wait3A_66 = tpu.memref_slice %arg4[%select_n3A, %select_n3A_34, %dma_wait3A_65] : memref<26x16x16384xf32, #tpu.memory_space<hbm>> -> memref<1x1x4096xf32, #tpu.memory_space<hbm>>
    %dma_wait3A_67 = tpu.memref_squeeze %dma_wait3A_66 : memref<1x1x4096xf32, #tpu.memory_space<hbm>> -> memref<4096xf32, #tpu.memory_space<hbm>>
    tpu.wait_dma2 semaphore(%arg10 : memref<!tpu.dma_semaphore, #tpu.memory_space<semaphore_mem>>) src(%arg7 : memref<4096xf32, #tpu.memory_space<vmem>>) dst(%dma_wait3A_67 : memref<4096xf32, #tpu.memory_space<hbm>>)
    %parallel_loop3A_68 = arith.constant 0 : i32
    %parallel_loop3A_69 = arith.constant 256 : i32
    %parallel_loop3A_70 = arith.constant 1 : i32
    scf.for %parallel_loop3A_1554 = %parallel_loop3A_68 to %parallel_loop3A_69 step %parallel_loop3A_70  : i32 {
      %parallel_loop3A_1555 = arith.constant 16 : i32
      %parallel_loop3A_1556 = arith.muli %parallel_loop3A_1554, %parallel_loop3A_1555 : i32
      %parallel_loop3A_1557 = arith.constant 8192 : i32
      %parallel_loop3A_1558 = arith.addi %parallel_loop3A_1557, %parallel_loop3A_1556 : i32
      %parallel_loop3A_1559 = arith.index_cast %parallel_loop3A_1558 : i32 to index
      %parallel_loop3A_1560 = tpu.vector_load %arg6[%parallel_loop3A_1559] {strides = array<i32>} : memref<16384xi32, #tpu.memory_space<vmem>>, vector<16xi32>,
      %parallel_loop3A_1561 = tpu.vector_load_idx %arg5[%parallel_loop3A_1560] : memref<100001xf32, #tpu.memory_space<vmem>>[vector<16xi32>], vector<16xf32>,
      %parallel_loop3A_1562 = arith.constant 16 : i32
      %parallel_loop3A_1563 = arith.muli %parallel_loop3A_1554, %parallel_loop3A_1562 : i32
      %parallel_loop3A_1564 = arith.index_cast %parallel_loop3A_1563 : i32 to index
      %parallel_loop3A_1565 = tpu.vector_load %arg7[%parallel_loop3A_1564] {strides = array<i32>} : memref<4096xf32, #tpu.memory_space<vmem>>, vector<16xf32>,
      tpu.vector_store %arg7[%parallel_loop3A_1564], %parallel_loop3A_1561 {strides = array<i32>} : memref<4096xf32, #tpu.memory_space<vmem>>, vector<16xf32>,
    } {sc.loop_unroll_factor = 8 : i64, sc.parallel_access}
    %dma_start3A_71 = arith.constant 8192 : i32
    %dma_start3A_72 = tpu.memref_slice %arg4[%select_n3A, %select_n3A_34, %dma_start3A_71] : memref<26x16x16384xf32, #tpu.memory_space<hbm>> -> memref<1x1x4096xf32, #tpu.memory_space<hbm>>
    %dma_start3A_73 = tpu.memref_squeeze %dma_start3A_72 : memref<1x1x4096xf32, #tpu.memory_space<hbm>> -> memref<4096xf32, #tpu.memory_space<hbm>>
    %dma_start3A_74 = arith.constant 8192 : i32
    %dma_start3A_75 = tpu.memref_slice %arg4[%select_n3A, %select_n3A_34, %dma_start3A_74] : memref<26x16x16384xf32, #tpu.memory_space<hbm>> -> memref<1x1x4096xf32, #tpu.memory_space<hbm>>
    %dma_start3A_76 = tpu.memref_squeeze %dma_start3A_75 : memref<1x1x4096xf32, #tpu.memory_space<hbm>> -> memref<4096xf32, #tpu.memory_space<hbm>>
    tpu.enqueue_dma source(%arg7 : memref<4096xf32, #tpu.memory_space<vmem>>) target(%dma_start3A_76 : memref<4096xf32, #tpu.memory_space<hbm>>) target_semaphore(%arg10 : memref<!tpu.dma_semaphore, #tpu.memory_space<semaphore_mem>>)
    %dma_wait3A_77 = arith.constant 4096 : i32
    %dma_wait3A_78 = tpu.memref_slice %arg4[%select_n3A, %select_n3A_34, %dma_wait3A_77] : memref<26x16x16384xf32, #tpu.memory_space<hbm>> -> memref<1x1x4096xf32, #tpu.memory_space<hbm>>
    %dma_wait3A_79 = tpu.memref_squeeze %dma_wait3A_78 : memref<1x1x4096xf32, #tpu.memory_space<hbm>> -> memref<4096xf32, #tpu.memory_space<hbm>>
    %dma_wait3A_80 = arith.constant 4096 : i32
    %dma_wait3A_81 = tpu.memref_slice %arg4[%select_n3A, %select_n3A_34, %dma_wait3A_80] : memref<26x16x16384xf32, #tpu.memory_space<hbm>> -> memref<1x1x4096xf32, #tpu.memory_space<hbm>>
    %dma_wait3A_82 = tpu.memref_squeeze %dma_wait3A_81 : memref<1x1x4096xf32, #tpu.memory_space<hbm>> -> memref<4096xf32, #tpu.memory_space<hbm>>
    tpu.wait_dma2 semaphore(%arg11 : memref<!tpu.dma_semaphore, #tpu.memory_space<semaphore_mem>>) src(%arg8 : memref<4096xf32, #tpu.memory_space<vmem>>) dst(%dma_wait3A_82 : memref<4096xf32, #tpu.memory_space<hbm>>)
    %parallel_loop3A_83 = arith.constant 0 : i32
    %parallel_loop3A_84 = arith.constant 256 : i32
    %parallel_loop3A_85 = arith.constant 1 : i32
    scf.for %parallel_loop3A_1554 = %parallel_loop3A_83 to %parallel_loop3A_84 step %parallel_loop3A_85  : i32 {
      %parallel_loop3A_1555 = arith.constant 16 : i32
      %parallel_loop3A_1556 = arith.muli %parallel_loop3A_1554, %parallel_loop3A_1555 : i32
      %parallel_loop3A_1557 = arith.constant 12288 : i32
      %parallel_loop3A_1558 = arith.addi %parallel_loop3A_1557, %parallel_loop3A_1556 : i32
      %parallel_loop3A_1559 = arith.index_cast %parallel_loop3A_1558 : i32 to index
      %parallel_loop3A_1560 = tpu.vector_load %arg6[%parallel_loop3A_1559] {strides = array<i32>} : memref<16384xi32, #tpu.memory_space<vmem>>, vector<16xi32>,
      %parallel_loop3A_1561 = tpu.vector_load_idx %arg5[%parallel_loop3A_1560] : memref<100001xf32, #tpu.memory_space<vmem>>[vector<16xi32>], vector<16xf32>,
      %parallel_loop3A_1562 = arith.constant 16 : i32
      %parallel_loop3A_1563 = arith.muli %parallel_loop3A_1554, %parallel_loop3A_1562 : i32
      %parallel_loop3A_1564 = arith.index_cast %parallel_loop3A_1563 : i32 to index
      %parallel_loop3A_1565 = tpu.vector_load %arg8[%parallel_loop3A_1564] {strides = array<i32>} : memref<4096xf32, #tpu.memory_space<vmem>>, vector<16xf32>,
      tpu.vector_store %arg8[%parallel_loop3A_1564], %parallel_loop3A_1561 {strides = array<i32>} : memref<4096xf32, #tpu.memory_space<vmem>>, vector<16xf32>,
    } {sc.loop_unroll_factor = 8 : i64, sc.parallel_access}
    %dma_start3A_86 = arith.constant 12288 : i32
    %dma_start3A_87 = tpu.memref_slice %arg4[%select_n3A, %select_n3A_34, %dma_start3A_86] : memref<26x16x16384xf32, #tpu.memory_space<hbm>> -> memref<1x1x4096xf32, #tpu.memory_space<hbm>>
    %dma_start3A_88 = tpu.memref_squeeze %dma_start3A_87 : memref<1x1x4096xf32, #tpu.memory_space<hbm>> -> memref<4096xf32, #tpu.memory_space<hbm>>
    %dma_start3A_89 = arith.constant 12288 : i32
    %dma_start3A_90 = tpu.memref_slice %arg4[%select_n3A, %select_n3A_34, %dma_start3A_89] : memref<26x16x16384xf32, #tpu.memory_space<hbm>> -> memref<1x1x4096xf32, #tpu.memory_space<hbm>>
    %dma_start3A_91 = tpu.memref_squeeze %dma_start3A_90 : memref<1x1x4096xf32, #tpu.memory_space<hbm>> -> memref<4096xf32, #tpu.memory_space<hbm>>
    tpu.enqueue_dma source(%arg8 : memref<4096xf32, #tpu.memory_space<vmem>>) target(%dma_start3A_91 : memref<4096xf32, #tpu.memory_space<hbm>>) target_semaphore(%arg11 : memref<!tpu.dma_semaphore, #tpu.memory_space<semaphore_mem>>)
    %mul3A_92 = arith.constant 13 : i32
    %mul3A_93 = arith.muli %add3A, %mul3A_92 : i32
    %add3A_94 = arith.constant 1 : i32
    %add3A_95 = arith.addi %mul3A_93, %add3A_94 : i32
    %jit3A_96 = arith.constant 16 : i32
    %div3A_97 = arith.divsi %add3A_95, %jit3A_96 : i32
    %sign3A_98 = arith.constant 0 : i32
    %sign3A_99 = arith.cmpi sgt, %add3A_95, %sign3A_98 : i32
    %sign3A_100 = arith.extui %sign3A_99 : i1 to i32
    %sign3A_101 = arith.constant 0 : i32
    %sign3A_102 = arith.cmpi slt, %add3A_95, %sign3A_101 : i32
    %sign3A_103 = arith.extui %sign3A_102 : i1 to i32
    %sign3A_104 = arith.subi %sign3A_100, %sign3A_103 : i32
    %sign3A_105 = arith.constant 0 : i32
    %sign3A_106 = arith.cmpi sgt, %jit3A_96, %sign3A_105 : i32
    %sign3A_107 = arith.extui %sign3A_106 : i1 to i32
    %sign3A_108 = arith.constant 0 : i32
    %sign3A_109 = arith.cmpi slt, %jit3A_96, %sign3A_108 : i32
    %sign3A_110 = arith.extui %sign3A_109 : i1 to i32
    %sign3A_111 = arith.subi %sign3A_107, %sign3A_110 : i32
    %ne3A_112 = arith.cmpi ne, %sign3A_104, %sign3A_111 : i32
    %rem3A_113 = arith.remsi %add3A_95, %jit3A_96 : i32
    %ne3A_114 = arith.constant 0 : i32
    %ne3A_115 = arith.cmpi ne, %rem3A_113, %ne3A_114 : i32
    %and3A_116 = arith.andi %ne3A_112, %ne3A_115 : i1
    %sub3A_117 = arith.constant 1 : i32
    %sub3A_118 = arith.subi %div3A_97, %sub3A_117 : i32
    %select_n3A_119 = arith.select %and3A_116, %sub3A_118, %div3A_97 : i32
    %jit3A_120 = arith.constant 16 : i32
    %eq3A_121 = arith.constant 0 : i32
    %eq3A_122 = arith.cmpi eq, %jit3A_120, %eq3A_121 : i32
    %jit3A_123 = arith.constant 1 : i32
    %select_n3A_124 = arith.select %eq3A_122, %jit3A_123, %jit3A_120 : i32
    %rem3A_125 = arith.remsi %add3A_95, %select_n3A_124 : i32
    %ne3A_126 = arith.constant 0 : i32
    %ne3A_127 = arith.cmpi ne, %rem3A_125, %ne3A_126 : i32
    %lt3A_128 = arith.constant 0 : i32
    %lt3A_129 = arith.cmpi slt, %rem3A_125, %lt3A_128 : i32
    %lt3A_130 = arith.constant 0 : i32
    %lt3A_131 = arith.cmpi slt, %select_n3A_124, %lt3A_130 : i32
    %ne3A_132 = arith.xori %lt3A_129, %lt3A_131 : i1
    %and3A_133 = arith.andi %ne3A_132, %ne3A_127 : i1
    %add3A_134 = arith.addi %rem3A_125, %select_n3A_124 : i32
    %select_n3A_135 = arith.select %and3A_133, %add3A_134, %rem3A_125 : i32
    %dma_start3A_136 = arith.constant 0 : i32
    %dma_start3A_137 = tpu.memref_slice %arg3[%select_n3A_119, %select_n3A_135, %dma_start3A_136] : memref<26x16x100001xf32, #tpu.memory_space<hbm>> -> memref<1x1x100001xf32, #tpu.memory_space<hbm>>
    %dma_start3A_138 = tpu.memref_squeeze %dma_start3A_137 : memref<1x1x100001xf32, #tpu.memory_space<hbm>> -> memref<100001xf32, #tpu.memory_space<hbm>>
    %dma_start3A_139 = arith.constant 0 : i32
    %dma_start3A_140 = tpu.memref_slice %arg3[%select_n3A_119, %select_n3A_135, %dma_start3A_139] : memref<26x16x100001xf32, #tpu.memory_space<hbm>> -> memref<1x1x100001xf32, #tpu.memory_space<hbm>>
    %dma_start3A_141 = tpu.memref_squeeze %dma_start3A_140 : memref<1x1x100001xf32, #tpu.memory_space<hbm>> -> memref<100001xf32, #tpu.memory_space<hbm>>
    tpu.enqueue_dma source(%dma_start3A_141 : memref<100001xf32, #tpu.memory_space<hbm>>) target(%arg5 : memref<100001xf32, #tpu.memory_space<vmem>>) target_semaphore(%arg9 : memref<!tpu.dma_semaphore, #tpu.memory_space<semaphore_mem>>)
    %eq3A_142 = arith.constant 0 : i32
    %eq3A_143 = arith.cmpi eq, %select_n3A_135, %eq3A_142 : i32
    %convert_element_type3A = arith.extui %eq3A_143 : i1 to i32
    %cond3A = arith.constant 0 : i32
    %cond3A_144 = arith.cmpi ne, %convert_element_type3A, %cond3A : i32
    scf.if %cond3A_144 {
      "tpu.region"() ({
        %run_scoped3A = tpu.sem_alloc : memref<!tpu.dma_semaphore, #tpu.memory_space<semaphore_mem>>
        %dma_start3A_1554 = arith.constant 0 : i32
        %dma_start3A_1555 = tpu.memref_slice %arg2[%select_n3A_119, %dma_start3A_1554] : memref<26x16384xi32, #tpu.memory_space<hbm>> -> memref<1x16384xi32, #tpu.memory_space<hbm>>
        %dma_start3A_1556 = tpu.memref_squeeze %dma_start3A_1555 : memref<1x16384xi32, #tpu.memory_space<hbm>> -> memref<16384xi32, #tpu.memory_space<hbm>>
        %dma_start3A_1557 = arith.constant 0 : i32
        %dma_start3A_1558 = tpu.memref_slice %arg2[%select_n3A_119, %dma_start3A_1557] : memref<26x16384xi32, #tpu.memory_space<hbm>> -> memref<1x16384xi32, #tpu.memory_space<hbm>>
        %dma_start3A_1559 = tpu.memref_squeeze %dma_start3A_1558 : memref<1x16384xi32, #tpu.memory_space<hbm>> -> memref<16384xi32, #tpu.memory_space<hbm>>
        tpu.enqueue_dma source(%dma_start3A_1559 : memref<16384xi32, #tpu.memory_space<hbm>>) target(%arg6 : memref<16384xi32, #tpu.memory_space<vmem>>) target_semaphore(%run_scoped3A : memref<!tpu.dma_semaphore, #tpu.memory_space<semaphore_mem>>)
        %dma_wait3A_1560 = arith.constant 0 : i32
        %dma_wait3A_1561 = tpu.memref_slice %arg2[%select_n3A_119, %dma_wait3A_1560] : memref<26x16384xi32, #tpu.memory_space<hbm>> -> memref<1x16384xi32, #tpu.memory_space<hbm>>
        %dma_wait3A_1562 = tpu.memref_squeeze %dma_wait3A_1561 : memref<1x16384xi32, #tpu.memory_space<hbm>> -> memref<16384xi32, #tpu.memory_space<hbm>>
        %dma_wait3A_1563 = arith.constant 0 : i32
        %dma_wait3A_1564 = tpu.memref_slice %arg2[%select_n3A_119, %dma_wait3A_1563] : memref<26x16384xi32, #tpu.memory_space<hbm>> -> memref<1x16384xi32, #tpu.memory_space<hbm>>
        %dma_wait3A_1565 = tpu.memref_squeeze %dma_wait3A_1564 : memref<1x16384xi32, #tpu.memory_space<hbm>> -> memref<16384xi32, #tpu.memory_space<hbm>>
        tpu.wait_dma2 semaphore(%run_scoped3A : memref<!tpu.dma_semaphore, #tpu.memory_space<semaphore_mem>>) src(%dma_wait3A_1565 : memref<16384xi32, #tpu.memory_space<hbm>>) dst(%arg6 : memref<16384xi32, #tpu.memory_space<vmem>>)
        tpu.yield
      }) : () -> ()
    } else {
    }
    %dma_wait3A_145 = arith.constant 0 : i32
    %dma_wait3A_146 = tpu.memref_slice %arg3[%select_n3A_119, %select_n3A_135, %dma_wait3A_145] : memref<26x16x100001xf32, #tpu.memory_space<hbm>> -> memref<1x1x100001xf32, #tpu.memory_space<hbm>>
    %dma_wait3A_147 = tpu.memref_squeeze %dma_wait3A_146 : memref<1x1x100001xf32, #tpu.memory_space<hbm>> -> memref<100001xf32, #tpu.memory_space<hbm>>
    %dma_wait3A_148 = arith.constant 0 : i32
    %dma_wait3A_149 = tpu.memref_slice %arg3[%select_n3A_119, %select_n3A_135, %dma_wait3A_148] : memref<26x16x100001xf32, #tpu.memory_space<hbm>> -> memref<1x1x100001xf32, #tpu.memory_space<hbm>>
    %dma_wait3A_150 = tpu.memref_squeeze %dma_wait3A_149 : memref<1x1x100001xf32, #tpu.memory_space<hbm>> -> memref<100001xf32, #tpu.memory_space<hbm>>
    tpu.wait_dma2 semaphore(%arg9 : memref<!tpu.dma_semaphore, #tpu.memory_space<semaphore_mem>>) src(%dma_wait3A_150 : memref<100001xf32, #tpu.memory_space<hbm>>) dst(%arg5 : memref<100001xf32, #tpu.memory_space<vmem>>)
    %dma_wait3A_151 = arith.constant 8192 : i32
    %dma_wait3A_152 = tpu.memref_slice %arg4[%select_n3A, %select_n3A_34, %dma_wait3A_151] : memref<26x16x16384xf32, #tpu.memory_space<hbm>> -> memref<1x1x4096xf32, #tpu.memory_space<hbm>>
    %dma_wait3A_153 = tpu.memref_squeeze %dma_wait3A_152 : memref<1x1x4096xf32, #tpu.memory_space<hbm>> -> memref<4096xf32, #tpu.memory_space<hbm>>
    %dma_wait3A_154 = arith.constant 8192 : i32
    %dma_wait3A_155 = tpu.memref_slice %arg4[%select_n3A, %select_n3A_34, %dma_wait3A_154] : memref<26x16x16384xf32, #tpu.memory_space<hbm>> -> memref<1x1x4096xf32, #tpu.memory_space<hbm>>
    %dma_wait3A_156 = tpu.memref_squeeze %dma_wait3A_155 : memref<1x1x4096xf32, #tpu.memory_space<hbm>> -> memref<4096xf32, #tpu.memory_space<hbm>>
    tpu.wait_dma2 semaphore(%arg10 : memref<!tpu.dma_semaphore, #tpu.memory_space<semaphore_mem>>) src(%arg7 : memref<4096xf32, #tpu.memory_space<vmem>>) dst(%dma_wait3A_156 : memref<4096xf32, #tpu.memory_space<hbm>>)
    %parallel_loop3A_157 = arith.constant 0 : i32
    %parallel_loop3A_158 = arith.constant 256 : i32
    %parallel_loop3A_159 = arith.constant 1 : i32
    scf.for %parallel_loop3A_1554 = %parallel_loop3A_157 to %parallel_loop3A_158 step %parallel_loop3A_159  : i32 {
      %parallel_loop3A_1555 = arith.constant 16 : i32
      %parallel_loop3A_1556 = arith.muli %parallel_loop3A_1554, %parallel_loop3A_1555 : i32
      %parallel_loop3A_1557 = arith.constant 0 : i32
      %parallel_loop3A_1558 = arith.addi %parallel_loop3A_1557, %parallel_loop3A_1556 : i32
      %parallel_loop3A_1559 = arith.index_cast %parallel_loop3A_1558 : i32 to index
      %parallel_loop3A_1560 = tpu.vector_load %arg6[%parallel_loop3A_1559] {strides = array<i32>} : memref<16384xi32, #tpu.memory_space<vmem>>, vector<16xi32>,
      %parallel_loop3A_1561 = tpu.vector_load_idx %arg5[%parallel_loop3A_1560] : memref<100001xf32, #tpu.memory_space<vmem>>[vector<16xi32>], vector<16xf32>,
      %parallel_loop3A_1562 = arith.constant 16 : i32
      %parallel_loop3A_1563 = arith.muli %parallel_loop3A_1554, %parallel_loop3A_1562 : i32
      %parallel_loop3A_1564 = arith.index_cast %parallel_loop3A_1563 : i32 to index
      %parallel_loop3A_1565 = tpu.vector_load %arg7[%parallel_loop3A_1564] {strides = array<i32>} : memref<4096xf32, #tpu.memory_space<vmem>>, vector<16xf32>,
      tpu.vector_store %arg7[%parallel_loop3A_1564], %parallel_loop3A_1561 {strides = array<i32>} : memref<4096xf32, #tpu.memory_space<vmem>>, vector<16xf32>,
    } {sc.loop_unroll_factor = 8 : i64, sc.parallel_access}
    %dma_start3A_160 = arith.constant 0 : i32
    %dma_start3A_161 = tpu.memref_slice %arg4[%select_n3A_119, %select_n3A_135, %dma_start3A_160] : memref<26x16x16384xf32, #tpu.memory_space<hbm>> -> memref<1x1x4096xf32, #tpu.memory_space<hbm>>
    %dma_start3A_162 = tpu.memref_squeeze %dma_start3A_161 : memref<1x1x4096xf32, #tpu.memory_space<hbm>> -> memref<4096xf32, #tpu.memory_space<hbm>>
    %dma_start3A_163 = arith.constant 0 : i32
    %dma_start3A_164 = tpu.memref_slice %arg4[%select_n3A_119, %select_n3A_135, %dma_start3A_163] : memref<26x16x16384xf32, #tpu.memory_space<hbm>> -> memref<1x1x4096xf32, #tpu.memory_space<hbm>>
    %dma_start3A_165 = tpu.memref_squeeze %dma_start3A_164 : memref<1x1x4096xf32, #tpu.memory_space<hbm>> -> memref<4096xf32, #tpu.memory_space<hbm>>
    tpu.enqueue_dma source(%arg7 : memref<4096xf32, #tpu.memory_space<vmem>>) target(%dma_start3A_165 : memref<4096xf32, #tpu.memory_space<hbm>>) target_semaphore(%arg10 : memref<!tpu.dma_semaphore, #tpu.memory_space<semaphore_mem>>)
    %dma_wait3A_166 = arith.constant 12288 : i32
    %dma_wait3A_167 = tpu.memref_slice %arg4[%select_n3A, %select_n3A_34, %dma_wait3A_166] : memref<26x16x16384xf32, #tpu.memory_space<hbm>> -> memref<1x1x4096xf32, #tpu.memory_space<hbm>>
    %dma_wait3A_168 = tpu.memref_squeeze %dma_wait3A_167 : memref<1x1x4096xf32, #tpu.memory_space<hbm>> -> memref<4096xf32, #tpu.memory_space<hbm>>
    %dma_wait3A_169 = arith.constant 12288 : i32
    %dma_wait3A_170 = tpu.memref_slice %arg4[%select_n3A, %select_n3A_34, %dma_wait3A_169] : memref<26x16x16384xf32, #tpu.memory_space<hbm>> -> memref<1x1x4096xf32, #tpu.memory_space<hbm>>
    %dma_wait3A_171 = tpu.memref_squeeze %dma_wait3A_170 : memref<1x1x4096xf32, #tpu.memory_space<hbm>> -> memref<4096xf32, #tpu.memory_space<hbm>>
    tpu.wait_dma2 semaphore(%arg11 : memref<!tpu.dma_semaphore, #tpu.memory_space<semaphore_mem>>) src(%arg8 : memref<4096xf32, #tpu.memory_space<vmem>>) dst(%dma_wait3A_171 : memref<4096xf32, #tpu.memory_space<hbm>>)
    %parallel_loop3A_172 = arith.constant 0 : i32
    %parallel_loop3A_173 = arith.constant 256 : i32
    %parallel_loop3A_174 = arith.constant 1 : i32
    scf.for %parallel_loop3A_1554 = %parallel_loop3A_172 to %parallel_loop3A_173 step %parallel_loop3A_174  : i32 {
      %parallel_loop3A_1555 = arith.constant 16 : i32
      %parallel_loop3A_1556 = arith.muli %parallel_loop3A_1554, %parallel_loop3A_1555 : i32
      %parallel_loop3A_1557 = arith.constant 4096 : i32
      %parallel_loop3A_1558 = arith.addi %parallel_loop3A_1557, %parallel_loop3A_1556 : i32
      %parallel_loop3A_1559 = arith.index_cast %parallel_loop3A_1558 : i32 to index
      %parallel_loop3A_1560 = tpu.vector_load %arg6[%parallel_loop3A_1559] {strides = array<i32>} : memref<16384xi32, #tpu.memory_space<vmem>>, vector<16xi32>,
      %parallel_loop3A_1561 = tpu.vector_load_idx %arg5[%parallel_loop3A_1560] : memref<100001xf32, #tpu.memory_space<vmem>>[vector<16xi32>], vector<16xf32>,
      %parallel_loop3A_1562 = arith.constant 16 : i32
      %parallel_loop3A_1563 = arith.muli %parallel_loop3A_1554, %parallel_loop3A_1562 : i32
      %parallel_loop3A_1564 = arith.index_cast %parallel_loop3A_1563 : i32 to index
      %parallel_loop3A_1565 = tpu.vector_load %arg8[%parallel_loop3A_1564] {strides = array<i32>} : memref<4096xf32, #tpu.memory_space<vmem>>, vector<16xf32>,
      tpu.vector_store %arg8[%parallel_loop3A_1564], %parallel_loop3A_1561 {strides = array<i32>} : memref<4096xf32, #tpu.memory_space<vmem>>, vector<16xf32>,
    } {sc.loop_unroll_factor = 8 : i64, sc.parallel_access}
    %dma_start3A_175 = arith.constant 4096 : i32
    %dma_start3A_176 = tpu.memref_slice %arg4[%select_n3A_119, %select_n3A_135, %dma_start3A_175] : memref<26x16x16384xf32, #tpu.memory_space<hbm>> -> memref<1x1x4096xf32, #tpu.memory_space<hbm>>
    %dma_start3A_177 = tpu.memref_squeeze %dma_start3A_176 : memref<1x1x4096xf32, #tpu.memory_space<hbm>> -> memref<4096xf32, #tpu.memory_space<hbm>>
    %dma_start3A_178 = arith.constant 4096 : i32
    %dma_start3A_179 = tpu.memref_slice %arg4[%select_n3A_119, %select_n3A_135, %dma_start3A_178] : memref<26x16x16384xf32, #tpu.memory_space<hbm>> -> memref<1x1x4096xf32, #tpu.memory_space<hbm>>
    %dma_start3A_180 = tpu.memref_squeeze %dma_start3A_179 : memref<1x1x4096xf32, #tpu.memory_space<hbm>> -> memref<4096xf32, #tpu.memory_space<hbm>>
    tpu.enqueue_dma source(%arg8 : memref<4096xf32, #tpu.memory_space<vmem>>) target(%dma_start3A_180 : memref<4096xf32, #tpu.memory_space<hbm>>) target_semaphore(%arg11 : memref<!tpu.dma_semaphore, #tpu.memory_space<semaphore_mem>>)
    %dma_wait3A_181 = arith.constant 0 : i32
    %dma_wait3A_182 = tpu.memref_slice %arg4[%select_n3A_119, %select_n3A_135, %dma_wait3A_181] : memref<26x16x16384xf32, #tpu.memory_space<hbm>> -> memref<1x1x4096xf32, #tpu.memory_space<hbm>>
    %dma_wait3A_183 = tpu.memref_squeeze %dma_wait3A_182 : memref<1x1x4096xf32, #tpu.memory_space<hbm>> -> memref<4096xf32, #tpu.memory_space<hbm>>
    %dma_wait3A_184 = arith.constant 0 : i32
    %dma_wait3A_185 = tpu.memref_slice %arg4[%select_n3A_119, %select_n3A_135, %dma_wait3A_184] : memref<26x16x16384xf32, #tpu.memory_space<hbm>> -> memref<1x1x4096xf32, #tpu.memory_space<hbm>>
    %dma_wait3A_186 = tpu.memref_squeeze %dma_wait3A_185 : memref<1x1x4096xf32, #tpu.memory_space<hbm>> -> memref<4096xf32, #tpu.memory_space<hbm>>
    tpu.wait_dma2 semaphore(%arg10 : memref<!tpu.dma_semaphore, #tpu.memory_space<semaphore_mem>>) src(%arg7 : memref<4096xf32, #tpu.memory_space<vmem>>) dst(%dma_wait3A_186 : memref<4096xf32, #tpu.memory_space<hbm>>)
    %parallel_loop3A_187 = arith.constant 0 : i32
    %parallel_loop3A_188 = arith.constant 256 : i32
    %parallel_loop3A_189 = arith.constant 1 : i32
    scf.for %parallel_loop3A_1554 = %parallel_loop3A_187 to %parallel_loop3A_188 step %parallel_loop3A_189  : i32 {
      %parallel_loop3A_1555 = arith.constant 16 : i32
      %parallel_loop3A_1556 = arith.muli %parallel_loop3A_1554, %parallel_loop3A_1555 : i32
      %parallel_loop3A_1557 = arith.constant 8192 : i32
      %parallel_loop3A_1558 = arith.addi %parallel_loop3A_1557, %parallel_loop3A_1556 : i32
      %parallel_loop3A_1559 = arith.index_cast %parallel_loop3A_1558 : i32 to index
      %parallel_loop3A_1560 = tpu.vector_load %arg6[%parallel_loop3A_1559] {strides = array<i32>} : memref<16384xi32, #tpu.memory_space<vmem>>, vector<16xi32>,
      %parallel_loop3A_1561 = tpu.vector_load_idx %arg5[%parallel_loop3A_1560] : memref<100001xf32, #tpu.memory_space<vmem>>[vector<16xi32>], vector<16xf32>,
      %parallel_loop3A_1562 = arith.constant 16 : i32
      %parallel_loop3A_1563 = arith.muli %parallel_loop3A_1554, %parallel_loop3A_1562 : i32
      %parallel_loop3A_1564 = arith.index_cast %parallel_loop3A_1563 : i32 to index
      %parallel_loop3A_1565 = tpu.vector_load %arg7[%parallel_loop3A_1564] {strides = array<i32>} : memref<4096xf32, #tpu.memory_space<vmem>>, vector<16xf32>,
      tpu.vector_store %arg7[%parallel_loop3A_1564], %parallel_loop3A_1561 {strides = array<i32>} : memref<4096xf32, #tpu.memory_space<vmem>>, vector<16xf32>,
    } {sc.loop_unroll_factor = 8 : i64, sc.parallel_access}
    %dma_start3A_190 = arith.constant 8192 : i32
    %dma_start3A_191 = tpu.memref_slice %arg4[%select_n3A_119, %select_n3A_135, %dma_start3A_190] : memref<26x16x16384xf32, #tpu.memory_space<hbm>> -> memref<1x1x4096xf32, #tpu.memory_space<hbm>>
    %dma_start3A_192 = tpu.memref_squeeze %dma_start3A_191 : memref<1x1x4096xf32, #tpu.memory_space<hbm>> -> memref<4096xf32, #tpu.memory_space<hbm>>
    %dma_start3A_193 = arith.constant 8192 : i32
    %dma_start3A_194 = tpu.memref_slice %arg4[%select_n3A_119, %select_n3A_135, %dma_start3A_193] : memref<26x16x16384xf32, #tpu.memory_space<hbm>> -> memref<1x1x4096xf32, #tpu.memory_space<hbm>>
    %dma_start3A_195 = tpu.memref_squeeze %dma_start3A_194 : memref<1x1x4096xf32, #tpu.memory_space<hbm>> -> memref<4096xf32, #tpu.memory_space<hbm>>
    tpu.enqueue_dma source(%arg7 : memref<4096xf32, #tpu.memory_space<vmem>>) target(%dma_start3A_195 : memref<4096xf32, #tpu.memory_space<hbm>>) target_semaphore(%arg10 : memref<!tpu.dma_semaphore, #tpu.memory_space<semaphore_mem>>)
    %dma_wait3A_196 = arith.constant 4096 : i32
    %dma_wait3A_197 = tpu.memref_slice %arg4[%select_n3A_119, %select_n3A_135, %dma_wait3A_196] : memref<26x16x16384xf32, #tpu.memory_space<hbm>> -> memref<1x1x4096xf32, #tpu.memory_space<hbm>>
    %dma_wait3A_198 = tpu.memref_squeeze %dma_wait3A_197 : memref<1x1x4096xf32, #tpu.memory_space<hbm>> -> memref<4096xf32, #tpu.memory_space<hbm>>
    %dma_wait3A_199 = arith.constant 4096 : i32
    %dma_wait3A_200 = tpu.memref_slice %arg4[%select_n3A_119, %select_n3A_135, %dma_wait3A_199] : memref<26x16x16384xf32, #tpu.memory_space<hbm>> -> memref<1x1x4096xf32, #tpu.memory_space<hbm>>
    %dma_wait3A_201 = tpu.memref_squeeze %dma_wait3A_200 : memref<1x1x4096xf32, #tpu.memory_space<hbm>> -> memref<4096xf32, #tpu.memory_space<hbm>>
    tpu.wait_dma2 semaphore(%arg11 : memref<!tpu.dma_semaphore, #tpu.memory_space<semaphore_mem>>) src(%arg8 : memref<4096xf32, #tpu.memory_space<vmem>>) dst(%dma_wait3A_201 : memref<4096xf32, #tpu.memory_space<hbm>>)
    %parallel_loop3A_202 = arith.constant 0 : i32
    %parallel_loop3A_203 = arith.constant 256 : i32
    %parallel_loop3A_204 = arith.constant 1 : i32
    scf.for %parallel_loop3A_1554 = %parallel_loop3A_202 to %parallel_loop3A_203 step %parallel_loop3A_204  : i32 {
      %parallel_loop3A_1555 = arith.constant 16 : i32
      %parallel_loop3A_1556 = arith.muli %parallel_loop3A_1554, %parallel_loop3A_1555 : i32
      %parallel_loop3A_1557 = arith.constant 12288 : i32
      %parallel_loop3A_1558 = arith.addi %parallel_loop3A_1557, %parallel_loop3A_1556 : i32
      %parallel_loop3A_1559 = arith.index_cast %parallel_loop3A_1558 : i32 to index
      %parallel_loop3A_1560 = tpu.vector_load %arg6[%parallel_loop3A_1559] {strides = array<i32>} : memref<16384xi32, #tpu.memory_space<vmem>>, vector<16xi32>,
      %parallel_loop3A_1561 = tpu.vector_load_idx %arg5[%parallel_loop3A_1560] : memref<100001xf32, #tpu.memory_space<vmem>>[vector<16xi32>], vector<16xf32>,
      %parallel_loop3A_1562 = arith.constant 16 : i32
      %parallel_loop3A_1563 = arith.muli %parallel_loop3A_1554, %parallel_loop3A_1562 : i32
      %parallel_loop3A_1564 = arith.index_cast %parallel_loop3A_1563 : i32 to index
      %parallel_loop3A_1565 = tpu.vector_load %arg8[%parallel_loop3A_1564] {strides = array<i32>} : memref<4096xf32, #tpu.memory_space<vmem>>, vector<16xf32>,
      tpu.vector_store %arg8[%parallel_loop3A_1564], %parallel_loop3A_1561 {strides = array<i32>} : memref<4096xf32, #tpu.memory_space<vmem>>, vector<16xf32>,
    } {sc.loop_unroll_factor = 8 : i64, sc.parallel_access}
    %dma_start3A_205 = arith.constant 12288 : i32
    %dma_start3A_206 = tpu.memref_slice %arg4[%select_n3A_119, %select_n3A_135, %dma_start3A_205] : memref<26x16x16384xf32, #tpu.memory_space<hbm>> -> memref<1x1x4096xf32, #tpu.memory_space<hbm>>
    %dma_start3A_207 = tpu.memref_squeeze %dma_start3A_206 : memref<1x1x4096xf32, #tpu.memory_space<hbm>> -> memref<4096xf32, #tpu.memory_space<hbm>>
    %dma_start3A_208 = arith.constant 12288 : i32
    %dma_start3A_209 = tpu.memref_slice %arg4[%select_n3A_119, %select_n3A_135, %dma_start3A_208] : memref<26x16x16384xf32, #tpu.memory_space<hbm>> -> memref<1x1x4096xf32, #tpu.memory_space<hbm>>
    %dma_start3A_210 = tpu.memref_squeeze %dma_start3A_209 : memref<1x1x4096xf32, #tpu.memory_space<hbm>> -> memref<4096xf32, #tpu.memory_space<hbm>>
    tpu.enqueue_dma source(%arg8 : memref<4096xf32, #tpu.memory_space<vmem>>) target(%dma_start3A_210 : memref<4096xf32, #tpu.memory_space<hbm>>) target_semaphore(%arg11 : memref<!tpu.dma_semaphore, #tpu.memory_space<semaphore_mem>>)
    %mul3A_211 = arith.constant 13 : i32
    %mul3A_212 = arith.muli %add3A, %mul3A_211 : i32
    %add3A_213 = arith.constant 2 : i32
    %add3A_214 = arith.addi %mul3A_212, %add3A_213 : i32
    %jit3A_215 = arith.constant 16 : i32
    %div3A_216 = arith.divsi %add3A_214, %jit3A_215 : i32
    %sign3A_217 = arith.constant 0 : i32
    %sign3A_218 = arith.cmpi sgt, %add3A_214, %sign3A_217 : i32
    %sign3A_219 = arith.extui %sign3A_218 : i1 to i32
    %sign3A_220 = arith.constant 0 : i32
    %sign3A_221 = arith.cmpi slt, %add3A_214, %sign3A_220 : i32
    %sign3A_222 = arith.extui %sign3A_221 : i1 to i32
    %sign3A_223 = arith.subi %sign3A_219, %sign3A_222 : i32
    %sign3A_224 = arith.constant 0 : i32
    %sign3A_225 = arith.cmpi sgt, %jit3A_215, %sign3A_224 : i32
    %sign3A_226 = arith.extui %sign3A_225 : i1 to i32
    %sign3A_227 = arith.constant 0 : i32
    %sign3A_228 = arith.cmpi slt, %jit3A_215, %sign3A_227 : i32
    %sign3A_229 = arith.extui %sign3A_228 : i1 to i32
    %sign3A_230 = arith.subi %sign3A_226, %sign3A_229 : i32
    %ne3A_231 = arith.cmpi ne, %sign3A_223, %sign3A_230 : i32
    %rem3A_232 = arith.remsi %add3A_214, %jit3A_215 : i32
    %ne3A_233 = arith.constant 0 : i32
    %ne3A_234 = arith.cmpi ne, %rem3A_232, %ne3A_233 : i32
    %and3A_235 = arith.andi %ne3A_231, %ne3A_234 : i1
    %sub3A_236 = arith.constant 1 : i32
    %sub3A_237 = arith.subi %div3A_216, %sub3A_236 : i32
    %select_n3A_238 = arith.select %and3A_235, %sub3A_237, %div3A_216 : i32
    %jit3A_239 = arith.constant 16 : i32
    %eq3A_240 = arith.constant 0 : i32
    %eq3A_241 = arith.cmpi eq, %jit3A_239, %eq3A_240 : i32
    %jit3A_242 = arith.constant 1 : i32
    %select_n3A_243 = arith.select %eq3A_241, %jit3A_242, %jit3A_239 : i32
    %rem3A_244 = arith.remsi %add3A_214, %select_n3A_243 : i32
    %ne3A_245 = arith.constant 0 : i32
    %ne3A_246 = arith.cmpi ne, %rem3A_244, %ne3A_245 : i32
    %lt3A_247 = arith.constant 0 : i32
    %lt3A_248 = arith.cmpi slt, %rem3A_244, %lt3A_247 : i32
    %lt3A_249 = arith.constant 0 : i32
    %lt3A_250 = arith.cmpi slt, %select_n3A_243, %lt3A_249 : i32
    %ne3A_251 = arith.xori %lt3A_248, %lt3A_250 : i1
    %and3A_252 = arith.andi %ne3A_251, %ne3A_246 : i1
    %add3A_253 = arith.addi %rem3A_244, %select_n3A_243 : i32
    %select_n3A_254 = arith.select %and3A_252, %add3A_253, %rem3A_244 : i32
    %dma_start3A_255 = arith.constant 0 : i32
    %dma_start3A_256 = tpu.memref_slice %arg3[%select_n3A_238, %select_n3A_254, %dma_start3A_255] : memref<26x16x100001xf32, #tpu.memory_space<hbm>> -> memref<1x1x100001xf32, #tpu.memory_space<hbm>>
    %dma_start3A_257 = tpu.memref_squeeze %dma_start3A_256 : memref<1x1x100001xf32, #tpu.memory_space<hbm>> -> memref<100001xf32, #tpu.memory_space<hbm>>
    %dma_start3A_258 = arith.constant 0 : i32
    %dma_start3A_259 = tpu.memref_slice %arg3[%select_n3A_238, %select_n3A_254, %dma_start3A_258] : memref<26x16x100001xf32, #tpu.memory_space<hbm>> -> memref<1x1x100001xf32, #tpu.memory_space<hbm>>
    %dma_start3A_260 = tpu.memref_squeeze %dma_start3A_259 : memref<1x1x100001xf32, #tpu.memory_space<hbm>> -> memref<100001xf32, #tpu.memory_space<hbm>>
    tpu.enqueue_dma source(%dma_start3A_260 : memref<100001xf32, #tpu.memory_space<hbm>>) target(%arg5 : memref<100001xf32, #tpu.memory_space<vmem>>) target_semaphore(%arg9 : memref<!tpu.dma_semaphore, #tpu.memory_space<semaphore_mem>>)
    %eq3A_261 = arith.constant 0 : i32
    %eq3A_262 = arith.cmpi eq, %select_n3A_254, %eq3A_261 : i32
    %convert_element_type3A_263 = arith.extui %eq3A_262 : i1 to i32
    %cond3A_264 = arith.constant 0 : i32
    %cond3A_265 = arith.cmpi ne, %convert_element_type3A_263, %cond3A_264 : i32
    scf.if %cond3A_265 {
      "tpu.region"() ({
        %run_scoped3A = tpu.sem_alloc : memref<!tpu.dma_semaphore, #tpu.memory_space<semaphore_mem>>
        %dma_start3A_1554 = arith.constant 0 : i32
        %dma_start3A_1555 = tpu.memref_slice %arg2[%select_n3A_238, %dma_start3A_1554] : memref<26x16384xi32, #tpu.memory_space<hbm>> -> memref<1x16384xi32, #tpu.memory_space<hbm>>
        %dma_start3A_1556 = tpu.memref_squeeze %dma_start3A_1555 : memref<1x16384xi32, #tpu.memory_space<hbm>> -> memref<16384xi32, #tpu.memory_space<hbm>>
        %dma_start3A_1557 = arith.constant 0 : i32
        %dma_start3A_1558 = tpu.memref_slice %arg2[%select_n3A_238, %dma_start3A_1557] : memref<26x16384xi32, #tpu.memory_space<hbm>> -> memref<1x16384xi32, #tpu.memory_space<hbm>>
        %dma_start3A_1559 = tpu.memref_squeeze %dma_start3A_1558 : memref<1x16384xi32, #tpu.memory_space<hbm>> -> memref<16384xi32, #tpu.memory_space<hbm>>
        tpu.enqueue_dma source(%dma_start3A_1559 : memref<16384xi32, #tpu.memory_space<hbm>>) target(%arg6 : memref<16384xi32, #tpu.memory_space<vmem>>) target_semaphore(%run_scoped3A : memref<!tpu.dma_semaphore, #tpu.memory_space<semaphore_mem>>)
        %dma_wait3A_1560 = arith.constant 0 : i32
        %dma_wait3A_1561 = tpu.memref_slice %arg2[%select_n3A_238, %dma_wait3A_1560] : memref<26x16384xi32, #tpu.memory_space<hbm>> -> memref<1x16384xi32, #tpu.memory_space<hbm>>
        %dma_wait3A_1562 = tpu.memref_squeeze %dma_wait3A_1561 : memref<1x16384xi32, #tpu.memory_space<hbm>> -> memref<16384xi32, #tpu.memory_space<hbm>>
        %dma_wait3A_1563 = arith.constant 0 : i32
        %dma_wait3A_1564 = tpu.memref_slice %arg2[%select_n3A_238, %dma_wait3A_1563] : memref<26x16384xi32, #tpu.memory_space<hbm>> -> memref<1x16384xi32, #tpu.memory_space<hbm>>
        %dma_wait3A_1565 = tpu.memref_squeeze %dma_wait3A_1564 : memref<1x16384xi32, #tpu.memory_space<hbm>> -> memref<16384xi32, #tpu.memory_space<hbm>>
        tpu.wait_dma2 semaphore(%run_scoped3A : memref<!tpu.dma_semaphore, #tpu.memory_space<semaphore_mem>>) src(%dma_wait3A_1565 : memref<16384xi32, #tpu.memory_space<hbm>>) dst(%arg6 : memref<16384xi32, #tpu.memory_space<vmem>>)
        tpu.yield
      }) : () -> ()
    } else {
    }
    %dma_wait3A_266 = arith.constant 0 : i32
    %dma_wait3A_267 = tpu.memref_slice %arg3[%select_n3A_238, %select_n3A_254, %dma_wait3A_266] : memref<26x16x100001xf32, #tpu.memory_space<hbm>> -> memref<1x1x100001xf32, #tpu.memory_space<hbm>>
    %dma_wait3A_268 = tpu.memref_squeeze %dma_wait3A_267 : memref<1x1x100001xf32, #tpu.memory_space<hbm>> -> memref<100001xf32, #tpu.memory_space<hbm>>
    %dma_wait3A_269 = arith.constant 0 : i32
    %dma_wait3A_270 = tpu.memref_slice %arg3[%select_n3A_238, %select_n3A_254, %dma_wait3A_269] : memref<26x16x100001xf32, #tpu.memory_space<hbm>> -> memref<1x1x100001xf32, #tpu.memory_space<hbm>>
    %dma_wait3A_271 = tpu.memref_squeeze %dma_wait3A_270 : memref<1x1x100001xf32, #tpu.memory_space<hbm>> -> memref<100001xf32, #tpu.memory_space<hbm>>
    tpu.wait_dma2 semaphore(%arg9 : memref<!tpu.dma_semaphore, #tpu.memory_space<semaphore_mem>>) src(%dma_wait3A_271 : memref<100001xf32, #tpu.memory_space<hbm>>) dst(%arg5 : memref<100001xf32, #tpu.memory_space<vmem>>)
    %dma_wait3A_272 = arith.constant 8192 : i32
    %dma_wait3A_273 = tpu.memref_slice %arg4[%select_n3A_119, %select_n3A_135, %dma_wait3A_272] : memref<26x16x16384xf32, #tpu.memory_space<hbm>> -> memref<1x1x4096xf32, #tpu.memory_space<hbm>>
    %dma_wait3A_274 = tpu.memref_squeeze %dma_wait3A_273 : memref<1x1x4096xf32, #tpu.memory_space<hbm>> -> memref<4096xf32, #tpu.memory_space<hbm>>
    %dma_wait3A_275 = arith.constant 8192 : i32
    %dma_wait3A_276 = tpu.memref_slice %arg4[%select_n3A_119, %select_n3A_135, %dma_wait3A_275] : memref<26x16x16384xf32, #tpu.memory_space<hbm>> -> memref<1x1x4096xf32, #tpu.memory_space<hbm>>
    %dma_wait3A_277 = tpu.memref_squeeze %dma_wait3A_276 : memref<1x1x4096xf32, #tpu.memory_space<hbm>> -> memref<4096xf32, #tpu.memory_space<hbm>>
    tpu.wait_dma2 semaphore(%arg10 : memref<!tpu.dma_semaphore, #tpu.memory_space<semaphore_mem>>) src(%arg7 : memref<4096xf32, #tpu.memory_space<vmem>>) dst(%dma_wait3A_277 : memref<4096xf32, #tpu.memory_space<hbm>>)
    %parallel_loop3A_278 = arith.constant 0 : i32
    %parallel_loop3A_279 = arith.constant 256 : i32
    %parallel_loop3A_280 = arith.constant 1 : i32
    scf.for %parallel_loop3A_1554 = %parallel_loop3A_278 to %parallel_loop3A_279 step %parallel_loop3A_280  : i32 {
      %parallel_loop3A_1555 = arith.constant 16 : i32
      %parallel_loop3A_1556 = arith.muli %parallel_loop3A_1554, %parallel_loop3A_1555 : i32
      %parallel_loop3A_1557 = arith.constant 0 : i32
      %parallel_loop3A_1558 = arith.addi %parallel_loop3A_1557, %parallel_loop3A_1556 : i32
      %parallel_loop3A_1559 = arith.index_cast %parallel_loop3A_1558 : i32 to index
      %parallel_loop3A_1560 = tpu.vector_load %arg6[%parallel_loop3A_1559] {strides = array<i32>} : memref<16384xi32, #tpu.memory_space<vmem>>, vector<16xi32>,
      %parallel_loop3A_1561 = tpu.vector_load_idx %arg5[%parallel_loop3A_1560] : memref<100001xf32, #tpu.memory_space<vmem>>[vector<16xi32>], vector<16xf32>,
      %parallel_loop3A_1562 = arith.constant 16 : i32
      %parallel_loop3A_1563 = arith.muli %parallel_loop3A_1554, %parallel_loop3A_1562 : i32
      %parallel_loop3A_1564 = arith.index_cast %parallel_loop3A_1563 : i32 to index
      %parallel_loop3A_1565 = tpu.vector_load %arg7[%parallel_loop3A_1564] {strides = array<i32>} : memref<4096xf32, #tpu.memory_space<vmem>>, vector<16xf32>,
      tpu.vector_store %arg7[%parallel_loop3A_1564], %parallel_loop3A_1561 {strides = array<i32>} : memref<4096xf32, #tpu.memory_space<vmem>>, vector<16xf32>,
    } {sc.loop_unroll_factor = 8 : i64, sc.parallel_access}
    %dma_start3A_281 = arith.constant 0 : i32
    %dma_start3A_282 = tpu.memref_slice %arg4[%select_n3A_238, %select_n3A_254, %dma_start3A_281] : memref<26x16x16384xf32, #tpu.memory_space<hbm>> -> memref<1x1x4096xf32, #tpu.memory_space<hbm>>
    %dma_start3A_283 = tpu.memref_squeeze %dma_start3A_282 : memref<1x1x4096xf32, #tpu.memory_space<hbm>> -> memref<4096xf32, #tpu.memory_space<hbm>>
    %dma_start3A_284 = arith.constant 0 : i32
    %dma_start3A_285 = tpu.memref_slice %arg4[%select_n3A_238, %select_n3A_254, %dma_start3A_284] : memref<26x16x16384xf32, #tpu.memory_space<hbm>> -> memref<1x1x4096xf32, #tpu.memory_space<hbm>>
    %dma_start3A_286 = tpu.memref_squeeze %dma_start3A_285 : memref<1x1x4096xf32, #tpu.memory_space<hbm>> -> memref<4096xf32, #tpu.memory_space<hbm>>
    tpu.enqueue_dma source(%arg7 : memref<4096xf32, #tpu.memory_space<vmem>>) target(%dma_start3A_286 : memref<4096xf32, #tpu.memory_space<hbm>>) target_semaphore(%arg10 : memref<!tpu.dma_semaphore, #tpu.memory_space<semaphore_mem>>)
    %dma_wait3A_287 = arith.constant 12288 : i32
    %dma_wait3A_288 = tpu.memref_slice %arg4[%select_n3A_119, %select_n3A_135, %dma_wait3A_287] : memref<26x16x16384xf32, #tpu.memory_space<hbm>> -> memref<1x1x4096xf32, #tpu.memory_space<hbm>>
    %dma_wait3A_289 = tpu.memref_squeeze %dma_wait3A_288 : memref<1x1x4096xf32, #tpu.memory_space<hbm>> -> memref<4096xf32, #tpu.memory_space<hbm>>
    %dma_wait3A_290 = arith.constant 12288 : i32
    %dma_wait3A_291 = tpu.memref_slice %arg4[%select_n3A_119, %select_n3A_135, %dma_wait3A_290] : memref<26x16x16384xf32, #tpu.memory_space<hbm>> -> memref<1x1x4096xf32, #tpu.memory_space<hbm>>
    %dma_wait3A_292 = tpu.memref_squeeze %dma_wait3A_291 : memref<1x1x4096xf32, #tpu.memory_space<hbm>> -> memref<4096xf32, #tpu.memory_space<hbm>>
    tpu.wait_dma2 semaphore(%arg11 : memref<!tpu.dma_semaphore, #tpu.memory_space<semaphore_mem>>) src(%arg8 : memref<4096xf32, #tpu.memory_space<vmem>>) dst(%dma_wait3A_292 : memref<4096xf32, #tpu.memory_space<hbm>>)
    %parallel_loop3A_293 = arith.constant 0 : i32
    %parallel_loop3A_294 = arith.constant 256 : i32
    %parallel_loop3A_295 = arith.constant 1 : i32
    scf.for %parallel_loop3A_1554 = %parallel_loop3A_293 to %parallel_loop3A_294 step %parallel_loop3A_295  : i32 {
      %parallel_loop3A_1555 = arith.constant 16 : i32
      %parallel_loop3A_1556 = arith.muli %parallel_loop3A_1554, %parallel_loop3A_1555 : i32
      %parallel_loop3A_1557 = arith.constant 4096 : i32
      %parallel_loop3A_1558 = arith.addi %parallel_loop3A_1557, %parallel_loop3A_1556 : i32
      %parallel_loop3A_1559 = arith.index_cast %parallel_loop3A_1558 : i32 to index
      %parallel_loop3A_1560 = tpu.vector_load %arg6[%parallel_loop3A_1559] {strides = array<i32>} : memref<16384xi32, #tpu.memory_space<vmem>>, vector<16xi32>,
      %parallel_loop3A_1561 = tpu.vector_load_idx %arg5[%parallel_loop3A_1560] : memref<100001xf32, #tpu.memory_space<vmem>>[vector<16xi32>], vector<16xf32>,
      %parallel_loop3A_1562 = arith.constant 16 : i32
      %parallel_loop3A_1563 = arith.muli %parallel_loop3A_1554, %parallel_loop3A_1562 : i32
      %parallel_loop3A_1564 = arith.index_cast %parallel_loop3A_1563 : i32 to index
      %parallel_loop3A_1565 = tpu.vector_load %arg8[%parallel_loop3A_1564] {strides = array<i32>} : memref<4096xf32, #tpu.memory_space<vmem>>, vector<16xf32>,
      tpu.vector_store %arg8[%parallel_loop3A_1564], %parallel_loop3A_1561 {strides = array<i32>} : memref<4096xf32, #tpu.memory_space<vmem>>, vector<16xf32>,
    } {sc.loop_unroll_factor = 8 : i64, sc.parallel_access}
    %dma_start3A_296 = arith.constant 4096 : i32
    %dma_start3A_297 = tpu.memref_slice %arg4[%select_n3A_238, %select_n3A_254, %dma_start3A_296] : memref<26x16x16384xf32, #tpu.memory_space<hbm>> -> memref<1x1x4096xf32, #tpu.memory_space<hbm>>
    %dma_start3A_298 = tpu.memref_squeeze %dma_start3A_297 : memref<1x1x4096xf32, #tpu.memory_space<hbm>> -> memref<4096xf32, #tpu.memory_space<hbm>>
    %dma_start3A_299 = arith.constant 4096 : i32
    %dma_start3A_300 = tpu.memref_slice %arg4[%select_n3A_238, %select_n3A_254, %dma_start3A_299] : memref<26x16x16384xf32, #tpu.memory_space<hbm>> -> memref<1x1x4096xf32, #tpu.memory_space<hbm>>
    %dma_start3A_301 = tpu.memref_squeeze %dma_start3A_300 : memref<1x1x4096xf32, #tpu.memory_space<hbm>> -> memref<4096xf32, #tpu.memory_space<hbm>>
    tpu.enqueue_dma source(%arg8 : memref<4096xf32, #tpu.memory_space<vmem>>) target(%dma_start3A_301 : memref<4096xf32, #tpu.memory_space<hbm>>) target_semaphore(%arg11 : memref<!tpu.dma_semaphore, #tpu.memory_space<semaphore_mem>>)
    %dma_wait3A_302 = arith.constant 0 : i32
    %dma_wait3A_303 = tpu.memref_slice %arg4[%select_n3A_238, %select_n3A_254, %dma_wait3A_302] : memref<26x16x16384xf32, #tpu.memory_space<hbm>> -> memref<1x1x4096xf32, #tpu.memory_space<hbm>>
    %dma_wait3A_304 = tpu.memref_squeeze %dma_wait3A_303 : memref<1x1x4096xf32, #tpu.memory_space<hbm>> -> memref<4096xf32, #tpu.memory_space<hbm>>
    %dma_wait3A_305 = arith.constant 0 : i32
    %dma_wait3A_306 = tpu.memref_slice %arg4[%select_n3A_238, %select_n3A_254, %dma_wait3A_305] : memref<26x16x16384xf32, #tpu.memory_space<hbm>> -> memref<1x1x4096xf32, #tpu.memory_space<hbm>>
    %dma_wait3A_307 = tpu.memref_squeeze %dma_wait3A_306 : memref<1x1x4096xf32, #tpu.memory_space<hbm>> -> memref<4096xf32, #tpu.memory_space<hbm>>
    tpu.wait_dma2 semaphore(%arg10 : memref<!tpu.dma_semaphore, #tpu.memory_space<semaphore_mem>>) src(%arg7 : memref<4096xf32, #tpu.memory_space<vmem>>) dst(%dma_wait3A_307 : memref<4096xf32, #tpu.memory_space<hbm>>)
    %parallel_loop3A_308 = arith.constant 0 : i32
    %parallel_loop3A_309 = arith.constant 256 : i32
    %parallel_loop3A_310 = arith.constant 1 : i32
    scf.for %parallel_loop3A_1554 = %parallel_loop3A_308 to %parallel_loop3A_309 step %parallel_loop3A_310  : i32 {
      %parallel_loop3A_1555 = arith.constant 16 : i32
      %parallel_loop3A_1556 = arith.muli %parallel_loop3A_1554, %parallel_loop3A_1555 : i32
      %parallel_loop3A_1557 = arith.constant 8192 : i32
      %parallel_loop3A_1558 = arith.addi %parallel_loop3A_1557, %parallel_loop3A_1556 : i32
      %parallel_loop3A_1559 = arith.index_cast %parallel_loop3A_1558 : i32 to index
      %parallel_loop3A_1560 = tpu.vector_load %arg6[%parallel_loop3A_1559] {strides = array<i32>} : memref<16384xi32, #tpu.memory_space<vmem>>, vector<16xi32>,
      %parallel_loop3A_1561 = tpu.vector_load_idx %arg5[%parallel_loop3A_1560] : memref<100001xf32, #tpu.memory_space<vmem>>[vector<16xi32>], vector<16xf32>,
      %parallel_loop3A_1562 = arith.constant 16 : i32
      %parallel_loop3A_1563 = arith.muli %parallel_loop3A_1554, %parallel_loop3A_1562 : i32
      %parallel_loop3A_1564 = arith.index_cast %parallel_loop3A_1563 : i32 to index
      %parallel_loop3A_1565 = tpu.vector_load %arg7[%parallel_loop3A_1564] {strides = array<i32>} : memref<4096xf32, #tpu.memory_space<vmem>>, vector<16xf32>,
      tpu.vector_store %arg7[%parallel_loop3A_1564], %parallel_loop3A_1561 {strides = array<i32>} : memref<4096xf32, #tpu.memory_space<vmem>>, vector<16xf32>,
    } {sc.loop_unroll_factor = 8 : i64, sc.parallel_access}
    %dma_start3A_311 = arith.constant 8192 : i32
    %dma_start3A_312 = tpu.memref_slice %arg4[%select_n3A_238, %select_n3A_254, %dma_start3A_311] : memref<26x16x16384xf32, #tpu.memory_space<hbm>> -> memref<1x1x4096xf32, #tpu.memory_space<hbm>>
    %dma_start3A_313 = tpu.memref_squeeze %dma_start3A_312 : memref<1x1x4096xf32, #tpu.memory_space<hbm>> -> memref<4096xf32, #tpu.memory_space<hbm>>
    %dma_start3A_314 = arith.constant 8192 : i32
    %dma_start3A_315 = tpu.memref_slice %arg4[%select_n3A_238, %select_n3A_254, %dma_start3A_314] : memref<26x16x16384xf32, #tpu.memory_space<hbm>> -> memref<1x1x4096xf32, #tpu.memory_space<hbm>>
    %dma_start3A_316 = tpu.memref_squeeze %dma_start3A_315 : memref<1x1x4096xf32, #tpu.memory_space<hbm>> -> memref<4096xf32, #tpu.memory_space<hbm>>
    tpu.enqueue_dma source(%arg7 : memref<4096xf32, #tpu.memory_space<vmem>>) target(%dma_start3A_316 : memref<4096xf32, #tpu.memory_space<hbm>>) target_semaphore(%arg10 : memref<!tpu.dma_semaphore, #tpu.memory_space<semaphore_mem>>)
    %dma_wait3A_317 = arith.constant 4096 : i32
    %dma_wait3A_318 = tpu.memref_slice %arg4[%select_n3A_238, %select_n3A_254, %dma_wait3A_317] : memref<26x16x16384xf32, #tpu.memory_space<hbm>> -> memref<1x1x4096xf32, #tpu.memory_space<hbm>>
    %dma_wait3A_319 = tpu.memref_squeeze %dma_wait3A_318 : memref<1x1x4096xf32, #tpu.memory_space<hbm>> -> memref<4096xf32, #tpu.memory_space<hbm>>
    %dma_wait3A_320 = arith.constant 4096 : i32
    %dma_wait3A_321 = tpu.memref_slice %arg4[%select_n3A_238, %select_n3A_254, %dma_wait3A_320] : memref<26x16x16384xf32, #tpu.memory_space<hbm>> -> memref<1x1x4096xf32, #tpu.memory_space<hbm>>
    %dma_wait3A_322 = tpu.memref_squeeze %dma_wait3A_321 : memref<1x1x4096xf32, #tpu.memory_space<hbm>> -> memref<4096xf32, #tpu.memory_space<hbm>>
    tpu.wait_dma2 semaphore(%arg11 : memref<!tpu.dma_semaphore, #tpu.memory_space<semaphore_mem>>) src(%arg8 : memref<4096xf32, #tpu.memory_space<vmem>>) dst(%dma_wait3A_322 : memref<4096xf32, #tpu.memory_space<hbm>>)
    %parallel_loop3A_323 = arith.constant 0 : i32
    %parallel_loop3A_324 = arith.constant 256 : i32
    %parallel_loop3A_325 = arith.constant 1 : i32
    scf.for %parallel_loop3A_1554 = %parallel_loop3A_323 to %parallel_loop3A_324 step %parallel_loop3A_325  : i32 {
      %parallel_loop3A_1555 = arith.constant 16 : i32
      %parallel_loop3A_1556 = arith.muli %parallel_loop3A_1554, %parallel_loop3A_1555 : i32
      %parallel_loop3A_1557 = arith.constant 12288 : i32
      %parallel_loop3A_1558 = arith.addi %parallel_loop3A_1557, %parallel_loop3A_1556 : i32
      %parallel_loop3A_1559 = arith.index_cast %parallel_loop3A_1558 : i32 to index
      %parallel_loop3A_1560 = tpu.vector_load %arg6[%parallel_loop3A_1559] {strides = array<i32>} : memref<16384xi32, #tpu.memory_space<vmem>>, vector<16xi32>,
      %parallel_loop3A_1561 = tpu.vector_load_idx %arg5[%parallel_loop3A_1560] : memref<100001xf32, #tpu.memory_space<vmem>>[vector<16xi32>], vector<16xf32>,
      %parallel_loop3A_1562 = arith.constant 16 : i32
      %parallel_loop3A_1563 = arith.muli %parallel_loop3A_1554, %parallel_loop3A_1562 : i32
      %parallel_loop3A_1564 = arith.index_cast %parallel_loop3A_1563 : i32 to index
      %parallel_loop3A_1565 = tpu.vector_load %arg8[%parallel_loop3A_1564] {strides = array<i32>} : memref<4096xf32, #tpu.memory_space<vmem>>, vector<16xf32>,
      tpu.vector_store %arg8[%parallel_loop3A_1564], %parallel_loop3A_1561 {strides = array<i32>} : memref<4096xf32, #tpu.memory_space<vmem>>, vector<16xf32>,
    } {sc.loop_unroll_factor = 8 : i64, sc.parallel_access}
    %dma_start3A_326 = arith.constant 12288 : i32
    %dma_start3A_327 = tpu.memref_slice %arg4[%select_n3A_238, %select_n3A_254, %dma_start3A_326] : memref<26x16x16384xf32, #tpu.memory_space<hbm>> -> memref<1x1x4096xf32, #tpu.memory_space<hbm>>
    %dma_start3A_328 = tpu.memref_squeeze %dma_start3A_327 : memref<1x1x4096xf32, #tpu.memory_space<hbm>> -> memref<4096xf32, #tpu.memory_space<hbm>>
    %dma_start3A_329 = arith.constant 12288 : i32
    %dma_start3A_330 = tpu.memref_slice %arg4[%select_n3A_238, %select_n3A_254, %dma_start3A_329] : memref<26x16x16384xf32, #tpu.memory_space<hbm>> -> memref<1x1x4096xf32, #tpu.memory_space<hbm>>
    %dma_start3A_331 = tpu.memref_squeeze %dma_start3A_330 : memref<1x1x4096xf32, #tpu.memory_space<hbm>> -> memref<4096xf32, #tpu.memory_space<hbm>>
    tpu.enqueue_dma source(%arg8 : memref<4096xf32, #tpu.memory_space<vmem>>) target(%dma_start3A_331 : memref<4096xf32, #tpu.memory_space<hbm>>) target_semaphore(%arg11 : memref<!tpu.dma_semaphore, #tpu.memory_space<semaphore_mem>>)
    %mul3A_332 = arith.constant 13 : i32
    %mul3A_333 = arith.muli %add3A, %mul3A_332 : i32
    %add3A_334 = arith.constant 3 : i32
    %add3A_335 = arith.addi %mul3A_333, %add3A_334 : i32
    %jit3A_336 = arith.constant 16 : i32
    %div3A_337 = arith.divsi %add3A_335, %jit3A_336 : i32
    %sign3A_338 = arith.constant 0 : i32
    %sign3A_339 = arith.cmpi sgt, %add3A_335, %sign3A_338 : i32
    %sign3A_340 = arith.extui %sign3A_339 : i1 to i32
    %sign3A_341 = arith.constant 0 : i32
    %sign3A_342 = arith.cmpi slt, %add3A_335, %sign3A_341 : i32
    %sign3A_343 = arith.extui %sign3A_342 : i1 to i32
    %sign3A_344 = arith.subi %sign3A_340, %sign3A_343 : i32
    %sign3A_345 = arith.constant 0 : i32
    %sign3A_346 = arith.cmpi sgt, %jit3A_336, %sign3A_345 : i32
    %sign3A_347 = arith.extui %sign3A_346 : i1 to i32
    %sign3A_348 = arith.constant 0 : i32
    %sign3A_349 = arith.cmpi slt, %jit3A_336, %sign3A_348 : i32
    %sign3A_350 = arith.extui %sign3A_349 : i1 to i32
    %sign3A_351 = arith.subi %sign3A_347, %sign3A_350 : i32
    %ne3A_352 = arith.cmpi ne, %sign3A_344, %sign3A_351 : i32
    %rem3A_353 = arith.remsi %add3A_335, %jit3A_336 : i32
    %ne3A_354 = arith.constant 0 : i32
    %ne3A_355 = arith.cmpi ne, %rem3A_353, %ne3A_354 : i32
    %and3A_356 = arith.andi %ne3A_352, %ne3A_355 : i1
    %sub3A_357 = arith.constant 1 : i32
    %sub3A_358 = arith.subi %div3A_337, %sub3A_357 : i32
    %select_n3A_359 = arith.select %and3A_356, %sub3A_358, %div3A_337 : i32
    %jit3A_360 = arith.constant 16 : i32
    %eq3A_361 = arith.constant 0 : i32
    %eq3A_362 = arith.cmpi eq, %jit3A_360, %eq3A_361 : i32
    %jit3A_363 = arith.constant 1 : i32
    %select_n3A_364 = arith.select %eq3A_362, %jit3A_363, %jit3A_360 : i32
    %rem3A_365 = arith.remsi %add3A_335, %select_n3A_364 : i32
    %ne3A_366 = arith.constant 0 : i32
    %ne3A_367 = arith.cmpi ne, %rem3A_365, %ne3A_366 : i32
    %lt3A_368 = arith.constant 0 : i32
    %lt3A_369 = arith.cmpi slt, %rem3A_365, %lt3A_368 : i32
    %lt3A_370 = arith.constant 0 : i32
    %lt3A_371 = arith.cmpi slt, %select_n3A_364, %lt3A_370 : i32
    %ne3A_372 = arith.xori %lt3A_369, %lt3A_371 : i1
    %and3A_373 = arith.andi %ne3A_372, %ne3A_367 : i1
    %add3A_374 = arith.addi %rem3A_365, %select_n3A_364 : i32
    %select_n3A_375 = arith.select %and3A_373, %add3A_374, %rem3A_365 : i32
    %dma_start3A_376 = arith.constant 0 : i32
    %dma_start3A_377 = tpu.memref_slice %arg3[%select_n3A_359, %select_n3A_375, %dma_start3A_376] : memref<26x16x100001xf32, #tpu.memory_space<hbm>> -> memref<1x1x100001xf32, #tpu.memory_space<hbm>>
    %dma_start3A_378 = tpu.memref_squeeze %dma_start3A_377 : memref<1x1x100001xf32, #tpu.memory_space<hbm>> -> memref<100001xf32, #tpu.memory_space<hbm>>
    %dma_start3A_379 = arith.constant 0 : i32
    %dma_start3A_380 = tpu.memref_slice %arg3[%select_n3A_359, %select_n3A_375, %dma_start3A_379] : memref<26x16x100001xf32, #tpu.memory_space<hbm>> -> memref<1x1x100001xf32, #tpu.memory_space<hbm>>
    %dma_start3A_381 = tpu.memref_squeeze %dma_start3A_380 : memref<1x1x100001xf32, #tpu.memory_space<hbm>> -> memref<100001xf32, #tpu.memory_space<hbm>>
    tpu.enqueue_dma source(%dma_start3A_381 : memref<100001xf32, #tpu.memory_space<hbm>>) target(%arg5 : memref<100001xf32, #tpu.memory_space<vmem>>) target_semaphore(%arg9 : memref<!tpu.dma_semaphore, #tpu.memory_space<semaphore_mem>>)
    %eq3A_382 = arith.constant 0 : i32
    %eq3A_383 = arith.cmpi eq, %select_n3A_375, %eq3A_382 : i32
    %convert_element_type3A_384 = arith.extui %eq3A_383 : i1 to i32
    %cond3A_385 = arith.constant 0 : i32
    %cond3A_386 = arith.cmpi ne, %convert_element_type3A_384, %cond3A_385 : i32
    scf.if %cond3A_386 {
      "tpu.region"() ({
        %run_scoped3A = tpu.sem_alloc : memref<!tpu.dma_semaphore, #tpu.memory_space<semaphore_mem>>
        %dma_start3A_1554 = arith.constant 0 : i32
        %dma_start3A_1555 = tpu.memref_slice %arg2[%select_n3A_359, %dma_start3A_1554] : memref<26x16384xi32, #tpu.memory_space<hbm>> -> memref<1x16384xi32, #tpu.memory_space<hbm>>
        %dma_start3A_1556 = tpu.memref_squeeze %dma_start3A_1555 : memref<1x16384xi32, #tpu.memory_space<hbm>> -> memref<16384xi32, #tpu.memory_space<hbm>>
        %dma_start3A_1557 = arith.constant 0 : i32
        %dma_start3A_1558 = tpu.memref_slice %arg2[%select_n3A_359, %dma_start3A_1557] : memref<26x16384xi32, #tpu.memory_space<hbm>> -> memref<1x16384xi32, #tpu.memory_space<hbm>>
        %dma_start3A_1559 = tpu.memref_squeeze %dma_start3A_1558 : memref<1x16384xi32, #tpu.memory_space<hbm>> -> memref<16384xi32, #tpu.memory_space<hbm>>
        tpu.enqueue_dma source(%dma_start3A_1559 : memref<16384xi32, #tpu.memory_space<hbm>>) target(%arg6 : memref<16384xi32, #tpu.memory_space<vmem>>) target_semaphore(%run_scoped3A : memref<!tpu.dma_semaphore, #tpu.memory_space<semaphore_mem>>)
        %dma_wait3A_1560 = arith.constant 0 : i32
        %dma_wait3A_1561 = tpu.memref_slice %arg2[%select_n3A_359, %dma_wait3A_1560] : memref<26x16384xi32, #tpu.memory_space<hbm>> -> memref<1x16384xi32, #tpu.memory_space<hbm>>
        %dma_wait3A_1562 = tpu.memref_squeeze %dma_wait3A_1561 : memref<1x16384xi32, #tpu.memory_space<hbm>> -> memref<16384xi32, #tpu.memory_space<hbm>>
        %dma_wait3A_1563 = arith.constant 0 : i32
        %dma_wait3A_1564 = tpu.memref_slice %arg2[%select_n3A_359, %dma_wait3A_1563] : memref<26x16384xi32, #tpu.memory_space<hbm>> -> memref<1x16384xi32, #tpu.memory_space<hbm>>
        %dma_wait3A_1565 = tpu.memref_squeeze %dma_wait3A_1564 : memref<1x16384xi32, #tpu.memory_space<hbm>> -> memref<16384xi32, #tpu.memory_space<hbm>>
        tpu.wait_dma2 semaphore(%run_scoped3A : memref<!tpu.dma_semaphore, #tpu.memory_space<semaphore_mem>>) src(%dma_wait3A_1565 : memref<16384xi32, #tpu.memory_space<hbm>>) dst(%arg6 : memref<16384xi32, #tpu.memory_space<vmem>>)
        tpu.yield
      }) : () -> ()
    } else {
    }
    %dma_wait3A_387 = arith.constant 0 : i32
    %dma_wait3A_388 = tpu.memref_slice %arg3[%select_n3A_359, %select_n3A_375, %dma_wait3A_387] : memref<26x16x100001xf32, #tpu.memory_space<hbm>> -> memref<1x1x100001xf32, #tpu.memory_space<hbm>>
    %dma_wait3A_389 = tpu.memref_squeeze %dma_wait3A_388 : memref<1x1x100001xf32, #tpu.memory_space<hbm>> -> memref<100001xf32, #tpu.memory_space<hbm>>
    %dma_wait3A_390 = arith.constant 0 : i32
    %dma_wait3A_391 = tpu.memref_slice %arg3[%select_n3A_359, %select_n3A_375, %dma_wait3A_390] : memref<26x16x100001xf32, #tpu.memory_space<hbm>> -> memref<1x1x100001xf32, #tpu.memory_space<hbm>>
    %dma_wait3A_392 = tpu.memref_squeeze %dma_wait3A_391 : memref<1x1x100001xf32, #tpu.memory_space<hbm>> -> memref<100001xf32, #tpu.memory_space<hbm>>
    tpu.wait_dma2 semaphore(%arg9 : memref<!tpu.dma_semaphore, #tpu.memory_space<semaphore_mem>>) src(%dma_wait3A_392 : memref<100001xf32, #tpu.memory_space<hbm>>) dst(%arg5 : memref<100001xf32, #tpu.memory_space<vmem>>)
    %dma_wait3A_393 = arith.constant 8192 : i32
    %dma_wait3A_394 = tpu.memref_slice %arg4[%select_n3A_238, %select_n3A_254, %dma_wait3A_393] : memref<26x16x16384xf32, #tpu.memory_space<hbm>> -> memref<1x1x4096xf32, #tpu.memory_space<hbm>>
    %dma_wait3A_395 = tpu.memref_squeeze %dma_wait3A_394 : memref<1x1x4096xf32, #tpu.memory_space<hbm>> -> memref<4096xf32, #tpu.memory_space<hbm>>
    %dma_wait3A_396 = arith.constant 8192 : i32
    %dma_wait3A_397 = tpu.memref_slice %arg4[%select_n3A_238, %select_n3A_254, %dma_wait3A_396] : memref<26x16x16384xf32, #tpu.memory_space<hbm>> -> memref<1x1x4096xf32, #tpu.memory_space<hbm>>
    %dma_wait3A_398 = tpu.memref_squeeze %dma_wait3A_397 : memref<1x1x4096xf32, #tpu.memory_space<hbm>> -> memref<4096xf32, #tpu.memory_space<hbm>>
    tpu.wait_dma2 semaphore(%arg10 : memref<!tpu.dma_semaphore, #tpu.memory_space<semaphore_mem>>) src(%arg7 : memref<4096xf32, #tpu.memory_space<vmem>>) dst(%dma_wait3A_398 : memref<4096xf32, #tpu.memory_space<hbm>>)
    %parallel_loop3A_399 = arith.constant 0 : i32
    %parallel_loop3A_400 = arith.constant 256 : i32
    %parallel_loop3A_401 = arith.constant 1 : i32
    scf.for %parallel_loop3A_1554 = %parallel_loop3A_399 to %parallel_loop3A_400 step %parallel_loop3A_401  : i32 {
      %parallel_loop3A_1555 = arith.constant 16 : i32
      %parallel_loop3A_1556 = arith.muli %parallel_loop3A_1554, %parallel_loop3A_1555 : i32
      %parallel_loop3A_1557 = arith.constant 0 : i32
      %parallel_loop3A_1558 = arith.addi %parallel_loop3A_1557, %parallel_loop3A_1556 : i32
      %parallel_loop3A_1559 = arith.index_cast %parallel_loop3A_1558 : i32 to index
      %parallel_loop3A_1560 = tpu.vector_load %arg6[%parallel_loop3A_1559] {strides = array<i32>} : memref<16384xi32, #tpu.memory_space<vmem>>, vector<16xi32>,
      %parallel_loop3A_1561 = tpu.vector_load_idx %arg5[%parallel_loop3A_1560] : memref<100001xf32, #tpu.memory_space<vmem>>[vector<16xi32>], vector<16xf32>,
      %parallel_loop3A_1562 = arith.constant 16 : i32
      %parallel_loop3A_1563 = arith.muli %parallel_loop3A_1554, %parallel_loop3A_1562 : i32
      %parallel_loop3A_1564 = arith.index_cast %parallel_loop3A_1563 : i32 to index
      %parallel_loop3A_1565 = tpu.vector_load %arg7[%parallel_loop3A_1564] {strides = array<i32>} : memref<4096xf32, #tpu.memory_space<vmem>>, vector<16xf32>,
      tpu.vector_store %arg7[%parallel_loop3A_1564], %parallel_loop3A_1561 {strides = array<i32>} : memref<4096xf32, #tpu.memory_space<vmem>>, vector<16xf32>,
    } {sc.loop_unroll_factor = 8 : i64, sc.parallel_access}
    %dma_start3A_402 = arith.constant 0 : i32
    %dma_start3A_403 = tpu.memref_slice %arg4[%select_n3A_359, %select_n3A_375, %dma_start3A_402] : memref<26x16x16384xf32, #tpu.memory_space<hbm>> -> memref<1x1x4096xf32, #tpu.memory_space<hbm>>
    %dma_start3A_404 = tpu.memref_squeeze %dma_start3A_403 : memref<1x1x4096xf32, #tpu.memory_space<hbm>> -> memref<4096xf32, #tpu.memory_space<hbm>>
    %dma_start3A_405 = arith.constant 0 : i32
    %dma_start3A_406 = tpu.memref_slice %arg4[%select_n3A_359, %select_n3A_375, %dma_start3A_405] : memref<26x16x16384xf32, #tpu.memory_space<hbm>> -> memref<1x1x4096xf32, #tpu.memory_space<hbm>>
    %dma_start3A_407 = tpu.memref_squeeze %dma_start3A_406 : memref<1x1x4096xf32, #tpu.memory_space<hbm>> -> memref<4096xf32, #tpu.memory_space<hbm>>
    tpu.enqueue_dma source(%arg7 : memref<4096xf32, #tpu.memory_space<vmem>>) target(%dma_start3A_407 : memref<4096xf32, #tpu.memory_space<hbm>>) target_semaphore(%arg10 : memref<!tpu.dma_semaphore, #tpu.memory_space<semaphore_mem>>)
    %dma_wait3A_408 = arith.constant 12288 : i32
    %dma_wait3A_409 = tpu.memref_slice %arg4[%select_n3A_238, %select_n3A_254, %dma_wait3A_408] : memref<26x16x16384xf32, #tpu.memory_space<hbm>> -> memref<1x1x4096xf32, #tpu.memory_space<hbm>>
    %dma_wait3A_410 = tpu.memref_squeeze %dma_wait3A_409 : memref<1x1x4096xf32, #tpu.memory_space<hbm>> -> memref<4096xf32, #tpu.memory_space<hbm>>
    %dma_wait3A_411 = arith.constant 12288 : i32
    %dma_wait3A_412 = tpu.memref_slice %arg4[%select_n3A_238, %select_n3A_254, %dma_wait3A_411] : memref<26x16x16384xf32, #tpu.memory_space<hbm>> -> memref<1x1x4096xf32, #tpu.memory_space<hbm>>
    %dma_wait3A_413 = tpu.memref_squeeze %dma_wait3A_412 : memref<1x1x4096xf32, #tpu.memory_space<hbm>> -> memref<4096xf32, #tpu.memory_space<hbm>>
    tpu.wait_dma2 semaphore(%arg11 : memref<!tpu.dma_semaphore, #tpu.memory_space<semaphore_mem>>) src(%arg8 : memref<4096xf32, #tpu.memory_space<vmem>>) dst(%dma_wait3A_413 : memref<4096xf32, #tpu.memory_space<hbm>>)
    %parallel_loop3A_414 = arith.constant 0 : i32
    %parallel_loop3A_415 = arith.constant 256 : i32
    %parallel_loop3A_416 = arith.constant 1 : i32
    scf.for %parallel_loop3A_1554 = %parallel_loop3A_414 to %parallel_loop3A_415 step %parallel_loop3A_416  : i32 {
      %parallel_loop3A_1555 = arith.constant 16 : i32
      %parallel_loop3A_1556 = arith.muli %parallel_loop3A_1554, %parallel_loop3A_1555 : i32
      %parallel_loop3A_1557 = arith.constant 4096 : i32
      %parallel_loop3A_1558 = arith.addi %parallel_loop3A_1557, %parallel_loop3A_1556 : i32
      %parallel_loop3A_1559 = arith.index_cast %parallel_loop3A_1558 : i32 to index
      %parallel_loop3A_1560 = tpu.vector_load %arg6[%parallel_loop3A_1559] {strides = array<i32>} : memref<16384xi32, #tpu.memory_space<vmem>>, vector<16xi32>,
      %parallel_loop3A_1561 = tpu.vector_load_idx %arg5[%parallel_loop3A_1560] : memref<100001xf32, #tpu.memory_space<vmem>>[vector<16xi32>], vector<16xf32>,
      %parallel_loop3A_1562 = arith.constant 16 : i32
      %parallel_loop3A_1563 = arith.muli %parallel_loop3A_1554, %parallel_loop3A_1562 : i32
      %parallel_loop3A_1564 = arith.index_cast %parallel_loop3A_1563 : i32 to index
      %parallel_loop3A_1565 = tpu.vector_load %arg8[%parallel_loop3A_1564] {strides = array<i32>} : memref<4096xf32, #tpu.memory_space<vmem>>, vector<16xf32>,
      tpu.vector_store %arg8[%parallel_loop3A_1564], %parallel_loop3A_1561 {strides = array<i32>} : memref<4096xf32, #tpu.memory_space<vmem>>, vector<16xf32>,
    } {sc.loop_unroll_factor = 8 : i64, sc.parallel_access}
    %dma_start3A_417 = arith.constant 4096 : i32
    %dma_start3A_418 = tpu.memref_slice %arg4[%select_n3A_359, %select_n3A_375, %dma_start3A_417] : memref<26x16x16384xf32, #tpu.memory_space<hbm>> -> memref<1x1x4096xf32, #tpu.memory_space<hbm>>
    %dma_start3A_419 = tpu.memref_squeeze %dma_start3A_418 : memref<1x1x4096xf32, #tpu.memory_space<hbm>> -> memref<4096xf32, #tpu.memory_space<hbm>>
    %dma_start3A_420 = arith.constant 4096 : i32
    %dma_start3A_421 = tpu.memref_slice %arg4[%select_n3A_359, %select_n3A_375, %dma_start3A_420] : memref<26x16x16384xf32, #tpu.memory_space<hbm>> -> memref<1x1x4096xf32, #tpu.memory_space<hbm>>
    %dma_start3A_422 = tpu.memref_squeeze %dma_start3A_421 : memref<1x1x4096xf32, #tpu.memory_space<hbm>> -> memref<4096xf32, #tpu.memory_space<hbm>>
    tpu.enqueue_dma source(%arg8 : memref<4096xf32, #tpu.memory_space<vmem>>) target(%dma_start3A_422 : memref<4096xf32, #tpu.memory_space<hbm>>) target_semaphore(%arg11 : memref<!tpu.dma_semaphore, #tpu.memory_space<semaphore_mem>>)
    %dma_wait3A_423 = arith.constant 0 : i32
    %dma_wait3A_424 = tpu.memref_slice %arg4[%select_n3A_359, %select_n3A_375, %dma_wait3A_423] : memref<26x16x16384xf32, #tpu.memory_space<hbm>> -> memref<1x1x4096xf32, #tpu.memory_space<hbm>>
    %dma_wait3A_425 = tpu.memref_squeeze %dma_wait3A_424 : memref<1x1x4096xf32, #tpu.memory_space<hbm>> -> memref<4096xf32, #tpu.memory_space<hbm>>
    %dma_wait3A_426 = arith.constant 0 : i32
    %dma_wait3A_427 = tpu.memref_slice %arg4[%select_n3A_359, %select_n3A_375, %dma_wait3A_426] : memref<26x16x16384xf32, #tpu.memory_space<hbm>> -> memref<1x1x4096xf32, #tpu.memory_space<hbm>>
    %dma_wait3A_428 = tpu.memref_squeeze %dma_wait3A_427 : memref<1x1x4096xf32, #tpu.memory_space<hbm>> -> memref<4096xf32, #tpu.memory_space<hbm>>
    tpu.wait_dma2 semaphore(%arg10 : memref<!tpu.dma_semaphore, #tpu.memory_space<semaphore_mem>>) src(%arg7 : memref<4096xf32, #tpu.memory_space<vmem>>) dst(%dma_wait3A_428 : memref<4096xf32, #tpu.memory_space<hbm>>)
    %parallel_loop3A_429 = arith.constant 0 : i32
    %parallel_loop3A_430 = arith.constant 256 : i32
    %parallel_loop3A_431 = arith.constant 1 : i32
    scf.for %parallel_loop3A_1554 = %parallel_loop3A_429 to %parallel_loop3A_430 step %parallel_loop3A_431  : i32 {
      %parallel_loop3A_1555 = arith.constant 16 : i32
      %parallel_loop3A_1556 = arith.muli %parallel_loop3A_1554, %parallel_loop3A_1555 : i32
      %parallel_loop3A_1557 = arith.constant 8192 : i32
      %parallel_loop3A_1558 = arith.addi %parallel_loop3A_1557, %parallel_loop3A_1556 : i32
      %parallel_loop3A_1559 = arith.index_cast %parallel_loop3A_1558 : i32 to index
      %parallel_loop3A_1560 = tpu.vector_load %arg6[%parallel_loop3A_1559] {strides = array<i32>} : memref<16384xi32, #tpu.memory_space<vmem>>, vector<16xi32>,
      %parallel_loop3A_1561 = tpu.vector_load_idx %arg5[%parallel_loop3A_1560] : memref<100001xf32, #tpu.memory_space<vmem>>[vector<16xi32>], vector<16xf32>,
      %parallel_loop3A_1562 = arith.constant 16 : i32
      %parallel_loop3A_1563 = arith.muli %parallel_loop3A_1554, %parallel_loop3A_1562 : i32
      %parallel_loop3A_1564 = arith.index_cast %parallel_loop3A_1563 : i32 to index
      %parallel_loop3A_1565 = tpu.vector_load %arg7[%parallel_loop3A_1564] {strides = array<i32>} : memref<4096xf32, #tpu.memory_space<vmem>>, vector<16xf32>,
      tpu.vector_store %arg7[%parallel_loop3A_1564], %parallel_loop3A_1561 {strides = array<i32>} : memref<4096xf32, #tpu.memory_space<vmem>>, vector<16xf32>,
    } {sc.loop_unroll_factor = 8 : i64, sc.parallel_access}
    %dma_start3A_432 = arith.constant 8192 : i32
    %dma_start3A_433 = tpu.memref_slice %arg4[%select_n3A_359, %select_n3A_375, %dma_start3A_432] : memref<26x16x16384xf32, #tpu.memory_space<hbm>> -> memref<1x1x4096xf32, #tpu.memory_space<hbm>>
    %dma_start3A_434 = tpu.memref_squeeze %dma_start3A_433 : memref<1x1x4096xf32, #tpu.memory_space<hbm>> -> memref<4096xf32, #tpu.memory_space<hbm>>
    %dma_start3A_435 = arith.constant 8192 : i32
    %dma_start3A_436 = tpu.memref_slice %arg4[%select_n3A_359, %select_n3A_375, %dma_start3A_435] : memref<26x16x16384xf32, #tpu.memory_space<hbm>> -> memref<1x1x4096xf32, #tpu.memory_space<hbm>>
    %dma_start3A_437 = tpu.memref_squeeze %dma_start3A_436 : memref<1x1x4096xf32, #tpu.memory_space<hbm>> -> memref<4096xf32, #tpu.memory_space<hbm>>
    tpu.enqueue_dma source(%arg7 : memref<4096xf32, #tpu.memory_space<vmem>>) target(%dma_start3A_437 : memref<4096xf32, #tpu.memory_space<hbm>>) target_semaphore(%arg10 : memref<!tpu.dma_semaphore, #tpu.memory_space<semaphore_mem>>)
    %dma_wait3A_438 = arith.constant 4096 : i32
    %dma_wait3A_439 = tpu.memref_slice %arg4[%select_n3A_359, %select_n3A_375, %dma_wait3A_438] : memref<26x16x16384xf32, #tpu.memory_space<hbm>> -> memref<1x1x4096xf32, #tpu.memory_space<hbm>>
    %dma_wait3A_440 = tpu.memref_squeeze %dma_wait3A_439 : memref<1x1x4096xf32, #tpu.memory_space<hbm>> -> memref<4096xf32, #tpu.memory_space<hbm>>
    %dma_wait3A_441 = arith.constant 4096 : i32
    %dma_wait3A_442 = tpu.memref_slice %arg4[%select_n3A_359, %select_n3A_375, %dma_wait3A_441] : memref<26x16x16384xf32, #tpu.memory_space<hbm>> -> memref<1x1x4096xf32, #tpu.memory_space<hbm>>
    %dma_wait3A_443 = tpu.memref_squeeze %dma_wait3A_442 : memref<1x1x4096xf32, #tpu.memory_space<hbm>> -> memref<4096xf32, #tpu.memory_space<hbm>>
    tpu.wait_dma2 semaphore(%arg11 : memref<!tpu.dma_semaphore, #tpu.memory_space<semaphore_mem>>) src(%arg8 : memref<4096xf32, #tpu.memory_space<vmem>>) dst(%dma_wait3A_443 : memref<4096xf32, #tpu.memory_space<hbm>>)
    %parallel_loop3A_444 = arith.constant 0 : i32
    %parallel_loop3A_445 = arith.constant 256 : i32
    %parallel_loop3A_446 = arith.constant 1 : i32
    scf.for %parallel_loop3A_1554 = %parallel_loop3A_444 to %parallel_loop3A_445 step %parallel_loop3A_446  : i32 {
      %parallel_loop3A_1555 = arith.constant 16 : i32
      %parallel_loop3A_1556 = arith.muli %parallel_loop3A_1554, %parallel_loop3A_1555 : i32
      %parallel_loop3A_1557 = arith.constant 12288 : i32
      %parallel_loop3A_1558 = arith.addi %parallel_loop3A_1557, %parallel_loop3A_1556 : i32
      %parallel_loop3A_1559 = arith.index_cast %parallel_loop3A_1558 : i32 to index
      %parallel_loop3A_1560 = tpu.vector_load %arg6[%parallel_loop3A_1559] {strides = array<i32>} : memref<16384xi32, #tpu.memory_space<vmem>>, vector<16xi32>,
      %parallel_loop3A_1561 = tpu.vector_load_idx %arg5[%parallel_loop3A_1560] : memref<100001xf32, #tpu.memory_space<vmem>>[vector<16xi32>], vector<16xf32>,
      %parallel_loop3A_1562 = arith.constant 16 : i32
      %parallel_loop3A_1563 = arith.muli %parallel_loop3A_1554, %parallel_loop3A_1562 : i32
      %parallel_loop3A_1564 = arith.index_cast %parallel_loop3A_1563 : i32 to index
      %parallel_loop3A_1565 = tpu.vector_load %arg8[%parallel_loop3A_1564] {strides = array<i32>} : memref<4096xf32, #tpu.memory_space<vmem>>, vector<16xf32>,
      tpu.vector_store %arg8[%parallel_loop3A_1564], %parallel_loop3A_1561 {strides = array<i32>} : memref<4096xf32, #tpu.memory_space<vmem>>, vector<16xf32>,
    } {sc.loop_unroll_factor = 8 : i64, sc.parallel_access}
    %dma_start3A_447 = arith.constant 12288 : i32
    %dma_start3A_448 = tpu.memref_slice %arg4[%select_n3A_359, %select_n3A_375, %dma_start3A_447] : memref<26x16x16384xf32, #tpu.memory_space<hbm>> -> memref<1x1x4096xf32, #tpu.memory_space<hbm>>
    %dma_start3A_449 = tpu.memref_squeeze %dma_start3A_448 : memref<1x1x4096xf32, #tpu.memory_space<hbm>> -> memref<4096xf32, #tpu.memory_space<hbm>>
    %dma_start3A_450 = arith.constant 12288 : i32
    %dma_start3A_451 = tpu.memref_slice %arg4[%select_n3A_359, %select_n3A_375, %dma_start3A_450] : memref<26x16x16384xf32, #tpu.memory_space<hbm>> -> memref<1x1x4096xf32, #tpu.memory_space<hbm>>
    %dma_start3A_452 = tpu.memref_squeeze %dma_start3A_451 : memref<1x1x4096xf32, #tpu.memory_space<hbm>> -> memref<4096xf32, #tpu.memory_space<hbm>>
    tpu.enqueue_dma source(%arg8 : memref<4096xf32, #tpu.memory_space<vmem>>) target(%dma_start3A_452 : memref<4096xf32, #tpu.memory_space<hbm>>) target_semaphore(%arg11 : memref<!tpu.dma_semaphore, #tpu.memory_space<semaphore_mem>>)
    %mul3A_453 = arith.constant 13 : i32
    %mul3A_454 = arith.muli %add3A, %mul3A_453 : i32
    %add3A_455 = arith.constant 4 : i32
    %add3A_456 = arith.addi %mul3A_454, %add3A_455 : i32
    %jit3A_457 = arith.constant 16 : i32
    %div3A_458 = arith.divsi %add3A_456, %jit3A_457 : i32
    %sign3A_459 = arith.constant 0 : i32
    %sign3A_460 = arith.cmpi sgt, %add3A_456, %sign3A_459 : i32
    %sign3A_461 = arith.extui %sign3A_460 : i1 to i32
    %sign3A_462 = arith.constant 0 : i32
    %sign3A_463 = arith.cmpi slt, %add3A_456, %sign3A_462 : i32
    %sign3A_464 = arith.extui %sign3A_463 : i1 to i32
    %sign3A_465 = arith.subi %sign3A_461, %sign3A_464 : i32
    %sign3A_466 = arith.constant 0 : i32
    %sign3A_467 = arith.cmpi sgt, %jit3A_457, %sign3A_466 : i32
    %sign3A_468 = arith.extui %sign3A_467 : i1 to i32
    %sign3A_469 = arith.constant 0 : i32
    %sign3A_470 = arith.cmpi slt, %jit3A_457, %sign3A_469 : i32
    %sign3A_471 = arith.extui %sign3A_470 : i1 to i32
    %sign3A_472 = arith.subi %sign3A_468, %sign3A_471 : i32
    %ne3A_473 = arith.cmpi ne, %sign3A_465, %sign3A_472 : i32
    %rem3A_474 = arith.remsi %add3A_456, %jit3A_457 : i32
    %ne3A_475 = arith.constant 0 : i32
    %ne3A_476 = arith.cmpi ne, %rem3A_474, %ne3A_475 : i32
    %and3A_477 = arith.andi %ne3A_473, %ne3A_476 : i1
    %sub3A_478 = arith.constant 1 : i32
    %sub3A_479 = arith.subi %div3A_458, %sub3A_478 : i32
    %select_n3A_480 = arith.select %and3A_477, %sub3A_479, %div3A_458 : i32
    %jit3A_481 = arith.constant 16 : i32
    %eq3A_482 = arith.constant 0 : i32
    %eq3A_483 = arith.cmpi eq, %jit3A_481, %eq3A_482 : i32
    %jit3A_484 = arith.constant 1 : i32
    %select_n3A_485 = arith.select %eq3A_483, %jit3A_484, %jit3A_481 : i32
    %rem3A_486 = arith.remsi %add3A_456, %select_n3A_485 : i32
    %ne3A_487 = arith.constant 0 : i32
    %ne3A_488 = arith.cmpi ne, %rem3A_486, %ne3A_487 : i32
    %lt3A_489 = arith.constant 0 : i32
    %lt3A_490 = arith.cmpi slt, %rem3A_486, %lt3A_489 : i32
    %lt3A_491 = arith.constant 0 : i32
    %lt3A_492 = arith.cmpi slt, %select_n3A_485, %lt3A_491 : i32
    %ne3A_493 = arith.xori %lt3A_490, %lt3A_492 : i1
    %and3A_494 = arith.andi %ne3A_493, %ne3A_488 : i1
    %add3A_495 = arith.addi %rem3A_486, %select_n3A_485 : i32
    %select_n3A_496 = arith.select %and3A_494, %add3A_495, %rem3A_486 : i32
    %dma_start3A_497 = arith.constant 0 : i32
    %dma_start3A_498 = tpu.memref_slice %arg3[%select_n3A_480, %select_n3A_496, %dma_start3A_497] : memref<26x16x100001xf32, #tpu.memory_space<hbm>> -> memref<1x1x100001xf32, #tpu.memory_space<hbm>>
    %dma_start3A_499 = tpu.memref_squeeze %dma_start3A_498 : memref<1x1x100001xf32, #tpu.memory_space<hbm>> -> memref<100001xf32, #tpu.memory_space<hbm>>
    %dma_start3A_500 = arith.constant 0 : i32
    %dma_start3A_501 = tpu.memref_slice %arg3[%select_n3A_480, %select_n3A_496, %dma_start3A_500] : memref<26x16x100001xf32, #tpu.memory_space<hbm>> -> memref<1x1x100001xf32, #tpu.memory_space<hbm>>
    %dma_start3A_502 = tpu.memref_squeeze %dma_start3A_501 : memref<1x1x100001xf32, #tpu.memory_space<hbm>> -> memref<100001xf32, #tpu.memory_space<hbm>>
    tpu.enqueue_dma source(%dma_start3A_502 : memref<100001xf32, #tpu.memory_space<hbm>>) target(%arg5 : memref<100001xf32, #tpu.memory_space<vmem>>) target_semaphore(%arg9 : memref<!tpu.dma_semaphore, #tpu.memory_space<semaphore_mem>>)
    %eq3A_503 = arith.constant 0 : i32
    %eq3A_504 = arith.cmpi eq, %select_n3A_496, %eq3A_503 : i32
    %convert_element_type3A_505 = arith.extui %eq3A_504 : i1 to i32
    %cond3A_506 = arith.constant 0 : i32
    %cond3A_507 = arith.cmpi ne, %convert_element_type3A_505, %cond3A_506 : i32
    scf.if %cond3A_507 {
      "tpu.region"() ({
        %run_scoped3A = tpu.sem_alloc : memref<!tpu.dma_semaphore, #tpu.memory_space<semaphore_mem>>
        %dma_start3A_1554 = arith.constant 0 : i32
        %dma_start3A_1555 = tpu.memref_slice %arg2[%select_n3A_480, %dma_start3A_1554] : memref<26x16384xi32, #tpu.memory_space<hbm>> -> memref<1x16384xi32, #tpu.memory_space<hbm>>
        %dma_start3A_1556 = tpu.memref_squeeze %dma_start3A_1555 : memref<1x16384xi32, #tpu.memory_space<hbm>> -> memref<16384xi32, #tpu.memory_space<hbm>>
        %dma_start3A_1557 = arith.constant 0 : i32
        %dma_start3A_1558 = tpu.memref_slice %arg2[%select_n3A_480, %dma_start3A_1557] : memref<26x16384xi32, #tpu.memory_space<hbm>> -> memref<1x16384xi32, #tpu.memory_space<hbm>>
        %dma_start3A_1559 = tpu.memref_squeeze %dma_start3A_1558 : memref<1x16384xi32, #tpu.memory_space<hbm>> -> memref<16384xi32, #tpu.memory_space<hbm>>
        tpu.enqueue_dma source(%dma_start3A_1559 : memref<16384xi32, #tpu.memory_space<hbm>>) target(%arg6 : memref<16384xi32, #tpu.memory_space<vmem>>) target_semaphore(%run_scoped3A : memref<!tpu.dma_semaphore, #tpu.memory_space<semaphore_mem>>)
        %dma_wait3A_1560 = arith.constant 0 : i32
        %dma_wait3A_1561 = tpu.memref_slice %arg2[%select_n3A_480, %dma_wait3A_1560] : memref<26x16384xi32, #tpu.memory_space<hbm>> -> memref<1x16384xi32, #tpu.memory_space<hbm>>
        %dma_wait3A_1562 = tpu.memref_squeeze %dma_wait3A_1561 : memref<1x16384xi32, #tpu.memory_space<hbm>> -> memref<16384xi32, #tpu.memory_space<hbm>>
        %dma_wait3A_1563 = arith.constant 0 : i32
        %dma_wait3A_1564 = tpu.memref_slice %arg2[%select_n3A_480, %dma_wait3A_1563] : memref<26x16384xi32, #tpu.memory_space<hbm>> -> memref<1x16384xi32, #tpu.memory_space<hbm>>
        %dma_wait3A_1565 = tpu.memref_squeeze %dma_wait3A_1564 : memref<1x16384xi32, #tpu.memory_space<hbm>> -> memref<16384xi32, #tpu.memory_space<hbm>>
        tpu.wait_dma2 semaphore(%run_scoped3A : memref<!tpu.dma_semaphore, #tpu.memory_space<semaphore_mem>>) src(%dma_wait3A_1565 : memref<16384xi32, #tpu.memory_space<hbm>>) dst(%arg6 : memref<16384xi32, #tpu.memory_space<vmem>>)
        tpu.yield
      }) : () -> ()
    } else {
    }
    %dma_wait3A_508 = arith.constant 0 : i32
    %dma_wait3A_509 = tpu.memref_slice %arg3[%select_n3A_480, %select_n3A_496, %dma_wait3A_508] : memref<26x16x100001xf32, #tpu.memory_space<hbm>> -> memref<1x1x100001xf32, #tpu.memory_space<hbm>>
    %dma_wait3A_510 = tpu.memref_squeeze %dma_wait3A_509 : memref<1x1x100001xf32, #tpu.memory_space<hbm>> -> memref<100001xf32, #tpu.memory_space<hbm>>
    %dma_wait3A_511 = arith.constant 0 : i32
    %dma_wait3A_512 = tpu.memref_slice %arg3[%select_n3A_480, %select_n3A_496, %dma_wait3A_511] : memref<26x16x100001xf32, #tpu.memory_space<hbm>> -> memref<1x1x100001xf32, #tpu.memory_space<hbm>>
    %dma_wait3A_513 = tpu.memref_squeeze %dma_wait3A_512 : memref<1x1x100001xf32, #tpu.memory_space<hbm>> -> memref<100001xf32, #tpu.memory_space<hbm>>
    tpu.wait_dma2 semaphore(%arg9 : memref<!tpu.dma_semaphore, #tpu.memory_space<semaphore_mem>>) src(%dma_wait3A_513 : memref<100001xf32, #tpu.memory_space<hbm>>) dst(%arg5 : memref<100001xf32, #tpu.memory_space<vmem>>)
    %dma_wait3A_514 = arith.constant 8192 : i32
    %dma_wait3A_515 = tpu.memref_slice %arg4[%select_n3A_359, %select_n3A_375, %dma_wait3A_514] : memref<26x16x16384xf32, #tpu.memory_space<hbm>> -> memref<1x1x4096xf32, #tpu.memory_space<hbm>>
    %dma_wait3A_516 = tpu.memref_squeeze %dma_wait3A_515 : memref<1x1x4096xf32, #tpu.memory_space<hbm>> -> memref<4096xf32, #tpu.memory_space<hbm>>
    %dma_wait3A_517 = arith.constant 8192 : i32
    %dma_wait3A_518 = tpu.memref_slice %arg4[%select_n3A_359, %select_n3A_375, %dma_wait3A_517] : memref<26x16x16384xf32, #tpu.memory_space<hbm>> -> memref<1x1x4096xf32, #tpu.memory_space<hbm>>
    %dma_wait3A_519 = tpu.memref_squeeze %dma_wait3A_518 : memref<1x1x4096xf32, #tpu.memory_space<hbm>> -> memref<4096xf32, #tpu.memory_space<hbm>>
    tpu.wait_dma2 semaphore(%arg10 : memref<!tpu.dma_semaphore, #tpu.memory_space<semaphore_mem>>) src(%arg7 : memref<4096xf32, #tpu.memory_space<vmem>>) dst(%dma_wait3A_519 : memref<4096xf32, #tpu.memory_space<hbm>>)
    %parallel_loop3A_520 = arith.constant 0 : i32
    %parallel_loop3A_521 = arith.constant 256 : i32
    %parallel_loop3A_522 = arith.constant 1 : i32
    scf.for %parallel_loop3A_1554 = %parallel_loop3A_520 to %parallel_loop3A_521 step %parallel_loop3A_522  : i32 {
      %parallel_loop3A_1555 = arith.constant 16 : i32
      %parallel_loop3A_1556 = arith.muli %parallel_loop3A_1554, %parallel_loop3A_1555 : i32
      %parallel_loop3A_1557 = arith.constant 0 : i32
      %parallel_loop3A_1558 = arith.addi %parallel_loop3A_1557, %parallel_loop3A_1556 : i32
      %parallel_loop3A_1559 = arith.index_cast %parallel_loop3A_1558 : i32 to index
      %parallel_loop3A_1560 = tpu.vector_load %arg6[%parallel_loop3A_1559] {strides = array<i32>} : memref<16384xi32, #tpu.memory_space<vmem>>, vector<16xi32>,
      %parallel_loop3A_1561 = tpu.vector_load_idx %arg5[%parallel_loop3A_1560] : memref<100001xf32, #tpu.memory_space<vmem>>[vector<16xi32>], vector<16xf32>,
      %parallel_loop3A_1562 = arith.constant 16 : i32
      %parallel_loop3A_1563 = arith.muli %parallel_loop3A_1554, %parallel_loop3A_1562 : i32
      %parallel_loop3A_1564 = arith.index_cast %parallel_loop3A_1563 : i32 to index
      %parallel_loop3A_1565 = tpu.vector_load %arg7[%parallel_loop3A_1564] {strides = array<i32>} : memref<4096xf32, #tpu.memory_space<vmem>>, vector<16xf32>,
      tpu.vector_store %arg7[%parallel_loop3A_1564], %parallel_loop3A_1561 {strides = array<i32>} : memref<4096xf32, #tpu.memory_space<vmem>>, vector<16xf32>,
    } {sc.loop_unroll_factor = 8 : i64, sc.parallel_access}
    %dma_start3A_523 = arith.constant 0 : i32
    %dma_start3A_524 = tpu.memref_slice %arg4[%select_n3A_480, %select_n3A_496, %dma_start3A_523] : memref<26x16x16384xf32, #tpu.memory_space<hbm>> -> memref<1x1x4096xf32, #tpu.memory_space<hbm>>
    %dma_start3A_525 = tpu.memref_squeeze %dma_start3A_524 : memref<1x1x4096xf32, #tpu.memory_space<hbm>> -> memref<4096xf32, #tpu.memory_space<hbm>>
    %dma_start3A_526 = arith.constant 0 : i32
    %dma_start3A_527 = tpu.memref_slice %arg4[%select_n3A_480, %select_n3A_496, %dma_start3A_526] : memref<26x16x16384xf32, #tpu.memory_space<hbm>> -> memref<1x1x4096xf32, #tpu.memory_space<hbm>>
    %dma_start3A_528 = tpu.memref_squeeze %dma_start3A_527 : memref<1x1x4096xf32, #tpu.memory_space<hbm>> -> memref<4096xf32, #tpu.memory_space<hbm>>
    tpu.enqueue_dma source(%arg7 : memref<4096xf32, #tpu.memory_space<vmem>>) target(%dma_start3A_528 : memref<4096xf32, #tpu.memory_space<hbm>>) target_semaphore(%arg10 : memref<!tpu.dma_semaphore, #tpu.memory_space<semaphore_mem>>)
    %dma_wait3A_529 = arith.constant 12288 : i32
    %dma_wait3A_530 = tpu.memref_slice %arg4[%select_n3A_359, %select_n3A_375, %dma_wait3A_529] : memref<26x16x16384xf32, #tpu.memory_space<hbm>> -> memref<1x1x4096xf32, #tpu.memory_space<hbm>>
    %dma_wait3A_531 = tpu.memref_squeeze %dma_wait3A_530 : memref<1x1x4096xf32, #tpu.memory_space<hbm>> -> memref<4096xf32, #tpu.memory_space<hbm>>
    %dma_wait3A_532 = arith.constant 12288 : i32
    %dma_wait3A_533 = tpu.memref_slice %arg4[%select_n3A_359, %select_n3A_375, %dma_wait3A_532] : memref<26x16x16384xf32, #tpu.memory_space<hbm>> -> memref<1x1x4096xf32, #tpu.memory_space<hbm>>
    %dma_wait3A_534 = tpu.memref_squeeze %dma_wait3A_533 : memref<1x1x4096xf32, #tpu.memory_space<hbm>> -> memref<4096xf32, #tpu.memory_space<hbm>>
    tpu.wait_dma2 semaphore(%arg11 : memref<!tpu.dma_semaphore, #tpu.memory_space<semaphore_mem>>) src(%arg8 : memref<4096xf32, #tpu.memory_space<vmem>>) dst(%dma_wait3A_534 : memref<4096xf32, #tpu.memory_space<hbm>>)
    %parallel_loop3A_535 = arith.constant 0 : i32
    %parallel_loop3A_536 = arith.constant 256 : i32
    %parallel_loop3A_537 = arith.constant 1 : i32
    scf.for %parallel_loop3A_1554 = %parallel_loop3A_535 to %parallel_loop3A_536 step %parallel_loop3A_537  : i32 {
      %parallel_loop3A_1555 = arith.constant 16 : i32
      %parallel_loop3A_1556 = arith.muli %parallel_loop3A_1554, %parallel_loop3A_1555 : i32
      %parallel_loop3A_1557 = arith.constant 4096 : i32
      %parallel_loop3A_1558 = arith.addi %parallel_loop3A_1557, %parallel_loop3A_1556 : i32
      %parallel_loop3A_1559 = arith.index_cast %parallel_loop3A_1558 : i32 to index
      %parallel_loop3A_1560 = tpu.vector_load %arg6[%parallel_loop3A_1559] {strides = array<i32>} : memref<16384xi32, #tpu.memory_space<vmem>>, vector<16xi32>,
      %parallel_loop3A_1561 = tpu.vector_load_idx %arg5[%parallel_loop3A_1560] : memref<100001xf32, #tpu.memory_space<vmem>>[vector<16xi32>], vector<16xf32>,
      %parallel_loop3A_1562 = arith.constant 16 : i32
      %parallel_loop3A_1563 = arith.muli %parallel_loop3A_1554, %parallel_loop3A_1562 : i32
      %parallel_loop3A_1564 = arith.index_cast %parallel_loop3A_1563 : i32 to index
      %parallel_loop3A_1565 = tpu.vector_load %arg8[%parallel_loop3A_1564] {strides = array<i32>} : memref<4096xf32, #tpu.memory_space<vmem>>, vector<16xf32>,
      tpu.vector_store %arg8[%parallel_loop3A_1564], %parallel_loop3A_1561 {strides = array<i32>} : memref<4096xf32, #tpu.memory_space<vmem>>, vector<16xf32>,
    } {sc.loop_unroll_factor = 8 : i64, sc.parallel_access}
    %dma_start3A_538 = arith.constant 4096 : i32
    %dma_start3A_539 = tpu.memref_slice %arg4[%select_n3A_480, %select_n3A_496, %dma_start3A_538] : memref<26x16x16384xf32, #tpu.memory_space<hbm>> -> memref<1x1x4096xf32, #tpu.memory_space<hbm>>
    %dma_start3A_540 = tpu.memref_squeeze %dma_start3A_539 : memref<1x1x4096xf32, #tpu.memory_space<hbm>> -> memref<4096xf32, #tpu.memory_space<hbm>>
    %dma_start3A_541 = arith.constant 4096 : i32
    %dma_start3A_542 = tpu.memref_slice %arg4[%select_n3A_480, %select_n3A_496, %dma_start3A_541] : memref<26x16x16384xf32, #tpu.memory_space<hbm>> -> memref<1x1x4096xf32, #tpu.memory_space<hbm>>
    %dma_start3A_543 = tpu.memref_squeeze %dma_start3A_542 : memref<1x1x4096xf32, #tpu.memory_space<hbm>> -> memref<4096xf32, #tpu.memory_space<hbm>>
    tpu.enqueue_dma source(%arg8 : memref<4096xf32, #tpu.memory_space<vmem>>) target(%dma_start3A_543 : memref<4096xf32, #tpu.memory_space<hbm>>) target_semaphore(%arg11 : memref<!tpu.dma_semaphore, #tpu.memory_space<semaphore_mem>>)
    %dma_wait3A_544 = arith.constant 0 : i32
    %dma_wait3A_545 = tpu.memref_slice %arg4[%select_n3A_480, %select_n3A_496, %dma_wait3A_544] : memref<26x16x16384xf32, #tpu.memory_space<hbm>> -> memref<1x1x4096xf32, #tpu.memory_space<hbm>>
    %dma_wait3A_546 = tpu.memref_squeeze %dma_wait3A_545 : memref<1x1x4096xf32, #tpu.memory_space<hbm>> -> memref<4096xf32, #tpu.memory_space<hbm>>
    %dma_wait3A_547 = arith.constant 0 : i32
    %dma_wait3A_548 = tpu.memref_slice %arg4[%select_n3A_480, %select_n3A_496, %dma_wait3A_547] : memref<26x16x16384xf32, #tpu.memory_space<hbm>> -> memref<1x1x4096xf32, #tpu.memory_space<hbm>>
    %dma_wait3A_549 = tpu.memref_squeeze %dma_wait3A_548 : memref<1x1x4096xf32, #tpu.memory_space<hbm>> -> memref<4096xf32, #tpu.memory_space<hbm>>
    tpu.wait_dma2 semaphore(%arg10 : memref<!tpu.dma_semaphore, #tpu.memory_space<semaphore_mem>>) src(%arg7 : memref<4096xf32, #tpu.memory_space<vmem>>) dst(%dma_wait3A_549 : memref<4096xf32, #tpu.memory_space<hbm>>)
    %parallel_loop3A_550 = arith.constant 0 : i32
    %parallel_loop3A_551 = arith.constant 256 : i32
    %parallel_loop3A_552 = arith.constant 1 : i32
    scf.for %parallel_loop3A_1554 = %parallel_loop3A_550 to %parallel_loop3A_551 step %parallel_loop3A_552  : i32 {
      %parallel_loop3A_1555 = arith.constant 16 : i32
      %parallel_loop3A_1556 = arith.muli %parallel_loop3A_1554, %parallel_loop3A_1555 : i32
      %parallel_loop3A_1557 = arith.constant 8192 : i32
      %parallel_loop3A_1558 = arith.addi %parallel_loop3A_1557, %parallel_loop3A_1556 : i32
      %parallel_loop3A_1559 = arith.index_cast %parallel_loop3A_1558 : i32 to index
      %parallel_loop3A_1560 = tpu.vector_load %arg6[%parallel_loop3A_1559] {strides = array<i32>} : memref<16384xi32, #tpu.memory_space<vmem>>, vector<16xi32>,
      %parallel_loop3A_1561 = tpu.vector_load_idx %arg5[%parallel_loop3A_1560] : memref<100001xf32, #tpu.memory_space<vmem>>[vector<16xi32>], vector<16xf32>,
      %parallel_loop3A_1562 = arith.constant 16 : i32
      %parallel_loop3A_1563 = arith.muli %parallel_loop3A_1554, %parallel_loop3A_1562 : i32
      %parallel_loop3A_1564 = arith.index_cast %parallel_loop3A_1563 : i32 to index
      %parallel_loop3A_1565 = tpu.vector_load %arg7[%parallel_loop3A_1564] {strides = array<i32>} : memref<4096xf32, #tpu.memory_space<vmem>>, vector<16xf32>,
      tpu.vector_store %arg7[%parallel_loop3A_1564], %parallel_loop3A_1561 {strides = array<i32>} : memref<4096xf32, #tpu.memory_space<vmem>>, vector<16xf32>,
    } {sc.loop_unroll_factor = 8 : i64, sc.parallel_access}
    %dma_start3A_553 = arith.constant 8192 : i32
    %dma_start3A_554 = tpu.memref_slice %arg4[%select_n3A_480, %select_n3A_496, %dma_start3A_553] : memref<26x16x16384xf32, #tpu.memory_space<hbm>> -> memref<1x1x4096xf32, #tpu.memory_space<hbm>>
    %dma_start3A_555 = tpu.memref_squeeze %dma_start3A_554 : memref<1x1x4096xf32, #tpu.memory_space<hbm>> -> memref<4096xf32, #tpu.memory_space<hbm>>
    %dma_start3A_556 = arith.constant 8192 : i32
    %dma_start3A_557 = tpu.memref_slice %arg4[%select_n3A_480, %select_n3A_496, %dma_start3A_556] : memref<26x16x16384xf32, #tpu.memory_space<hbm>> -> memref<1x1x4096xf32, #tpu.memory_space<hbm>>
    %dma_start3A_558 = tpu.memref_squeeze %dma_start3A_557 : memref<1x1x4096xf32, #tpu.memory_space<hbm>> -> memref<4096xf32, #tpu.memory_space<hbm>>
    tpu.enqueue_dma source(%arg7 : memref<4096xf32, #tpu.memory_space<vmem>>) target(%dma_start3A_558 : memref<4096xf32, #tpu.memory_space<hbm>>) target_semaphore(%arg10 : memref<!tpu.dma_semaphore, #tpu.memory_space<semaphore_mem>>)
    %dma_wait3A_559 = arith.constant 4096 : i32
    %dma_wait3A_560 = tpu.memref_slice %arg4[%select_n3A_480, %select_n3A_496, %dma_wait3A_559] : memref<26x16x16384xf32, #tpu.memory_space<hbm>> -> memref<1x1x4096xf32, #tpu.memory_space<hbm>>
    %dma_wait3A_561 = tpu.memref_squeeze %dma_wait3A_560 : memref<1x1x4096xf32, #tpu.memory_space<hbm>> -> memref<4096xf32, #tpu.memory_space<hbm>>
    %dma_wait3A_562 = arith.constant 4096 : i32
    %dma_wait3A_563 = tpu.memref_slice %arg4[%select_n3A_480, %select_n3A_496, %dma_wait3A_562] : memref<26x16x16384xf32, #tpu.memory_space<hbm>> -> memref<1x1x4096xf32, #tpu.memory_space<hbm>>
    %dma_wait3A_564 = tpu.memref_squeeze %dma_wait3A_563 : memref<1x1x4096xf32, #tpu.memory_space<hbm>> -> memref<4096xf32, #tpu.memory_space<hbm>>
    tpu.wait_dma2 semaphore(%arg11 : memref<!tpu.dma_semaphore, #tpu.memory_space<semaphore_mem>>) src(%arg8 : memref<4096xf32, #tpu.memory_space<vmem>>) dst(%dma_wait3A_564 : memref<4096xf32, #tpu.memory_space<hbm>>)
    %parallel_loop3A_565 = arith.constant 0 : i32
    %parallel_loop3A_566 = arith.constant 256 : i32
    %parallel_loop3A_567 = arith.constant 1 : i32
    scf.for %parallel_loop3A_1554 = %parallel_loop3A_565 to %parallel_loop3A_566 step %parallel_loop3A_567  : i32 {
      %parallel_loop3A_1555 = arith.constant 16 : i32
      %parallel_loop3A_1556 = arith.muli %parallel_loop3A_1554, %parallel_loop3A_1555 : i32
      %parallel_loop3A_1557 = arith.constant 12288 : i32
      %parallel_loop3A_1558 = arith.addi %parallel_loop3A_1557, %parallel_loop3A_1556 : i32
      %parallel_loop3A_1559 = arith.index_cast %parallel_loop3A_1558 : i32 to index
      %parallel_loop3A_1560 = tpu.vector_load %arg6[%parallel_loop3A_1559] {strides = array<i32>} : memref<16384xi32, #tpu.memory_space<vmem>>, vector<16xi32>,
      %parallel_loop3A_1561 = tpu.vector_load_idx %arg5[%parallel_loop3A_1560] : memref<100001xf32, #tpu.memory_space<vmem>>[vector<16xi32>], vector<16xf32>,
      %parallel_loop3A_1562 = arith.constant 16 : i32
      %parallel_loop3A_1563 = arith.muli %parallel_loop3A_1554, %parallel_loop3A_1562 : i32
      %parallel_loop3A_1564 = arith.index_cast %parallel_loop3A_1563 : i32 to index
      %parallel_loop3A_1565 = tpu.vector_load %arg8[%parallel_loop3A_1564] {strides = array<i32>} : memref<4096xf32, #tpu.memory_space<vmem>>, vector<16xf32>,
      tpu.vector_store %arg8[%parallel_loop3A_1564], %parallel_loop3A_1561 {strides = array<i32>} : memref<4096xf32, #tpu.memory_space<vmem>>, vector<16xf32>,
    } {sc.loop_unroll_factor = 8 : i64, sc.parallel_access}
    %dma_start3A_568 = arith.constant 12288 : i32
    %dma_start3A_569 = tpu.memref_slice %arg4[%select_n3A_480, %select_n3A_496, %dma_start3A_568] : memref<26x16x16384xf32, #tpu.memory_space<hbm>> -> memref<1x1x4096xf32, #tpu.memory_space<hbm>>
    %dma_start3A_570 = tpu.memref_squeeze %dma_start3A_569 : memref<1x1x4096xf32, #tpu.memory_space<hbm>> -> memref<4096xf32, #tpu.memory_space<hbm>>
    %dma_start3A_571 = arith.constant 12288 : i32
    %dma_start3A_572 = tpu.memref_slice %arg4[%select_n3A_480, %select_n3A_496, %dma_start3A_571] : memref<26x16x16384xf32, #tpu.memory_space<hbm>> -> memref<1x1x4096xf32, #tpu.memory_space<hbm>>
    %dma_start3A_573 = tpu.memref_squeeze %dma_start3A_572 : memref<1x1x4096xf32, #tpu.memory_space<hbm>> -> memref<4096xf32, #tpu.memory_space<hbm>>
    tpu.enqueue_dma source(%arg8 : memref<4096xf32, #tpu.memory_space<vmem>>) target(%dma_start3A_573 : memref<4096xf32, #tpu.memory_space<hbm>>) target_semaphore(%arg11 : memref<!tpu.dma_semaphore, #tpu.memory_space<semaphore_mem>>)
    %mul3A_574 = arith.constant 13 : i32
    %mul3A_575 = arith.muli %add3A, %mul3A_574 : i32
    %add3A_576 = arith.constant 5 : i32
    %add3A_577 = arith.addi %mul3A_575, %add3A_576 : i32
    %jit3A_578 = arith.constant 16 : i32
    %div3A_579 = arith.divsi %add3A_577, %jit3A_578 : i32
    %sign3A_580 = arith.constant 0 : i32
    %sign3A_581 = arith.cmpi sgt, %add3A_577, %sign3A_580 : i32
    %sign3A_582 = arith.extui %sign3A_581 : i1 to i32
    %sign3A_583 = arith.constant 0 : i32
    %sign3A_584 = arith.cmpi slt, %add3A_577, %sign3A_583 : i32
    %sign3A_585 = arith.extui %sign3A_584 : i1 to i32
    %sign3A_586 = arith.subi %sign3A_582, %sign3A_585 : i32
    %sign3A_587 = arith.constant 0 : i32
    %sign3A_588 = arith.cmpi sgt, %jit3A_578, %sign3A_587 : i32
    %sign3A_589 = arith.extui %sign3A_588 : i1 to i32
    %sign3A_590 = arith.constant 0 : i32
    %sign3A_591 = arith.cmpi slt, %jit3A_578, %sign3A_590 : i32
    %sign3A_592 = arith.extui %sign3A_591 : i1 to i32
    %sign3A_593 = arith.subi %sign3A_589, %sign3A_592 : i32
    %ne3A_594 = arith.cmpi ne, %sign3A_586, %sign3A_593 : i32
    %rem3A_595 = arith.remsi %add3A_577, %jit3A_578 : i32
    %ne3A_596 = arith.constant 0 : i32
    %ne3A_597 = arith.cmpi ne, %rem3A_595, %ne3A_596 : i32
    %and3A_598 = arith.andi %ne3A_594, %ne3A_597 : i1
    %sub3A_599 = arith.constant 1 : i32
    %sub3A_600 = arith.subi %div3A_579, %sub3A_599 : i32
    %select_n3A_601 = arith.select %and3A_598, %sub3A_600, %div3A_579 : i32
    %jit3A_602 = arith.constant 16 : i32
    %eq3A_603 = arith.constant 0 : i32
    %eq3A_604 = arith.cmpi eq, %jit3A_602, %eq3A_603 : i32
    %jit3A_605 = arith.constant 1 : i32
    %select_n3A_606 = arith.select %eq3A_604, %jit3A_605, %jit3A_602 : i32
    %rem3A_607 = arith.remsi %add3A_577, %select_n3A_606 : i32
    %ne3A_608 = arith.constant 0 : i32
    %ne3A_609 = arith.cmpi ne, %rem3A_607, %ne3A_608 : i32
    %lt3A_610 = arith.constant 0 : i32
    %lt3A_611 = arith.cmpi slt, %rem3A_607, %lt3A_610 : i32
    %lt3A_612 = arith.constant 0 : i32
    %lt3A_613 = arith.cmpi slt, %select_n3A_606, %lt3A_612 : i32
    %ne3A_614 = arith.xori %lt3A_611, %lt3A_613 : i1
    %and3A_615 = arith.andi %ne3A_614, %ne3A_609 : i1
    %add3A_616 = arith.addi %rem3A_607, %select_n3A_606 : i32
    %select_n3A_617 = arith.select %and3A_615, %add3A_616, %rem3A_607 : i32
    %dma_start3A_618 = arith.constant 0 : i32
    %dma_start3A_619 = tpu.memref_slice %arg3[%select_n3A_601, %select_n3A_617, %dma_start3A_618] : memref<26x16x100001xf32, #tpu.memory_space<hbm>> -> memref<1x1x100001xf32, #tpu.memory_space<hbm>>
    %dma_start3A_620 = tpu.memref_squeeze %dma_start3A_619 : memref<1x1x100001xf32, #tpu.memory_space<hbm>> -> memref<100001xf32, #tpu.memory_space<hbm>>
    %dma_start3A_621 = arith.constant 0 : i32
    %dma_start3A_622 = tpu.memref_slice %arg3[%select_n3A_601, %select_n3A_617, %dma_start3A_621] : memref<26x16x100001xf32, #tpu.memory_space<hbm>> -> memref<1x1x100001xf32, #tpu.memory_space<hbm>>
    %dma_start3A_623 = tpu.memref_squeeze %dma_start3A_622 : memref<1x1x100001xf32, #tpu.memory_space<hbm>> -> memref<100001xf32, #tpu.memory_space<hbm>>
    tpu.enqueue_dma source(%dma_start3A_623 : memref<100001xf32, #tpu.memory_space<hbm>>) target(%arg5 : memref<100001xf32, #tpu.memory_space<vmem>>) target_semaphore(%arg9 : memref<!tpu.dma_semaphore, #tpu.memory_space<semaphore_mem>>)
    %eq3A_624 = arith.constant 0 : i32
    %eq3A_625 = arith.cmpi eq, %select_n3A_617, %eq3A_624 : i32
    %convert_element_type3A_626 = arith.extui %eq3A_625 : i1 to i32
    %cond3A_627 = arith.constant 0 : i32
    %cond3A_628 = arith.cmpi ne, %convert_element_type3A_626, %cond3A_627 : i32
    scf.if %cond3A_628 {
      "tpu.region"() ({
        %run_scoped3A = tpu.sem_alloc : memref<!tpu.dma_semaphore, #tpu.memory_space<semaphore_mem>>
        %dma_start3A_1554 = arith.constant 0 : i32
        %dma_start3A_1555 = tpu.memref_slice %arg2[%select_n3A_601, %dma_start3A_1554] : memref<26x16384xi32, #tpu.memory_space<hbm>> -> memref<1x16384xi32, #tpu.memory_space<hbm>>
        %dma_start3A_1556 = tpu.memref_squeeze %dma_start3A_1555 : memref<1x16384xi32, #tpu.memory_space<hbm>> -> memref<16384xi32, #tpu.memory_space<hbm>>
        %dma_start3A_1557 = arith.constant 0 : i32
        %dma_start3A_1558 = tpu.memref_slice %arg2[%select_n3A_601, %dma_start3A_1557] : memref<26x16384xi32, #tpu.memory_space<hbm>> -> memref<1x16384xi32, #tpu.memory_space<hbm>>
        %dma_start3A_1559 = tpu.memref_squeeze %dma_start3A_1558 : memref<1x16384xi32, #tpu.memory_space<hbm>> -> memref<16384xi32, #tpu.memory_space<hbm>>
        tpu.enqueue_dma source(%dma_start3A_1559 : memref<16384xi32, #tpu.memory_space<hbm>>) target(%arg6 : memref<16384xi32, #tpu.memory_space<vmem>>) target_semaphore(%run_scoped3A : memref<!tpu.dma_semaphore, #tpu.memory_space<semaphore_mem>>)
        %dma_wait3A_1560 = arith.constant 0 : i32
        %dma_wait3A_1561 = tpu.memref_slice %arg2[%select_n3A_601, %dma_wait3A_1560] : memref<26x16384xi32, #tpu.memory_space<hbm>> -> memref<1x16384xi32, #tpu.memory_space<hbm>>
        %dma_wait3A_1562 = tpu.memref_squeeze %dma_wait3A_1561 : memref<1x16384xi32, #tpu.memory_space<hbm>> -> memref<16384xi32, #tpu.memory_space<hbm>>
        %dma_wait3A_1563 = arith.constant 0 : i32
        %dma_wait3A_1564 = tpu.memref_slice %arg2[%select_n3A_601, %dma_wait3A_1563] : memref<26x16384xi32, #tpu.memory_space<hbm>> -> memref<1x16384xi32, #tpu.memory_space<hbm>>
        %dma_wait3A_1565 = tpu.memref_squeeze %dma_wait3A_1564 : memref<1x16384xi32, #tpu.memory_space<hbm>> -> memref<16384xi32, #tpu.memory_space<hbm>>
        tpu.wait_dma2 semaphore(%run_scoped3A : memref<!tpu.dma_semaphore, #tpu.memory_space<semaphore_mem>>) src(%dma_wait3A_1565 : memref<16384xi32, #tpu.memory_space<hbm>>) dst(%arg6 : memref<16384xi32, #tpu.memory_space<vmem>>)
        tpu.yield
      }) : () -> ()
    } else {
    }
    %dma_wait3A_629 = arith.constant 0 : i32
    %dma_wait3A_630 = tpu.memref_slice %arg3[%select_n3A_601, %select_n3A_617, %dma_wait3A_629] : memref<26x16x100001xf32, #tpu.memory_space<hbm>> -> memref<1x1x100001xf32, #tpu.memory_space<hbm>>
    %dma_wait3A_631 = tpu.memref_squeeze %dma_wait3A_630 : memref<1x1x100001xf32, #tpu.memory_space<hbm>> -> memref<100001xf32, #tpu.memory_space<hbm>>
    %dma_wait3A_632 = arith.constant 0 : i32
    %dma_wait3A_633 = tpu.memref_slice %arg3[%select_n3A_601, %select_n3A_617, %dma_wait3A_632] : memref<26x16x100001xf32, #tpu.memory_space<hbm>> -> memref<1x1x100001xf32, #tpu.memory_space<hbm>>
    %dma_wait3A_634 = tpu.memref_squeeze %dma_wait3A_633 : memref<1x1x100001xf32, #tpu.memory_space<hbm>> -> memref<100001xf32, #tpu.memory_space<hbm>>
    tpu.wait_dma2 semaphore(%arg9 : memref<!tpu.dma_semaphore, #tpu.memory_space<semaphore_mem>>) src(%dma_wait3A_634 : memref<100001xf32, #tpu.memory_space<hbm>>) dst(%arg5 : memref<100001xf32, #tpu.memory_space<vmem>>)
    %dma_wait3A_635 = arith.constant 8192 : i32
    %dma_wait3A_636 = tpu.memref_slice %arg4[%select_n3A_480, %select_n3A_496, %dma_wait3A_635] : memref<26x16x16384xf32, #tpu.memory_space<hbm>> -> memref<1x1x4096xf32, #tpu.memory_space<hbm>>
    %dma_wait3A_637 = tpu.memref_squeeze %dma_wait3A_636 : memref<1x1x4096xf32, #tpu.memory_space<hbm>> -> memref<4096xf32, #tpu.memory_space<hbm>>
    %dma_wait3A_638 = arith.constant 8192 : i32
    %dma_wait3A_639 = tpu.memref_slice %arg4[%select_n3A_480, %select_n3A_496, %dma_wait3A_638] : memref<26x16x16384xf32, #tpu.memory_space<hbm>> -> memref<1x1x4096xf32, #tpu.memory_space<hbm>>
    %dma_wait3A_640 = tpu.memref_squeeze %dma_wait3A_639 : memref<1x1x4096xf32, #tpu.memory_space<hbm>> -> memref<4096xf32, #tpu.memory_space<hbm>>
    tpu.wait_dma2 semaphore(%arg10 : memref<!tpu.dma_semaphore, #tpu.memory_space<semaphore_mem>>) src(%arg7 : memref<4096xf32, #tpu.memory_space<vmem>>) dst(%dma_wait3A_640 : memref<4096xf32, #tpu.memory_space<hbm>>)
    %parallel_loop3A_641 = arith.constant 0 : i32
    %parallel_loop3A_642 = arith.constant 256 : i32
    %parallel_loop3A_643 = arith.constant 1 : i32
    scf.for %parallel_loop3A_1554 = %parallel_loop3A_641 to %parallel_loop3A_642 step %parallel_loop3A_643  : i32 {
      %parallel_loop3A_1555 = arith.constant 16 : i32
      %parallel_loop3A_1556 = arith.muli %parallel_loop3A_1554, %parallel_loop3A_1555 : i32
      %parallel_loop3A_1557 = arith.constant 0 : i32
      %parallel_loop3A_1558 = arith.addi %parallel_loop3A_1557, %parallel_loop3A_1556 : i32
      %parallel_loop3A_1559 = arith.index_cast %parallel_loop3A_1558 : i32 to index
      %parallel_loop3A_1560 = tpu.vector_load %arg6[%parallel_loop3A_1559] {strides = array<i32>} : memref<16384xi32, #tpu.memory_space<vmem>>, vector<16xi32>,
      %parallel_loop3A_1561 = tpu.vector_load_idx %arg5[%parallel_loop3A_1560] : memref<100001xf32, #tpu.memory_space<vmem>>[vector<16xi32>], vector<16xf32>,
      %parallel_loop3A_1562 = arith.constant 16 : i32
      %parallel_loop3A_1563 = arith.muli %parallel_loop3A_1554, %parallel_loop3A_1562 : i32
      %parallel_loop3A_1564 = arith.index_cast %parallel_loop3A_1563 : i32 to index
      %parallel_loop3A_1565 = tpu.vector_load %arg7[%parallel_loop3A_1564] {strides = array<i32>} : memref<4096xf32, #tpu.memory_space<vmem>>, vector<16xf32>,
      tpu.vector_store %arg7[%parallel_loop3A_1564], %parallel_loop3A_1561 {strides = array<i32>} : memref<4096xf32, #tpu.memory_space<vmem>>, vector<16xf32>,
    } {sc.loop_unroll_factor = 8 : i64, sc.parallel_access}
    %dma_start3A_644 = arith.constant 0 : i32
    %dma_start3A_645 = tpu.memref_slice %arg4[%select_n3A_601, %select_n3A_617, %dma_start3A_644] : memref<26x16x16384xf32, #tpu.memory_space<hbm>> -> memref<1x1x4096xf32, #tpu.memory_space<hbm>>
    %dma_start3A_646 = tpu.memref_squeeze %dma_start3A_645 : memref<1x1x4096xf32, #tpu.memory_space<hbm>> -> memref<4096xf32, #tpu.memory_space<hbm>>
    %dma_start3A_647 = arith.constant 0 : i32
    %dma_start3A_648 = tpu.memref_slice %arg4[%select_n3A_601, %select_n3A_617, %dma_start3A_647] : memref<26x16x16384xf32, #tpu.memory_space<hbm>> -> memref<1x1x4096xf32, #tpu.memory_space<hbm>>
    %dma_start3A_649 = tpu.memref_squeeze %dma_start3A_648 : memref<1x1x4096xf32, #tpu.memory_space<hbm>> -> memref<4096xf32, #tpu.memory_space<hbm>>
    tpu.enqueue_dma source(%arg7 : memref<4096xf32, #tpu.memory_space<vmem>>) target(%dma_start3A_649 : memref<4096xf32, #tpu.memory_space<hbm>>) target_semaphore(%arg10 : memref<!tpu.dma_semaphore, #tpu.memory_space<semaphore_mem>>)
    %dma_wait3A_650 = arith.constant 12288 : i32
    %dma_wait3A_651 = tpu.memref_slice %arg4[%select_n3A_480, %select_n3A_496, %dma_wait3A_650] : memref<26x16x16384xf32, #tpu.memory_space<hbm>> -> memref<1x1x4096xf32, #tpu.memory_space<hbm>>
    %dma_wait3A_652 = tpu.memref_squeeze %dma_wait3A_651 : memref<1x1x4096xf32, #tpu.memory_space<hbm>> -> memref<4096xf32, #tpu.memory_space<hbm>>
    %dma_wait3A_653 = arith.constant 12288 : i32
    %dma_wait3A_654 = tpu.memref_slice %arg4[%select_n3A_480, %select_n3A_496, %dma_wait3A_653] : memref<26x16x16384xf32, #tpu.memory_space<hbm>> -> memref<1x1x4096xf32, #tpu.memory_space<hbm>>
    %dma_wait3A_655 = tpu.memref_squeeze %dma_wait3A_654 : memref<1x1x4096xf32, #tpu.memory_space<hbm>> -> memref<4096xf32, #tpu.memory_space<hbm>>
    tpu.wait_dma2 semaphore(%arg11 : memref<!tpu.dma_semaphore, #tpu.memory_space<semaphore_mem>>) src(%arg8 : memref<4096xf32, #tpu.memory_space<vmem>>) dst(%dma_wait3A_655 : memref<4096xf32, #tpu.memory_space<hbm>>)
    %parallel_loop3A_656 = arith.constant 0 : i32
    %parallel_loop3A_657 = arith.constant 256 : i32
    %parallel_loop3A_658 = arith.constant 1 : i32
    scf.for %parallel_loop3A_1554 = %parallel_loop3A_656 to %parallel_loop3A_657 step %parallel_loop3A_658  : i32 {
      %parallel_loop3A_1555 = arith.constant 16 : i32
      %parallel_loop3A_1556 = arith.muli %parallel_loop3A_1554, %parallel_loop3A_1555 : i32
      %parallel_loop3A_1557 = arith.constant 4096 : i32
      %parallel_loop3A_1558 = arith.addi %parallel_loop3A_1557, %parallel_loop3A_1556 : i32
      %parallel_loop3A_1559 = arith.index_cast %parallel_loop3A_1558 : i32 to index
      %parallel_loop3A_1560 = tpu.vector_load %arg6[%parallel_loop3A_1559] {strides = array<i32>} : memref<16384xi32, #tpu.memory_space<vmem>>, vector<16xi32>,
      %parallel_loop3A_1561 = tpu.vector_load_idx %arg5[%parallel_loop3A_1560] : memref<100001xf32, #tpu.memory_space<vmem>>[vector<16xi32>], vector<16xf32>,
      %parallel_loop3A_1562 = arith.constant 16 : i32
      %parallel_loop3A_1563 = arith.muli %parallel_loop3A_1554, %parallel_loop3A_1562 : i32
      %parallel_loop3A_1564 = arith.index_cast %parallel_loop3A_1563 : i32 to index
      %parallel_loop3A_1565 = tpu.vector_load %arg8[%parallel_loop3A_1564] {strides = array<i32>} : memref<4096xf32, #tpu.memory_space<vmem>>, vector<16xf32>,
      tpu.vector_store %arg8[%parallel_loop3A_1564], %parallel_loop3A_1561 {strides = array<i32>} : memref<4096xf32, #tpu.memory_space<vmem>>, vector<16xf32>,
    } {sc.loop_unroll_factor = 8 : i64, sc.parallel_access}
    %dma_start3A_659 = arith.constant 4096 : i32
    %dma_start3A_660 = tpu.memref_slice %arg4[%select_n3A_601, %select_n3A_617, %dma_start3A_659] : memref<26x16x16384xf32, #tpu.memory_space<hbm>> -> memref<1x1x4096xf32, #tpu.memory_space<hbm>>
    %dma_start3A_661 = tpu.memref_squeeze %dma_start3A_660 : memref<1x1x4096xf32, #tpu.memory_space<hbm>> -> memref<4096xf32, #tpu.memory_space<hbm>>
    %dma_start3A_662 = arith.constant 4096 : i32
    %dma_start3A_663 = tpu.memref_slice %arg4[%select_n3A_601, %select_n3A_617, %dma_start3A_662] : memref<26x16x16384xf32, #tpu.memory_space<hbm>> -> memref<1x1x4096xf32, #tpu.memory_space<hbm>>
    %dma_start3A_664 = tpu.memref_squeeze %dma_start3A_663 : memref<1x1x4096xf32, #tpu.memory_space<hbm>> -> memref<4096xf32, #tpu.memory_space<hbm>>
    tpu.enqueue_dma source(%arg8 : memref<4096xf32, #tpu.memory_space<vmem>>) target(%dma_start3A_664 : memref<4096xf32, #tpu.memory_space<hbm>>) target_semaphore(%arg11 : memref<!tpu.dma_semaphore, #tpu.memory_space<semaphore_mem>>)
    %dma_wait3A_665 = arith.constant 0 : i32
    %dma_wait3A_666 = tpu.memref_slice %arg4[%select_n3A_601, %select_n3A_617, %dma_wait3A_665] : memref<26x16x16384xf32, #tpu.memory_space<hbm>> -> memref<1x1x4096xf32, #tpu.memory_space<hbm>>
    %dma_wait3A_667 = tpu.memref_squeeze %dma_wait3A_666 : memref<1x1x4096xf32, #tpu.memory_space<hbm>> -> memref<4096xf32, #tpu.memory_space<hbm>>
    %dma_wait3A_668 = arith.constant 0 : i32
    %dma_wait3A_669 = tpu.memref_slice %arg4[%select_n3A_601, %select_n3A_617, %dma_wait3A_668] : memref<26x16x16384xf32, #tpu.memory_space<hbm>> -> memref<1x1x4096xf32, #tpu.memory_space<hbm>>
    %dma_wait3A_670 = tpu.memref_squeeze %dma_wait3A_669 : memref<1x1x4096xf32, #tpu.memory_space<hbm>> -> memref<4096xf32, #tpu.memory_space<hbm>>
    tpu.wait_dma2 semaphore(%arg10 : memref<!tpu.dma_semaphore, #tpu.memory_space<semaphore_mem>>) src(%arg7 : memref<4096xf32, #tpu.memory_space<vmem>>) dst(%dma_wait3A_670 : memref<4096xf32, #tpu.memory_space<hbm>>)
    %parallel_loop3A_671 = arith.constant 0 : i32
    %parallel_loop3A_672 = arith.constant 256 : i32
    %parallel_loop3A_673 = arith.constant 1 : i32
    scf.for %parallel_loop3A_1554 = %parallel_loop3A_671 to %parallel_loop3A_672 step %parallel_loop3A_673  : i32 {
      %parallel_loop3A_1555 = arith.constant 16 : i32
      %parallel_loop3A_1556 = arith.muli %parallel_loop3A_1554, %parallel_loop3A_1555 : i32
      %parallel_loop3A_1557 = arith.constant 8192 : i32
      %parallel_loop3A_1558 = arith.addi %parallel_loop3A_1557, %parallel_loop3A_1556 : i32
      %parallel_loop3A_1559 = arith.index_cast %parallel_loop3A_1558 : i32 to index
      %parallel_loop3A_1560 = tpu.vector_load %arg6[%parallel_loop3A_1559] {strides = array<i32>} : memref<16384xi32, #tpu.memory_space<vmem>>, vector<16xi32>,
      %parallel_loop3A_1561 = tpu.vector_load_idx %arg5[%parallel_loop3A_1560] : memref<100001xf32, #tpu.memory_space<vmem>>[vector<16xi32>], vector<16xf32>,
      %parallel_loop3A_1562 = arith.constant 16 : i32
      %parallel_loop3A_1563 = arith.muli %parallel_loop3A_1554, %parallel_loop3A_1562 : i32
      %parallel_loop3A_1564 = arith.index_cast %parallel_loop3A_1563 : i32 to index
      %parallel_loop3A_1565 = tpu.vector_load %arg7[%parallel_loop3A_1564] {strides = array<i32>} : memref<4096xf32, #tpu.memory_space<vmem>>, vector<16xf32>,
      tpu.vector_store %arg7[%parallel_loop3A_1564], %parallel_loop3A_1561 {strides = array<i32>} : memref<4096xf32, #tpu.memory_space<vmem>>, vector<16xf32>,
    } {sc.loop_unroll_factor = 8 : i64, sc.parallel_access}
    %dma_start3A_674 = arith.constant 8192 : i32
    %dma_start3A_675 = tpu.memref_slice %arg4[%select_n3A_601, %select_n3A_617, %dma_start3A_674] : memref<26x16x16384xf32, #tpu.memory_space<hbm>> -> memref<1x1x4096xf32, #tpu.memory_space<hbm>>
    %dma_start3A_676 = tpu.memref_squeeze %dma_start3A_675 : memref<1x1x4096xf32, #tpu.memory_space<hbm>> -> memref<4096xf32, #tpu.memory_space<hbm>>
    %dma_start3A_677 = arith.constant 8192 : i32
    %dma_start3A_678 = tpu.memref_slice %arg4[%select_n3A_601, %select_n3A_617, %dma_start3A_677] : memref<26x16x16384xf32, #tpu.memory_space<hbm>> -> memref<1x1x4096xf32, #tpu.memory_space<hbm>>
    %dma_start3A_679 = tpu.memref_squeeze %dma_start3A_678 : memref<1x1x4096xf32, #tpu.memory_space<hbm>> -> memref<4096xf32, #tpu.memory_space<hbm>>
    tpu.enqueue_dma source(%arg7 : memref<4096xf32, #tpu.memory_space<vmem>>) target(%dma_start3A_679 : memref<4096xf32, #tpu.memory_space<hbm>>) target_semaphore(%arg10 : memref<!tpu.dma_semaphore, #tpu.memory_space<semaphore_mem>>)
    %dma_wait3A_680 = arith.constant 4096 : i32
    %dma_wait3A_681 = tpu.memref_slice %arg4[%select_n3A_601, %select_n3A_617, %dma_wait3A_680] : memref<26x16x16384xf32, #tpu.memory_space<hbm>> -> memref<1x1x4096xf32, #tpu.memory_space<hbm>>
    %dma_wait3A_682 = tpu.memref_squeeze %dma_wait3A_681 : memref<1x1x4096xf32, #tpu.memory_space<hbm>> -> memref<4096xf32, #tpu.memory_space<hbm>>
    %dma_wait3A_683 = arith.constant 4096 : i32
    %dma_wait3A_684 = tpu.memref_slice %arg4[%select_n3A_601, %select_n3A_617, %dma_wait3A_683] : memref<26x16x16384xf32, #tpu.memory_space<hbm>> -> memref<1x1x4096xf32, #tpu.memory_space<hbm>>
    %dma_wait3A_685 = tpu.memref_squeeze %dma_wait3A_684 : memref<1x1x4096xf32, #tpu.memory_space<hbm>> -> memref<4096xf32, #tpu.memory_space<hbm>>
    tpu.wait_dma2 semaphore(%arg11 : memref<!tpu.dma_semaphore, #tpu.memory_space<semaphore_mem>>) src(%arg8 : memref<4096xf32, #tpu.memory_space<vmem>>) dst(%dma_wait3A_685 : memref<4096xf32, #tpu.memory_space<hbm>>)
    %parallel_loop3A_686 = arith.constant 0 : i32
    %parallel_loop3A_687 = arith.constant 256 : i32
    %parallel_loop3A_688 = arith.constant 1 : i32
    scf.for %parallel_loop3A_1554 = %parallel_loop3A_686 to %parallel_loop3A_687 step %parallel_loop3A_688  : i32 {
      %parallel_loop3A_1555 = arith.constant 16 : i32
      %parallel_loop3A_1556 = arith.muli %parallel_loop3A_1554, %parallel_loop3A_1555 : i32
      %parallel_loop3A_1557 = arith.constant 12288 : i32
      %parallel_loop3A_1558 = arith.addi %parallel_loop3A_1557, %parallel_loop3A_1556 : i32
      %parallel_loop3A_1559 = arith.index_cast %parallel_loop3A_1558 : i32 to index
      %parallel_loop3A_1560 = tpu.vector_load %arg6[%parallel_loop3A_1559] {strides = array<i32>} : memref<16384xi32, #tpu.memory_space<vmem>>, vector<16xi32>,
      %parallel_loop3A_1561 = tpu.vector_load_idx %arg5[%parallel_loop3A_1560] : memref<100001xf32, #tpu.memory_space<vmem>>[vector<16xi32>], vector<16xf32>,
      %parallel_loop3A_1562 = arith.constant 16 : i32
      %parallel_loop3A_1563 = arith.muli %parallel_loop3A_1554, %parallel_loop3A_1562 : i32
      %parallel_loop3A_1564 = arith.index_cast %parallel_loop3A_1563 : i32 to index
      %parallel_loop3A_1565 = tpu.vector_load %arg8[%parallel_loop3A_1564] {strides = array<i32>} : memref<4096xf32, #tpu.memory_space<vmem>>, vector<16xf32>,
      tpu.vector_store %arg8[%parallel_loop3A_1564], %parallel_loop3A_1561 {strides = array<i32>} : memref<4096xf32, #tpu.memory_space<vmem>>, vector<16xf32>,
    } {sc.loop_unroll_factor = 8 : i64, sc.parallel_access}
    %dma_start3A_689 = arith.constant 12288 : i32
    %dma_start3A_690 = tpu.memref_slice %arg4[%select_n3A_601, %select_n3A_617, %dma_start3A_689] : memref<26x16x16384xf32, #tpu.memory_space<hbm>> -> memref<1x1x4096xf32, #tpu.memory_space<hbm>>
    %dma_start3A_691 = tpu.memref_squeeze %dma_start3A_690 : memref<1x1x4096xf32, #tpu.memory_space<hbm>> -> memref<4096xf32, #tpu.memory_space<hbm>>
    %dma_start3A_692 = arith.constant 12288 : i32
    %dma_start3A_693 = tpu.memref_slice %arg4[%select_n3A_601, %select_n3A_617, %dma_start3A_692] : memref<26x16x16384xf32, #tpu.memory_space<hbm>> -> memref<1x1x4096xf32, #tpu.memory_space<hbm>>
    %dma_start3A_694 = tpu.memref_squeeze %dma_start3A_693 : memref<1x1x4096xf32, #tpu.memory_space<hbm>> -> memref<4096xf32, #tpu.memory_space<hbm>>
    tpu.enqueue_dma source(%arg8 : memref<4096xf32, #tpu.memory_space<vmem>>) target(%dma_start3A_694 : memref<4096xf32, #tpu.memory_space<hbm>>) target_semaphore(%arg11 : memref<!tpu.dma_semaphore, #tpu.memory_space<semaphore_mem>>)
    %mul3A_695 = arith.constant 13 : i32
    %mul3A_696 = arith.muli %add3A, %mul3A_695 : i32
    %add3A_697 = arith.constant 6 : i32
    %add3A_698 = arith.addi %mul3A_696, %add3A_697 : i32
    %jit3A_699 = arith.constant 16 : i32
    %div3A_700 = arith.divsi %add3A_698, %jit3A_699 : i32
    %sign3A_701 = arith.constant 0 : i32
    %sign3A_702 = arith.cmpi sgt, %add3A_698, %sign3A_701 : i32
    %sign3A_703 = arith.extui %sign3A_702 : i1 to i32
    %sign3A_704 = arith.constant 0 : i32
    %sign3A_705 = arith.cmpi slt, %add3A_698, %sign3A_704 : i32
    %sign3A_706 = arith.extui %sign3A_705 : i1 to i32
    %sign3A_707 = arith.subi %sign3A_703, %sign3A_706 : i32
    %sign3A_708 = arith.constant 0 : i32
    %sign3A_709 = arith.cmpi sgt, %jit3A_699, %sign3A_708 : i32
    %sign3A_710 = arith.extui %sign3A_709 : i1 to i32
    %sign3A_711 = arith.constant 0 : i32
    %sign3A_712 = arith.cmpi slt, %jit3A_699, %sign3A_711 : i32
    %sign3A_713 = arith.extui %sign3A_712 : i1 to i32
    %sign3A_714 = arith.subi %sign3A_710, %sign3A_713 : i32
    %ne3A_715 = arith.cmpi ne, %sign3A_707, %sign3A_714 : i32
    %rem3A_716 = arith.remsi %add3A_698, %jit3A_699 : i32
    %ne3A_717 = arith.constant 0 : i32
    %ne3A_718 = arith.cmpi ne, %rem3A_716, %ne3A_717 : i32
    %and3A_719 = arith.andi %ne3A_715, %ne3A_718 : i1
    %sub3A_720 = arith.constant 1 : i32
    %sub3A_721 = arith.subi %div3A_700, %sub3A_720 : i32
    %select_n3A_722 = arith.select %and3A_719, %sub3A_721, %div3A_700 : i32
    %jit3A_723 = arith.constant 16 : i32
    %eq3A_724 = arith.constant 0 : i32
    %eq3A_725 = arith.cmpi eq, %jit3A_723, %eq3A_724 : i32
    %jit3A_726 = arith.constant 1 : i32
    %select_n3A_727 = arith.select %eq3A_725, %jit3A_726, %jit3A_723 : i32
    %rem3A_728 = arith.remsi %add3A_698, %select_n3A_727 : i32
    %ne3A_729 = arith.constant 0 : i32
    %ne3A_730 = arith.cmpi ne, %rem3A_728, %ne3A_729 : i32
    %lt3A_731 = arith.constant 0 : i32
    %lt3A_732 = arith.cmpi slt, %rem3A_728, %lt3A_731 : i32
    %lt3A_733 = arith.constant 0 : i32
    %lt3A_734 = arith.cmpi slt, %select_n3A_727, %lt3A_733 : i32
    %ne3A_735 = arith.xori %lt3A_732, %lt3A_734 : i1
    %and3A_736 = arith.andi %ne3A_735, %ne3A_730 : i1
    %add3A_737 = arith.addi %rem3A_728, %select_n3A_727 : i32
    %select_n3A_738 = arith.select %and3A_736, %add3A_737, %rem3A_728 : i32
    %dma_start3A_739 = arith.constant 0 : i32
    %dma_start3A_740 = tpu.memref_slice %arg3[%select_n3A_722, %select_n3A_738, %dma_start3A_739] : memref<26x16x100001xf32, #tpu.memory_space<hbm>> -> memref<1x1x100001xf32, #tpu.memory_space<hbm>>
    %dma_start3A_741 = tpu.memref_squeeze %dma_start3A_740 : memref<1x1x100001xf32, #tpu.memory_space<hbm>> -> memref<100001xf32, #tpu.memory_space<hbm>>
    %dma_start3A_742 = arith.constant 0 : i32
    %dma_start3A_743 = tpu.memref_slice %arg3[%select_n3A_722, %select_n3A_738, %dma_start3A_742] : memref<26x16x100001xf32, #tpu.memory_space<hbm>> -> memref<1x1x100001xf32, #tpu.memory_space<hbm>>
    %dma_start3A_744 = tpu.memref_squeeze %dma_start3A_743 : memref<1x1x100001xf32, #tpu.memory_space<hbm>> -> memref<100001xf32, #tpu.memory_space<hbm>>
    tpu.enqueue_dma source(%dma_start3A_744 : memref<100001xf32, #tpu.memory_space<hbm>>) target(%arg5 : memref<100001xf32, #tpu.memory_space<vmem>>) target_semaphore(%arg9 : memref<!tpu.dma_semaphore, #tpu.memory_space<semaphore_mem>>)
    %eq3A_745 = arith.constant 0 : i32
    %eq3A_746 = arith.cmpi eq, %select_n3A_738, %eq3A_745 : i32
    %convert_element_type3A_747 = arith.extui %eq3A_746 : i1 to i32
    %cond3A_748 = arith.constant 0 : i32
    %cond3A_749 = arith.cmpi ne, %convert_element_type3A_747, %cond3A_748 : i32
    scf.if %cond3A_749 {
      "tpu.region"() ({
        %run_scoped3A = tpu.sem_alloc : memref<!tpu.dma_semaphore, #tpu.memory_space<semaphore_mem>>
        %dma_start3A_1554 = arith.constant 0 : i32
        %dma_start3A_1555 = tpu.memref_slice %arg2[%select_n3A_722, %dma_start3A_1554] : memref<26x16384xi32, #tpu.memory_space<hbm>> -> memref<1x16384xi32, #tpu.memory_space<hbm>>
        %dma_start3A_1556 = tpu.memref_squeeze %dma_start3A_1555 : memref<1x16384xi32, #tpu.memory_space<hbm>> -> memref<16384xi32, #tpu.memory_space<hbm>>
        %dma_start3A_1557 = arith.constant 0 : i32
        %dma_start3A_1558 = tpu.memref_slice %arg2[%select_n3A_722, %dma_start3A_1557] : memref<26x16384xi32, #tpu.memory_space<hbm>> -> memref<1x16384xi32, #tpu.memory_space<hbm>>
        %dma_start3A_1559 = tpu.memref_squeeze %dma_start3A_1558 : memref<1x16384xi32, #tpu.memory_space<hbm>> -> memref<16384xi32, #tpu.memory_space<hbm>>
        tpu.enqueue_dma source(%dma_start3A_1559 : memref<16384xi32, #tpu.memory_space<hbm>>) target(%arg6 : memref<16384xi32, #tpu.memory_space<vmem>>) target_semaphore(%run_scoped3A : memref<!tpu.dma_semaphore, #tpu.memory_space<semaphore_mem>>)
        %dma_wait3A_1560 = arith.constant 0 : i32
        %dma_wait3A_1561 = tpu.memref_slice %arg2[%select_n3A_722, %dma_wait3A_1560] : memref<26x16384xi32, #tpu.memory_space<hbm>> -> memref<1x16384xi32, #tpu.memory_space<hbm>>
        %dma_wait3A_1562 = tpu.memref_squeeze %dma_wait3A_1561 : memref<1x16384xi32, #tpu.memory_space<hbm>> -> memref<16384xi32, #tpu.memory_space<hbm>>
        %dma_wait3A_1563 = arith.constant 0 : i32
        %dma_wait3A_1564 = tpu.memref_slice %arg2[%select_n3A_722, %dma_wait3A_1563] : memref<26x16384xi32, #tpu.memory_space<hbm>> -> memref<1x16384xi32, #tpu.memory_space<hbm>>
        %dma_wait3A_1565 = tpu.memref_squeeze %dma_wait3A_1564 : memref<1x16384xi32, #tpu.memory_space<hbm>> -> memref<16384xi32, #tpu.memory_space<hbm>>
        tpu.wait_dma2 semaphore(%run_scoped3A : memref<!tpu.dma_semaphore, #tpu.memory_space<semaphore_mem>>) src(%dma_wait3A_1565 : memref<16384xi32, #tpu.memory_space<hbm>>) dst(%arg6 : memref<16384xi32, #tpu.memory_space<vmem>>)
        tpu.yield
      }) : () -> ()
    } else {
    }
    %dma_wait3A_750 = arith.constant 0 : i32
    %dma_wait3A_751 = tpu.memref_slice %arg3[%select_n3A_722, %select_n3A_738, %dma_wait3A_750] : memref<26x16x100001xf32, #tpu.memory_space<hbm>> -> memref<1x1x100001xf32, #tpu.memory_space<hbm>>
    %dma_wait3A_752 = tpu.memref_squeeze %dma_wait3A_751 : memref<1x1x100001xf32, #tpu.memory_space<hbm>> -> memref<100001xf32, #tpu.memory_space<hbm>>
    %dma_wait3A_753 = arith.constant 0 : i32
    %dma_wait3A_754 = tpu.memref_slice %arg3[%select_n3A_722, %select_n3A_738, %dma_wait3A_753] : memref<26x16x100001xf32, #tpu.memory_space<hbm>> -> memref<1x1x100001xf32, #tpu.memory_space<hbm>>
    %dma_wait3A_755 = tpu.memref_squeeze %dma_wait3A_754 : memref<1x1x100001xf32, #tpu.memory_space<hbm>> -> memref<100001xf32, #tpu.memory_space<hbm>>
    tpu.wait_dma2 semaphore(%arg9 : memref<!tpu.dma_semaphore, #tpu.memory_space<semaphore_mem>>) src(%dma_wait3A_755 : memref<100001xf32, #tpu.memory_space<hbm>>) dst(%arg5 : memref<100001xf32, #tpu.memory_space<vmem>>)
    %dma_wait3A_756 = arith.constant 8192 : i32
    %dma_wait3A_757 = tpu.memref_slice %arg4[%select_n3A_601, %select_n3A_617, %dma_wait3A_756] : memref<26x16x16384xf32, #tpu.memory_space<hbm>> -> memref<1x1x4096xf32, #tpu.memory_space<hbm>>
    %dma_wait3A_758 = tpu.memref_squeeze %dma_wait3A_757 : memref<1x1x4096xf32, #tpu.memory_space<hbm>> -> memref<4096xf32, #tpu.memory_space<hbm>>
    %dma_wait3A_759 = arith.constant 8192 : i32
    %dma_wait3A_760 = tpu.memref_slice %arg4[%select_n3A_601, %select_n3A_617, %dma_wait3A_759] : memref<26x16x16384xf32, #tpu.memory_space<hbm>> -> memref<1x1x4096xf32, #tpu.memory_space<hbm>>
    %dma_wait3A_761 = tpu.memref_squeeze %dma_wait3A_760 : memref<1x1x4096xf32, #tpu.memory_space<hbm>> -> memref<4096xf32, #tpu.memory_space<hbm>>
    tpu.wait_dma2 semaphore(%arg10 : memref<!tpu.dma_semaphore, #tpu.memory_space<semaphore_mem>>) src(%arg7 : memref<4096xf32, #tpu.memory_space<vmem>>) dst(%dma_wait3A_761 : memref<4096xf32, #tpu.memory_space<hbm>>)
    %parallel_loop3A_762 = arith.constant 0 : i32
    %parallel_loop3A_763 = arith.constant 256 : i32
    %parallel_loop3A_764 = arith.constant 1 : i32
    scf.for %parallel_loop3A_1554 = %parallel_loop3A_762 to %parallel_loop3A_763 step %parallel_loop3A_764  : i32 {
      %parallel_loop3A_1555 = arith.constant 16 : i32
      %parallel_loop3A_1556 = arith.muli %parallel_loop3A_1554, %parallel_loop3A_1555 : i32
      %parallel_loop3A_1557 = arith.constant 0 : i32
      %parallel_loop3A_1558 = arith.addi %parallel_loop3A_1557, %parallel_loop3A_1556 : i32
      %parallel_loop3A_1559 = arith.index_cast %parallel_loop3A_1558 : i32 to index
      %parallel_loop3A_1560 = tpu.vector_load %arg6[%parallel_loop3A_1559] {strides = array<i32>} : memref<16384xi32, #tpu.memory_space<vmem>>, vector<16xi32>,
      %parallel_loop3A_1561 = tpu.vector_load_idx %arg5[%parallel_loop3A_1560] : memref<100001xf32, #tpu.memory_space<vmem>>[vector<16xi32>], vector<16xf32>,
      %parallel_loop3A_1562 = arith.constant 16 : i32
      %parallel_loop3A_1563 = arith.muli %parallel_loop3A_1554, %parallel_loop3A_1562 : i32
      %parallel_loop3A_1564 = arith.index_cast %parallel_loop3A_1563 : i32 to index
      %parallel_loop3A_1565 = tpu.vector_load %arg7[%parallel_loop3A_1564] {strides = array<i32>} : memref<4096xf32, #tpu.memory_space<vmem>>, vector<16xf32>,
      tpu.vector_store %arg7[%parallel_loop3A_1564], %parallel_loop3A_1561 {strides = array<i32>} : memref<4096xf32, #tpu.memory_space<vmem>>, vector<16xf32>,
    } {sc.loop_unroll_factor = 8 : i64, sc.parallel_access}
    %dma_start3A_765 = arith.constant 0 : i32
    %dma_start3A_766 = tpu.memref_slice %arg4[%select_n3A_722, %select_n3A_738, %dma_start3A_765] : memref<26x16x16384xf32, #tpu.memory_space<hbm>> -> memref<1x1x4096xf32, #tpu.memory_space<hbm>>
    %dma_start3A_767 = tpu.memref_squeeze %dma_start3A_766 : memref<1x1x4096xf32, #tpu.memory_space<hbm>> -> memref<4096xf32, #tpu.memory_space<hbm>>
    %dma_start3A_768 = arith.constant 0 : i32
    %dma_start3A_769 = tpu.memref_slice %arg4[%select_n3A_722, %select_n3A_738, %dma_start3A_768] : memref<26x16x16384xf32, #tpu.memory_space<hbm>> -> memref<1x1x4096xf32, #tpu.memory_space<hbm>>
    %dma_start3A_770 = tpu.memref_squeeze %dma_start3A_769 : memref<1x1x4096xf32, #tpu.memory_space<hbm>> -> memref<4096xf32, #tpu.memory_space<hbm>>
    tpu.enqueue_dma source(%arg7 : memref<4096xf32, #tpu.memory_space<vmem>>) target(%dma_start3A_770 : memref<4096xf32, #tpu.memory_space<hbm>>) target_semaphore(%arg10 : memref<!tpu.dma_semaphore, #tpu.memory_space<semaphore_mem>>)
    %dma_wait3A_771 = arith.constant 12288 : i32
    %dma_wait3A_772 = tpu.memref_slice %arg4[%select_n3A_601, %select_n3A_617, %dma_wait3A_771] : memref<26x16x16384xf32, #tpu.memory_space<hbm>> -> memref<1x1x4096xf32, #tpu.memory_space<hbm>>
    %dma_wait3A_773 = tpu.memref_squeeze %dma_wait3A_772 : memref<1x1x4096xf32, #tpu.memory_space<hbm>> -> memref<4096xf32, #tpu.memory_space<hbm>>
    %dma_wait3A_774 = arith.constant 12288 : i32
    %dma_wait3A_775 = tpu.memref_slice %arg4[%select_n3A_601, %select_n3A_617, %dma_wait3A_774] : memref<26x16x16384xf32, #tpu.memory_space<hbm>> -> memref<1x1x4096xf32, #tpu.memory_space<hbm>>
    %dma_wait3A_776 = tpu.memref_squeeze %dma_wait3A_775 : memref<1x1x4096xf32, #tpu.memory_space<hbm>> -> memref<4096xf32, #tpu.memory_space<hbm>>
    tpu.wait_dma2 semaphore(%arg11 : memref<!tpu.dma_semaphore, #tpu.memory_space<semaphore_mem>>) src(%arg8 : memref<4096xf32, #tpu.memory_space<vmem>>) dst(%dma_wait3A_776 : memref<4096xf32, #tpu.memory_space<hbm>>)
    %parallel_loop3A_777 = arith.constant 0 : i32
    %parallel_loop3A_778 = arith.constant 256 : i32
    %parallel_loop3A_779 = arith.constant 1 : i32
    scf.for %parallel_loop3A_1554 = %parallel_loop3A_777 to %parallel_loop3A_778 step %parallel_loop3A_779  : i32 {
      %parallel_loop3A_1555 = arith.constant 16 : i32
      %parallel_loop3A_1556 = arith.muli %parallel_loop3A_1554, %parallel_loop3A_1555 : i32
      %parallel_loop3A_1557 = arith.constant 4096 : i32
      %parallel_loop3A_1558 = arith.addi %parallel_loop3A_1557, %parallel_loop3A_1556 : i32
      %parallel_loop3A_1559 = arith.index_cast %parallel_loop3A_1558 : i32 to index
      %parallel_loop3A_1560 = tpu.vector_load %arg6[%parallel_loop3A_1559] {strides = array<i32>} : memref<16384xi32, #tpu.memory_space<vmem>>, vector<16xi32>,
      %parallel_loop3A_1561 = tpu.vector_load_idx %arg5[%parallel_loop3A_1560] : memref<100001xf32, #tpu.memory_space<vmem>>[vector<16xi32>], vector<16xf32>,
      %parallel_loop3A_1562 = arith.constant 16 : i32
      %parallel_loop3A_1563 = arith.muli %parallel_loop3A_1554, %parallel_loop3A_1562 : i32
      %parallel_loop3A_1564 = arith.index_cast %parallel_loop3A_1563 : i32 to index
      %parallel_loop3A_1565 = tpu.vector_load %arg8[%parallel_loop3A_1564] {strides = array<i32>} : memref<4096xf32, #tpu.memory_space<vmem>>, vector<16xf32>,
      tpu.vector_store %arg8[%parallel_loop3A_1564], %parallel_loop3A_1561 {strides = array<i32>} : memref<4096xf32, #tpu.memory_space<vmem>>, vector<16xf32>,
    } {sc.loop_unroll_factor = 8 : i64, sc.parallel_access}
    %dma_start3A_780 = arith.constant 4096 : i32
    %dma_start3A_781 = tpu.memref_slice %arg4[%select_n3A_722, %select_n3A_738, %dma_start3A_780] : memref<26x16x16384xf32, #tpu.memory_space<hbm>> -> memref<1x1x4096xf32, #tpu.memory_space<hbm>>
    %dma_start3A_782 = tpu.memref_squeeze %dma_start3A_781 : memref<1x1x4096xf32, #tpu.memory_space<hbm>> -> memref<4096xf32, #tpu.memory_space<hbm>>
    %dma_start3A_783 = arith.constant 4096 : i32
    %dma_start3A_784 = tpu.memref_slice %arg4[%select_n3A_722, %select_n3A_738, %dma_start3A_783] : memref<26x16x16384xf32, #tpu.memory_space<hbm>> -> memref<1x1x4096xf32, #tpu.memory_space<hbm>>
    %dma_start3A_785 = tpu.memref_squeeze %dma_start3A_784 : memref<1x1x4096xf32, #tpu.memory_space<hbm>> -> memref<4096xf32, #tpu.memory_space<hbm>>
    tpu.enqueue_dma source(%arg8 : memref<4096xf32, #tpu.memory_space<vmem>>) target(%dma_start3A_785 : memref<4096xf32, #tpu.memory_space<hbm>>) target_semaphore(%arg11 : memref<!tpu.dma_semaphore, #tpu.memory_space<semaphore_mem>>)
    %dma_wait3A_786 = arith.constant 0 : i32
    %dma_wait3A_787 = tpu.memref_slice %arg4[%select_n3A_722, %select_n3A_738, %dma_wait3A_786] : memref<26x16x16384xf32, #tpu.memory_space<hbm>> -> memref<1x1x4096xf32, #tpu.memory_space<hbm>>
    %dma_wait3A_788 = tpu.memref_squeeze %dma_wait3A_787 : memref<1x1x4096xf32, #tpu.memory_space<hbm>> -> memref<4096xf32, #tpu.memory_space<hbm>>
    %dma_wait3A_789 = arith.constant 0 : i32
    %dma_wait3A_790 = tpu.memref_slice %arg4[%select_n3A_722, %select_n3A_738, %dma_wait3A_789] : memref<26x16x16384xf32, #tpu.memory_space<hbm>> -> memref<1x1x4096xf32, #tpu.memory_space<hbm>>
    %dma_wait3A_791 = tpu.memref_squeeze %dma_wait3A_790 : memref<1x1x4096xf32, #tpu.memory_space<hbm>> -> memref<4096xf32, #tpu.memory_space<hbm>>
    tpu.wait_dma2 semaphore(%arg10 : memref<!tpu.dma_semaphore, #tpu.memory_space<semaphore_mem>>) src(%arg7 : memref<4096xf32, #tpu.memory_space<vmem>>) dst(%dma_wait3A_791 : memref<4096xf32, #tpu.memory_space<hbm>>)
    %parallel_loop3A_792 = arith.constant 0 : i32
    %parallel_loop3A_793 = arith.constant 256 : i32
    %parallel_loop3A_794 = arith.constant 1 : i32
    scf.for %parallel_loop3A_1554 = %parallel_loop3A_792 to %parallel_loop3A_793 step %parallel_loop3A_794  : i32 {
      %parallel_loop3A_1555 = arith.constant 16 : i32
      %parallel_loop3A_1556 = arith.muli %parallel_loop3A_1554, %parallel_loop3A_1555 : i32
      %parallel_loop3A_1557 = arith.constant 8192 : i32
      %parallel_loop3A_1558 = arith.addi %parallel_loop3A_1557, %parallel_loop3A_1556 : i32
      %parallel_loop3A_1559 = arith.index_cast %parallel_loop3A_1558 : i32 to index
      %parallel_loop3A_1560 = tpu.vector_load %arg6[%parallel_loop3A_1559] {strides = array<i32>} : memref<16384xi32, #tpu.memory_space<vmem>>, vector<16xi32>,
      %parallel_loop3A_1561 = tpu.vector_load_idx %arg5[%parallel_loop3A_1560] : memref<100001xf32, #tpu.memory_space<vmem>>[vector<16xi32>], vector<16xf32>,
      %parallel_loop3A_1562 = arith.constant 16 : i32
      %parallel_loop3A_1563 = arith.muli %parallel_loop3A_1554, %parallel_loop3A_1562 : i32
      %parallel_loop3A_1564 = arith.index_cast %parallel_loop3A_1563 : i32 to index
      %parallel_loop3A_1565 = tpu.vector_load %arg7[%parallel_loop3A_1564] {strides = array<i32>} : memref<4096xf32, #tpu.memory_space<vmem>>, vector<16xf32>,
      tpu.vector_store %arg7[%parallel_loop3A_1564], %parallel_loop3A_1561 {strides = array<i32>} : memref<4096xf32, #tpu.memory_space<vmem>>, vector<16xf32>,
    } {sc.loop_unroll_factor = 8 : i64, sc.parallel_access}
    %dma_start3A_795 = arith.constant 8192 : i32
    %dma_start3A_796 = tpu.memref_slice %arg4[%select_n3A_722, %select_n3A_738, %dma_start3A_795] : memref<26x16x16384xf32, #tpu.memory_space<hbm>> -> memref<1x1x4096xf32, #tpu.memory_space<hbm>>
    %dma_start3A_797 = tpu.memref_squeeze %dma_start3A_796 : memref<1x1x4096xf32, #tpu.memory_space<hbm>> -> memref<4096xf32, #tpu.memory_space<hbm>>
    %dma_start3A_798 = arith.constant 8192 : i32
    %dma_start3A_799 = tpu.memref_slice %arg4[%select_n3A_722, %select_n3A_738, %dma_start3A_798] : memref<26x16x16384xf32, #tpu.memory_space<hbm>> -> memref<1x1x4096xf32, #tpu.memory_space<hbm>>
    %dma_start3A_800 = tpu.memref_squeeze %dma_start3A_799 : memref<1x1x4096xf32, #tpu.memory_space<hbm>> -> memref<4096xf32, #tpu.memory_space<hbm>>
    tpu.enqueue_dma source(%arg7 : memref<4096xf32, #tpu.memory_space<vmem>>) target(%dma_start3A_800 : memref<4096xf32, #tpu.memory_space<hbm>>) target_semaphore(%arg10 : memref<!tpu.dma_semaphore, #tpu.memory_space<semaphore_mem>>)
    %dma_wait3A_801 = arith.constant 4096 : i32
    %dma_wait3A_802 = tpu.memref_slice %arg4[%select_n3A_722, %select_n3A_738, %dma_wait3A_801] : memref<26x16x16384xf32, #tpu.memory_space<hbm>> -> memref<1x1x4096xf32, #tpu.memory_space<hbm>>
    %dma_wait3A_803 = tpu.memref_squeeze %dma_wait3A_802 : memref<1x1x4096xf32, #tpu.memory_space<hbm>> -> memref<4096xf32, #tpu.memory_space<hbm>>
    %dma_wait3A_804 = arith.constant 4096 : i32
    %dma_wait3A_805 = tpu.memref_slice %arg4[%select_n3A_722, %select_n3A_738, %dma_wait3A_804] : memref<26x16x16384xf32, #tpu.memory_space<hbm>> -> memref<1x1x4096xf32, #tpu.memory_space<hbm>>
    %dma_wait3A_806 = tpu.memref_squeeze %dma_wait3A_805 : memref<1x1x4096xf32, #tpu.memory_space<hbm>> -> memref<4096xf32, #tpu.memory_space<hbm>>
    tpu.wait_dma2 semaphore(%arg11 : memref<!tpu.dma_semaphore, #tpu.memory_space<semaphore_mem>>) src(%arg8 : memref<4096xf32, #tpu.memory_space<vmem>>) dst(%dma_wait3A_806 : memref<4096xf32, #tpu.memory_space<hbm>>)
    %parallel_loop3A_807 = arith.constant 0 : i32
    %parallel_loop3A_808 = arith.constant 256 : i32
    %parallel_loop3A_809 = arith.constant 1 : i32
    scf.for %parallel_loop3A_1554 = %parallel_loop3A_807 to %parallel_loop3A_808 step %parallel_loop3A_809  : i32 {
      %parallel_loop3A_1555 = arith.constant 16 : i32
      %parallel_loop3A_1556 = arith.muli %parallel_loop3A_1554, %parallel_loop3A_1555 : i32
      %parallel_loop3A_1557 = arith.constant 12288 : i32
      %parallel_loop3A_1558 = arith.addi %parallel_loop3A_1557, %parallel_loop3A_1556 : i32
      %parallel_loop3A_1559 = arith.index_cast %parallel_loop3A_1558 : i32 to index
      %parallel_loop3A_1560 = tpu.vector_load %arg6[%parallel_loop3A_1559] {strides = array<i32>} : memref<16384xi32, #tpu.memory_space<vmem>>, vector<16xi32>,
      %parallel_loop3A_1561 = tpu.vector_load_idx %arg5[%parallel_loop3A_1560] : memref<100001xf32, #tpu.memory_space<vmem>>[vector<16xi32>], vector<16xf32>,
      %parallel_loop3A_1562 = arith.constant 16 : i32
      %parallel_loop3A_1563 = arith.muli %parallel_loop3A_1554, %parallel_loop3A_1562 : i32
      %parallel_loop3A_1564 = arith.index_cast %parallel_loop3A_1563 : i32 to index
      %parallel_loop3A_1565 = tpu.vector_load %arg8[%parallel_loop3A_1564] {strides = array<i32>} : memref<4096xf32, #tpu.memory_space<vmem>>, vector<16xf32>,
      tpu.vector_store %arg8[%parallel_loop3A_1564], %parallel_loop3A_1561 {strides = array<i32>} : memref<4096xf32, #tpu.memory_space<vmem>>, vector<16xf32>,
    } {sc.loop_unroll_factor = 8 : i64, sc.parallel_access}
    %dma_start3A_810 = arith.constant 12288 : i32
    %dma_start3A_811 = tpu.memref_slice %arg4[%select_n3A_722, %select_n3A_738, %dma_start3A_810] : memref<26x16x16384xf32, #tpu.memory_space<hbm>> -> memref<1x1x4096xf32, #tpu.memory_space<hbm>>
    %dma_start3A_812 = tpu.memref_squeeze %dma_start3A_811 : memref<1x1x4096xf32, #tpu.memory_space<hbm>> -> memref<4096xf32, #tpu.memory_space<hbm>>
    %dma_start3A_813 = arith.constant 12288 : i32
    %dma_start3A_814 = tpu.memref_slice %arg4[%select_n3A_722, %select_n3A_738, %dma_start3A_813] : memref<26x16x16384xf32, #tpu.memory_space<hbm>> -> memref<1x1x4096xf32, #tpu.memory_space<hbm>>
    %dma_start3A_815 = tpu.memref_squeeze %dma_start3A_814 : memref<1x1x4096xf32, #tpu.memory_space<hbm>> -> memref<4096xf32, #tpu.memory_space<hbm>>
    tpu.enqueue_dma source(%arg8 : memref<4096xf32, #tpu.memory_space<vmem>>) target(%dma_start3A_815 : memref<4096xf32, #tpu.memory_space<hbm>>) target_semaphore(%arg11 : memref<!tpu.dma_semaphore, #tpu.memory_space<semaphore_mem>>)
    %mul3A_816 = arith.constant 13 : i32
    %mul3A_817 = arith.muli %add3A, %mul3A_816 : i32
    %add3A_818 = arith.constant 7 : i32
    %add3A_819 = arith.addi %mul3A_817, %add3A_818 : i32
    %jit3A_820 = arith.constant 16 : i32
    %div3A_821 = arith.divsi %add3A_819, %jit3A_820 : i32
    %sign3A_822 = arith.constant 0 : i32
    %sign3A_823 = arith.cmpi sgt, %add3A_819, %sign3A_822 : i32
    %sign3A_824 = arith.extui %sign3A_823 : i1 to i32
    %sign3A_825 = arith.constant 0 : i32
    %sign3A_826 = arith.cmpi slt, %add3A_819, %sign3A_825 : i32
    %sign3A_827 = arith.extui %sign3A_826 : i1 to i32
    %sign3A_828 = arith.subi %sign3A_824, %sign3A_827 : i32
    %sign3A_829 = arith.constant 0 : i32
    %sign3A_830 = arith.cmpi sgt, %jit3A_820, %sign3A_829 : i32
    %sign3A_831 = arith.extui %sign3A_830 : i1 to i32
    %sign3A_832 = arith.constant 0 : i32
    %sign3A_833 = arith.cmpi slt, %jit3A_820, %sign3A_832 : i32
    %sign3A_834 = arith.extui %sign3A_833 : i1 to i32
    %sign3A_835 = arith.subi %sign3A_831, %sign3A_834 : i32
    %ne3A_836 = arith.cmpi ne, %sign3A_828, %sign3A_835 : i32
    %rem3A_837 = arith.remsi %add3A_819, %jit3A_820 : i32
    %ne3A_838 = arith.constant 0 : i32
    %ne3A_839 = arith.cmpi ne, %rem3A_837, %ne3A_838 : i32
    %and3A_840 = arith.andi %ne3A_836, %ne3A_839 : i1
    %sub3A_841 = arith.constant 1 : i32
    %sub3A_842 = arith.subi %div3A_821, %sub3A_841 : i32
    %select_n3A_843 = arith.select %and3A_840, %sub3A_842, %div3A_821 : i32
    %jit3A_844 = arith.constant 16 : i32
    %eq3A_845 = arith.constant 0 : i32
    %eq3A_846 = arith.cmpi eq, %jit3A_844, %eq3A_845 : i32
    %jit3A_847 = arith.constant 1 : i32
    %select_n3A_848 = arith.select %eq3A_846, %jit3A_847, %jit3A_844 : i32
    %rem3A_849 = arith.remsi %add3A_819, %select_n3A_848 : i32
    %ne3A_850 = arith.constant 0 : i32
    %ne3A_851 = arith.cmpi ne, %rem3A_849, %ne3A_850 : i32
    %lt3A_852 = arith.constant 0 : i32
    %lt3A_853 = arith.cmpi slt, %rem3A_849, %lt3A_852 : i32
    %lt3A_854 = arith.constant 0 : i32
    %lt3A_855 = arith.cmpi slt, %select_n3A_848, %lt3A_854 : i32
    %ne3A_856 = arith.xori %lt3A_853, %lt3A_855 : i1
    %and3A_857 = arith.andi %ne3A_856, %ne3A_851 : i1
    %add3A_858 = arith.addi %rem3A_849, %select_n3A_848 : i32
    %select_n3A_859 = arith.select %and3A_857, %add3A_858, %rem3A_849 : i32
    %dma_start3A_860 = arith.constant 0 : i32
    %dma_start3A_861 = tpu.memref_slice %arg3[%select_n3A_843, %select_n3A_859, %dma_start3A_860] : memref<26x16x100001xf32, #tpu.memory_space<hbm>> -> memref<1x1x100001xf32, #tpu.memory_space<hbm>>
    %dma_start3A_862 = tpu.memref_squeeze %dma_start3A_861 : memref<1x1x100001xf32, #tpu.memory_space<hbm>> -> memref<100001xf32, #tpu.memory_space<hbm>>
    %dma_start3A_863 = arith.constant 0 : i32
    %dma_start3A_864 = tpu.memref_slice %arg3[%select_n3A_843, %select_n3A_859, %dma_start3A_863] : memref<26x16x100001xf32, #tpu.memory_space<hbm>> -> memref<1x1x100001xf32, #tpu.memory_space<hbm>>
    %dma_start3A_865 = tpu.memref_squeeze %dma_start3A_864 : memref<1x1x100001xf32, #tpu.memory_space<hbm>> -> memref<100001xf32, #tpu.memory_space<hbm>>
    tpu.enqueue_dma source(%dma_start3A_865 : memref<100001xf32, #tpu.memory_space<hbm>>) target(%arg5 : memref<100001xf32, #tpu.memory_space<vmem>>) target_semaphore(%arg9 : memref<!tpu.dma_semaphore, #tpu.memory_space<semaphore_mem>>)
    %eq3A_866 = arith.constant 0 : i32
    %eq3A_867 = arith.cmpi eq, %select_n3A_859, %eq3A_866 : i32
    %convert_element_type3A_868 = arith.extui %eq3A_867 : i1 to i32
    %cond3A_869 = arith.constant 0 : i32
    %cond3A_870 = arith.cmpi ne, %convert_element_type3A_868, %cond3A_869 : i32
    scf.if %cond3A_870 {
      "tpu.region"() ({
        %run_scoped3A = tpu.sem_alloc : memref<!tpu.dma_semaphore, #tpu.memory_space<semaphore_mem>>
        %dma_start3A_1554 = arith.constant 0 : i32
        %dma_start3A_1555 = tpu.memref_slice %arg2[%select_n3A_843, %dma_start3A_1554] : memref<26x16384xi32, #tpu.memory_space<hbm>> -> memref<1x16384xi32, #tpu.memory_space<hbm>>
        %dma_start3A_1556 = tpu.memref_squeeze %dma_start3A_1555 : memref<1x16384xi32, #tpu.memory_space<hbm>> -> memref<16384xi32, #tpu.memory_space<hbm>>
        %dma_start3A_1557 = arith.constant 0 : i32
        %dma_start3A_1558 = tpu.memref_slice %arg2[%select_n3A_843, %dma_start3A_1557] : memref<26x16384xi32, #tpu.memory_space<hbm>> -> memref<1x16384xi32, #tpu.memory_space<hbm>>
        %dma_start3A_1559 = tpu.memref_squeeze %dma_start3A_1558 : memref<1x16384xi32, #tpu.memory_space<hbm>> -> memref<16384xi32, #tpu.memory_space<hbm>>
        tpu.enqueue_dma source(%dma_start3A_1559 : memref<16384xi32, #tpu.memory_space<hbm>>) target(%arg6 : memref<16384xi32, #tpu.memory_space<vmem>>) target_semaphore(%run_scoped3A : memref<!tpu.dma_semaphore, #tpu.memory_space<semaphore_mem>>)
        %dma_wait3A_1560 = arith.constant 0 : i32
        %dma_wait3A_1561 = tpu.memref_slice %arg2[%select_n3A_843, %dma_wait3A_1560] : memref<26x16384xi32, #tpu.memory_space<hbm>> -> memref<1x16384xi32, #tpu.memory_space<hbm>>
        %dma_wait3A_1562 = tpu.memref_squeeze %dma_wait3A_1561 : memref<1x16384xi32, #tpu.memory_space<hbm>> -> memref<16384xi32, #tpu.memory_space<hbm>>
        %dma_wait3A_1563 = arith.constant 0 : i32
        %dma_wait3A_1564 = tpu.memref_slice %arg2[%select_n3A_843, %dma_wait3A_1563] : memref<26x16384xi32, #tpu.memory_space<hbm>> -> memref<1x16384xi32, #tpu.memory_space<hbm>>
        %dma_wait3A_1565 = tpu.memref_squeeze %dma_wait3A_1564 : memref<1x16384xi32, #tpu.memory_space<hbm>> -> memref<16384xi32, #tpu.memory_space<hbm>>
        tpu.wait_dma2 semaphore(%run_scoped3A : memref<!tpu.dma_semaphore, #tpu.memory_space<semaphore_mem>>) src(%dma_wait3A_1565 : memref<16384xi32, #tpu.memory_space<hbm>>) dst(%arg6 : memref<16384xi32, #tpu.memory_space<vmem>>)
        tpu.yield
      }) : () -> ()
    } else {
    }
    %dma_wait3A_871 = arith.constant 0 : i32
    %dma_wait3A_872 = tpu.memref_slice %arg3[%select_n3A_843, %select_n3A_859, %dma_wait3A_871] : memref<26x16x100001xf32, #tpu.memory_space<hbm>> -> memref<1x1x100001xf32, #tpu.memory_space<hbm>>
    %dma_wait3A_873 = tpu.memref_squeeze %dma_wait3A_872 : memref<1x1x100001xf32, #tpu.memory_space<hbm>> -> memref<100001xf32, #tpu.memory_space<hbm>>
    %dma_wait3A_874 = arith.constant 0 : i32
    %dma_wait3A_875 = tpu.memref_slice %arg3[%select_n3A_843, %select_n3A_859, %dma_wait3A_874] : memref<26x16x100001xf32, #tpu.memory_space<hbm>> -> memref<1x1x100001xf32, #tpu.memory_space<hbm>>
    %dma_wait3A_876 = tpu.memref_squeeze %dma_wait3A_875 : memref<1x1x100001xf32, #tpu.memory_space<hbm>> -> memref<100001xf32, #tpu.memory_space<hbm>>
    tpu.wait_dma2 semaphore(%arg9 : memref<!tpu.dma_semaphore, #tpu.memory_space<semaphore_mem>>) src(%dma_wait3A_876 : memref<100001xf32, #tpu.memory_space<hbm>>) dst(%arg5 : memref<100001xf32, #tpu.memory_space<vmem>>)
    %dma_wait3A_877 = arith.constant 8192 : i32
    %dma_wait3A_878 = tpu.memref_slice %arg4[%select_n3A_722, %select_n3A_738, %dma_wait3A_877] : memref<26x16x16384xf32, #tpu.memory_space<hbm>> -> memref<1x1x4096xf32, #tpu.memory_space<hbm>>
    %dma_wait3A_879 = tpu.memref_squeeze %dma_wait3A_878 : memref<1x1x4096xf32, #tpu.memory_space<hbm>> -> memref<4096xf32, #tpu.memory_space<hbm>>
    %dma_wait3A_880 = arith.constant 8192 : i32
    %dma_wait3A_881 = tpu.memref_slice %arg4[%select_n3A_722, %select_n3A_738, %dma_wait3A_880] : memref<26x16x16384xf32, #tpu.memory_space<hbm>> -> memref<1x1x4096xf32, #tpu.memory_space<hbm>>
    %dma_wait3A_882 = tpu.memref_squeeze %dma_wait3A_881 : memref<1x1x4096xf32, #tpu.memory_space<hbm>> -> memref<4096xf32, #tpu.memory_space<hbm>>
    tpu.wait_dma2 semaphore(%arg10 : memref<!tpu.dma_semaphore, #tpu.memory_space<semaphore_mem>>) src(%arg7 : memref<4096xf32, #tpu.memory_space<vmem>>) dst(%dma_wait3A_882 : memref<4096xf32, #tpu.memory_space<hbm>>)
    %parallel_loop3A_883 = arith.constant 0 : i32
    %parallel_loop3A_884 = arith.constant 256 : i32
    %parallel_loop3A_885 = arith.constant 1 : i32
    scf.for %parallel_loop3A_1554 = %parallel_loop3A_883 to %parallel_loop3A_884 step %parallel_loop3A_885  : i32 {
      %parallel_loop3A_1555 = arith.constant 16 : i32
      %parallel_loop3A_1556 = arith.muli %parallel_loop3A_1554, %parallel_loop3A_1555 : i32
      %parallel_loop3A_1557 = arith.constant 0 : i32
      %parallel_loop3A_1558 = arith.addi %parallel_loop3A_1557, %parallel_loop3A_1556 : i32
      %parallel_loop3A_1559 = arith.index_cast %parallel_loop3A_1558 : i32 to index
      %parallel_loop3A_1560 = tpu.vector_load %arg6[%parallel_loop3A_1559] {strides = array<i32>} : memref<16384xi32, #tpu.memory_space<vmem>>, vector<16xi32>,
      %parallel_loop3A_1561 = tpu.vector_load_idx %arg5[%parallel_loop3A_1560] : memref<100001xf32, #tpu.memory_space<vmem>>[vector<16xi32>], vector<16xf32>,
      %parallel_loop3A_1562 = arith.constant 16 : i32
      %parallel_loop3A_1563 = arith.muli %parallel_loop3A_1554, %parallel_loop3A_1562 : i32
      %parallel_loop3A_1564 = arith.index_cast %parallel_loop3A_1563 : i32 to index
      %parallel_loop3A_1565 = tpu.vector_load %arg7[%parallel_loop3A_1564] {strides = array<i32>} : memref<4096xf32, #tpu.memory_space<vmem>>, vector<16xf32>,
      tpu.vector_store %arg7[%parallel_loop3A_1564], %parallel_loop3A_1561 {strides = array<i32>} : memref<4096xf32, #tpu.memory_space<vmem>>, vector<16xf32>,
    } {sc.loop_unroll_factor = 8 : i64, sc.parallel_access}
    %dma_start3A_886 = arith.constant 0 : i32
    %dma_start3A_887 = tpu.memref_slice %arg4[%select_n3A_843, %select_n3A_859, %dma_start3A_886] : memref<26x16x16384xf32, #tpu.memory_space<hbm>> -> memref<1x1x4096xf32, #tpu.memory_space<hbm>>
    %dma_start3A_888 = tpu.memref_squeeze %dma_start3A_887 : memref<1x1x4096xf32, #tpu.memory_space<hbm>> -> memref<4096xf32, #tpu.memory_space<hbm>>
    %dma_start3A_889 = arith.constant 0 : i32
    %dma_start3A_890 = tpu.memref_slice %arg4[%select_n3A_843, %select_n3A_859, %dma_start3A_889] : memref<26x16x16384xf32, #tpu.memory_space<hbm>> -> memref<1x1x4096xf32, #tpu.memory_space<hbm>>
    %dma_start3A_891 = tpu.memref_squeeze %dma_start3A_890 : memref<1x1x4096xf32, #tpu.memory_space<hbm>> -> memref<4096xf32, #tpu.memory_space<hbm>>
    tpu.enqueue_dma source(%arg7 : memref<4096xf32, #tpu.memory_space<vmem>>) target(%dma_start3A_891 : memref<4096xf32, #tpu.memory_space<hbm>>) target_semaphore(%arg10 : memref<!tpu.dma_semaphore, #tpu.memory_space<semaphore_mem>>)
    %dma_wait3A_892 = arith.constant 12288 : i32
    %dma_wait3A_893 = tpu.memref_slice %arg4[%select_n3A_722, %select_n3A_738, %dma_wait3A_892] : memref<26x16x16384xf32, #tpu.memory_space<hbm>> -> memref<1x1x4096xf32, #tpu.memory_space<hbm>>
    %dma_wait3A_894 = tpu.memref_squeeze %dma_wait3A_893 : memref<1x1x4096xf32, #tpu.memory_space<hbm>> -> memref<4096xf32, #tpu.memory_space<hbm>>
    %dma_wait3A_895 = arith.constant 12288 : i32
    %dma_wait3A_896 = tpu.memref_slice %arg4[%select_n3A_722, %select_n3A_738, %dma_wait3A_895] : memref<26x16x16384xf32, #tpu.memory_space<hbm>> -> memref<1x1x4096xf32, #tpu.memory_space<hbm>>
    %dma_wait3A_897 = tpu.memref_squeeze %dma_wait3A_896 : memref<1x1x4096xf32, #tpu.memory_space<hbm>> -> memref<4096xf32, #tpu.memory_space<hbm>>
    tpu.wait_dma2 semaphore(%arg11 : memref<!tpu.dma_semaphore, #tpu.memory_space<semaphore_mem>>) src(%arg8 : memref<4096xf32, #tpu.memory_space<vmem>>) dst(%dma_wait3A_897 : memref<4096xf32, #tpu.memory_space<hbm>>)
    %parallel_loop3A_898 = arith.constant 0 : i32
    %parallel_loop3A_899 = arith.constant 256 : i32
    %parallel_loop3A_900 = arith.constant 1 : i32
    scf.for %parallel_loop3A_1554 = %parallel_loop3A_898 to %parallel_loop3A_899 step %parallel_loop3A_900  : i32 {
      %parallel_loop3A_1555 = arith.constant 16 : i32
      %parallel_loop3A_1556 = arith.muli %parallel_loop3A_1554, %parallel_loop3A_1555 : i32
      %parallel_loop3A_1557 = arith.constant 4096 : i32
      %parallel_loop3A_1558 = arith.addi %parallel_loop3A_1557, %parallel_loop3A_1556 : i32
      %parallel_loop3A_1559 = arith.index_cast %parallel_loop3A_1558 : i32 to index
      %parallel_loop3A_1560 = tpu.vector_load %arg6[%parallel_loop3A_1559] {strides = array<i32>} : memref<16384xi32, #tpu.memory_space<vmem>>, vector<16xi32>,
      %parallel_loop3A_1561 = tpu.vector_load_idx %arg5[%parallel_loop3A_1560] : memref<100001xf32, #tpu.memory_space<vmem>>[vector<16xi32>], vector<16xf32>,
      %parallel_loop3A_1562 = arith.constant 16 : i32
      %parallel_loop3A_1563 = arith.muli %parallel_loop3A_1554, %parallel_loop3A_1562 : i32
      %parallel_loop3A_1564 = arith.index_cast %parallel_loop3A_1563 : i32 to index
      %parallel_loop3A_1565 = tpu.vector_load %arg8[%parallel_loop3A_1564] {strides = array<i32>} : memref<4096xf32, #tpu.memory_space<vmem>>, vector<16xf32>,
      tpu.vector_store %arg8[%parallel_loop3A_1564], %parallel_loop3A_1561 {strides = array<i32>} : memref<4096xf32, #tpu.memory_space<vmem>>, vector<16xf32>,
    } {sc.loop_unroll_factor = 8 : i64, sc.parallel_access}
    %dma_start3A_901 = arith.constant 4096 : i32
    %dma_start3A_902 = tpu.memref_slice %arg4[%select_n3A_843, %select_n3A_859, %dma_start3A_901] : memref<26x16x16384xf32, #tpu.memory_space<hbm>> -> memref<1x1x4096xf32, #tpu.memory_space<hbm>>
    %dma_start3A_903 = tpu.memref_squeeze %dma_start3A_902 : memref<1x1x4096xf32, #tpu.memory_space<hbm>> -> memref<4096xf32, #tpu.memory_space<hbm>>
    %dma_start3A_904 = arith.constant 4096 : i32
    %dma_start3A_905 = tpu.memref_slice %arg4[%select_n3A_843, %select_n3A_859, %dma_start3A_904] : memref<26x16x16384xf32, #tpu.memory_space<hbm>> -> memref<1x1x4096xf32, #tpu.memory_space<hbm>>
    %dma_start3A_906 = tpu.memref_squeeze %dma_start3A_905 : memref<1x1x4096xf32, #tpu.memory_space<hbm>> -> memref<4096xf32, #tpu.memory_space<hbm>>
    tpu.enqueue_dma source(%arg8 : memref<4096xf32, #tpu.memory_space<vmem>>) target(%dma_start3A_906 : memref<4096xf32, #tpu.memory_space<hbm>>) target_semaphore(%arg11 : memref<!tpu.dma_semaphore, #tpu.memory_space<semaphore_mem>>)
    %dma_wait3A_907 = arith.constant 0 : i32
    %dma_wait3A_908 = tpu.memref_slice %arg4[%select_n3A_843, %select_n3A_859, %dma_wait3A_907] : memref<26x16x16384xf32, #tpu.memory_space<hbm>> -> memref<1x1x4096xf32, #tpu.memory_space<hbm>>
    %dma_wait3A_909 = tpu.memref_squeeze %dma_wait3A_908 : memref<1x1x4096xf32, #tpu.memory_space<hbm>> -> memref<4096xf32, #tpu.memory_space<hbm>>
    %dma_wait3A_910 = arith.constant 0 : i32
    %dma_wait3A_911 = tpu.memref_slice %arg4[%select_n3A_843, %select_n3A_859, %dma_wait3A_910] : memref<26x16x16384xf32, #tpu.memory_space<hbm>> -> memref<1x1x4096xf32, #tpu.memory_space<hbm>>
    %dma_wait3A_912 = tpu.memref_squeeze %dma_wait3A_911 : memref<1x1x4096xf32, #tpu.memory_space<hbm>> -> memref<4096xf32, #tpu.memory_space<hbm>>
    tpu.wait_dma2 semaphore(%arg10 : memref<!tpu.dma_semaphore, #tpu.memory_space<semaphore_mem>>) src(%arg7 : memref<4096xf32, #tpu.memory_space<vmem>>) dst(%dma_wait3A_912 : memref<4096xf32, #tpu.memory_space<hbm>>)
    %parallel_loop3A_913 = arith.constant 0 : i32
    %parallel_loop3A_914 = arith.constant 256 : i32
    %parallel_loop3A_915 = arith.constant 1 : i32
    scf.for %parallel_loop3A_1554 = %parallel_loop3A_913 to %parallel_loop3A_914 step %parallel_loop3A_915  : i32 {
      %parallel_loop3A_1555 = arith.constant 16 : i32
      %parallel_loop3A_1556 = arith.muli %parallel_loop3A_1554, %parallel_loop3A_1555 : i32
      %parallel_loop3A_1557 = arith.constant 8192 : i32
      %parallel_loop3A_1558 = arith.addi %parallel_loop3A_1557, %parallel_loop3A_1556 : i32
      %parallel_loop3A_1559 = arith.index_cast %parallel_loop3A_1558 : i32 to index
      %parallel_loop3A_1560 = tpu.vector_load %arg6[%parallel_loop3A_1559] {strides = array<i32>} : memref<16384xi32, #tpu.memory_space<vmem>>, vector<16xi32>,
      %parallel_loop3A_1561 = tpu.vector_load_idx %arg5[%parallel_loop3A_1560] : memref<100001xf32, #tpu.memory_space<vmem>>[vector<16xi32>], vector<16xf32>,
      %parallel_loop3A_1562 = arith.constant 16 : i32
      %parallel_loop3A_1563 = arith.muli %parallel_loop3A_1554, %parallel_loop3A_1562 : i32
      %parallel_loop3A_1564 = arith.index_cast %parallel_loop3A_1563 : i32 to index
      %parallel_loop3A_1565 = tpu.vector_load %arg7[%parallel_loop3A_1564] {strides = array<i32>} : memref<4096xf32, #tpu.memory_space<vmem>>, vector<16xf32>,
      tpu.vector_store %arg7[%parallel_loop3A_1564], %parallel_loop3A_1561 {strides = array<i32>} : memref<4096xf32, #tpu.memory_space<vmem>>, vector<16xf32>,
    } {sc.loop_unroll_factor = 8 : i64, sc.parallel_access}
    %dma_start3A_916 = arith.constant 8192 : i32
    %dma_start3A_917 = tpu.memref_slice %arg4[%select_n3A_843, %select_n3A_859, %dma_start3A_916] : memref<26x16x16384xf32, #tpu.memory_space<hbm>> -> memref<1x1x4096xf32, #tpu.memory_space<hbm>>
    %dma_start3A_918 = tpu.memref_squeeze %dma_start3A_917 : memref<1x1x4096xf32, #tpu.memory_space<hbm>> -> memref<4096xf32, #tpu.memory_space<hbm>>
    %dma_start3A_919 = arith.constant 8192 : i32
    %dma_start3A_920 = tpu.memref_slice %arg4[%select_n3A_843, %select_n3A_859, %dma_start3A_919] : memref<26x16x16384xf32, #tpu.memory_space<hbm>> -> memref<1x1x4096xf32, #tpu.memory_space<hbm>>
    %dma_start3A_921 = tpu.memref_squeeze %dma_start3A_920 : memref<1x1x4096xf32, #tpu.memory_space<hbm>> -> memref<4096xf32, #tpu.memory_space<hbm>>
    tpu.enqueue_dma source(%arg7 : memref<4096xf32, #tpu.memory_space<vmem>>) target(%dma_start3A_921 : memref<4096xf32, #tpu.memory_space<hbm>>) target_semaphore(%arg10 : memref<!tpu.dma_semaphore, #tpu.memory_space<semaphore_mem>>)
    %dma_wait3A_922 = arith.constant 4096 : i32
    %dma_wait3A_923 = tpu.memref_slice %arg4[%select_n3A_843, %select_n3A_859, %dma_wait3A_922] : memref<26x16x16384xf32, #tpu.memory_space<hbm>> -> memref<1x1x4096xf32, #tpu.memory_space<hbm>>
    %dma_wait3A_924 = tpu.memref_squeeze %dma_wait3A_923 : memref<1x1x4096xf32, #tpu.memory_space<hbm>> -> memref<4096xf32, #tpu.memory_space<hbm>>
    %dma_wait3A_925 = arith.constant 4096 : i32
    %dma_wait3A_926 = tpu.memref_slice %arg4[%select_n3A_843, %select_n3A_859, %dma_wait3A_925] : memref<26x16x16384xf32, #tpu.memory_space<hbm>> -> memref<1x1x4096xf32, #tpu.memory_space<hbm>>
    %dma_wait3A_927 = tpu.memref_squeeze %dma_wait3A_926 : memref<1x1x4096xf32, #tpu.memory_space<hbm>> -> memref<4096xf32, #tpu.memory_space<hbm>>
    tpu.wait_dma2 semaphore(%arg11 : memref<!tpu.dma_semaphore, #tpu.memory_space<semaphore_mem>>) src(%arg8 : memref<4096xf32, #tpu.memory_space<vmem>>) dst(%dma_wait3A_927 : memref<4096xf32, #tpu.memory_space<hbm>>)
    %parallel_loop3A_928 = arith.constant 0 : i32
    %parallel_loop3A_929 = arith.constant 256 : i32
    %parallel_loop3A_930 = arith.constant 1 : i32
    scf.for %parallel_loop3A_1554 = %parallel_loop3A_928 to %parallel_loop3A_929 step %parallel_loop3A_930  : i32 {
      %parallel_loop3A_1555 = arith.constant 16 : i32
      %parallel_loop3A_1556 = arith.muli %parallel_loop3A_1554, %parallel_loop3A_1555 : i32
      %parallel_loop3A_1557 = arith.constant 12288 : i32
      %parallel_loop3A_1558 = arith.addi %parallel_loop3A_1557, %parallel_loop3A_1556 : i32
      %parallel_loop3A_1559 = arith.index_cast %parallel_loop3A_1558 : i32 to index
      %parallel_loop3A_1560 = tpu.vector_load %arg6[%parallel_loop3A_1559] {strides = array<i32>} : memref<16384xi32, #tpu.memory_space<vmem>>, vector<16xi32>,
      %parallel_loop3A_1561 = tpu.vector_load_idx %arg5[%parallel_loop3A_1560] : memref<100001xf32, #tpu.memory_space<vmem>>[vector<16xi32>], vector<16xf32>,
      %parallel_loop3A_1562 = arith.constant 16 : i32
      %parallel_loop3A_1563 = arith.muli %parallel_loop3A_1554, %parallel_loop3A_1562 : i32
      %parallel_loop3A_1564 = arith.index_cast %parallel_loop3A_1563 : i32 to index
      %parallel_loop3A_1565 = tpu.vector_load %arg8[%parallel_loop3A_1564] {strides = array<i32>} : memref<4096xf32, #tpu.memory_space<vmem>>, vector<16xf32>,
      tpu.vector_store %arg8[%parallel_loop3A_1564], %parallel_loop3A_1561 {strides = array<i32>} : memref<4096xf32, #tpu.memory_space<vmem>>, vector<16xf32>,
    } {sc.loop_unroll_factor = 8 : i64, sc.parallel_access}
    %dma_start3A_931 = arith.constant 12288 : i32
    %dma_start3A_932 = tpu.memref_slice %arg4[%select_n3A_843, %select_n3A_859, %dma_start3A_931] : memref<26x16x16384xf32, #tpu.memory_space<hbm>> -> memref<1x1x4096xf32, #tpu.memory_space<hbm>>
    %dma_start3A_933 = tpu.memref_squeeze %dma_start3A_932 : memref<1x1x4096xf32, #tpu.memory_space<hbm>> -> memref<4096xf32, #tpu.memory_space<hbm>>
    %dma_start3A_934 = arith.constant 12288 : i32
    %dma_start3A_935 = tpu.memref_slice %arg4[%select_n3A_843, %select_n3A_859, %dma_start3A_934] : memref<26x16x16384xf32, #tpu.memory_space<hbm>> -> memref<1x1x4096xf32, #tpu.memory_space<hbm>>
    %dma_start3A_936 = tpu.memref_squeeze %dma_start3A_935 : memref<1x1x4096xf32, #tpu.memory_space<hbm>> -> memref<4096xf32, #tpu.memory_space<hbm>>
    tpu.enqueue_dma source(%arg8 : memref<4096xf32, #tpu.memory_space<vmem>>) target(%dma_start3A_936 : memref<4096xf32, #tpu.memory_space<hbm>>) target_semaphore(%arg11 : memref<!tpu.dma_semaphore, #tpu.memory_space<semaphore_mem>>)
    %mul3A_937 = arith.constant 13 : i32
    %mul3A_938 = arith.muli %add3A, %mul3A_937 : i32
    %add3A_939 = arith.constant 8 : i32
    %add3A_940 = arith.addi %mul3A_938, %add3A_939 : i32
    %jit3A_941 = arith.constant 16 : i32
    %div3A_942 = arith.divsi %add3A_940, %jit3A_941 : i32
    %sign3A_943 = arith.constant 0 : i32
    %sign3A_944 = arith.cmpi sgt, %add3A_940, %sign3A_943 : i32
    %sign3A_945 = arith.extui %sign3A_944 : i1 to i32
    %sign3A_946 = arith.constant 0 : i32
    %sign3A_947 = arith.cmpi slt, %add3A_940, %sign3A_946 : i32
    %sign3A_948 = arith.extui %sign3A_947 : i1 to i32
    %sign3A_949 = arith.subi %sign3A_945, %sign3A_948 : i32
    %sign3A_950 = arith.constant 0 : i32
    %sign3A_951 = arith.cmpi sgt, %jit3A_941, %sign3A_950 : i32
    %sign3A_952 = arith.extui %sign3A_951 : i1 to i32
    %sign3A_953 = arith.constant 0 : i32
    %sign3A_954 = arith.cmpi slt, %jit3A_941, %sign3A_953 : i32
    %sign3A_955 = arith.extui %sign3A_954 : i1 to i32
    %sign3A_956 = arith.subi %sign3A_952, %sign3A_955 : i32
    %ne3A_957 = arith.cmpi ne, %sign3A_949, %sign3A_956 : i32
    %rem3A_958 = arith.remsi %add3A_940, %jit3A_941 : i32
    %ne3A_959 = arith.constant 0 : i32
    %ne3A_960 = arith.cmpi ne, %rem3A_958, %ne3A_959 : i32
    %and3A_961 = arith.andi %ne3A_957, %ne3A_960 : i1
    %sub3A_962 = arith.constant 1 : i32
    %sub3A_963 = arith.subi %div3A_942, %sub3A_962 : i32
    %select_n3A_964 = arith.select %and3A_961, %sub3A_963, %div3A_942 : i32
    %jit3A_965 = arith.constant 16 : i32
    %eq3A_966 = arith.constant 0 : i32
    %eq3A_967 = arith.cmpi eq, %jit3A_965, %eq3A_966 : i32
    %jit3A_968 = arith.constant 1 : i32
    %select_n3A_969 = arith.select %eq3A_967, %jit3A_968, %jit3A_965 : i32
    %rem3A_970 = arith.remsi %add3A_940, %select_n3A_969 : i32
    %ne3A_971 = arith.constant 0 : i32
    %ne3A_972 = arith.cmpi ne, %rem3A_970, %ne3A_971 : i32
    %lt3A_973 = arith.constant 0 : i32
    %lt3A_974 = arith.cmpi slt, %rem3A_970, %lt3A_973 : i32
    %lt3A_975 = arith.constant 0 : i32
    %lt3A_976 = arith.cmpi slt, %select_n3A_969, %lt3A_975 : i32
    %ne3A_977 = arith.xori %lt3A_974, %lt3A_976 : i1
    %and3A_978 = arith.andi %ne3A_977, %ne3A_972 : i1
    %add3A_979 = arith.addi %rem3A_970, %select_n3A_969 : i32
    %select_n3A_980 = arith.select %and3A_978, %add3A_979, %rem3A_970 : i32
    %dma_start3A_981 = arith.constant 0 : i32
    %dma_start3A_982 = tpu.memref_slice %arg3[%select_n3A_964, %select_n3A_980, %dma_start3A_981] : memref<26x16x100001xf32, #tpu.memory_space<hbm>> -> memref<1x1x100001xf32, #tpu.memory_space<hbm>>
    %dma_start3A_983 = tpu.memref_squeeze %dma_start3A_982 : memref<1x1x100001xf32, #tpu.memory_space<hbm>> -> memref<100001xf32, #tpu.memory_space<hbm>>
    %dma_start3A_984 = arith.constant 0 : i32
    %dma_start3A_985 = tpu.memref_slice %arg3[%select_n3A_964, %select_n3A_980, %dma_start3A_984] : memref<26x16x100001xf32, #tpu.memory_space<hbm>> -> memref<1x1x100001xf32, #tpu.memory_space<hbm>>
    %dma_start3A_986 = tpu.memref_squeeze %dma_start3A_985 : memref<1x1x100001xf32, #tpu.memory_space<hbm>> -> memref<100001xf32, #tpu.memory_space<hbm>>
    tpu.enqueue_dma source(%dma_start3A_986 : memref<100001xf32, #tpu.memory_space<hbm>>) target(%arg5 : memref<100001xf32, #tpu.memory_space<vmem>>) target_semaphore(%arg9 : memref<!tpu.dma_semaphore, #tpu.memory_space<semaphore_mem>>)
    %eq3A_987 = arith.constant 0 : i32
    %eq3A_988 = arith.cmpi eq, %select_n3A_980, %eq3A_987 : i32
    %convert_element_type3A_989 = arith.extui %eq3A_988 : i1 to i32
    %cond3A_990 = arith.constant 0 : i32
    %cond3A_991 = arith.cmpi ne, %convert_element_type3A_989, %cond3A_990 : i32
    scf.if %cond3A_991 {
      "tpu.region"() ({
        %run_scoped3A = tpu.sem_alloc : memref<!tpu.dma_semaphore, #tpu.memory_space<semaphore_mem>>
        %dma_start3A_1554 = arith.constant 0 : i32
        %dma_start3A_1555 = tpu.memref_slice %arg2[%select_n3A_964, %dma_start3A_1554] : memref<26x16384xi32, #tpu.memory_space<hbm>> -> memref<1x16384xi32, #tpu.memory_space<hbm>>
        %dma_start3A_1556 = tpu.memref_squeeze %dma_start3A_1555 : memref<1x16384xi32, #tpu.memory_space<hbm>> -> memref<16384xi32, #tpu.memory_space<hbm>>
        %dma_start3A_1557 = arith.constant 0 : i32
        %dma_start3A_1558 = tpu.memref_slice %arg2[%select_n3A_964, %dma_start3A_1557] : memref<26x16384xi32, #tpu.memory_space<hbm>> -> memref<1x16384xi32, #tpu.memory_space<hbm>>
        %dma_start3A_1559 = tpu.memref_squeeze %dma_start3A_1558 : memref<1x16384xi32, #tpu.memory_space<hbm>> -> memref<16384xi32, #tpu.memory_space<hbm>>
        tpu.enqueue_dma source(%dma_start3A_1559 : memref<16384xi32, #tpu.memory_space<hbm>>) target(%arg6 : memref<16384xi32, #tpu.memory_space<vmem>>) target_semaphore(%run_scoped3A : memref<!tpu.dma_semaphore, #tpu.memory_space<semaphore_mem>>)
        %dma_wait3A_1560 = arith.constant 0 : i32
        %dma_wait3A_1561 = tpu.memref_slice %arg2[%select_n3A_964, %dma_wait3A_1560] : memref<26x16384xi32, #tpu.memory_space<hbm>> -> memref<1x16384xi32, #tpu.memory_space<hbm>>
        %dma_wait3A_1562 = tpu.memref_squeeze %dma_wait3A_1561 : memref<1x16384xi32, #tpu.memory_space<hbm>> -> memref<16384xi32, #tpu.memory_space<hbm>>
        %dma_wait3A_1563 = arith.constant 0 : i32
        %dma_wait3A_1564 = tpu.memref_slice %arg2[%select_n3A_964, %dma_wait3A_1563] : memref<26x16384xi32, #tpu.memory_space<hbm>> -> memref<1x16384xi32, #tpu.memory_space<hbm>>
        %dma_wait3A_1565 = tpu.memref_squeeze %dma_wait3A_1564 : memref<1x16384xi32, #tpu.memory_space<hbm>> -> memref<16384xi32, #tpu.memory_space<hbm>>
        tpu.wait_dma2 semaphore(%run_scoped3A : memref<!tpu.dma_semaphore, #tpu.memory_space<semaphore_mem>>) src(%dma_wait3A_1565 : memref<16384xi32, #tpu.memory_space<hbm>>) dst(%arg6 : memref<16384xi32, #tpu.memory_space<vmem>>)
        tpu.yield
      }) : () -> ()
    } else {
    }
    %dma_wait3A_992 = arith.constant 0 : i32
    %dma_wait3A_993 = tpu.memref_slice %arg3[%select_n3A_964, %select_n3A_980, %dma_wait3A_992] : memref<26x16x100001xf32, #tpu.memory_space<hbm>> -> memref<1x1x100001xf32, #tpu.memory_space<hbm>>
    %dma_wait3A_994 = tpu.memref_squeeze %dma_wait3A_993 : memref<1x1x100001xf32, #tpu.memory_space<hbm>> -> memref<100001xf32, #tpu.memory_space<hbm>>
    %dma_wait3A_995 = arith.constant 0 : i32
    %dma_wait3A_996 = tpu.memref_slice %arg3[%select_n3A_964, %select_n3A_980, %dma_wait3A_995] : memref<26x16x100001xf32, #tpu.memory_space<hbm>> -> memref<1x1x100001xf32, #tpu.memory_space<hbm>>
    %dma_wait3A_997 = tpu.memref_squeeze %dma_wait3A_996 : memref<1x1x100001xf32, #tpu.memory_space<hbm>> -> memref<100001xf32, #tpu.memory_space<hbm>>
    tpu.wait_dma2 semaphore(%arg9 : memref<!tpu.dma_semaphore, #tpu.memory_space<semaphore_mem>>) src(%dma_wait3A_997 : memref<100001xf32, #tpu.memory_space<hbm>>) dst(%arg5 : memref<100001xf32, #tpu.memory_space<vmem>>)
    %dma_wait3A_998 = arith.constant 8192 : i32
    %dma_wait3A_999 = tpu.memref_slice %arg4[%select_n3A_843, %select_n3A_859, %dma_wait3A_998] : memref<26x16x16384xf32, #tpu.memory_space<hbm>> -> memref<1x1x4096xf32, #tpu.memory_space<hbm>>
    %dma_wait3A_1000 = tpu.memref_squeeze %dma_wait3A_999 : memref<1x1x4096xf32, #tpu.memory_space<hbm>> -> memref<4096xf32, #tpu.memory_space<hbm>>
    %dma_wait3A_1001 = arith.constant 8192 : i32
    %dma_wait3A_1002 = tpu.memref_slice %arg4[%select_n3A_843, %select_n3A_859, %dma_wait3A_1001] : memref<26x16x16384xf32, #tpu.memory_space<hbm>> -> memref<1x1x4096xf32, #tpu.memory_space<hbm>>
    %dma_wait3A_1003 = tpu.memref_squeeze %dma_wait3A_1002 : memref<1x1x4096xf32, #tpu.memory_space<hbm>> -> memref<4096xf32, #tpu.memory_space<hbm>>
    tpu.wait_dma2 semaphore(%arg10 : memref<!tpu.dma_semaphore, #tpu.memory_space<semaphore_mem>>) src(%arg7 : memref<4096xf32, #tpu.memory_space<vmem>>) dst(%dma_wait3A_1003 : memref<4096xf32, #tpu.memory_space<hbm>>)
    %parallel_loop3A_1004 = arith.constant 0 : i32
    %parallel_loop3A_1005 = arith.constant 256 : i32
    %parallel_loop3A_1006 = arith.constant 1 : i32
    scf.for %parallel_loop3A_1554 = %parallel_loop3A_1004 to %parallel_loop3A_1005 step %parallel_loop3A_1006  : i32 {
      %parallel_loop3A_1555 = arith.constant 16 : i32
      %parallel_loop3A_1556 = arith.muli %parallel_loop3A_1554, %parallel_loop3A_1555 : i32
      %parallel_loop3A_1557 = arith.constant 0 : i32
      %parallel_loop3A_1558 = arith.addi %parallel_loop3A_1557, %parallel_loop3A_1556 : i32
      %parallel_loop3A_1559 = arith.index_cast %parallel_loop3A_1558 : i32 to index
      %parallel_loop3A_1560 = tpu.vector_load %arg6[%parallel_loop3A_1559] {strides = array<i32>} : memref<16384xi32, #tpu.memory_space<vmem>>, vector<16xi32>,
      %parallel_loop3A_1561 = tpu.vector_load_idx %arg5[%parallel_loop3A_1560] : memref<100001xf32, #tpu.memory_space<vmem>>[vector<16xi32>], vector<16xf32>,
      %parallel_loop3A_1562 = arith.constant 16 : i32
      %parallel_loop3A_1563 = arith.muli %parallel_loop3A_1554, %parallel_loop3A_1562 : i32
      %parallel_loop3A_1564 = arith.index_cast %parallel_loop3A_1563 : i32 to index
      %parallel_loop3A_1565 = tpu.vector_load %arg7[%parallel_loop3A_1564] {strides = array<i32>} : memref<4096xf32, #tpu.memory_space<vmem>>, vector<16xf32>,
      tpu.vector_store %arg7[%parallel_loop3A_1564], %parallel_loop3A_1561 {strides = array<i32>} : memref<4096xf32, #tpu.memory_space<vmem>>, vector<16xf32>,
    } {sc.loop_unroll_factor = 8 : i64, sc.parallel_access}
    %dma_start3A_1007 = arith.constant 0 : i32
    %dma_start3A_1008 = tpu.memref_slice %arg4[%select_n3A_964, %select_n3A_980, %dma_start3A_1007] : memref<26x16x16384xf32, #tpu.memory_space<hbm>> -> memref<1x1x4096xf32, #tpu.memory_space<hbm>>
    %dma_start3A_1009 = tpu.memref_squeeze %dma_start3A_1008 : memref<1x1x4096xf32, #tpu.memory_space<hbm>> -> memref<4096xf32, #tpu.memory_space<hbm>>
    %dma_start3A_1010 = arith.constant 0 : i32
    %dma_start3A_1011 = tpu.memref_slice %arg4[%select_n3A_964, %select_n3A_980, %dma_start3A_1010] : memref<26x16x16384xf32, #tpu.memory_space<hbm>> -> memref<1x1x4096xf32, #tpu.memory_space<hbm>>
    %dma_start3A_1012 = tpu.memref_squeeze %dma_start3A_1011 : memref<1x1x4096xf32, #tpu.memory_space<hbm>> -> memref<4096xf32, #tpu.memory_space<hbm>>
    tpu.enqueue_dma source(%arg7 : memref<4096xf32, #tpu.memory_space<vmem>>) target(%dma_start3A_1012 : memref<4096xf32, #tpu.memory_space<hbm>>) target_semaphore(%arg10 : memref<!tpu.dma_semaphore, #tpu.memory_space<semaphore_mem>>)
    %dma_wait3A_1013 = arith.constant 12288 : i32
    %dma_wait3A_1014 = tpu.memref_slice %arg4[%select_n3A_843, %select_n3A_859, %dma_wait3A_1013] : memref<26x16x16384xf32, #tpu.memory_space<hbm>> -> memref<1x1x4096xf32, #tpu.memory_space<hbm>>
    %dma_wait3A_1015 = tpu.memref_squeeze %dma_wait3A_1014 : memref<1x1x4096xf32, #tpu.memory_space<hbm>> -> memref<4096xf32, #tpu.memory_space<hbm>>
    %dma_wait3A_1016 = arith.constant 12288 : i32
    %dma_wait3A_1017 = tpu.memref_slice %arg4[%select_n3A_843, %select_n3A_859, %dma_wait3A_1016] : memref<26x16x16384xf32, #tpu.memory_space<hbm>> -> memref<1x1x4096xf32, #tpu.memory_space<hbm>>
    %dma_wait3A_1018 = tpu.memref_squeeze %dma_wait3A_1017 : memref<1x1x4096xf32, #tpu.memory_space<hbm>> -> memref<4096xf32, #tpu.memory_space<hbm>>
    tpu.wait_dma2 semaphore(%arg11 : memref<!tpu.dma_semaphore, #tpu.memory_space<semaphore_mem>>) src(%arg8 : memref<4096xf32, #tpu.memory_space<vmem>>) dst(%dma_wait3A_1018 : memref<4096xf32, #tpu.memory_space<hbm>>)
    %parallel_loop3A_1019 = arith.constant 0 : i32
    %parallel_loop3A_1020 = arith.constant 256 : i32
    %parallel_loop3A_1021 = arith.constant 1 : i32
    scf.for %parallel_loop3A_1554 = %parallel_loop3A_1019 to %parallel_loop3A_1020 step %parallel_loop3A_1021  : i32 {
      %parallel_loop3A_1555 = arith.constant 16 : i32
      %parallel_loop3A_1556 = arith.muli %parallel_loop3A_1554, %parallel_loop3A_1555 : i32
      %parallel_loop3A_1557 = arith.constant 4096 : i32
      %parallel_loop3A_1558 = arith.addi %parallel_loop3A_1557, %parallel_loop3A_1556 : i32
      %parallel_loop3A_1559 = arith.index_cast %parallel_loop3A_1558 : i32 to index
      %parallel_loop3A_1560 = tpu.vector_load %arg6[%parallel_loop3A_1559] {strides = array<i32>} : memref<16384xi32, #tpu.memory_space<vmem>>, vector<16xi32>,
      %parallel_loop3A_1561 = tpu.vector_load_idx %arg5[%parallel_loop3A_1560] : memref<100001xf32, #tpu.memory_space<vmem>>[vector<16xi32>], vector<16xf32>,
      %parallel_loop3A_1562 = arith.constant 16 : i32
      %parallel_loop3A_1563 = arith.muli %parallel_loop3A_1554, %parallel_loop3A_1562 : i32
      %parallel_loop3A_1564 = arith.index_cast %parallel_loop3A_1563 : i32 to index
      %parallel_loop3A_1565 = tpu.vector_load %arg8[%parallel_loop3A_1564] {strides = array<i32>} : memref<4096xf32, #tpu.memory_space<vmem>>, vector<16xf32>,
      tpu.vector_store %arg8[%parallel_loop3A_1564], %parallel_loop3A_1561 {strides = array<i32>} : memref<4096xf32, #tpu.memory_space<vmem>>, vector<16xf32>,
    } {sc.loop_unroll_factor = 8 : i64, sc.parallel_access}
    %dma_start3A_1022 = arith.constant 4096 : i32
    %dma_start3A_1023 = tpu.memref_slice %arg4[%select_n3A_964, %select_n3A_980, %dma_start3A_1022] : memref<26x16x16384xf32, #tpu.memory_space<hbm>> -> memref<1x1x4096xf32, #tpu.memory_space<hbm>>
    %dma_start3A_1024 = tpu.memref_squeeze %dma_start3A_1023 : memref<1x1x4096xf32, #tpu.memory_space<hbm>> -> memref<4096xf32, #tpu.memory_space<hbm>>
    %dma_start3A_1025 = arith.constant 4096 : i32
    %dma_start3A_1026 = tpu.memref_slice %arg4[%select_n3A_964, %select_n3A_980, %dma_start3A_1025] : memref<26x16x16384xf32, #tpu.memory_space<hbm>> -> memref<1x1x4096xf32, #tpu.memory_space<hbm>>
    %dma_start3A_1027 = tpu.memref_squeeze %dma_start3A_1026 : memref<1x1x4096xf32, #tpu.memory_space<hbm>> -> memref<4096xf32, #tpu.memory_space<hbm>>
    tpu.enqueue_dma source(%arg8 : memref<4096xf32, #tpu.memory_space<vmem>>) target(%dma_start3A_1027 : memref<4096xf32, #tpu.memory_space<hbm>>) target_semaphore(%arg11 : memref<!tpu.dma_semaphore, #tpu.memory_space<semaphore_mem>>)
    %dma_wait3A_1028 = arith.constant 0 : i32
    %dma_wait3A_1029 = tpu.memref_slice %arg4[%select_n3A_964, %select_n3A_980, %dma_wait3A_1028] : memref<26x16x16384xf32, #tpu.memory_space<hbm>> -> memref<1x1x4096xf32, #tpu.memory_space<hbm>>
    %dma_wait3A_1030 = tpu.memref_squeeze %dma_wait3A_1029 : memref<1x1x4096xf32, #tpu.memory_space<hbm>> -> memref<4096xf32, #tpu.memory_space<hbm>>
    %dma_wait3A_1031 = arith.constant 0 : i32
    %dma_wait3A_1032 = tpu.memref_slice %arg4[%select_n3A_964, %select_n3A_980, %dma_wait3A_1031] : memref<26x16x16384xf32, #tpu.memory_space<hbm>> -> memref<1x1x4096xf32, #tpu.memory_space<hbm>>
    %dma_wait3A_1033 = tpu.memref_squeeze %dma_wait3A_1032 : memref<1x1x4096xf32, #tpu.memory_space<hbm>> -> memref<4096xf32, #tpu.memory_space<hbm>>
    tpu.wait_dma2 semaphore(%arg10 : memref<!tpu.dma_semaphore, #tpu.memory_space<semaphore_mem>>) src(%arg7 : memref<4096xf32, #tpu.memory_space<vmem>>) dst(%dma_wait3A_1033 : memref<4096xf32, #tpu.memory_space<hbm>>)
    %parallel_loop3A_1034 = arith.constant 0 : i32
    %parallel_loop3A_1035 = arith.constant 256 : i32
    %parallel_loop3A_1036 = arith.constant 1 : i32
    scf.for %parallel_loop3A_1554 = %parallel_loop3A_1034 to %parallel_loop3A_1035 step %parallel_loop3A_1036  : i32 {
      %parallel_loop3A_1555 = arith.constant 16 : i32
      %parallel_loop3A_1556 = arith.muli %parallel_loop3A_1554, %parallel_loop3A_1555 : i32
      %parallel_loop3A_1557 = arith.constant 8192 : i32
      %parallel_loop3A_1558 = arith.addi %parallel_loop3A_1557, %parallel_loop3A_1556 : i32
      %parallel_loop3A_1559 = arith.index_cast %parallel_loop3A_1558 : i32 to index
      %parallel_loop3A_1560 = tpu.vector_load %arg6[%parallel_loop3A_1559] {strides = array<i32>} : memref<16384xi32, #tpu.memory_space<vmem>>, vector<16xi32>,
      %parallel_loop3A_1561 = tpu.vector_load_idx %arg5[%parallel_loop3A_1560] : memref<100001xf32, #tpu.memory_space<vmem>>[vector<16xi32>], vector<16xf32>,
      %parallel_loop3A_1562 = arith.constant 16 : i32
      %parallel_loop3A_1563 = arith.muli %parallel_loop3A_1554, %parallel_loop3A_1562 : i32
      %parallel_loop3A_1564 = arith.index_cast %parallel_loop3A_1563 : i32 to index
      %parallel_loop3A_1565 = tpu.vector_load %arg7[%parallel_loop3A_1564] {strides = array<i32>} : memref<4096xf32, #tpu.memory_space<vmem>>, vector<16xf32>,
      tpu.vector_store %arg7[%parallel_loop3A_1564], %parallel_loop3A_1561 {strides = array<i32>} : memref<4096xf32, #tpu.memory_space<vmem>>, vector<16xf32>,
    } {sc.loop_unroll_factor = 8 : i64, sc.parallel_access}
    %dma_start3A_1037 = arith.constant 8192 : i32
    %dma_start3A_1038 = tpu.memref_slice %arg4[%select_n3A_964, %select_n3A_980, %dma_start3A_1037] : memref<26x16x16384xf32, #tpu.memory_space<hbm>> -> memref<1x1x4096xf32, #tpu.memory_space<hbm>>
    %dma_start3A_1039 = tpu.memref_squeeze %dma_start3A_1038 : memref<1x1x4096xf32, #tpu.memory_space<hbm>> -> memref<4096xf32, #tpu.memory_space<hbm>>
    %dma_start3A_1040 = arith.constant 8192 : i32
    %dma_start3A_1041 = tpu.memref_slice %arg4[%select_n3A_964, %select_n3A_980, %dma_start3A_1040] : memref<26x16x16384xf32, #tpu.memory_space<hbm>> -> memref<1x1x4096xf32, #tpu.memory_space<hbm>>
    %dma_start3A_1042 = tpu.memref_squeeze %dma_start3A_1041 : memref<1x1x4096xf32, #tpu.memory_space<hbm>> -> memref<4096xf32, #tpu.memory_space<hbm>>
    tpu.enqueue_dma source(%arg7 : memref<4096xf32, #tpu.memory_space<vmem>>) target(%dma_start3A_1042 : memref<4096xf32, #tpu.memory_space<hbm>>) target_semaphore(%arg10 : memref<!tpu.dma_semaphore, #tpu.memory_space<semaphore_mem>>)
    %dma_wait3A_1043 = arith.constant 4096 : i32
    %dma_wait3A_1044 = tpu.memref_slice %arg4[%select_n3A_964, %select_n3A_980, %dma_wait3A_1043] : memref<26x16x16384xf32, #tpu.memory_space<hbm>> -> memref<1x1x4096xf32, #tpu.memory_space<hbm>>
    %dma_wait3A_1045 = tpu.memref_squeeze %dma_wait3A_1044 : memref<1x1x4096xf32, #tpu.memory_space<hbm>> -> memref<4096xf32, #tpu.memory_space<hbm>>
    %dma_wait3A_1046 = arith.constant 4096 : i32
    %dma_wait3A_1047 = tpu.memref_slice %arg4[%select_n3A_964, %select_n3A_980, %dma_wait3A_1046] : memref<26x16x16384xf32, #tpu.memory_space<hbm>> -> memref<1x1x4096xf32, #tpu.memory_space<hbm>>
    %dma_wait3A_1048 = tpu.memref_squeeze %dma_wait3A_1047 : memref<1x1x4096xf32, #tpu.memory_space<hbm>> -> memref<4096xf32, #tpu.memory_space<hbm>>
    tpu.wait_dma2 semaphore(%arg11 : memref<!tpu.dma_semaphore, #tpu.memory_space<semaphore_mem>>) src(%arg8 : memref<4096xf32, #tpu.memory_space<vmem>>) dst(%dma_wait3A_1048 : memref<4096xf32, #tpu.memory_space<hbm>>)
    %parallel_loop3A_1049 = arith.constant 0 : i32
    %parallel_loop3A_1050 = arith.constant 256 : i32
    %parallel_loop3A_1051 = arith.constant 1 : i32
    scf.for %parallel_loop3A_1554 = %parallel_loop3A_1049 to %parallel_loop3A_1050 step %parallel_loop3A_1051  : i32 {
      %parallel_loop3A_1555 = arith.constant 16 : i32
      %parallel_loop3A_1556 = arith.muli %parallel_loop3A_1554, %parallel_loop3A_1555 : i32
      %parallel_loop3A_1557 = arith.constant 12288 : i32
      %parallel_loop3A_1558 = arith.addi %parallel_loop3A_1557, %parallel_loop3A_1556 : i32
      %parallel_loop3A_1559 = arith.index_cast %parallel_loop3A_1558 : i32 to index
      %parallel_loop3A_1560 = tpu.vector_load %arg6[%parallel_loop3A_1559] {strides = array<i32>} : memref<16384xi32, #tpu.memory_space<vmem>>, vector<16xi32>,
      %parallel_loop3A_1561 = tpu.vector_load_idx %arg5[%parallel_loop3A_1560] : memref<100001xf32, #tpu.memory_space<vmem>>[vector<16xi32>], vector<16xf32>,
      %parallel_loop3A_1562 = arith.constant 16 : i32
      %parallel_loop3A_1563 = arith.muli %parallel_loop3A_1554, %parallel_loop3A_1562 : i32
      %parallel_loop3A_1564 = arith.index_cast %parallel_loop3A_1563 : i32 to index
      %parallel_loop3A_1565 = tpu.vector_load %arg8[%parallel_loop3A_1564] {strides = array<i32>} : memref<4096xf32, #tpu.memory_space<vmem>>, vector<16xf32>,
      tpu.vector_store %arg8[%parallel_loop3A_1564], %parallel_loop3A_1561 {strides = array<i32>} : memref<4096xf32, #tpu.memory_space<vmem>>, vector<16xf32>,
    } {sc.loop_unroll_factor = 8 : i64, sc.parallel_access}
    %dma_start3A_1052 = arith.constant 12288 : i32
    %dma_start3A_1053 = tpu.memref_slice %arg4[%select_n3A_964, %select_n3A_980, %dma_start3A_1052] : memref<26x16x16384xf32, #tpu.memory_space<hbm>> -> memref<1x1x4096xf32, #tpu.memory_space<hbm>>
    %dma_start3A_1054 = tpu.memref_squeeze %dma_start3A_1053 : memref<1x1x4096xf32, #tpu.memory_space<hbm>> -> memref<4096xf32, #tpu.memory_space<hbm>>
    %dma_start3A_1055 = arith.constant 12288 : i32
    %dma_start3A_1056 = tpu.memref_slice %arg4[%select_n3A_964, %select_n3A_980, %dma_start3A_1055] : memref<26x16x16384xf32, #tpu.memory_space<hbm>> -> memref<1x1x4096xf32, #tpu.memory_space<hbm>>
    %dma_start3A_1057 = tpu.memref_squeeze %dma_start3A_1056 : memref<1x1x4096xf32, #tpu.memory_space<hbm>> -> memref<4096xf32, #tpu.memory_space<hbm>>
    tpu.enqueue_dma source(%arg8 : memref<4096xf32, #tpu.memory_space<vmem>>) target(%dma_start3A_1057 : memref<4096xf32, #tpu.memory_space<hbm>>) target_semaphore(%arg11 : memref<!tpu.dma_semaphore, #tpu.memory_space<semaphore_mem>>)
    %mul3A_1058 = arith.constant 13 : i32
    %mul3A_1059 = arith.muli %add3A, %mul3A_1058 : i32
    %add3A_1060 = arith.constant 9 : i32
    %add3A_1061 = arith.addi %mul3A_1059, %add3A_1060 : i32
    %jit3A_1062 = arith.constant 16 : i32
    %div3A_1063 = arith.divsi %add3A_1061, %jit3A_1062 : i32
    %sign3A_1064 = arith.constant 0 : i32
    %sign3A_1065 = arith.cmpi sgt, %add3A_1061, %sign3A_1064 : i32
    %sign3A_1066 = arith.extui %sign3A_1065 : i1 to i32
    %sign3A_1067 = arith.constant 0 : i32
    %sign3A_1068 = arith.cmpi slt, %add3A_1061, %sign3A_1067 : i32
    %sign3A_1069 = arith.extui %sign3A_1068 : i1 to i32
    %sign3A_1070 = arith.subi %sign3A_1066, %sign3A_1069 : i32
    %sign3A_1071 = arith.constant 0 : i32
    %sign3A_1072 = arith.cmpi sgt, %jit3A_1062, %sign3A_1071 : i32
    %sign3A_1073 = arith.extui %sign3A_1072 : i1 to i32
    %sign3A_1074 = arith.constant 0 : i32
    %sign3A_1075 = arith.cmpi slt, %jit3A_1062, %sign3A_1074 : i32
    %sign3A_1076 = arith.extui %sign3A_1075 : i1 to i32
    %sign3A_1077 = arith.subi %sign3A_1073, %sign3A_1076 : i32
    %ne3A_1078 = arith.cmpi ne, %sign3A_1070, %sign3A_1077 : i32
    %rem3A_1079 = arith.remsi %add3A_1061, %jit3A_1062 : i32
    %ne3A_1080 = arith.constant 0 : i32
    %ne3A_1081 = arith.cmpi ne, %rem3A_1079, %ne3A_1080 : i32
    %and3A_1082 = arith.andi %ne3A_1078, %ne3A_1081 : i1
    %sub3A_1083 = arith.constant 1 : i32
    %sub3A_1084 = arith.subi %div3A_1063, %sub3A_1083 : i32
    %select_n3A_1085 = arith.select %and3A_1082, %sub3A_1084, %div3A_1063 : i32
    %jit3A_1086 = arith.constant 16 : i32
    %eq3A_1087 = arith.constant 0 : i32
    %eq3A_1088 = arith.cmpi eq, %jit3A_1086, %eq3A_1087 : i32
    %jit3A_1089 = arith.constant 1 : i32
    %select_n3A_1090 = arith.select %eq3A_1088, %jit3A_1089, %jit3A_1086 : i32
    %rem3A_1091 = arith.remsi %add3A_1061, %select_n3A_1090 : i32
    %ne3A_1092 = arith.constant 0 : i32
    %ne3A_1093 = arith.cmpi ne, %rem3A_1091, %ne3A_1092 : i32
    %lt3A_1094 = arith.constant 0 : i32
    %lt3A_1095 = arith.cmpi slt, %rem3A_1091, %lt3A_1094 : i32
    %lt3A_1096 = arith.constant 0 : i32
    %lt3A_1097 = arith.cmpi slt, %select_n3A_1090, %lt3A_1096 : i32
    %ne3A_1098 = arith.xori %lt3A_1095, %lt3A_1097 : i1
    %and3A_1099 = arith.andi %ne3A_1098, %ne3A_1093 : i1
    %add3A_1100 = arith.addi %rem3A_1091, %select_n3A_1090 : i32
    %select_n3A_1101 = arith.select %and3A_1099, %add3A_1100, %rem3A_1091 : i32
    %dma_start3A_1102 = arith.constant 0 : i32
    %dma_start3A_1103 = tpu.memref_slice %arg3[%select_n3A_1085, %select_n3A_1101, %dma_start3A_1102] : memref<26x16x100001xf32, #tpu.memory_space<hbm>> -> memref<1x1x100001xf32, #tpu.memory_space<hbm>>
    %dma_start3A_1104 = tpu.memref_squeeze %dma_start3A_1103 : memref<1x1x100001xf32, #tpu.memory_space<hbm>> -> memref<100001xf32, #tpu.memory_space<hbm>>
    %dma_start3A_1105 = arith.constant 0 : i32
    %dma_start3A_1106 = tpu.memref_slice %arg3[%select_n3A_1085, %select_n3A_1101, %dma_start3A_1105] : memref<26x16x100001xf32, #tpu.memory_space<hbm>> -> memref<1x1x100001xf32, #tpu.memory_space<hbm>>
    %dma_start3A_1107 = tpu.memref_squeeze %dma_start3A_1106 : memref<1x1x100001xf32, #tpu.memory_space<hbm>> -> memref<100001xf32, #tpu.memory_space<hbm>>
    tpu.enqueue_dma source(%dma_start3A_1107 : memref<100001xf32, #tpu.memory_space<hbm>>) target(%arg5 : memref<100001xf32, #tpu.memory_space<vmem>>) target_semaphore(%arg9 : memref<!tpu.dma_semaphore, #tpu.memory_space<semaphore_mem>>)
    %eq3A_1108 = arith.constant 0 : i32
    %eq3A_1109 = arith.cmpi eq, %select_n3A_1101, %eq3A_1108 : i32
    %convert_element_type3A_1110 = arith.extui %eq3A_1109 : i1 to i32
    %cond3A_1111 = arith.constant 0 : i32
    %cond3A_1112 = arith.cmpi ne, %convert_element_type3A_1110, %cond3A_1111 : i32
    scf.if %cond3A_1112 {
      "tpu.region"() ({
        %run_scoped3A = tpu.sem_alloc : memref<!tpu.dma_semaphore, #tpu.memory_space<semaphore_mem>>
        %dma_start3A_1554 = arith.constant 0 : i32
        %dma_start3A_1555 = tpu.memref_slice %arg2[%select_n3A_1085, %dma_start3A_1554] : memref<26x16384xi32, #tpu.memory_space<hbm>> -> memref<1x16384xi32, #tpu.memory_space<hbm>>
        %dma_start3A_1556 = tpu.memref_squeeze %dma_start3A_1555 : memref<1x16384xi32, #tpu.memory_space<hbm>> -> memref<16384xi32, #tpu.memory_space<hbm>>
        %dma_start3A_1557 = arith.constant 0 : i32
        %dma_start3A_1558 = tpu.memref_slice %arg2[%select_n3A_1085, %dma_start3A_1557] : memref<26x16384xi32, #tpu.memory_space<hbm>> -> memref<1x16384xi32, #tpu.memory_space<hbm>>
        %dma_start3A_1559 = tpu.memref_squeeze %dma_start3A_1558 : memref<1x16384xi32, #tpu.memory_space<hbm>> -> memref<16384xi32, #tpu.memory_space<hbm>>
        tpu.enqueue_dma source(%dma_start3A_1559 : memref<16384xi32, #tpu.memory_space<hbm>>) target(%arg6 : memref<16384xi32, #tpu.memory_space<vmem>>) target_semaphore(%run_scoped3A : memref<!tpu.dma_semaphore, #tpu.memory_space<semaphore_mem>>)
        %dma_wait3A_1560 = arith.constant 0 : i32
        %dma_wait3A_1561 = tpu.memref_slice %arg2[%select_n3A_1085, %dma_wait3A_1560] : memref<26x16384xi32, #tpu.memory_space<hbm>> -> memref<1x16384xi32, #tpu.memory_space<hbm>>
        %dma_wait3A_1562 = tpu.memref_squeeze %dma_wait3A_1561 : memref<1x16384xi32, #tpu.memory_space<hbm>> -> memref<16384xi32, #tpu.memory_space<hbm>>
        %dma_wait3A_1563 = arith.constant 0 : i32
        %dma_wait3A_1564 = tpu.memref_slice %arg2[%select_n3A_1085, %dma_wait3A_1563] : memref<26x16384xi32, #tpu.memory_space<hbm>> -> memref<1x16384xi32, #tpu.memory_space<hbm>>
        %dma_wait3A_1565 = tpu.memref_squeeze %dma_wait3A_1564 : memref<1x16384xi32, #tpu.memory_space<hbm>> -> memref<16384xi32, #tpu.memory_space<hbm>>
        tpu.wait_dma2 semaphore(%run_scoped3A : memref<!tpu.dma_semaphore, #tpu.memory_space<semaphore_mem>>) src(%dma_wait3A_1565 : memref<16384xi32, #tpu.memory_space<hbm>>) dst(%arg6 : memref<16384xi32, #tpu.memory_space<vmem>>)
        tpu.yield
      }) : () -> ()
    } else {
    }
    %dma_wait3A_1113 = arith.constant 0 : i32
    %dma_wait3A_1114 = tpu.memref_slice %arg3[%select_n3A_1085, %select_n3A_1101, %dma_wait3A_1113] : memref<26x16x100001xf32, #tpu.memory_space<hbm>> -> memref<1x1x100001xf32, #tpu.memory_space<hbm>>
    %dma_wait3A_1115 = tpu.memref_squeeze %dma_wait3A_1114 : memref<1x1x100001xf32, #tpu.memory_space<hbm>> -> memref<100001xf32, #tpu.memory_space<hbm>>
    %dma_wait3A_1116 = arith.constant 0 : i32
    %dma_wait3A_1117 = tpu.memref_slice %arg3[%select_n3A_1085, %select_n3A_1101, %dma_wait3A_1116] : memref<26x16x100001xf32, #tpu.memory_space<hbm>> -> memref<1x1x100001xf32, #tpu.memory_space<hbm>>
    %dma_wait3A_1118 = tpu.memref_squeeze %dma_wait3A_1117 : memref<1x1x100001xf32, #tpu.memory_space<hbm>> -> memref<100001xf32, #tpu.memory_space<hbm>>
    tpu.wait_dma2 semaphore(%arg9 : memref<!tpu.dma_semaphore, #tpu.memory_space<semaphore_mem>>) src(%dma_wait3A_1118 : memref<100001xf32, #tpu.memory_space<hbm>>) dst(%arg5 : memref<100001xf32, #tpu.memory_space<vmem>>)
    %dma_wait3A_1119 = arith.constant 8192 : i32
    %dma_wait3A_1120 = tpu.memref_slice %arg4[%select_n3A_964, %select_n3A_980, %dma_wait3A_1119] : memref<26x16x16384xf32, #tpu.memory_space<hbm>> -> memref<1x1x4096xf32, #tpu.memory_space<hbm>>
    %dma_wait3A_1121 = tpu.memref_squeeze %dma_wait3A_1120 : memref<1x1x4096xf32, #tpu.memory_space<hbm>> -> memref<4096xf32, #tpu.memory_space<hbm>>
    %dma_wait3A_1122 = arith.constant 8192 : i32
    %dma_wait3A_1123 = tpu.memref_slice %arg4[%select_n3A_964, %select_n3A_980, %dma_wait3A_1122] : memref<26x16x16384xf32, #tpu.memory_space<hbm>> -> memref<1x1x4096xf32, #tpu.memory_space<hbm>>
    %dma_wait3A_1124 = tpu.memref_squeeze %dma_wait3A_1123 : memref<1x1x4096xf32, #tpu.memory_space<hbm>> -> memref<4096xf32, #tpu.memory_space<hbm>>
    tpu.wait_dma2 semaphore(%arg10 : memref<!tpu.dma_semaphore, #tpu.memory_space<semaphore_mem>>) src(%arg7 : memref<4096xf32, #tpu.memory_space<vmem>>) dst(%dma_wait3A_1124 : memref<4096xf32, #tpu.memory_space<hbm>>)
    %parallel_loop3A_1125 = arith.constant 0 : i32
    %parallel_loop3A_1126 = arith.constant 256 : i32
    %parallel_loop3A_1127 = arith.constant 1 : i32
    scf.for %parallel_loop3A_1554 = %parallel_loop3A_1125 to %parallel_loop3A_1126 step %parallel_loop3A_1127  : i32 {
      %parallel_loop3A_1555 = arith.constant 16 : i32
      %parallel_loop3A_1556 = arith.muli %parallel_loop3A_1554, %parallel_loop3A_1555 : i32
      %parallel_loop3A_1557 = arith.constant 0 : i32
      %parallel_loop3A_1558 = arith.addi %parallel_loop3A_1557, %parallel_loop3A_1556 : i32
      %parallel_loop3A_1559 = arith.index_cast %parallel_loop3A_1558 : i32 to index
      %parallel_loop3A_1560 = tpu.vector_load %arg6[%parallel_loop3A_1559] {strides = array<i32>} : memref<16384xi32, #tpu.memory_space<vmem>>, vector<16xi32>,
      %parallel_loop3A_1561 = tpu.vector_load_idx %arg5[%parallel_loop3A_1560] : memref<100001xf32, #tpu.memory_space<vmem>>[vector<16xi32>], vector<16xf32>,
      %parallel_loop3A_1562 = arith.constant 16 : i32
      %parallel_loop3A_1563 = arith.muli %parallel_loop3A_1554, %parallel_loop3A_1562 : i32
      %parallel_loop3A_1564 = arith.index_cast %parallel_loop3A_1563 : i32 to index
      %parallel_loop3A_1565 = tpu.vector_load %arg7[%parallel_loop3A_1564] {strides = array<i32>} : memref<4096xf32, #tpu.memory_space<vmem>>, vector<16xf32>,
      tpu.vector_store %arg7[%parallel_loop3A_1564], %parallel_loop3A_1561 {strides = array<i32>} : memref<4096xf32, #tpu.memory_space<vmem>>, vector<16xf32>,
    } {sc.loop_unroll_factor = 8 : i64, sc.parallel_access}
    %dma_start3A_1128 = arith.constant 0 : i32
    %dma_start3A_1129 = tpu.memref_slice %arg4[%select_n3A_1085, %select_n3A_1101, %dma_start3A_1128] : memref<26x16x16384xf32, #tpu.memory_space<hbm>> -> memref<1x1x4096xf32, #tpu.memory_space<hbm>>
    %dma_start3A_1130 = tpu.memref_squeeze %dma_start3A_1129 : memref<1x1x4096xf32, #tpu.memory_space<hbm>> -> memref<4096xf32, #tpu.memory_space<hbm>>
    %dma_start3A_1131 = arith.constant 0 : i32
    %dma_start3A_1132 = tpu.memref_slice %arg4[%select_n3A_1085, %select_n3A_1101, %dma_start3A_1131] : memref<26x16x16384xf32, #tpu.memory_space<hbm>> -> memref<1x1x4096xf32, #tpu.memory_space<hbm>>
    %dma_start3A_1133 = tpu.memref_squeeze %dma_start3A_1132 : memref<1x1x4096xf32, #tpu.memory_space<hbm>> -> memref<4096xf32, #tpu.memory_space<hbm>>
    tpu.enqueue_dma source(%arg7 : memref<4096xf32, #tpu.memory_space<vmem>>) target(%dma_start3A_1133 : memref<4096xf32, #tpu.memory_space<hbm>>) target_semaphore(%arg10 : memref<!tpu.dma_semaphore, #tpu.memory_space<semaphore_mem>>)
    %dma_wait3A_1134 = arith.constant 12288 : i32
    %dma_wait3A_1135 = tpu.memref_slice %arg4[%select_n3A_964, %select_n3A_980, %dma_wait3A_1134] : memref<26x16x16384xf32, #tpu.memory_space<hbm>> -> memref<1x1x4096xf32, #tpu.memory_space<hbm>>
    %dma_wait3A_1136 = tpu.memref_squeeze %dma_wait3A_1135 : memref<1x1x4096xf32, #tpu.memory_space<hbm>> -> memref<4096xf32, #tpu.memory_space<hbm>>
    %dma_wait3A_1137 = arith.constant 12288 : i32
    %dma_wait3A_1138 = tpu.memref_slice %arg4[%select_n3A_964, %select_n3A_980, %dma_wait3A_1137] : memref<26x16x16384xf32, #tpu.memory_space<hbm>> -> memref<1x1x4096xf32, #tpu.memory_space<hbm>>
    %dma_wait3A_1139 = tpu.memref_squeeze %dma_wait3A_1138 : memref<1x1x4096xf32, #tpu.memory_space<hbm>> -> memref<4096xf32, #tpu.memory_space<hbm>>
    tpu.wait_dma2 semaphore(%arg11 : memref<!tpu.dma_semaphore, #tpu.memory_space<semaphore_mem>>) src(%arg8 : memref<4096xf32, #tpu.memory_space<vmem>>) dst(%dma_wait3A_1139 : memref<4096xf32, #tpu.memory_space<hbm>>)
    %parallel_loop3A_1140 = arith.constant 0 : i32
    %parallel_loop3A_1141 = arith.constant 256 : i32
    %parallel_loop3A_1142 = arith.constant 1 : i32
    scf.for %parallel_loop3A_1554 = %parallel_loop3A_1140 to %parallel_loop3A_1141 step %parallel_loop3A_1142  : i32 {
      %parallel_loop3A_1555 = arith.constant 16 : i32
      %parallel_loop3A_1556 = arith.muli %parallel_loop3A_1554, %parallel_loop3A_1555 : i32
      %parallel_loop3A_1557 = arith.constant 4096 : i32
      %parallel_loop3A_1558 = arith.addi %parallel_loop3A_1557, %parallel_loop3A_1556 : i32
      %parallel_loop3A_1559 = arith.index_cast %parallel_loop3A_1558 : i32 to index
      %parallel_loop3A_1560 = tpu.vector_load %arg6[%parallel_loop3A_1559] {strides = array<i32>} : memref<16384xi32, #tpu.memory_space<vmem>>, vector<16xi32>,
      %parallel_loop3A_1561 = tpu.vector_load_idx %arg5[%parallel_loop3A_1560] : memref<100001xf32, #tpu.memory_space<vmem>>[vector<16xi32>], vector<16xf32>,
      %parallel_loop3A_1562 = arith.constant 16 : i32
      %parallel_loop3A_1563 = arith.muli %parallel_loop3A_1554, %parallel_loop3A_1562 : i32
      %parallel_loop3A_1564 = arith.index_cast %parallel_loop3A_1563 : i32 to index
      %parallel_loop3A_1565 = tpu.vector_load %arg8[%parallel_loop3A_1564] {strides = array<i32>} : memref<4096xf32, #tpu.memory_space<vmem>>, vector<16xf32>,
      tpu.vector_store %arg8[%parallel_loop3A_1564], %parallel_loop3A_1561 {strides = array<i32>} : memref<4096xf32, #tpu.memory_space<vmem>>, vector<16xf32>,
    } {sc.loop_unroll_factor = 8 : i64, sc.parallel_access}
    %dma_start3A_1143 = arith.constant 4096 : i32
    %dma_start3A_1144 = tpu.memref_slice %arg4[%select_n3A_1085, %select_n3A_1101, %dma_start3A_1143] : memref<26x16x16384xf32, #tpu.memory_space<hbm>> -> memref<1x1x4096xf32, #tpu.memory_space<hbm>>
    %dma_start3A_1145 = tpu.memref_squeeze %dma_start3A_1144 : memref<1x1x4096xf32, #tpu.memory_space<hbm>> -> memref<4096xf32, #tpu.memory_space<hbm>>
    %dma_start3A_1146 = arith.constant 4096 : i32
    %dma_start3A_1147 = tpu.memref_slice %arg4[%select_n3A_1085, %select_n3A_1101, %dma_start3A_1146] : memref<26x16x16384xf32, #tpu.memory_space<hbm>> -> memref<1x1x4096xf32, #tpu.memory_space<hbm>>
    %dma_start3A_1148 = tpu.memref_squeeze %dma_start3A_1147 : memref<1x1x4096xf32, #tpu.memory_space<hbm>> -> memref<4096xf32, #tpu.memory_space<hbm>>
    tpu.enqueue_dma source(%arg8 : memref<4096xf32, #tpu.memory_space<vmem>>) target(%dma_start3A_1148 : memref<4096xf32, #tpu.memory_space<hbm>>) target_semaphore(%arg11 : memref<!tpu.dma_semaphore, #tpu.memory_space<semaphore_mem>>)
    %dma_wait3A_1149 = arith.constant 0 : i32
    %dma_wait3A_1150 = tpu.memref_slice %arg4[%select_n3A_1085, %select_n3A_1101, %dma_wait3A_1149] : memref<26x16x16384xf32, #tpu.memory_space<hbm>> -> memref<1x1x4096xf32, #tpu.memory_space<hbm>>
    %dma_wait3A_1151 = tpu.memref_squeeze %dma_wait3A_1150 : memref<1x1x4096xf32, #tpu.memory_space<hbm>> -> memref<4096xf32, #tpu.memory_space<hbm>>
    %dma_wait3A_1152 = arith.constant 0 : i32
    %dma_wait3A_1153 = tpu.memref_slice %arg4[%select_n3A_1085, %select_n3A_1101, %dma_wait3A_1152] : memref<26x16x16384xf32, #tpu.memory_space<hbm>> -> memref<1x1x4096xf32, #tpu.memory_space<hbm>>
    %dma_wait3A_1154 = tpu.memref_squeeze %dma_wait3A_1153 : memref<1x1x4096xf32, #tpu.memory_space<hbm>> -> memref<4096xf32, #tpu.memory_space<hbm>>
    tpu.wait_dma2 semaphore(%arg10 : memref<!tpu.dma_semaphore, #tpu.memory_space<semaphore_mem>>) src(%arg7 : memref<4096xf32, #tpu.memory_space<vmem>>) dst(%dma_wait3A_1154 : memref<4096xf32, #tpu.memory_space<hbm>>)
    %parallel_loop3A_1155 = arith.constant 0 : i32
    %parallel_loop3A_1156 = arith.constant 256 : i32
    %parallel_loop3A_1157 = arith.constant 1 : i32
    scf.for %parallel_loop3A_1554 = %parallel_loop3A_1155 to %parallel_loop3A_1156 step %parallel_loop3A_1157  : i32 {
      %parallel_loop3A_1555 = arith.constant 16 : i32
      %parallel_loop3A_1556 = arith.muli %parallel_loop3A_1554, %parallel_loop3A_1555 : i32
      %parallel_loop3A_1557 = arith.constant 8192 : i32
      %parallel_loop3A_1558 = arith.addi %parallel_loop3A_1557, %parallel_loop3A_1556 : i32
      %parallel_loop3A_1559 = arith.index_cast %parallel_loop3A_1558 : i32 to index
      %parallel_loop3A_1560 = tpu.vector_load %arg6[%parallel_loop3A_1559] {strides = array<i32>} : memref<16384xi32, #tpu.memory_space<vmem>>, vector<16xi32>,
      %parallel_loop3A_1561 = tpu.vector_load_idx %arg5[%parallel_loop3A_1560] : memref<100001xf32, #tpu.memory_space<vmem>>[vector<16xi32>], vector<16xf32>,
      %parallel_loop3A_1562 = arith.constant 16 : i32
      %parallel_loop3A_1563 = arith.muli %parallel_loop3A_1554, %parallel_loop3A_1562 : i32
      %parallel_loop3A_1564 = arith.index_cast %parallel_loop3A_1563 : i32 to index
      %parallel_loop3A_1565 = tpu.vector_load %arg7[%parallel_loop3A_1564] {strides = array<i32>} : memref<4096xf32, #tpu.memory_space<vmem>>, vector<16xf32>,
      tpu.vector_store %arg7[%parallel_loop3A_1564], %parallel_loop3A_1561 {strides = array<i32>} : memref<4096xf32, #tpu.memory_space<vmem>>, vector<16xf32>,
    } {sc.loop_unroll_factor = 8 : i64, sc.parallel_access}
    %dma_start3A_1158 = arith.constant 8192 : i32
    %dma_start3A_1159 = tpu.memref_slice %arg4[%select_n3A_1085, %select_n3A_1101, %dma_start3A_1158] : memref<26x16x16384xf32, #tpu.memory_space<hbm>> -> memref<1x1x4096xf32, #tpu.memory_space<hbm>>
    %dma_start3A_1160 = tpu.memref_squeeze %dma_start3A_1159 : memref<1x1x4096xf32, #tpu.memory_space<hbm>> -> memref<4096xf32, #tpu.memory_space<hbm>>
    %dma_start3A_1161 = arith.constant 8192 : i32
    %dma_start3A_1162 = tpu.memref_slice %arg4[%select_n3A_1085, %select_n3A_1101, %dma_start3A_1161] : memref<26x16x16384xf32, #tpu.memory_space<hbm>> -> memref<1x1x4096xf32, #tpu.memory_space<hbm>>
    %dma_start3A_1163 = tpu.memref_squeeze %dma_start3A_1162 : memref<1x1x4096xf32, #tpu.memory_space<hbm>> -> memref<4096xf32, #tpu.memory_space<hbm>>
    tpu.enqueue_dma source(%arg7 : memref<4096xf32, #tpu.memory_space<vmem>>) target(%dma_start3A_1163 : memref<4096xf32, #tpu.memory_space<hbm>>) target_semaphore(%arg10 : memref<!tpu.dma_semaphore, #tpu.memory_space<semaphore_mem>>)
    %dma_wait3A_1164 = arith.constant 4096 : i32
    %dma_wait3A_1165 = tpu.memref_slice %arg4[%select_n3A_1085, %select_n3A_1101, %dma_wait3A_1164] : memref<26x16x16384xf32, #tpu.memory_space<hbm>> -> memref<1x1x4096xf32, #tpu.memory_space<hbm>>
    %dma_wait3A_1166 = tpu.memref_squeeze %dma_wait3A_1165 : memref<1x1x4096xf32, #tpu.memory_space<hbm>> -> memref<4096xf32, #tpu.memory_space<hbm>>
    %dma_wait3A_1167 = arith.constant 4096 : i32
    %dma_wait3A_1168 = tpu.memref_slice %arg4[%select_n3A_1085, %select_n3A_1101, %dma_wait3A_1167] : memref<26x16x16384xf32, #tpu.memory_space<hbm>> -> memref<1x1x4096xf32, #tpu.memory_space<hbm>>
    %dma_wait3A_1169 = tpu.memref_squeeze %dma_wait3A_1168 : memref<1x1x4096xf32, #tpu.memory_space<hbm>> -> memref<4096xf32, #tpu.memory_space<hbm>>
    tpu.wait_dma2 semaphore(%arg11 : memref<!tpu.dma_semaphore, #tpu.memory_space<semaphore_mem>>) src(%arg8 : memref<4096xf32, #tpu.memory_space<vmem>>) dst(%dma_wait3A_1169 : memref<4096xf32, #tpu.memory_space<hbm>>)
    %parallel_loop3A_1170 = arith.constant 0 : i32
    %parallel_loop3A_1171 = arith.constant 256 : i32
    %parallel_loop3A_1172 = arith.constant 1 : i32
    scf.for %parallel_loop3A_1554 = %parallel_loop3A_1170 to %parallel_loop3A_1171 step %parallel_loop3A_1172  : i32 {
      %parallel_loop3A_1555 = arith.constant 16 : i32
      %parallel_loop3A_1556 = arith.muli %parallel_loop3A_1554, %parallel_loop3A_1555 : i32
      %parallel_loop3A_1557 = arith.constant 12288 : i32
      %parallel_loop3A_1558 = arith.addi %parallel_loop3A_1557, %parallel_loop3A_1556 : i32
      %parallel_loop3A_1559 = arith.index_cast %parallel_loop3A_1558 : i32 to index
      %parallel_loop3A_1560 = tpu.vector_load %arg6[%parallel_loop3A_1559] {strides = array<i32>} : memref<16384xi32, #tpu.memory_space<vmem>>, vector<16xi32>,
      %parallel_loop3A_1561 = tpu.vector_load_idx %arg5[%parallel_loop3A_1560] : memref<100001xf32, #tpu.memory_space<vmem>>[vector<16xi32>], vector<16xf32>,
      %parallel_loop3A_1562 = arith.constant 16 : i32
      %parallel_loop3A_1563 = arith.muli %parallel_loop3A_1554, %parallel_loop3A_1562 : i32
      %parallel_loop3A_1564 = arith.index_cast %parallel_loop3A_1563 : i32 to index
      %parallel_loop3A_1565 = tpu.vector_load %arg8[%parallel_loop3A_1564] {strides = array<i32>} : memref<4096xf32, #tpu.memory_space<vmem>>, vector<16xf32>,
      tpu.vector_store %arg8[%parallel_loop3A_1564], %parallel_loop3A_1561 {strides = array<i32>} : memref<4096xf32, #tpu.memory_space<vmem>>, vector<16xf32>,
    } {sc.loop_unroll_factor = 8 : i64, sc.parallel_access}
    %dma_start3A_1173 = arith.constant 12288 : i32
    %dma_start3A_1174 = tpu.memref_slice %arg4[%select_n3A_1085, %select_n3A_1101, %dma_start3A_1173] : memref<26x16x16384xf32, #tpu.memory_space<hbm>> -> memref<1x1x4096xf32, #tpu.memory_space<hbm>>
    %dma_start3A_1175 = tpu.memref_squeeze %dma_start3A_1174 : memref<1x1x4096xf32, #tpu.memory_space<hbm>> -> memref<4096xf32, #tpu.memory_space<hbm>>
    %dma_start3A_1176 = arith.constant 12288 : i32
    %dma_start3A_1177 = tpu.memref_slice %arg4[%select_n3A_1085, %select_n3A_1101, %dma_start3A_1176] : memref<26x16x16384xf32, #tpu.memory_space<hbm>> -> memref<1x1x4096xf32, #tpu.memory_space<hbm>>
    %dma_start3A_1178 = tpu.memref_squeeze %dma_start3A_1177 : memref<1x1x4096xf32, #tpu.memory_space<hbm>> -> memref<4096xf32, #tpu.memory_space<hbm>>
    tpu.enqueue_dma source(%arg8 : memref<4096xf32, #tpu.memory_space<vmem>>) target(%dma_start3A_1178 : memref<4096xf32, #tpu.memory_space<hbm>>) target_semaphore(%arg11 : memref<!tpu.dma_semaphore, #tpu.memory_space<semaphore_mem>>)
    %mul3A_1179 = arith.constant 13 : i32
    %mul3A_1180 = arith.muli %add3A, %mul3A_1179 : i32
    %add3A_1181 = arith.constant 10 : i32
    %add3A_1182 = arith.addi %mul3A_1180, %add3A_1181 : i32
    %jit3A_1183 = arith.constant 16 : i32
    %div3A_1184 = arith.divsi %add3A_1182, %jit3A_1183 : i32
    %sign3A_1185 = arith.constant 0 : i32
    %sign3A_1186 = arith.cmpi sgt, %add3A_1182, %sign3A_1185 : i32
    %sign3A_1187 = arith.extui %sign3A_1186 : i1 to i32
    %sign3A_1188 = arith.constant 0 : i32
    %sign3A_1189 = arith.cmpi slt, %add3A_1182, %sign3A_1188 : i32
    %sign3A_1190 = arith.extui %sign3A_1189 : i1 to i32
    %sign3A_1191 = arith.subi %sign3A_1187, %sign3A_1190 : i32
    %sign3A_1192 = arith.constant 0 : i32
    %sign3A_1193 = arith.cmpi sgt, %jit3A_1183, %sign3A_1192 : i32
    %sign3A_1194 = arith.extui %sign3A_1193 : i1 to i32
    %sign3A_1195 = arith.constant 0 : i32
    %sign3A_1196 = arith.cmpi slt, %jit3A_1183, %sign3A_1195 : i32
    %sign3A_1197 = arith.extui %sign3A_1196 : i1 to i32
    %sign3A_1198 = arith.subi %sign3A_1194, %sign3A_1197 : i32
    %ne3A_1199 = arith.cmpi ne, %sign3A_1191, %sign3A_1198 : i32
    %rem3A_1200 = arith.remsi %add3A_1182, %jit3A_1183 : i32
    %ne3A_1201 = arith.constant 0 : i32
    %ne3A_1202 = arith.cmpi ne, %rem3A_1200, %ne3A_1201 : i32
    %and3A_1203 = arith.andi %ne3A_1199, %ne3A_1202 : i1
    %sub3A_1204 = arith.constant 1 : i32
    %sub3A_1205 = arith.subi %div3A_1184, %sub3A_1204 : i32
    %select_n3A_1206 = arith.select %and3A_1203, %sub3A_1205, %div3A_1184 : i32
    %jit3A_1207 = arith.constant 16 : i32
    %eq3A_1208 = arith.constant 0 : i32
    %eq3A_1209 = arith.cmpi eq, %jit3A_1207, %eq3A_1208 : i32
    %jit3A_1210 = arith.constant 1 : i32
    %select_n3A_1211 = arith.select %eq3A_1209, %jit3A_1210, %jit3A_1207 : i32
    %rem3A_1212 = arith.remsi %add3A_1182, %select_n3A_1211 : i32
    %ne3A_1213 = arith.constant 0 : i32
    %ne3A_1214 = arith.cmpi ne, %rem3A_1212, %ne3A_1213 : i32
    %lt3A_1215 = arith.constant 0 : i32
    %lt3A_1216 = arith.cmpi slt, %rem3A_1212, %lt3A_1215 : i32
    %lt3A_1217 = arith.constant 0 : i32
    %lt3A_1218 = arith.cmpi slt, %select_n3A_1211, %lt3A_1217 : i32
    %ne3A_1219 = arith.xori %lt3A_1216, %lt3A_1218 : i1
    %and3A_1220 = arith.andi %ne3A_1219, %ne3A_1214 : i1
    %add3A_1221 = arith.addi %rem3A_1212, %select_n3A_1211 : i32
    %select_n3A_1222 = arith.select %and3A_1220, %add3A_1221, %rem3A_1212 : i32
    %dma_start3A_1223 = arith.constant 0 : i32
    %dma_start3A_1224 = tpu.memref_slice %arg3[%select_n3A_1206, %select_n3A_1222, %dma_start3A_1223] : memref<26x16x100001xf32, #tpu.memory_space<hbm>> -> memref<1x1x100001xf32, #tpu.memory_space<hbm>>
    %dma_start3A_1225 = tpu.memref_squeeze %dma_start3A_1224 : memref<1x1x100001xf32, #tpu.memory_space<hbm>> -> memref<100001xf32, #tpu.memory_space<hbm>>
    %dma_start3A_1226 = arith.constant 0 : i32
    %dma_start3A_1227 = tpu.memref_slice %arg3[%select_n3A_1206, %select_n3A_1222, %dma_start3A_1226] : memref<26x16x100001xf32, #tpu.memory_space<hbm>> -> memref<1x1x100001xf32, #tpu.memory_space<hbm>>
    %dma_start3A_1228 = tpu.memref_squeeze %dma_start3A_1227 : memref<1x1x100001xf32, #tpu.memory_space<hbm>> -> memref<100001xf32, #tpu.memory_space<hbm>>
    tpu.enqueue_dma source(%dma_start3A_1228 : memref<100001xf32, #tpu.memory_space<hbm>>) target(%arg5 : memref<100001xf32, #tpu.memory_space<vmem>>) target_semaphore(%arg9 : memref<!tpu.dma_semaphore, #tpu.memory_space<semaphore_mem>>)
    %eq3A_1229 = arith.constant 0 : i32
    %eq3A_1230 = arith.cmpi eq, %select_n3A_1222, %eq3A_1229 : i32
    %convert_element_type3A_1231 = arith.extui %eq3A_1230 : i1 to i32
    %cond3A_1232 = arith.constant 0 : i32
    %cond3A_1233 = arith.cmpi ne, %convert_element_type3A_1231, %cond3A_1232 : i32
    scf.if %cond3A_1233 {
      "tpu.region"() ({
        %run_scoped3A = tpu.sem_alloc : memref<!tpu.dma_semaphore, #tpu.memory_space<semaphore_mem>>
        %dma_start3A_1554 = arith.constant 0 : i32
        %dma_start3A_1555 = tpu.memref_slice %arg2[%select_n3A_1206, %dma_start3A_1554] : memref<26x16384xi32, #tpu.memory_space<hbm>> -> memref<1x16384xi32, #tpu.memory_space<hbm>>
        %dma_start3A_1556 = tpu.memref_squeeze %dma_start3A_1555 : memref<1x16384xi32, #tpu.memory_space<hbm>> -> memref<16384xi32, #tpu.memory_space<hbm>>
        %dma_start3A_1557 = arith.constant 0 : i32
        %dma_start3A_1558 = tpu.memref_slice %arg2[%select_n3A_1206, %dma_start3A_1557] : memref<26x16384xi32, #tpu.memory_space<hbm>> -> memref<1x16384xi32, #tpu.memory_space<hbm>>
        %dma_start3A_1559 = tpu.memref_squeeze %dma_start3A_1558 : memref<1x16384xi32, #tpu.memory_space<hbm>> -> memref<16384xi32, #tpu.memory_space<hbm>>
        tpu.enqueue_dma source(%dma_start3A_1559 : memref<16384xi32, #tpu.memory_space<hbm>>) target(%arg6 : memref<16384xi32, #tpu.memory_space<vmem>>) target_semaphore(%run_scoped3A : memref<!tpu.dma_semaphore, #tpu.memory_space<semaphore_mem>>)
        %dma_wait3A_1560 = arith.constant 0 : i32
        %dma_wait3A_1561 = tpu.memref_slice %arg2[%select_n3A_1206, %dma_wait3A_1560] : memref<26x16384xi32, #tpu.memory_space<hbm>> -> memref<1x16384xi32, #tpu.memory_space<hbm>>
        %dma_wait3A_1562 = tpu.memref_squeeze %dma_wait3A_1561 : memref<1x16384xi32, #tpu.memory_space<hbm>> -> memref<16384xi32, #tpu.memory_space<hbm>>
        %dma_wait3A_1563 = arith.constant 0 : i32
        %dma_wait3A_1564 = tpu.memref_slice %arg2[%select_n3A_1206, %dma_wait3A_1563] : memref<26x16384xi32, #tpu.memory_space<hbm>> -> memref<1x16384xi32, #tpu.memory_space<hbm>>
        %dma_wait3A_1565 = tpu.memref_squeeze %dma_wait3A_1564 : memref<1x16384xi32, #tpu.memory_space<hbm>> -> memref<16384xi32, #tpu.memory_space<hbm>>
        tpu.wait_dma2 semaphore(%run_scoped3A : memref<!tpu.dma_semaphore, #tpu.memory_space<semaphore_mem>>) src(%dma_wait3A_1565 : memref<16384xi32, #tpu.memory_space<hbm>>) dst(%arg6 : memref<16384xi32, #tpu.memory_space<vmem>>)
        tpu.yield
      }) : () -> ()
    } else {
    }
    %dma_wait3A_1234 = arith.constant 0 : i32
    %dma_wait3A_1235 = tpu.memref_slice %arg3[%select_n3A_1206, %select_n3A_1222, %dma_wait3A_1234] : memref<26x16x100001xf32, #tpu.memory_space<hbm>> -> memref<1x1x100001xf32, #tpu.memory_space<hbm>>
    %dma_wait3A_1236 = tpu.memref_squeeze %dma_wait3A_1235 : memref<1x1x100001xf32, #tpu.memory_space<hbm>> -> memref<100001xf32, #tpu.memory_space<hbm>>
    %dma_wait3A_1237 = arith.constant 0 : i32
    %dma_wait3A_1238 = tpu.memref_slice %arg3[%select_n3A_1206, %select_n3A_1222, %dma_wait3A_1237] : memref<26x16x100001xf32, #tpu.memory_space<hbm>> -> memref<1x1x100001xf32, #tpu.memory_space<hbm>>
    %dma_wait3A_1239 = tpu.memref_squeeze %dma_wait3A_1238 : memref<1x1x100001xf32, #tpu.memory_space<hbm>> -> memref<100001xf32, #tpu.memory_space<hbm>>
    tpu.wait_dma2 semaphore(%arg9 : memref<!tpu.dma_semaphore, #tpu.memory_space<semaphore_mem>>) src(%dma_wait3A_1239 : memref<100001xf32, #tpu.memory_space<hbm>>) dst(%arg5 : memref<100001xf32, #tpu.memory_space<vmem>>)
    %dma_wait3A_1240 = arith.constant 8192 : i32
    %dma_wait3A_1241 = tpu.memref_slice %arg4[%select_n3A_1085, %select_n3A_1101, %dma_wait3A_1240] : memref<26x16x16384xf32, #tpu.memory_space<hbm>> -> memref<1x1x4096xf32, #tpu.memory_space<hbm>>
    %dma_wait3A_1242 = tpu.memref_squeeze %dma_wait3A_1241 : memref<1x1x4096xf32, #tpu.memory_space<hbm>> -> memref<4096xf32, #tpu.memory_space<hbm>>
    %dma_wait3A_1243 = arith.constant 8192 : i32
    %dma_wait3A_1244 = tpu.memref_slice %arg4[%select_n3A_1085, %select_n3A_1101, %dma_wait3A_1243] : memref<26x16x16384xf32, #tpu.memory_space<hbm>> -> memref<1x1x4096xf32, #tpu.memory_space<hbm>>
    %dma_wait3A_1245 = tpu.memref_squeeze %dma_wait3A_1244 : memref<1x1x4096xf32, #tpu.memory_space<hbm>> -> memref<4096xf32, #tpu.memory_space<hbm>>
    tpu.wait_dma2 semaphore(%arg10 : memref<!tpu.dma_semaphore, #tpu.memory_space<semaphore_mem>>) src(%arg7 : memref<4096xf32, #tpu.memory_space<vmem>>) dst(%dma_wait3A_1245 : memref<4096xf32, #tpu.memory_space<hbm>>)
    %parallel_loop3A_1246 = arith.constant 0 : i32
    %parallel_loop3A_1247 = arith.constant 256 : i32
    %parallel_loop3A_1248 = arith.constant 1 : i32
    scf.for %parallel_loop3A_1554 = %parallel_loop3A_1246 to %parallel_loop3A_1247 step %parallel_loop3A_1248  : i32 {
      %parallel_loop3A_1555 = arith.constant 16 : i32
      %parallel_loop3A_1556 = arith.muli %parallel_loop3A_1554, %parallel_loop3A_1555 : i32
      %parallel_loop3A_1557 = arith.constant 0 : i32
      %parallel_loop3A_1558 = arith.addi %parallel_loop3A_1557, %parallel_loop3A_1556 : i32
      %parallel_loop3A_1559 = arith.index_cast %parallel_loop3A_1558 : i32 to index
      %parallel_loop3A_1560 = tpu.vector_load %arg6[%parallel_loop3A_1559] {strides = array<i32>} : memref<16384xi32, #tpu.memory_space<vmem>>, vector<16xi32>,
      %parallel_loop3A_1561 = tpu.vector_load_idx %arg5[%parallel_loop3A_1560] : memref<100001xf32, #tpu.memory_space<vmem>>[vector<16xi32>], vector<16xf32>,
      %parallel_loop3A_1562 = arith.constant 16 : i32
      %parallel_loop3A_1563 = arith.muli %parallel_loop3A_1554, %parallel_loop3A_1562 : i32
      %parallel_loop3A_1564 = arith.index_cast %parallel_loop3A_1563 : i32 to index
      %parallel_loop3A_1565 = tpu.vector_load %arg7[%parallel_loop3A_1564] {strides = array<i32>} : memref<4096xf32, #tpu.memory_space<vmem>>, vector<16xf32>,
      tpu.vector_store %arg7[%parallel_loop3A_1564], %parallel_loop3A_1561 {strides = array<i32>} : memref<4096xf32, #tpu.memory_space<vmem>>, vector<16xf32>,
    } {sc.loop_unroll_factor = 8 : i64, sc.parallel_access}
    %dma_start3A_1249 = arith.constant 0 : i32
    %dma_start3A_1250 = tpu.memref_slice %arg4[%select_n3A_1206, %select_n3A_1222, %dma_start3A_1249] : memref<26x16x16384xf32, #tpu.memory_space<hbm>> -> memref<1x1x4096xf32, #tpu.memory_space<hbm>>
    %dma_start3A_1251 = tpu.memref_squeeze %dma_start3A_1250 : memref<1x1x4096xf32, #tpu.memory_space<hbm>> -> memref<4096xf32, #tpu.memory_space<hbm>>
    %dma_start3A_1252 = arith.constant 0 : i32
    %dma_start3A_1253 = tpu.memref_slice %arg4[%select_n3A_1206, %select_n3A_1222, %dma_start3A_1252] : memref<26x16x16384xf32, #tpu.memory_space<hbm>> -> memref<1x1x4096xf32, #tpu.memory_space<hbm>>
    %dma_start3A_1254 = tpu.memref_squeeze %dma_start3A_1253 : memref<1x1x4096xf32, #tpu.memory_space<hbm>> -> memref<4096xf32, #tpu.memory_space<hbm>>
    tpu.enqueue_dma source(%arg7 : memref<4096xf32, #tpu.memory_space<vmem>>) target(%dma_start3A_1254 : memref<4096xf32, #tpu.memory_space<hbm>>) target_semaphore(%arg10 : memref<!tpu.dma_semaphore, #tpu.memory_space<semaphore_mem>>)
    %dma_wait3A_1255 = arith.constant 12288 : i32
    %dma_wait3A_1256 = tpu.memref_slice %arg4[%select_n3A_1085, %select_n3A_1101, %dma_wait3A_1255] : memref<26x16x16384xf32, #tpu.memory_space<hbm>> -> memref<1x1x4096xf32, #tpu.memory_space<hbm>>
    %dma_wait3A_1257 = tpu.memref_squeeze %dma_wait3A_1256 : memref<1x1x4096xf32, #tpu.memory_space<hbm>> -> memref<4096xf32, #tpu.memory_space<hbm>>
    %dma_wait3A_1258 = arith.constant 12288 : i32
    %dma_wait3A_1259 = tpu.memref_slice %arg4[%select_n3A_1085, %select_n3A_1101, %dma_wait3A_1258] : memref<26x16x16384xf32, #tpu.memory_space<hbm>> -> memref<1x1x4096xf32, #tpu.memory_space<hbm>>
    %dma_wait3A_1260 = tpu.memref_squeeze %dma_wait3A_1259 : memref<1x1x4096xf32, #tpu.memory_space<hbm>> -> memref<4096xf32, #tpu.memory_space<hbm>>
    tpu.wait_dma2 semaphore(%arg11 : memref<!tpu.dma_semaphore, #tpu.memory_space<semaphore_mem>>) src(%arg8 : memref<4096xf32, #tpu.memory_space<vmem>>) dst(%dma_wait3A_1260 : memref<4096xf32, #tpu.memory_space<hbm>>)
    %parallel_loop3A_1261 = arith.constant 0 : i32
    %parallel_loop3A_1262 = arith.constant 256 : i32
    %parallel_loop3A_1263 = arith.constant 1 : i32
    scf.for %parallel_loop3A_1554 = %parallel_loop3A_1261 to %parallel_loop3A_1262 step %parallel_loop3A_1263  : i32 {
      %parallel_loop3A_1555 = arith.constant 16 : i32
      %parallel_loop3A_1556 = arith.muli %parallel_loop3A_1554, %parallel_loop3A_1555 : i32
      %parallel_loop3A_1557 = arith.constant 4096 : i32
      %parallel_loop3A_1558 = arith.addi %parallel_loop3A_1557, %parallel_loop3A_1556 : i32
      %parallel_loop3A_1559 = arith.index_cast %parallel_loop3A_1558 : i32 to index
      %parallel_loop3A_1560 = tpu.vector_load %arg6[%parallel_loop3A_1559] {strides = array<i32>} : memref<16384xi32, #tpu.memory_space<vmem>>, vector<16xi32>,
      %parallel_loop3A_1561 = tpu.vector_load_idx %arg5[%parallel_loop3A_1560] : memref<100001xf32, #tpu.memory_space<vmem>>[vector<16xi32>], vector<16xf32>,
      %parallel_loop3A_1562 = arith.constant 16 : i32
      %parallel_loop3A_1563 = arith.muli %parallel_loop3A_1554, %parallel_loop3A_1562 : i32
      %parallel_loop3A_1564 = arith.index_cast %parallel_loop3A_1563 : i32 to index
      %parallel_loop3A_1565 = tpu.vector_load %arg8[%parallel_loop3A_1564] {strides = array<i32>} : memref<4096xf32, #tpu.memory_space<vmem>>, vector<16xf32>,
      tpu.vector_store %arg8[%parallel_loop3A_1564], %parallel_loop3A_1561 {strides = array<i32>} : memref<4096xf32, #tpu.memory_space<vmem>>, vector<16xf32>,
    } {sc.loop_unroll_factor = 8 : i64, sc.parallel_access}
    %dma_start3A_1264 = arith.constant 4096 : i32
    %dma_start3A_1265 = tpu.memref_slice %arg4[%select_n3A_1206, %select_n3A_1222, %dma_start3A_1264] : memref<26x16x16384xf32, #tpu.memory_space<hbm>> -> memref<1x1x4096xf32, #tpu.memory_space<hbm>>
    %dma_start3A_1266 = tpu.memref_squeeze %dma_start3A_1265 : memref<1x1x4096xf32, #tpu.memory_space<hbm>> -> memref<4096xf32, #tpu.memory_space<hbm>>
    %dma_start3A_1267 = arith.constant 4096 : i32
    %dma_start3A_1268 = tpu.memref_slice %arg4[%select_n3A_1206, %select_n3A_1222, %dma_start3A_1267] : memref<26x16x16384xf32, #tpu.memory_space<hbm>> -> memref<1x1x4096xf32, #tpu.memory_space<hbm>>
    %dma_start3A_1269 = tpu.memref_squeeze %dma_start3A_1268 : memref<1x1x4096xf32, #tpu.memory_space<hbm>> -> memref<4096xf32, #tpu.memory_space<hbm>>
    tpu.enqueue_dma source(%arg8 : memref<4096xf32, #tpu.memory_space<vmem>>) target(%dma_start3A_1269 : memref<4096xf32, #tpu.memory_space<hbm>>) target_semaphore(%arg11 : memref<!tpu.dma_semaphore, #tpu.memory_space<semaphore_mem>>)
    %dma_wait3A_1270 = arith.constant 0 : i32
    %dma_wait3A_1271 = tpu.memref_slice %arg4[%select_n3A_1206, %select_n3A_1222, %dma_wait3A_1270] : memref<26x16x16384xf32, #tpu.memory_space<hbm>> -> memref<1x1x4096xf32, #tpu.memory_space<hbm>>
    %dma_wait3A_1272 = tpu.memref_squeeze %dma_wait3A_1271 : memref<1x1x4096xf32, #tpu.memory_space<hbm>> -> memref<4096xf32, #tpu.memory_space<hbm>>
    %dma_wait3A_1273 = arith.constant 0 : i32
    %dma_wait3A_1274 = tpu.memref_slice %arg4[%select_n3A_1206, %select_n3A_1222, %dma_wait3A_1273] : memref<26x16x16384xf32, #tpu.memory_space<hbm>> -> memref<1x1x4096xf32, #tpu.memory_space<hbm>>
    %dma_wait3A_1275 = tpu.memref_squeeze %dma_wait3A_1274 : memref<1x1x4096xf32, #tpu.memory_space<hbm>> -> memref<4096xf32, #tpu.memory_space<hbm>>
    tpu.wait_dma2 semaphore(%arg10 : memref<!tpu.dma_semaphore, #tpu.memory_space<semaphore_mem>>) src(%arg7 : memref<4096xf32, #tpu.memory_space<vmem>>) dst(%dma_wait3A_1275 : memref<4096xf32, #tpu.memory_space<hbm>>)
    %parallel_loop3A_1276 = arith.constant 0 : i32
    %parallel_loop3A_1277 = arith.constant 256 : i32
    %parallel_loop3A_1278 = arith.constant 1 : i32
    scf.for %parallel_loop3A_1554 = %parallel_loop3A_1276 to %parallel_loop3A_1277 step %parallel_loop3A_1278  : i32 {
      %parallel_loop3A_1555 = arith.constant 16 : i32
      %parallel_loop3A_1556 = arith.muli %parallel_loop3A_1554, %parallel_loop3A_1555 : i32
      %parallel_loop3A_1557 = arith.constant 8192 : i32
      %parallel_loop3A_1558 = arith.addi %parallel_loop3A_1557, %parallel_loop3A_1556 : i32
      %parallel_loop3A_1559 = arith.index_cast %parallel_loop3A_1558 : i32 to index
      %parallel_loop3A_1560 = tpu.vector_load %arg6[%parallel_loop3A_1559] {strides = array<i32>} : memref<16384xi32, #tpu.memory_space<vmem>>, vector<16xi32>,
      %parallel_loop3A_1561 = tpu.vector_load_idx %arg5[%parallel_loop3A_1560] : memref<100001xf32, #tpu.memory_space<vmem>>[vector<16xi32>], vector<16xf32>,
      %parallel_loop3A_1562 = arith.constant 16 : i32
      %parallel_loop3A_1563 = arith.muli %parallel_loop3A_1554, %parallel_loop3A_1562 : i32
      %parallel_loop3A_1564 = arith.index_cast %parallel_loop3A_1563 : i32 to index
      %parallel_loop3A_1565 = tpu.vector_load %arg7[%parallel_loop3A_1564] {strides = array<i32>} : memref<4096xf32, #tpu.memory_space<vmem>>, vector<16xf32>,
      tpu.vector_store %arg7[%parallel_loop3A_1564], %parallel_loop3A_1561 {strides = array<i32>} : memref<4096xf32, #tpu.memory_space<vmem>>, vector<16xf32>,
    } {sc.loop_unroll_factor = 8 : i64, sc.parallel_access}
    %dma_start3A_1279 = arith.constant 8192 : i32
    %dma_start3A_1280 = tpu.memref_slice %arg4[%select_n3A_1206, %select_n3A_1222, %dma_start3A_1279] : memref<26x16x16384xf32, #tpu.memory_space<hbm>> -> memref<1x1x4096xf32, #tpu.memory_space<hbm>>
    %dma_start3A_1281 = tpu.memref_squeeze %dma_start3A_1280 : memref<1x1x4096xf32, #tpu.memory_space<hbm>> -> memref<4096xf32, #tpu.memory_space<hbm>>
    %dma_start3A_1282 = arith.constant 8192 : i32
    %dma_start3A_1283 = tpu.memref_slice %arg4[%select_n3A_1206, %select_n3A_1222, %dma_start3A_1282] : memref<26x16x16384xf32, #tpu.memory_space<hbm>> -> memref<1x1x4096xf32, #tpu.memory_space<hbm>>
    %dma_start3A_1284 = tpu.memref_squeeze %dma_start3A_1283 : memref<1x1x4096xf32, #tpu.memory_space<hbm>> -> memref<4096xf32, #tpu.memory_space<hbm>>
    tpu.enqueue_dma source(%arg7 : memref<4096xf32, #tpu.memory_space<vmem>>) target(%dma_start3A_1284 : memref<4096xf32, #tpu.memory_space<hbm>>) target_semaphore(%arg10 : memref<!tpu.dma_semaphore, #tpu.memory_space<semaphore_mem>>)
    %dma_wait3A_1285 = arith.constant 4096 : i32
    %dma_wait3A_1286 = tpu.memref_slice %arg4[%select_n3A_1206, %select_n3A_1222, %dma_wait3A_1285] : memref<26x16x16384xf32, #tpu.memory_space<hbm>> -> memref<1x1x4096xf32, #tpu.memory_space<hbm>>
    %dma_wait3A_1287 = tpu.memref_squeeze %dma_wait3A_1286 : memref<1x1x4096xf32, #tpu.memory_space<hbm>> -> memref<4096xf32, #tpu.memory_space<hbm>>
    %dma_wait3A_1288 = arith.constant 4096 : i32
    %dma_wait3A_1289 = tpu.memref_slice %arg4[%select_n3A_1206, %select_n3A_1222, %dma_wait3A_1288] : memref<26x16x16384xf32, #tpu.memory_space<hbm>> -> memref<1x1x4096xf32, #tpu.memory_space<hbm>>
    %dma_wait3A_1290 = tpu.memref_squeeze %dma_wait3A_1289 : memref<1x1x4096xf32, #tpu.memory_space<hbm>> -> memref<4096xf32, #tpu.memory_space<hbm>>
    tpu.wait_dma2 semaphore(%arg11 : memref<!tpu.dma_semaphore, #tpu.memory_space<semaphore_mem>>) src(%arg8 : memref<4096xf32, #tpu.memory_space<vmem>>) dst(%dma_wait3A_1290 : memref<4096xf32, #tpu.memory_space<hbm>>)
    %parallel_loop3A_1291 = arith.constant 0 : i32
    %parallel_loop3A_1292 = arith.constant 256 : i32
    %parallel_loop3A_1293 = arith.constant 1 : i32
    scf.for %parallel_loop3A_1554 = %parallel_loop3A_1291 to %parallel_loop3A_1292 step %parallel_loop3A_1293  : i32 {
      %parallel_loop3A_1555 = arith.constant 16 : i32
      %parallel_loop3A_1556 = arith.muli %parallel_loop3A_1554, %parallel_loop3A_1555 : i32
      %parallel_loop3A_1557 = arith.constant 12288 : i32
      %parallel_loop3A_1558 = arith.addi %parallel_loop3A_1557, %parallel_loop3A_1556 : i32
      %parallel_loop3A_1559 = arith.index_cast %parallel_loop3A_1558 : i32 to index
      %parallel_loop3A_1560 = tpu.vector_load %arg6[%parallel_loop3A_1559] {strides = array<i32>} : memref<16384xi32, #tpu.memory_space<vmem>>, vector<16xi32>,
      %parallel_loop3A_1561 = tpu.vector_load_idx %arg5[%parallel_loop3A_1560] : memref<100001xf32, #tpu.memory_space<vmem>>[vector<16xi32>], vector<16xf32>,
      %parallel_loop3A_1562 = arith.constant 16 : i32
      %parallel_loop3A_1563 = arith.muli %parallel_loop3A_1554, %parallel_loop3A_1562 : i32
      %parallel_loop3A_1564 = arith.index_cast %parallel_loop3A_1563 : i32 to index
      %parallel_loop3A_1565 = tpu.vector_load %arg8[%parallel_loop3A_1564] {strides = array<i32>} : memref<4096xf32, #tpu.memory_space<vmem>>, vector<16xf32>,
      tpu.vector_store %arg8[%parallel_loop3A_1564], %parallel_loop3A_1561 {strides = array<i32>} : memref<4096xf32, #tpu.memory_space<vmem>>, vector<16xf32>,
    } {sc.loop_unroll_factor = 8 : i64, sc.parallel_access}
    %dma_start3A_1294 = arith.constant 12288 : i32
    %dma_start3A_1295 = tpu.memref_slice %arg4[%select_n3A_1206, %select_n3A_1222, %dma_start3A_1294] : memref<26x16x16384xf32, #tpu.memory_space<hbm>> -> memref<1x1x4096xf32, #tpu.memory_space<hbm>>
    %dma_start3A_1296 = tpu.memref_squeeze %dma_start3A_1295 : memref<1x1x4096xf32, #tpu.memory_space<hbm>> -> memref<4096xf32, #tpu.memory_space<hbm>>
    %dma_start3A_1297 = arith.constant 12288 : i32
    %dma_start3A_1298 = tpu.memref_slice %arg4[%select_n3A_1206, %select_n3A_1222, %dma_start3A_1297] : memref<26x16x16384xf32, #tpu.memory_space<hbm>> -> memref<1x1x4096xf32, #tpu.memory_space<hbm>>
    %dma_start3A_1299 = tpu.memref_squeeze %dma_start3A_1298 : memref<1x1x4096xf32, #tpu.memory_space<hbm>> -> memref<4096xf32, #tpu.memory_space<hbm>>
    tpu.enqueue_dma source(%arg8 : memref<4096xf32, #tpu.memory_space<vmem>>) target(%dma_start3A_1299 : memref<4096xf32, #tpu.memory_space<hbm>>) target_semaphore(%arg11 : memref<!tpu.dma_semaphore, #tpu.memory_space<semaphore_mem>>)
    %mul3A_1300 = arith.constant 13 : i32
    %mul3A_1301 = arith.muli %add3A, %mul3A_1300 : i32
    %add3A_1302 = arith.constant 11 : i32
    %add3A_1303 = arith.addi %mul3A_1301, %add3A_1302 : i32
    %jit3A_1304 = arith.constant 16 : i32
    %div3A_1305 = arith.divsi %add3A_1303, %jit3A_1304 : i32
    %sign3A_1306 = arith.constant 0 : i32
    %sign3A_1307 = arith.cmpi sgt, %add3A_1303, %sign3A_1306 : i32
    %sign3A_1308 = arith.extui %sign3A_1307 : i1 to i32
    %sign3A_1309 = arith.constant 0 : i32
    %sign3A_1310 = arith.cmpi slt, %add3A_1303, %sign3A_1309 : i32
    %sign3A_1311 = arith.extui %sign3A_1310 : i1 to i32
    %sign3A_1312 = arith.subi %sign3A_1308, %sign3A_1311 : i32
    %sign3A_1313 = arith.constant 0 : i32
    %sign3A_1314 = arith.cmpi sgt, %jit3A_1304, %sign3A_1313 : i32
    %sign3A_1315 = arith.extui %sign3A_1314 : i1 to i32
    %sign3A_1316 = arith.constant 0 : i32
    %sign3A_1317 = arith.cmpi slt, %jit3A_1304, %sign3A_1316 : i32
    %sign3A_1318 = arith.extui %sign3A_1317 : i1 to i32
    %sign3A_1319 = arith.subi %sign3A_1315, %sign3A_1318 : i32
    %ne3A_1320 = arith.cmpi ne, %sign3A_1312, %sign3A_1319 : i32
    %rem3A_1321 = arith.remsi %add3A_1303, %jit3A_1304 : i32
    %ne3A_1322 = arith.constant 0 : i32
    %ne3A_1323 = arith.cmpi ne, %rem3A_1321, %ne3A_1322 : i32
    %and3A_1324 = arith.andi %ne3A_1320, %ne3A_1323 : i1
    %sub3A_1325 = arith.constant 1 : i32
    %sub3A_1326 = arith.subi %div3A_1305, %sub3A_1325 : i32
    %select_n3A_1327 = arith.select %and3A_1324, %sub3A_1326, %div3A_1305 : i32
    %jit3A_1328 = arith.constant 16 : i32
    %eq3A_1329 = arith.constant 0 : i32
    %eq3A_1330 = arith.cmpi eq, %jit3A_1328, %eq3A_1329 : i32
    %jit3A_1331 = arith.constant 1 : i32
    %select_n3A_1332 = arith.select %eq3A_1330, %jit3A_1331, %jit3A_1328 : i32
    %rem3A_1333 = arith.remsi %add3A_1303, %select_n3A_1332 : i32
    %ne3A_1334 = arith.constant 0 : i32
    %ne3A_1335 = arith.cmpi ne, %rem3A_1333, %ne3A_1334 : i32
    %lt3A_1336 = arith.constant 0 : i32
    %lt3A_1337 = arith.cmpi slt, %rem3A_1333, %lt3A_1336 : i32
    %lt3A_1338 = arith.constant 0 : i32
    %lt3A_1339 = arith.cmpi slt, %select_n3A_1332, %lt3A_1338 : i32
    %ne3A_1340 = arith.xori %lt3A_1337, %lt3A_1339 : i1
    %and3A_1341 = arith.andi %ne3A_1340, %ne3A_1335 : i1
    %add3A_1342 = arith.addi %rem3A_1333, %select_n3A_1332 : i32
    %select_n3A_1343 = arith.select %and3A_1341, %add3A_1342, %rem3A_1333 : i32
    %dma_start3A_1344 = arith.constant 0 : i32
    %dma_start3A_1345 = tpu.memref_slice %arg3[%select_n3A_1327, %select_n3A_1343, %dma_start3A_1344] : memref<26x16x100001xf32, #tpu.memory_space<hbm>> -> memref<1x1x100001xf32, #tpu.memory_space<hbm>>
    %dma_start3A_1346 = tpu.memref_squeeze %dma_start3A_1345 : memref<1x1x100001xf32, #tpu.memory_space<hbm>> -> memref<100001xf32, #tpu.memory_space<hbm>>
    %dma_start3A_1347 = arith.constant 0 : i32
    %dma_start3A_1348 = tpu.memref_slice %arg3[%select_n3A_1327, %select_n3A_1343, %dma_start3A_1347] : memref<26x16x100001xf32, #tpu.memory_space<hbm>> -> memref<1x1x100001xf32, #tpu.memory_space<hbm>>
    %dma_start3A_1349 = tpu.memref_squeeze %dma_start3A_1348 : memref<1x1x100001xf32, #tpu.memory_space<hbm>> -> memref<100001xf32, #tpu.memory_space<hbm>>
    tpu.enqueue_dma source(%dma_start3A_1349 : memref<100001xf32, #tpu.memory_space<hbm>>) target(%arg5 : memref<100001xf32, #tpu.memory_space<vmem>>) target_semaphore(%arg9 : memref<!tpu.dma_semaphore, #tpu.memory_space<semaphore_mem>>)
    %eq3A_1350 = arith.constant 0 : i32
    %eq3A_1351 = arith.cmpi eq, %select_n3A_1343, %eq3A_1350 : i32
    %convert_element_type3A_1352 = arith.extui %eq3A_1351 : i1 to i32
    %cond3A_1353 = arith.constant 0 : i32
    %cond3A_1354 = arith.cmpi ne, %convert_element_type3A_1352, %cond3A_1353 : i32
    scf.if %cond3A_1354 {
      "tpu.region"() ({
        %run_scoped3A = tpu.sem_alloc : memref<!tpu.dma_semaphore, #tpu.memory_space<semaphore_mem>>
        %dma_start3A_1554 = arith.constant 0 : i32
        %dma_start3A_1555 = tpu.memref_slice %arg2[%select_n3A_1327, %dma_start3A_1554] : memref<26x16384xi32, #tpu.memory_space<hbm>> -> memref<1x16384xi32, #tpu.memory_space<hbm>>
        %dma_start3A_1556 = tpu.memref_squeeze %dma_start3A_1555 : memref<1x16384xi32, #tpu.memory_space<hbm>> -> memref<16384xi32, #tpu.memory_space<hbm>>
        %dma_start3A_1557 = arith.constant 0 : i32
        %dma_start3A_1558 = tpu.memref_slice %arg2[%select_n3A_1327, %dma_start3A_1557] : memref<26x16384xi32, #tpu.memory_space<hbm>> -> memref<1x16384xi32, #tpu.memory_space<hbm>>
        %dma_start3A_1559 = tpu.memref_squeeze %dma_start3A_1558 : memref<1x16384xi32, #tpu.memory_space<hbm>> -> memref<16384xi32, #tpu.memory_space<hbm>>
        tpu.enqueue_dma source(%dma_start3A_1559 : memref<16384xi32, #tpu.memory_space<hbm>>) target(%arg6 : memref<16384xi32, #tpu.memory_space<vmem>>) target_semaphore(%run_scoped3A : memref<!tpu.dma_semaphore, #tpu.memory_space<semaphore_mem>>)
        %dma_wait3A_1560 = arith.constant 0 : i32
        %dma_wait3A_1561 = tpu.memref_slice %arg2[%select_n3A_1327, %dma_wait3A_1560] : memref<26x16384xi32, #tpu.memory_space<hbm>> -> memref<1x16384xi32, #tpu.memory_space<hbm>>
        %dma_wait3A_1562 = tpu.memref_squeeze %dma_wait3A_1561 : memref<1x16384xi32, #tpu.memory_space<hbm>> -> memref<16384xi32, #tpu.memory_space<hbm>>
        %dma_wait3A_1563 = arith.constant 0 : i32
        %dma_wait3A_1564 = tpu.memref_slice %arg2[%select_n3A_1327, %dma_wait3A_1563] : memref<26x16384xi32, #tpu.memory_space<hbm>> -> memref<1x16384xi32, #tpu.memory_space<hbm>>
        %dma_wait3A_1565 = tpu.memref_squeeze %dma_wait3A_1564 : memref<1x16384xi32, #tpu.memory_space<hbm>> -> memref<16384xi32, #tpu.memory_space<hbm>>
        tpu.wait_dma2 semaphore(%run_scoped3A : memref<!tpu.dma_semaphore, #tpu.memory_space<semaphore_mem>>) src(%dma_wait3A_1565 : memref<16384xi32, #tpu.memory_space<hbm>>) dst(%arg6 : memref<16384xi32, #tpu.memory_space<vmem>>)
        tpu.yield
      }) : () -> ()
    } else {
    }
    %dma_wait3A_1355 = arith.constant 0 : i32
    %dma_wait3A_1356 = tpu.memref_slice %arg3[%select_n3A_1327, %select_n3A_1343, %dma_wait3A_1355] : memref<26x16x100001xf32, #tpu.memory_space<hbm>> -> memref<1x1x100001xf32, #tpu.memory_space<hbm>>
    %dma_wait3A_1357 = tpu.memref_squeeze %dma_wait3A_1356 : memref<1x1x100001xf32, #tpu.memory_space<hbm>> -> memref<100001xf32, #tpu.memory_space<hbm>>
    %dma_wait3A_1358 = arith.constant 0 : i32
    %dma_wait3A_1359 = tpu.memref_slice %arg3[%select_n3A_1327, %select_n3A_1343, %dma_wait3A_1358] : memref<26x16x100001xf32, #tpu.memory_space<hbm>> -> memref<1x1x100001xf32, #tpu.memory_space<hbm>>
    %dma_wait3A_1360 = tpu.memref_squeeze %dma_wait3A_1359 : memref<1x1x100001xf32, #tpu.memory_space<hbm>> -> memref<100001xf32, #tpu.memory_space<hbm>>
    tpu.wait_dma2 semaphore(%arg9 : memref<!tpu.dma_semaphore, #tpu.memory_space<semaphore_mem>>) src(%dma_wait3A_1360 : memref<100001xf32, #tpu.memory_space<hbm>>) dst(%arg5 : memref<100001xf32, #tpu.memory_space<vmem>>)
    %dma_wait3A_1361 = arith.constant 8192 : i32
    %dma_wait3A_1362 = tpu.memref_slice %arg4[%select_n3A_1206, %select_n3A_1222, %dma_wait3A_1361] : memref<26x16x16384xf32, #tpu.memory_space<hbm>> -> memref<1x1x4096xf32, #tpu.memory_space<hbm>>
    %dma_wait3A_1363 = tpu.memref_squeeze %dma_wait3A_1362 : memref<1x1x4096xf32, #tpu.memory_space<hbm>> -> memref<4096xf32, #tpu.memory_space<hbm>>
    %dma_wait3A_1364 = arith.constant 8192 : i32
    %dma_wait3A_1365 = tpu.memref_slice %arg4[%select_n3A_1206, %select_n3A_1222, %dma_wait3A_1364] : memref<26x16x16384xf32, #tpu.memory_space<hbm>> -> memref<1x1x4096xf32, #tpu.memory_space<hbm>>
    %dma_wait3A_1366 = tpu.memref_squeeze %dma_wait3A_1365 : memref<1x1x4096xf32, #tpu.memory_space<hbm>> -> memref<4096xf32, #tpu.memory_space<hbm>>
    tpu.wait_dma2 semaphore(%arg10 : memref<!tpu.dma_semaphore, #tpu.memory_space<semaphore_mem>>) src(%arg7 : memref<4096xf32, #tpu.memory_space<vmem>>) dst(%dma_wait3A_1366 : memref<4096xf32, #tpu.memory_space<hbm>>)
    %parallel_loop3A_1367 = arith.constant 0 : i32
    %parallel_loop3A_1368 = arith.constant 256 : i32
    %parallel_loop3A_1369 = arith.constant 1 : i32
    scf.for %parallel_loop3A_1554 = %parallel_loop3A_1367 to %parallel_loop3A_1368 step %parallel_loop3A_1369  : i32 {
      %parallel_loop3A_1555 = arith.constant 16 : i32
      %parallel_loop3A_1556 = arith.muli %parallel_loop3A_1554, %parallel_loop3A_1555 : i32
      %parallel_loop3A_1557 = arith.constant 0 : i32
      %parallel_loop3A_1558 = arith.addi %parallel_loop3A_1557, %parallel_loop3A_1556 : i32
      %parallel_loop3A_1559 = arith.index_cast %parallel_loop3A_1558 : i32 to index
      %parallel_loop3A_1560 = tpu.vector_load %arg6[%parallel_loop3A_1559] {strides = array<i32>} : memref<16384xi32, #tpu.memory_space<vmem>>, vector<16xi32>,
      %parallel_loop3A_1561 = tpu.vector_load_idx %arg5[%parallel_loop3A_1560] : memref<100001xf32, #tpu.memory_space<vmem>>[vector<16xi32>], vector<16xf32>,
      %parallel_loop3A_1562 = arith.constant 16 : i32
      %parallel_loop3A_1563 = arith.muli %parallel_loop3A_1554, %parallel_loop3A_1562 : i32
      %parallel_loop3A_1564 = arith.index_cast %parallel_loop3A_1563 : i32 to index
      %parallel_loop3A_1565 = tpu.vector_load %arg7[%parallel_loop3A_1564] {strides = array<i32>} : memref<4096xf32, #tpu.memory_space<vmem>>, vector<16xf32>,
      tpu.vector_store %arg7[%parallel_loop3A_1564], %parallel_loop3A_1561 {strides = array<i32>} : memref<4096xf32, #tpu.memory_space<vmem>>, vector<16xf32>,
    } {sc.loop_unroll_factor = 8 : i64, sc.parallel_access}
    %dma_start3A_1370 = arith.constant 0 : i32
    %dma_start3A_1371 = tpu.memref_slice %arg4[%select_n3A_1327, %select_n3A_1343, %dma_start3A_1370] : memref<26x16x16384xf32, #tpu.memory_space<hbm>> -> memref<1x1x4096xf32, #tpu.memory_space<hbm>>
    %dma_start3A_1372 = tpu.memref_squeeze %dma_start3A_1371 : memref<1x1x4096xf32, #tpu.memory_space<hbm>> -> memref<4096xf32, #tpu.memory_space<hbm>>
    %dma_start3A_1373 = arith.constant 0 : i32
    %dma_start3A_1374 = tpu.memref_slice %arg4[%select_n3A_1327, %select_n3A_1343, %dma_start3A_1373] : memref<26x16x16384xf32, #tpu.memory_space<hbm>> -> memref<1x1x4096xf32, #tpu.memory_space<hbm>>
    %dma_start3A_1375 = tpu.memref_squeeze %dma_start3A_1374 : memref<1x1x4096xf32, #tpu.memory_space<hbm>> -> memref<4096xf32, #tpu.memory_space<hbm>>
    tpu.enqueue_dma source(%arg7 : memref<4096xf32, #tpu.memory_space<vmem>>) target(%dma_start3A_1375 : memref<4096xf32, #tpu.memory_space<hbm>>) target_semaphore(%arg10 : memref<!tpu.dma_semaphore, #tpu.memory_space<semaphore_mem>>)
    %dma_wait3A_1376 = arith.constant 12288 : i32
    %dma_wait3A_1377 = tpu.memref_slice %arg4[%select_n3A_1206, %select_n3A_1222, %dma_wait3A_1376] : memref<26x16x16384xf32, #tpu.memory_space<hbm>> -> memref<1x1x4096xf32, #tpu.memory_space<hbm>>
    %dma_wait3A_1378 = tpu.memref_squeeze %dma_wait3A_1377 : memref<1x1x4096xf32, #tpu.memory_space<hbm>> -> memref<4096xf32, #tpu.memory_space<hbm>>
    %dma_wait3A_1379 = arith.constant 12288 : i32
    %dma_wait3A_1380 = tpu.memref_slice %arg4[%select_n3A_1206, %select_n3A_1222, %dma_wait3A_1379] : memref<26x16x16384xf32, #tpu.memory_space<hbm>> -> memref<1x1x4096xf32, #tpu.memory_space<hbm>>
    %dma_wait3A_1381 = tpu.memref_squeeze %dma_wait3A_1380 : memref<1x1x4096xf32, #tpu.memory_space<hbm>> -> memref<4096xf32, #tpu.memory_space<hbm>>
    tpu.wait_dma2 semaphore(%arg11 : memref<!tpu.dma_semaphore, #tpu.memory_space<semaphore_mem>>) src(%arg8 : memref<4096xf32, #tpu.memory_space<vmem>>) dst(%dma_wait3A_1381 : memref<4096xf32, #tpu.memory_space<hbm>>)
    %parallel_loop3A_1382 = arith.constant 0 : i32
    %parallel_loop3A_1383 = arith.constant 256 : i32
    %parallel_loop3A_1384 = arith.constant 1 : i32
    scf.for %parallel_loop3A_1554 = %parallel_loop3A_1382 to %parallel_loop3A_1383 step %parallel_loop3A_1384  : i32 {
      %parallel_loop3A_1555 = arith.constant 16 : i32
      %parallel_loop3A_1556 = arith.muli %parallel_loop3A_1554, %parallel_loop3A_1555 : i32
      %parallel_loop3A_1557 = arith.constant 4096 : i32
      %parallel_loop3A_1558 = arith.addi %parallel_loop3A_1557, %parallel_loop3A_1556 : i32
      %parallel_loop3A_1559 = arith.index_cast %parallel_loop3A_1558 : i32 to index
      %parallel_loop3A_1560 = tpu.vector_load %arg6[%parallel_loop3A_1559] {strides = array<i32>} : memref<16384xi32, #tpu.memory_space<vmem>>, vector<16xi32>,
      %parallel_loop3A_1561 = tpu.vector_load_idx %arg5[%parallel_loop3A_1560] : memref<100001xf32, #tpu.memory_space<vmem>>[vector<16xi32>], vector<16xf32>,
      %parallel_loop3A_1562 = arith.constant 16 : i32
      %parallel_loop3A_1563 = arith.muli %parallel_loop3A_1554, %parallel_loop3A_1562 : i32
      %parallel_loop3A_1564 = arith.index_cast %parallel_loop3A_1563 : i32 to index
      %parallel_loop3A_1565 = tpu.vector_load %arg8[%parallel_loop3A_1564] {strides = array<i32>} : memref<4096xf32, #tpu.memory_space<vmem>>, vector<16xf32>,
      tpu.vector_store %arg8[%parallel_loop3A_1564], %parallel_loop3A_1561 {strides = array<i32>} : memref<4096xf32, #tpu.memory_space<vmem>>, vector<16xf32>,
    } {sc.loop_unroll_factor = 8 : i64, sc.parallel_access}
    %dma_start3A_1385 = arith.constant 4096 : i32
    %dma_start3A_1386 = tpu.memref_slice %arg4[%select_n3A_1327, %select_n3A_1343, %dma_start3A_1385] : memref<26x16x16384xf32, #tpu.memory_space<hbm>> -> memref<1x1x4096xf32, #tpu.memory_space<hbm>>
    %dma_start3A_1387 = tpu.memref_squeeze %dma_start3A_1386 : memref<1x1x4096xf32, #tpu.memory_space<hbm>> -> memref<4096xf32, #tpu.memory_space<hbm>>
    %dma_start3A_1388 = arith.constant 4096 : i32
    %dma_start3A_1389 = tpu.memref_slice %arg4[%select_n3A_1327, %select_n3A_1343, %dma_start3A_1388] : memref<26x16x16384xf32, #tpu.memory_space<hbm>> -> memref<1x1x4096xf32, #tpu.memory_space<hbm>>
    %dma_start3A_1390 = tpu.memref_squeeze %dma_start3A_1389 : memref<1x1x4096xf32, #tpu.memory_space<hbm>> -> memref<4096xf32, #tpu.memory_space<hbm>>
    tpu.enqueue_dma source(%arg8 : memref<4096xf32, #tpu.memory_space<vmem>>) target(%dma_start3A_1390 : memref<4096xf32, #tpu.memory_space<hbm>>) target_semaphore(%arg11 : memref<!tpu.dma_semaphore, #tpu.memory_space<semaphore_mem>>)
    %dma_wait3A_1391 = arith.constant 0 : i32
    %dma_wait3A_1392 = tpu.memref_slice %arg4[%select_n3A_1327, %select_n3A_1343, %dma_wait3A_1391] : memref<26x16x16384xf32, #tpu.memory_space<hbm>> -> memref<1x1x4096xf32, #tpu.memory_space<hbm>>
    %dma_wait3A_1393 = tpu.memref_squeeze %dma_wait3A_1392 : memref<1x1x4096xf32, #tpu.memory_space<hbm>> -> memref<4096xf32, #tpu.memory_space<hbm>>
    %dma_wait3A_1394 = arith.constant 0 : i32
    %dma_wait3A_1395 = tpu.memref_slice %arg4[%select_n3A_1327, %select_n3A_1343, %dma_wait3A_1394] : memref<26x16x16384xf32, #tpu.memory_space<hbm>> -> memref<1x1x4096xf32, #tpu.memory_space<hbm>>
    %dma_wait3A_1396 = tpu.memref_squeeze %dma_wait3A_1395 : memref<1x1x4096xf32, #tpu.memory_space<hbm>> -> memref<4096xf32, #tpu.memory_space<hbm>>
    tpu.wait_dma2 semaphore(%arg10 : memref<!tpu.dma_semaphore, #tpu.memory_space<semaphore_mem>>) src(%arg7 : memref<4096xf32, #tpu.memory_space<vmem>>) dst(%dma_wait3A_1396 : memref<4096xf32, #tpu.memory_space<hbm>>)
    %parallel_loop3A_1397 = arith.constant 0 : i32
    %parallel_loop3A_1398 = arith.constant 256 : i32
    %parallel_loop3A_1399 = arith.constant 1 : i32
    scf.for %parallel_loop3A_1554 = %parallel_loop3A_1397 to %parallel_loop3A_1398 step %parallel_loop3A_1399  : i32 {
      %parallel_loop3A_1555 = arith.constant 16 : i32
      %parallel_loop3A_1556 = arith.muli %parallel_loop3A_1554, %parallel_loop3A_1555 : i32
      %parallel_loop3A_1557 = arith.constant 8192 : i32
      %parallel_loop3A_1558 = arith.addi %parallel_loop3A_1557, %parallel_loop3A_1556 : i32
      %parallel_loop3A_1559 = arith.index_cast %parallel_loop3A_1558 : i32 to index
      %parallel_loop3A_1560 = tpu.vector_load %arg6[%parallel_loop3A_1559] {strides = array<i32>} : memref<16384xi32, #tpu.memory_space<vmem>>, vector<16xi32>,
      %parallel_loop3A_1561 = tpu.vector_load_idx %arg5[%parallel_loop3A_1560] : memref<100001xf32, #tpu.memory_space<vmem>>[vector<16xi32>], vector<16xf32>,
      %parallel_loop3A_1562 = arith.constant 16 : i32
      %parallel_loop3A_1563 = arith.muli %parallel_loop3A_1554, %parallel_loop3A_1562 : i32
      %parallel_loop3A_1564 = arith.index_cast %parallel_loop3A_1563 : i32 to index
      %parallel_loop3A_1565 = tpu.vector_load %arg7[%parallel_loop3A_1564] {strides = array<i32>} : memref<4096xf32, #tpu.memory_space<vmem>>, vector<16xf32>,
      tpu.vector_store %arg7[%parallel_loop3A_1564], %parallel_loop3A_1561 {strides = array<i32>} : memref<4096xf32, #tpu.memory_space<vmem>>, vector<16xf32>,
    } {sc.loop_unroll_factor = 8 : i64, sc.parallel_access}
    %dma_start3A_1400 = arith.constant 8192 : i32
    %dma_start3A_1401 = tpu.memref_slice %arg4[%select_n3A_1327, %select_n3A_1343, %dma_start3A_1400] : memref<26x16x16384xf32, #tpu.memory_space<hbm>> -> memref<1x1x4096xf32, #tpu.memory_space<hbm>>
    %dma_start3A_1402 = tpu.memref_squeeze %dma_start3A_1401 : memref<1x1x4096xf32, #tpu.memory_space<hbm>> -> memref<4096xf32, #tpu.memory_space<hbm>>
    %dma_start3A_1403 = arith.constant 8192 : i32
    %dma_start3A_1404 = tpu.memref_slice %arg4[%select_n3A_1327, %select_n3A_1343, %dma_start3A_1403] : memref<26x16x16384xf32, #tpu.memory_space<hbm>> -> memref<1x1x4096xf32, #tpu.memory_space<hbm>>
    %dma_start3A_1405 = tpu.memref_squeeze %dma_start3A_1404 : memref<1x1x4096xf32, #tpu.memory_space<hbm>> -> memref<4096xf32, #tpu.memory_space<hbm>>
    tpu.enqueue_dma source(%arg7 : memref<4096xf32, #tpu.memory_space<vmem>>) target(%dma_start3A_1405 : memref<4096xf32, #tpu.memory_space<hbm>>) target_semaphore(%arg10 : memref<!tpu.dma_semaphore, #tpu.memory_space<semaphore_mem>>)
    %dma_wait3A_1406 = arith.constant 4096 : i32
    %dma_wait3A_1407 = tpu.memref_slice %arg4[%select_n3A_1327, %select_n3A_1343, %dma_wait3A_1406] : memref<26x16x16384xf32, #tpu.memory_space<hbm>> -> memref<1x1x4096xf32, #tpu.memory_space<hbm>>
    %dma_wait3A_1408 = tpu.memref_squeeze %dma_wait3A_1407 : memref<1x1x4096xf32, #tpu.memory_space<hbm>> -> memref<4096xf32, #tpu.memory_space<hbm>>
    %dma_wait3A_1409 = arith.constant 4096 : i32
    %dma_wait3A_1410 = tpu.memref_slice %arg4[%select_n3A_1327, %select_n3A_1343, %dma_wait3A_1409] : memref<26x16x16384xf32, #tpu.memory_space<hbm>> -> memref<1x1x4096xf32, #tpu.memory_space<hbm>>
    %dma_wait3A_1411 = tpu.memref_squeeze %dma_wait3A_1410 : memref<1x1x4096xf32, #tpu.memory_space<hbm>> -> memref<4096xf32, #tpu.memory_space<hbm>>
    tpu.wait_dma2 semaphore(%arg11 : memref<!tpu.dma_semaphore, #tpu.memory_space<semaphore_mem>>) src(%arg8 : memref<4096xf32, #tpu.memory_space<vmem>>) dst(%dma_wait3A_1411 : memref<4096xf32, #tpu.memory_space<hbm>>)
    %parallel_loop3A_1412 = arith.constant 0 : i32
    %parallel_loop3A_1413 = arith.constant 256 : i32
    %parallel_loop3A_1414 = arith.constant 1 : i32
    scf.for %parallel_loop3A_1554 = %parallel_loop3A_1412 to %parallel_loop3A_1413 step %parallel_loop3A_1414  : i32 {
      %parallel_loop3A_1555 = arith.constant 16 : i32
      %parallel_loop3A_1556 = arith.muli %parallel_loop3A_1554, %parallel_loop3A_1555 : i32
      %parallel_loop3A_1557 = arith.constant 12288 : i32
      %parallel_loop3A_1558 = arith.addi %parallel_loop3A_1557, %parallel_loop3A_1556 : i32
      %parallel_loop3A_1559 = arith.index_cast %parallel_loop3A_1558 : i32 to index
      %parallel_loop3A_1560 = tpu.vector_load %arg6[%parallel_loop3A_1559] {strides = array<i32>} : memref<16384xi32, #tpu.memory_space<vmem>>, vector<16xi32>,
      %parallel_loop3A_1561 = tpu.vector_load_idx %arg5[%parallel_loop3A_1560] : memref<100001xf32, #tpu.memory_space<vmem>>[vector<16xi32>], vector<16xf32>,
      %parallel_loop3A_1562 = arith.constant 16 : i32
      %parallel_loop3A_1563 = arith.muli %parallel_loop3A_1554, %parallel_loop3A_1562 : i32
      %parallel_loop3A_1564 = arith.index_cast %parallel_loop3A_1563 : i32 to index
      %parallel_loop3A_1565 = tpu.vector_load %arg8[%parallel_loop3A_1564] {strides = array<i32>} : memref<4096xf32, #tpu.memory_space<vmem>>, vector<16xf32>,
      tpu.vector_store %arg8[%parallel_loop3A_1564], %parallel_loop3A_1561 {strides = array<i32>} : memref<4096xf32, #tpu.memory_space<vmem>>, vector<16xf32>,
    } {sc.loop_unroll_factor = 8 : i64, sc.parallel_access}
    %dma_start3A_1415 = arith.constant 12288 : i32
    %dma_start3A_1416 = tpu.memref_slice %arg4[%select_n3A_1327, %select_n3A_1343, %dma_start3A_1415] : memref<26x16x16384xf32, #tpu.memory_space<hbm>> -> memref<1x1x4096xf32, #tpu.memory_space<hbm>>
    %dma_start3A_1417 = tpu.memref_squeeze %dma_start3A_1416 : memref<1x1x4096xf32, #tpu.memory_space<hbm>> -> memref<4096xf32, #tpu.memory_space<hbm>>
    %dma_start3A_1418 = arith.constant 12288 : i32
    %dma_start3A_1419 = tpu.memref_slice %arg4[%select_n3A_1327, %select_n3A_1343, %dma_start3A_1418] : memref<26x16x16384xf32, #tpu.memory_space<hbm>> -> memref<1x1x4096xf32, #tpu.memory_space<hbm>>
    %dma_start3A_1420 = tpu.memref_squeeze %dma_start3A_1419 : memref<1x1x4096xf32, #tpu.memory_space<hbm>> -> memref<4096xf32, #tpu.memory_space<hbm>>
    tpu.enqueue_dma source(%arg8 : memref<4096xf32, #tpu.memory_space<vmem>>) target(%dma_start3A_1420 : memref<4096xf32, #tpu.memory_space<hbm>>) target_semaphore(%arg11 : memref<!tpu.dma_semaphore, #tpu.memory_space<semaphore_mem>>)
    %mul3A_1421 = arith.constant 13 : i32
    %mul3A_1422 = arith.muli %add3A, %mul3A_1421 : i32
    %add3A_1423 = arith.constant 12 : i32
    %add3A_1424 = arith.addi %mul3A_1422, %add3A_1423 : i32
    %jit3A_1425 = arith.constant 16 : i32
    %div3A_1426 = arith.divsi %add3A_1424, %jit3A_1425 : i32
    %sign3A_1427 = arith.constant 0 : i32
    %sign3A_1428 = arith.cmpi sgt, %add3A_1424, %sign3A_1427 : i32
    %sign3A_1429 = arith.extui %sign3A_1428 : i1 to i32
    %sign3A_1430 = arith.constant 0 : i32
    %sign3A_1431 = arith.cmpi slt, %add3A_1424, %sign3A_1430 : i32
    %sign3A_1432 = arith.extui %sign3A_1431 : i1 to i32
    %sign3A_1433 = arith.subi %sign3A_1429, %sign3A_1432 : i32
    %sign3A_1434 = arith.constant 0 : i32
    %sign3A_1435 = arith.cmpi sgt, %jit3A_1425, %sign3A_1434 : i32
    %sign3A_1436 = arith.extui %sign3A_1435 : i1 to i32
    %sign3A_1437 = arith.constant 0 : i32
    %sign3A_1438 = arith.cmpi slt, %jit3A_1425, %sign3A_1437 : i32
    %sign3A_1439 = arith.extui %sign3A_1438 : i1 to i32
    %sign3A_1440 = arith.subi %sign3A_1436, %sign3A_1439 : i32
    %ne3A_1441 = arith.cmpi ne, %sign3A_1433, %sign3A_1440 : i32
    %rem3A_1442 = arith.remsi %add3A_1424, %jit3A_1425 : i32
    %ne3A_1443 = arith.constant 0 : i32
    %ne3A_1444 = arith.cmpi ne, %rem3A_1442, %ne3A_1443 : i32
    %and3A_1445 = arith.andi %ne3A_1441, %ne3A_1444 : i1
    %sub3A_1446 = arith.constant 1 : i32
    %sub3A_1447 = arith.subi %div3A_1426, %sub3A_1446 : i32
    %select_n3A_1448 = arith.select %and3A_1445, %sub3A_1447, %div3A_1426 : i32
    %jit3A_1449 = arith.constant 16 : i32
    %eq3A_1450 = arith.constant 0 : i32
    %eq3A_1451 = arith.cmpi eq, %jit3A_1449, %eq3A_1450 : i32
    %jit3A_1452 = arith.constant 1 : i32
    %select_n3A_1453 = arith.select %eq3A_1451, %jit3A_1452, %jit3A_1449 : i32
    %rem3A_1454 = arith.remsi %add3A_1424, %select_n3A_1453 : i32
    %ne3A_1455 = arith.constant 0 : i32
    %ne3A_1456 = arith.cmpi ne, %rem3A_1454, %ne3A_1455 : i32
    %lt3A_1457 = arith.constant 0 : i32
    %lt3A_1458 = arith.cmpi slt, %rem3A_1454, %lt3A_1457 : i32
    %lt3A_1459 = arith.constant 0 : i32
    %lt3A_1460 = arith.cmpi slt, %select_n3A_1453, %lt3A_1459 : i32
    %ne3A_1461 = arith.xori %lt3A_1458, %lt3A_1460 : i1
    %and3A_1462 = arith.andi %ne3A_1461, %ne3A_1456 : i1
    %add3A_1463 = arith.addi %rem3A_1454, %select_n3A_1453 : i32
    %select_n3A_1464 = arith.select %and3A_1462, %add3A_1463, %rem3A_1454 : i32
    %dma_start3A_1465 = arith.constant 0 : i32
    %dma_start3A_1466 = tpu.memref_slice %arg3[%select_n3A_1448, %select_n3A_1464, %dma_start3A_1465] : memref<26x16x100001xf32, #tpu.memory_space<hbm>> -> memref<1x1x100001xf32, #tpu.memory_space<hbm>>
    %dma_start3A_1467 = tpu.memref_squeeze %dma_start3A_1466 : memref<1x1x100001xf32, #tpu.memory_space<hbm>> -> memref<100001xf32, #tpu.memory_space<hbm>>
    %dma_start3A_1468 = arith.constant 0 : i32
    %dma_start3A_1469 = tpu.memref_slice %arg3[%select_n3A_1448, %select_n3A_1464, %dma_start3A_1468] : memref<26x16x100001xf32, #tpu.memory_space<hbm>> -> memref<1x1x100001xf32, #tpu.memory_space<hbm>>
    %dma_start3A_1470 = tpu.memref_squeeze %dma_start3A_1469 : memref<1x1x100001xf32, #tpu.memory_space<hbm>> -> memref<100001xf32, #tpu.memory_space<hbm>>
    tpu.enqueue_dma source(%dma_start3A_1470 : memref<100001xf32, #tpu.memory_space<hbm>>) target(%arg5 : memref<100001xf32, #tpu.memory_space<vmem>>) target_semaphore(%arg9 : memref<!tpu.dma_semaphore, #tpu.memory_space<semaphore_mem>>)
    %eq3A_1471 = arith.constant 0 : i32
    %eq3A_1472 = arith.cmpi eq, %select_n3A_1464, %eq3A_1471 : i32
    %convert_element_type3A_1473 = arith.extui %eq3A_1472 : i1 to i32
    %cond3A_1474 = arith.constant 0 : i32
    %cond3A_1475 = arith.cmpi ne, %convert_element_type3A_1473, %cond3A_1474 : i32
    scf.if %cond3A_1475 {
      "tpu.region"() ({
        %run_scoped3A = tpu.sem_alloc : memref<!tpu.dma_semaphore, #tpu.memory_space<semaphore_mem>>
        %dma_start3A_1554 = arith.constant 0 : i32
        %dma_start3A_1555 = tpu.memref_slice %arg2[%select_n3A_1448, %dma_start3A_1554] : memref<26x16384xi32, #tpu.memory_space<hbm>> -> memref<1x16384xi32, #tpu.memory_space<hbm>>
        %dma_start3A_1556 = tpu.memref_squeeze %dma_start3A_1555 : memref<1x16384xi32, #tpu.memory_space<hbm>> -> memref<16384xi32, #tpu.memory_space<hbm>>
        %dma_start3A_1557 = arith.constant 0 : i32
        %dma_start3A_1558 = tpu.memref_slice %arg2[%select_n3A_1448, %dma_start3A_1557] : memref<26x16384xi32, #tpu.memory_space<hbm>> -> memref<1x16384xi32, #tpu.memory_space<hbm>>
        %dma_start3A_1559 = tpu.memref_squeeze %dma_start3A_1558 : memref<1x16384xi32, #tpu.memory_space<hbm>> -> memref<16384xi32, #tpu.memory_space<hbm>>
        tpu.enqueue_dma source(%dma_start3A_1559 : memref<16384xi32, #tpu.memory_space<hbm>>) target(%arg6 : memref<16384xi32, #tpu.memory_space<vmem>>) target_semaphore(%run_scoped3A : memref<!tpu.dma_semaphore, #tpu.memory_space<semaphore_mem>>)
        %dma_wait3A_1560 = arith.constant 0 : i32
        %dma_wait3A_1561 = tpu.memref_slice %arg2[%select_n3A_1448, %dma_wait3A_1560] : memref<26x16384xi32, #tpu.memory_space<hbm>> -> memref<1x16384xi32, #tpu.memory_space<hbm>>
        %dma_wait3A_1562 = tpu.memref_squeeze %dma_wait3A_1561 : memref<1x16384xi32, #tpu.memory_space<hbm>> -> memref<16384xi32, #tpu.memory_space<hbm>>
        %dma_wait3A_1563 = arith.constant 0 : i32
        %dma_wait3A_1564 = tpu.memref_slice %arg2[%select_n3A_1448, %dma_wait3A_1563] : memref<26x16384xi32, #tpu.memory_space<hbm>> -> memref<1x16384xi32, #tpu.memory_space<hbm>>
        %dma_wait3A_1565 = tpu.memref_squeeze %dma_wait3A_1564 : memref<1x16384xi32, #tpu.memory_space<hbm>> -> memref<16384xi32, #tpu.memory_space<hbm>>
        tpu.wait_dma2 semaphore(%run_scoped3A : memref<!tpu.dma_semaphore, #tpu.memory_space<semaphore_mem>>) src(%dma_wait3A_1565 : memref<16384xi32, #tpu.memory_space<hbm>>) dst(%arg6 : memref<16384xi32, #tpu.memory_space<vmem>>)
        tpu.yield
      }) : () -> ()
    } else {
    }
    %dma_wait3A_1476 = arith.constant 0 : i32
    %dma_wait3A_1477 = tpu.memref_slice %arg3[%select_n3A_1448, %select_n3A_1464, %dma_wait3A_1476] : memref<26x16x100001xf32, #tpu.memory_space<hbm>> -> memref<1x1x100001xf32, #tpu.memory_space<hbm>>
    %dma_wait3A_1478 = tpu.memref_squeeze %dma_wait3A_1477 : memref<1x1x100001xf32, #tpu.memory_space<hbm>> -> memref<100001xf32, #tpu.memory_space<hbm>>
    %dma_wait3A_1479 = arith.constant 0 : i32
    %dma_wait3A_1480 = tpu.memref_slice %arg3[%select_n3A_1448, %select_n3A_1464, %dma_wait3A_1479] : memref<26x16x100001xf32, #tpu.memory_space<hbm>> -> memref<1x1x100001xf32, #tpu.memory_space<hbm>>
    %dma_wait3A_1481 = tpu.memref_squeeze %dma_wait3A_1480 : memref<1x1x100001xf32, #tpu.memory_space<hbm>> -> memref<100001xf32, #tpu.memory_space<hbm>>
    tpu.wait_dma2 semaphore(%arg9 : memref<!tpu.dma_semaphore, #tpu.memory_space<semaphore_mem>>) src(%dma_wait3A_1481 : memref<100001xf32, #tpu.memory_space<hbm>>) dst(%arg5 : memref<100001xf32, #tpu.memory_space<vmem>>)
    %dma_wait3A_1482 = arith.constant 8192 : i32
    %dma_wait3A_1483 = tpu.memref_slice %arg4[%select_n3A_1327, %select_n3A_1343, %dma_wait3A_1482] : memref<26x16x16384xf32, #tpu.memory_space<hbm>> -> memref<1x1x4096xf32, #tpu.memory_space<hbm>>
    %dma_wait3A_1484 = tpu.memref_squeeze %dma_wait3A_1483 : memref<1x1x4096xf32, #tpu.memory_space<hbm>> -> memref<4096xf32, #tpu.memory_space<hbm>>
    %dma_wait3A_1485 = arith.constant 8192 : i32
    %dma_wait3A_1486 = tpu.memref_slice %arg4[%select_n3A_1327, %select_n3A_1343, %dma_wait3A_1485] : memref<26x16x16384xf32, #tpu.memory_space<hbm>> -> memref<1x1x4096xf32, #tpu.memory_space<hbm>>
    %dma_wait3A_1487 = tpu.memref_squeeze %dma_wait3A_1486 : memref<1x1x4096xf32, #tpu.memory_space<hbm>> -> memref<4096xf32, #tpu.memory_space<hbm>>
    tpu.wait_dma2 semaphore(%arg10 : memref<!tpu.dma_semaphore, #tpu.memory_space<semaphore_mem>>) src(%arg7 : memref<4096xf32, #tpu.memory_space<vmem>>) dst(%dma_wait3A_1487 : memref<4096xf32, #tpu.memory_space<hbm>>)
    %parallel_loop3A_1488 = arith.constant 0 : i32
    %parallel_loop3A_1489 = arith.constant 256 : i32
    %parallel_loop3A_1490 = arith.constant 1 : i32
    scf.for %parallel_loop3A_1554 = %parallel_loop3A_1488 to %parallel_loop3A_1489 step %parallel_loop3A_1490  : i32 {
      %parallel_loop3A_1555 = arith.constant 16 : i32
      %parallel_loop3A_1556 = arith.muli %parallel_loop3A_1554, %parallel_loop3A_1555 : i32
      %parallel_loop3A_1557 = arith.constant 0 : i32
      %parallel_loop3A_1558 = arith.addi %parallel_loop3A_1557, %parallel_loop3A_1556 : i32
      %parallel_loop3A_1559 = arith.index_cast %parallel_loop3A_1558 : i32 to index
      %parallel_loop3A_1560 = tpu.vector_load %arg6[%parallel_loop3A_1559] {strides = array<i32>} : memref<16384xi32, #tpu.memory_space<vmem>>, vector<16xi32>,
      %parallel_loop3A_1561 = tpu.vector_load_idx %arg5[%parallel_loop3A_1560] : memref<100001xf32, #tpu.memory_space<vmem>>[vector<16xi32>], vector<16xf32>,
      %parallel_loop3A_1562 = arith.constant 16 : i32
      %parallel_loop3A_1563 = arith.muli %parallel_loop3A_1554, %parallel_loop3A_1562 : i32
      %parallel_loop3A_1564 = arith.index_cast %parallel_loop3A_1563 : i32 to index
      %parallel_loop3A_1565 = tpu.vector_load %arg7[%parallel_loop3A_1564] {strides = array<i32>} : memref<4096xf32, #tpu.memory_space<vmem>>, vector<16xf32>,
      tpu.vector_store %arg7[%parallel_loop3A_1564], %parallel_loop3A_1561 {strides = array<i32>} : memref<4096xf32, #tpu.memory_space<vmem>>, vector<16xf32>,
    } {sc.loop_unroll_factor = 8 : i64, sc.parallel_access}
    %dma_start3A_1491 = arith.constant 0 : i32
    %dma_start3A_1492 = tpu.memref_slice %arg4[%select_n3A_1448, %select_n3A_1464, %dma_start3A_1491] : memref<26x16x16384xf32, #tpu.memory_space<hbm>> -> memref<1x1x4096xf32, #tpu.memory_space<hbm>>
    %dma_start3A_1493 = tpu.memref_squeeze %dma_start3A_1492 : memref<1x1x4096xf32, #tpu.memory_space<hbm>> -> memref<4096xf32, #tpu.memory_space<hbm>>
    %dma_start3A_1494 = arith.constant 0 : i32
    %dma_start3A_1495 = tpu.memref_slice %arg4[%select_n3A_1448, %select_n3A_1464, %dma_start3A_1494] : memref<26x16x16384xf32, #tpu.memory_space<hbm>> -> memref<1x1x4096xf32, #tpu.memory_space<hbm>>
    %dma_start3A_1496 = tpu.memref_squeeze %dma_start3A_1495 : memref<1x1x4096xf32, #tpu.memory_space<hbm>> -> memref<4096xf32, #tpu.memory_space<hbm>>
    tpu.enqueue_dma source(%arg7 : memref<4096xf32, #tpu.memory_space<vmem>>) target(%dma_start3A_1496 : memref<4096xf32, #tpu.memory_space<hbm>>) target_semaphore(%arg10 : memref<!tpu.dma_semaphore, #tpu.memory_space<semaphore_mem>>)
    %dma_wait3A_1497 = arith.constant 12288 : i32
    %dma_wait3A_1498 = tpu.memref_slice %arg4[%select_n3A_1327, %select_n3A_1343, %dma_wait3A_1497] : memref<26x16x16384xf32, #tpu.memory_space<hbm>> -> memref<1x1x4096xf32, #tpu.memory_space<hbm>>
    %dma_wait3A_1499 = tpu.memref_squeeze %dma_wait3A_1498 : memref<1x1x4096xf32, #tpu.memory_space<hbm>> -> memref<4096xf32, #tpu.memory_space<hbm>>
    %dma_wait3A_1500 = arith.constant 12288 : i32
    %dma_wait3A_1501 = tpu.memref_slice %arg4[%select_n3A_1327, %select_n3A_1343, %dma_wait3A_1500] : memref<26x16x16384xf32, #tpu.memory_space<hbm>> -> memref<1x1x4096xf32, #tpu.memory_space<hbm>>
    %dma_wait3A_1502 = tpu.memref_squeeze %dma_wait3A_1501 : memref<1x1x4096xf32, #tpu.memory_space<hbm>> -> memref<4096xf32, #tpu.memory_space<hbm>>
    tpu.wait_dma2 semaphore(%arg11 : memref<!tpu.dma_semaphore, #tpu.memory_space<semaphore_mem>>) src(%arg8 : memref<4096xf32, #tpu.memory_space<vmem>>) dst(%dma_wait3A_1502 : memref<4096xf32, #tpu.memory_space<hbm>>)
    %parallel_loop3A_1503 = arith.constant 0 : i32
    %parallel_loop3A_1504 = arith.constant 256 : i32
    %parallel_loop3A_1505 = arith.constant 1 : i32
    scf.for %parallel_loop3A_1554 = %parallel_loop3A_1503 to %parallel_loop3A_1504 step %parallel_loop3A_1505  : i32 {
      %parallel_loop3A_1555 = arith.constant 16 : i32
      %parallel_loop3A_1556 = arith.muli %parallel_loop3A_1554, %parallel_loop3A_1555 : i32
      %parallel_loop3A_1557 = arith.constant 4096 : i32
      %parallel_loop3A_1558 = arith.addi %parallel_loop3A_1557, %parallel_loop3A_1556 : i32
      %parallel_loop3A_1559 = arith.index_cast %parallel_loop3A_1558 : i32 to index
      %parallel_loop3A_1560 = tpu.vector_load %arg6[%parallel_loop3A_1559] {strides = array<i32>} : memref<16384xi32, #tpu.memory_space<vmem>>, vector<16xi32>,
      %parallel_loop3A_1561 = tpu.vector_load_idx %arg5[%parallel_loop3A_1560] : memref<100001xf32, #tpu.memory_space<vmem>>[vector<16xi32>], vector<16xf32>,
      %parallel_loop3A_1562 = arith.constant 16 : i32
      %parallel_loop3A_1563 = arith.muli %parallel_loop3A_1554, %parallel_loop3A_1562 : i32
      %parallel_loop3A_1564 = arith.index_cast %parallel_loop3A_1563 : i32 to index
      %parallel_loop3A_1565 = tpu.vector_load %arg8[%parallel_loop3A_1564] {strides = array<i32>} : memref<4096xf32, #tpu.memory_space<vmem>>, vector<16xf32>,
      tpu.vector_store %arg8[%parallel_loop3A_1564], %parallel_loop3A_1561 {strides = array<i32>} : memref<4096xf32, #tpu.memory_space<vmem>>, vector<16xf32>,
    } {sc.loop_unroll_factor = 8 : i64, sc.parallel_access}
    %dma_start3A_1506 = arith.constant 4096 : i32
    %dma_start3A_1507 = tpu.memref_slice %arg4[%select_n3A_1448, %select_n3A_1464, %dma_start3A_1506] : memref<26x16x16384xf32, #tpu.memory_space<hbm>> -> memref<1x1x4096xf32, #tpu.memory_space<hbm>>
    %dma_start3A_1508 = tpu.memref_squeeze %dma_start3A_1507 : memref<1x1x4096xf32, #tpu.memory_space<hbm>> -> memref<4096xf32, #tpu.memory_space<hbm>>
    %dma_start3A_1509 = arith.constant 4096 : i32
    %dma_start3A_1510 = tpu.memref_slice %arg4[%select_n3A_1448, %select_n3A_1464, %dma_start3A_1509] : memref<26x16x16384xf32, #tpu.memory_space<hbm>> -> memref<1x1x4096xf32, #tpu.memory_space<hbm>>
    %dma_start3A_1511 = tpu.memref_squeeze %dma_start3A_1510 : memref<1x1x4096xf32, #tpu.memory_space<hbm>> -> memref<4096xf32, #tpu.memory_space<hbm>>
    tpu.enqueue_dma source(%arg8 : memref<4096xf32, #tpu.memory_space<vmem>>) target(%dma_start3A_1511 : memref<4096xf32, #tpu.memory_space<hbm>>) target_semaphore(%arg11 : memref<!tpu.dma_semaphore, #tpu.memory_space<semaphore_mem>>)
    %dma_wait3A_1512 = arith.constant 0 : i32
    %dma_wait3A_1513 = tpu.memref_slice %arg4[%select_n3A_1448, %select_n3A_1464, %dma_wait3A_1512] : memref<26x16x16384xf32, #tpu.memory_space<hbm>> -> memref<1x1x4096xf32, #tpu.memory_space<hbm>>
    %dma_wait3A_1514 = tpu.memref_squeeze %dma_wait3A_1513 : memref<1x1x4096xf32, #tpu.memory_space<hbm>> -> memref<4096xf32, #tpu.memory_space<hbm>>
    %dma_wait3A_1515 = arith.constant 0 : i32
    %dma_wait3A_1516 = tpu.memref_slice %arg4[%select_n3A_1448, %select_n3A_1464, %dma_wait3A_1515] : memref<26x16x16384xf32, #tpu.memory_space<hbm>> -> memref<1x1x4096xf32, #tpu.memory_space<hbm>>
    %dma_wait3A_1517 = tpu.memref_squeeze %dma_wait3A_1516 : memref<1x1x4096xf32, #tpu.memory_space<hbm>> -> memref<4096xf32, #tpu.memory_space<hbm>>
    tpu.wait_dma2 semaphore(%arg10 : memref<!tpu.dma_semaphore, #tpu.memory_space<semaphore_mem>>) src(%arg7 : memref<4096xf32, #tpu.memory_space<vmem>>) dst(%dma_wait3A_1517 : memref<4096xf32, #tpu.memory_space<hbm>>)
    %parallel_loop3A_1518 = arith.constant 0 : i32
    %parallel_loop3A_1519 = arith.constant 256 : i32
    %parallel_loop3A_1520 = arith.constant 1 : i32
    scf.for %parallel_loop3A_1554 = %parallel_loop3A_1518 to %parallel_loop3A_1519 step %parallel_loop3A_1520  : i32 {
      %parallel_loop3A_1555 = arith.constant 16 : i32
      %parallel_loop3A_1556 = arith.muli %parallel_loop3A_1554, %parallel_loop3A_1555 : i32
      %parallel_loop3A_1557 = arith.constant 8192 : i32
      %parallel_loop3A_1558 = arith.addi %parallel_loop3A_1557, %parallel_loop3A_1556 : i32
      %parallel_loop3A_1559 = arith.index_cast %parallel_loop3A_1558 : i32 to index
      %parallel_loop3A_1560 = tpu.vector_load %arg6[%parallel_loop3A_1559] {strides = array<i32>} : memref<16384xi32, #tpu.memory_space<vmem>>, vector<16xi32>,
      %parallel_loop3A_1561 = tpu.vector_load_idx %arg5[%parallel_loop3A_1560] : memref<100001xf32, #tpu.memory_space<vmem>>[vector<16xi32>], vector<16xf32>,
      %parallel_loop3A_1562 = arith.constant 16 : i32
      %parallel_loop3A_1563 = arith.muli %parallel_loop3A_1554, %parallel_loop3A_1562 : i32
      %parallel_loop3A_1564 = arith.index_cast %parallel_loop3A_1563 : i32 to index
      %parallel_loop3A_1565 = tpu.vector_load %arg7[%parallel_loop3A_1564] {strides = array<i32>} : memref<4096xf32, #tpu.memory_space<vmem>>, vector<16xf32>,
      tpu.vector_store %arg7[%parallel_loop3A_1564], %parallel_loop3A_1561 {strides = array<i32>} : memref<4096xf32, #tpu.memory_space<vmem>>, vector<16xf32>,
    } {sc.loop_unroll_factor = 8 : i64, sc.parallel_access}
    %dma_start3A_1521 = arith.constant 8192 : i32
    %dma_start3A_1522 = tpu.memref_slice %arg4[%select_n3A_1448, %select_n3A_1464, %dma_start3A_1521] : memref<26x16x16384xf32, #tpu.memory_space<hbm>> -> memref<1x1x4096xf32, #tpu.memory_space<hbm>>
    %dma_start3A_1523 = tpu.memref_squeeze %dma_start3A_1522 : memref<1x1x4096xf32, #tpu.memory_space<hbm>> -> memref<4096xf32, #tpu.memory_space<hbm>>
    %dma_start3A_1524 = arith.constant 8192 : i32
    %dma_start3A_1525 = tpu.memref_slice %arg4[%select_n3A_1448, %select_n3A_1464, %dma_start3A_1524] : memref<26x16x16384xf32, #tpu.memory_space<hbm>> -> memref<1x1x4096xf32, #tpu.memory_space<hbm>>
    %dma_start3A_1526 = tpu.memref_squeeze %dma_start3A_1525 : memref<1x1x4096xf32, #tpu.memory_space<hbm>> -> memref<4096xf32, #tpu.memory_space<hbm>>
    tpu.enqueue_dma source(%arg7 : memref<4096xf32, #tpu.memory_space<vmem>>) target(%dma_start3A_1526 : memref<4096xf32, #tpu.memory_space<hbm>>) target_semaphore(%arg10 : memref<!tpu.dma_semaphore, #tpu.memory_space<semaphore_mem>>)
    %dma_wait3A_1527 = arith.constant 4096 : i32
    %dma_wait3A_1528 = tpu.memref_slice %arg4[%select_n3A_1448, %select_n3A_1464, %dma_wait3A_1527] : memref<26x16x16384xf32, #tpu.memory_space<hbm>> -> memref<1x1x4096xf32, #tpu.memory_space<hbm>>
    %dma_wait3A_1529 = tpu.memref_squeeze %dma_wait3A_1528 : memref<1x1x4096xf32, #tpu.memory_space<hbm>> -> memref<4096xf32, #tpu.memory_space<hbm>>
    %dma_wait3A_1530 = arith.constant 4096 : i32
    %dma_wait3A_1531 = tpu.memref_slice %arg4[%select_n3A_1448, %select_n3A_1464, %dma_wait3A_1530] : memref<26x16x16384xf32, #tpu.memory_space<hbm>> -> memref<1x1x4096xf32, #tpu.memory_space<hbm>>
    %dma_wait3A_1532 = tpu.memref_squeeze %dma_wait3A_1531 : memref<1x1x4096xf32, #tpu.memory_space<hbm>> -> memref<4096xf32, #tpu.memory_space<hbm>>
    tpu.wait_dma2 semaphore(%arg11 : memref<!tpu.dma_semaphore, #tpu.memory_space<semaphore_mem>>) src(%arg8 : memref<4096xf32, #tpu.memory_space<vmem>>) dst(%dma_wait3A_1532 : memref<4096xf32, #tpu.memory_space<hbm>>)
    %parallel_loop3A_1533 = arith.constant 0 : i32
    %parallel_loop3A_1534 = arith.constant 256 : i32
    %parallel_loop3A_1535 = arith.constant 1 : i32
    scf.for %parallel_loop3A_1554 = %parallel_loop3A_1533 to %parallel_loop3A_1534 step %parallel_loop3A_1535  : i32 {
      %parallel_loop3A_1555 = arith.constant 16 : i32
      %parallel_loop3A_1556 = arith.muli %parallel_loop3A_1554, %parallel_loop3A_1555 : i32
      %parallel_loop3A_1557 = arith.constant 12288 : i32
      %parallel_loop3A_1558 = arith.addi %parallel_loop3A_1557, %parallel_loop3A_1556 : i32
      %parallel_loop3A_1559 = arith.index_cast %parallel_loop3A_1558 : i32 to index
      %parallel_loop3A_1560 = tpu.vector_load %arg6[%parallel_loop3A_1559] {strides = array<i32>} : memref<16384xi32, #tpu.memory_space<vmem>>, vector<16xi32>,
      %parallel_loop3A_1561 = tpu.vector_load_idx %arg5[%parallel_loop3A_1560] : memref<100001xf32, #tpu.memory_space<vmem>>[vector<16xi32>], vector<16xf32>,
      %parallel_loop3A_1562 = arith.constant 16 : i32
      %parallel_loop3A_1563 = arith.muli %parallel_loop3A_1554, %parallel_loop3A_1562 : i32
      %parallel_loop3A_1564 = arith.index_cast %parallel_loop3A_1563 : i32 to index
      %parallel_loop3A_1565 = tpu.vector_load %arg8[%parallel_loop3A_1564] {strides = array<i32>} : memref<4096xf32, #tpu.memory_space<vmem>>, vector<16xf32>,
      tpu.vector_store %arg8[%parallel_loop3A_1564], %parallel_loop3A_1561 {strides = array<i32>} : memref<4096xf32, #tpu.memory_space<vmem>>, vector<16xf32>,
    } {sc.loop_unroll_factor = 8 : i64, sc.parallel_access}
    %dma_start3A_1536 = arith.constant 12288 : i32
    %dma_start3A_1537 = tpu.memref_slice %arg4[%select_n3A_1448, %select_n3A_1464, %dma_start3A_1536] : memref<26x16x16384xf32, #tpu.memory_space<hbm>> -> memref<1x1x4096xf32, #tpu.memory_space<hbm>>
    %dma_start3A_1538 = tpu.memref_squeeze %dma_start3A_1537 : memref<1x1x4096xf32, #tpu.memory_space<hbm>> -> memref<4096xf32, #tpu.memory_space<hbm>>
    %dma_start3A_1539 = arith.constant 12288 : i32
    %dma_start3A_1540 = tpu.memref_slice %arg4[%select_n3A_1448, %select_n3A_1464, %dma_start3A_1539] : memref<26x16x16384xf32, #tpu.memory_space<hbm>> -> memref<1x1x4096xf32, #tpu.memory_space<hbm>>
    %dma_start3A_1541 = tpu.memref_squeeze %dma_start3A_1540 : memref<1x1x4096xf32, #tpu.memory_space<hbm>> -> memref<4096xf32, #tpu.memory_space<hbm>>
    tpu.enqueue_dma source(%arg8 : memref<4096xf32, #tpu.memory_space<vmem>>) target(%dma_start3A_1541 : memref<4096xf32, #tpu.memory_space<hbm>>) target_semaphore(%arg11 : memref<!tpu.dma_semaphore, #tpu.memory_space<semaphore_mem>>)
    %dma_wait3A_1542 = arith.constant 8192 : i32
    %dma_wait3A_1543 = tpu.memref_slice %arg4[%select_n3A_1448, %select_n3A_1464, %dma_wait3A_1542] : memref<26x16x16384xf32, #tpu.memory_space<hbm>> -> memref<1x1x4096xf32, #tpu.memory_space<hbm>>
    %dma_wait3A_1544 = tpu.memref_squeeze %dma_wait3A_1543 : memref<1x1x4096xf32, #tpu.memory_space<hbm>> -> memref<4096xf32, #tpu.memory_space<hbm>>
    %dma_wait3A_1545 = arith.constant 8192 : i32
    %dma_wait3A_1546 = tpu.memref_slice %arg4[%select_n3A_1448, %select_n3A_1464, %dma_wait3A_1545] : memref<26x16x16384xf32, #tpu.memory_space<hbm>> -> memref<1x1x4096xf32, #tpu.memory_space<hbm>>
    %dma_wait3A_1547 = tpu.memref_squeeze %dma_wait3A_1546 : memref<1x1x4096xf32, #tpu.memory_space<hbm>> -> memref<4096xf32, #tpu.memory_space<hbm>>
    tpu.wait_dma2 semaphore(%arg10 : memref<!tpu.dma_semaphore, #tpu.memory_space<semaphore_mem>>) src(%arg7 : memref<4096xf32, #tpu.memory_space<vmem>>) dst(%dma_wait3A_1547 : memref<4096xf32, #tpu.memory_space<hbm>>)
    %dma_wait3A_1548 = arith.constant 12288 : i32
    %dma_wait3A_1549 = tpu.memref_slice %arg4[%select_n3A_1448, %select_n3A_1464, %dma_wait3A_1548] : memref<26x16x16384xf32, #tpu.memory_space<hbm>> -> memref<1x1x4096xf32, #tpu.memory_space<hbm>>
    %dma_wait3A_1550 = tpu.memref_squeeze %dma_wait3A_1549 : memref<1x1x4096xf32, #tpu.memory_space<hbm>> -> memref<4096xf32, #tpu.memory_space<hbm>>
    %dma_wait3A_1551 = arith.constant 12288 : i32
    %dma_wait3A_1552 = tpu.memref_slice %arg4[%select_n3A_1448, %select_n3A_1464, %dma_wait3A_1551] : memref<26x16x16384xf32, #tpu.memory_space<hbm>> -> memref<1x1x4096xf32, #tpu.memory_space<hbm>>
    %dma_wait3A_1553 = tpu.memref_squeeze %dma_wait3A_1552 : memref<1x1x4096xf32, #tpu.memory_space<hbm>> -> memref<4096xf32, #tpu.memory_space<hbm>>
    tpu.wait_dma2 semaphore(%arg11 : memref<!tpu.dma_semaphore, #tpu.memory_space<semaphore_mem>>) src(%arg8 : memref<4096xf32, #tpu.memory_space<vmem>>) dst(%dma_wait3A_1553 : memref<4096xf32, #tpu.memory_space<hbm>>)
    return
  }
}

</mosaic_0001>

<sc_bundles>
// kernel: kernel.3.cloned.1.call-start
scs
__scs_entry_jumppad:
0x0: {  	(pc) =	sbr.rel $0x88, $3  }
0x1: {  	(tag) =	ssettag $0x0;
	lr =	simm.s32 $0x1  }
0x2: {  	[smem:$0x3F9F] =	sst lr;
	_ =	strace $0xD0000000  }
0x3: {  	_ = 	snop  }
0x4: {  	_ = 	snop  }
0x5: {  	_ = 	snop  }
0x6: {  	_ = 	snop  }
0x7: {  	_ = 	snop  }
__scs_overlays_trampoline_lowered:
0x8: {  	[smem:$0x3FAE] =	sst s0  }
0x9: {  	[smem:$0x3FAF] =	sst s1  }
0xa: {  	[smem:$0x3FB0] =	sst s2  }
0xb: {  	[smem:$0x3FB1] =	sst s3  }
0xc: {  	[smem:$0x3FB2] =	sst s4  }
0xd: {  	[smem:$0x3FB3] =	sst s5  }
0xe: {  	[smem:$0x3FB4] =	sst s6  }
0xf: {  	[smem:$0x3FB5] =	sst s7  }
0x10: {  	[smem:$0x3FB6] =	sst s8  }
0x11: {  	[smem:$0x3FB7] =	sst s9;
	s0 =	simm.s32 @!p0 $0x0  }
0x12: {  	s1 =	sld [smem:$0x3F9D];
	s0 =	simm.s32 @p0 $0x1  }
0x13: {  	[smem:$0x3FB8] =	sst s0;
	s0 =	simm.s32 @!p1 $0x0  }
0x14: {  	s2 =	sld [smem:$0x3F9C];
	s0 =	simm.s32 @p1 $0x1  }
0x15: {  	[smem:$0x3FB9] =	sst s0;
	s0 =	simm.s32 @!p2 $0x0  }
0x16: {  	s3 =	sld [smem:$0x3FDB];
	s0 =	simm.s32 @p2 $0x1  }
0x17: {  	s4 =	simm.s32 $0x1BF5;
	[smem:$0x3FBB] =	sst s0  }
0x18: {  	s0 =	sld [smem:$0x3F9E];
	_ =	swait.ge [sflag:s4], $0x0  }
0x19: {  	s7 =	sld [smem:$0x3F9F]  }
0x1a: {  	s8 =	sadd.s32 $0xFFFFE003, lr  }
0x1b: {  	s9 =	sadd.s32 $0xFFFFFEF7, lr;
	s5 =	simm.s32 $0xFFFFFFFF;
	p2 =	slt.u32 s8, $0xFFFFF086  }
0x1c: {  	p1 =	slt.u32 s9, $0xF7A;
	s5 =	simm.s32 @!p2 $0x0  }
0x1d: {  	s5 =	simm.s32 @p1 $0x1;
	p0 =	seq.s32 s7, s2  }
0x1e: {  	s7 =	smul.u32 @!p0 $0xF7A, s2;
	p2 =	seq.s32 @!p0 s5, $0x0  }
0x1f: {  	s9 =	smul.u32 $0xF7A, s1;
	s8 =	simm.s32 @!p0 $0x1BF5;
	p2 =	por !p2, p0  }
0x20: {  	[sflag:s8] =	ssyncset.s32 @!p0 $0xFFFFF086;
	s6 =	sadd.s32 @!p0 s3, s7;
	s7 =	simm.s32 @!p0 $0x108  }
0x21: {  	s3 =	sadd.s32 s3, s9;
	s6 =	sadd.s32 @!p0 $0x88, s6;
	s7 =	simm.s32 @p2 $0x1082  }
0x22: {  	[simem:s7], [sflag:s8] =	dma.local @!p0 [hbm:s6], $0xF7A  }
0x23: {  	s9 =	sor.u32 $0xD0000000, s2;
	s6 =	simm.s32 $0x108;
	_ =	swait.ge @!p0 [sflag:s8], $0x0  }
0x24: {  	s3 =	sadd.s32 $0x88, s3;
	s6 =	simm.s32 @!p1 $0x1082;
	[sflag:s4] =	ssyncset.s32 $0xFFFFF086  }
0x25: {  	[simem:s6], [sflag:s4] =	dma.local [hbm:s3], $0xF7A  }
0x26: {  	[smem:$0x3F9F] =	sst s1;
	(tag) =	ssettag s2;
	_ =	strace s9  }
0x27: {  	s1 =	sld [smem:$0x3FAF]  }
0x28: {  	s2 =	sld [smem:$0x3FB0]  }
0x29: {  	s4 =	sld [smem:$0x3FB2]  }
0x2a: {  	p0 =	seq.s32 s5, $0x0;
	s5 =	sld [smem:$0x3FB3]  }
0x2b: {  	s6 =	sld [smem:$0x3FB4]  }
0x2c: {  	s7 =	sld [smem:$0x3FB5]  }
0x2d: {  	s3 =	simm.s32 $0x108;
	s8 =	sld [smem:$0x3FB6]  }
0x2e: {  	s3 =	simm.s32 @!p0 $0x1082;
	s9 =	sld [smem:$0x3FB7]  }
0x2f: {  	lr =	sadd.s32 s0, s3;
	s0 =	sld [smem:$0x3FAE]  }
0x30: {  	s3 =	sld [smem:$0x3FB1]  }
0x31: {  	[smem:$0x3FBA] =	sst s10  }
0x32: {  	s10 =	sld [smem:$0x3FB8];
	_ =	sdelay $0x3  }
0x33: {  	p0 =	seq.s32 s10, $0x1;
	s10 =	sld [smem:$0x3FBA];
	_ =	sdelay $0x3  }
0x34: {  	[smem:$0x3FBA] =	sst s10  }
0x35: {  	s10 =	sld [smem:$0x3FB9];
	_ =	sdelay $0x3  }
0x36: {  	p1 =	seq.s32 s10, $0x1;
	s10 =	sld [smem:$0x3FBA];
	_ =	sdelay $0x3  }
0x37: {  	[smem:$0x3FBA] =	sst s10  }
0x38: {  	s10 =	sld [smem:$0x3FBB]  }
0x39: {  	_ = 	snop;
	(pc) =	sbr.ind lr, $3  }
0x3a: {  	_ = 	snop  }
0x3b: {  	_ = 	snop  }
0x3c: {  	p2 =	seq.s32 s10, $0x1;
	s10 =	sld [smem:$0x3FBA]  }
0x3d: {  	_ =	shalt  }
0x3e: {  	_ =	shalt  }
0x3f: {  	_ =	shalt  }
0x40: {  	_ =	shalt  }
0x41: {  	_ =	shalt  }
0x42: {  	_ =	shalt  }
0x43: {  	_ =	shalt  }
0x44: {  	_ =	shalt  }
0x45: {  	_ =	shalt  }
0x46: {  	_ =	shalt  }
0x47: {  	_ =	shalt  }
0x48: {  	_ =	shalt  }
0x49: {  	_ =	shalt  }
0x4a: {  	_ =	shalt  }
0x4b: {  	_ =	shalt  }
0x4c: {  	_ =	shalt  }
0x4d: {  	_ =	shalt  }
0x4e: {  	_ =	shalt  }
0x4f: {  	_ =	shalt  }
0x50: {  	_ =	shalt  }
0x51: {  	_ =	shalt  }
0x52: {  	_ =	shalt  }
0x53: {  	_ =	shalt  }
0x54: {  	_ =	shalt  }
0x55: {  	_ =	shalt  }
0x56: {  	_ =	shalt  }
0x57: {  	_ =	shalt  }
0x58: {  	_ =	shalt  }
0x59: {  	_ =	shalt  }
0x5a: {  	_ =	shalt  }
0x5b: {  	_ =	shalt  }
0x5c: {  	_ =	shalt  }
0x5d: {  	_ =	shalt  }
0x5e: {  	_ =	shalt  }
0x5f: {  	_ =	shalt  }
0x60: {  	_ =	shalt  }
0x61: {  	_ =	shalt  }
0x62: {  	_ =	shalt  }
0x63: {  	_ =	shalt  }
0x64: {  	_ =	shalt  }
0x65: {  	_ =	shalt  }
0x66: {  	_ =	shalt  }
0x67: {  	_ =	shalt  }
0x68: {  	_ =	shalt  }
0x69: {  	_ =	shalt  }
0x6a: {  	_ =	shalt  }
0x6b: {  	_ =	shalt  }
0x6c: {  	_ =	shalt  }
0x6d: {  	_ =	shalt  }
0x6e: {  	_ =	shalt  }
0x6f: {  	_ =	shalt  }
0x70: {  	_ =	shalt  }
0x71: {  	_ =	shalt  }
0x72: {  	_ =	shalt  }
0x73: {  	_ =	shalt  }
0x74: {  	_ =	shalt  }
0x75: {  	_ =	shalt  }
0x76: {  	_ =	shalt  }
0x77: {  	_ =	shalt  }
0x78: {  	_ =	shalt  }
0x79: {  	_ =	shalt  }
0x7a: {  	_ =	shalt  }
0x7b: {  	_ =	shalt  }
0x7c: {  	_ =	shalt  }
0x7d: {  	_ =	shalt  }
0x7e: {  	_ =	shalt  }
0x7f: {  	_ =	shalt  }
0x80: {  	_ =	shalt  }
0x81: {  	_ =	shalt  }
0x82: {  	_ =	shalt  }
0x83: {  	_ =	shalt  }
0x84: {  	_ =	shalt  }
0x85: {  	_ =	shalt  }
0x86: {  	_ =	shalt  }
0x87: {  	_ =	shalt  }
.Lfunc_end0:
.L_simem_size_0:
called_computation_lowered:
.L_overlay_start_0:
0x88: {  	s2 =	sld [smem:$0x3FD9]  }
0x89: {  	s3 =	sld [smem:$0x3FFE];
	_ =	sdelay $0x1  }
0x8a: {  	s1 =	srdreg.scid  }
0x8b: {  	s0 =	sand.u32 $0x1, s1  }
0x8c: {  	s18 =	sshll.u32 s0, $0xA;
	s2 =	sadd.s32 s3, s2  }
0x8d: {  	s2 =	sadd.s32 s2, s18  }
0x8e: {  	[smem:$0x3FC6] =	sst s2  }
0x8f: {  	_ = 	snop  }
0x90: {  	s2 =	sld [smem:$0x3FC9]  }
0x91: {  	s19 =	sld [smem:$0x3FC8]  }
0x92: {  	s4 =	sld [smem:$0x3FD0];
	(tm) =	ssettm $0x1  }
0x93: {  	s5 =	sld [smem:$0x3FFB];
	_ =	sdelay $0x3  }
0x94: {  	_ =	strace s5  }
0x95: {  	s5 =	sld [smem:$0x3FFC];
	_ =	sdelay $0x3  }
0x96: {  	_ =	strace s5  }
0x97: {  	s5 =	sld [smem:$0x3FFD];
	_ =	sdelay $0x3  }
0x98: {  	_ =	strace s5  }
0x99: {  	_ =	strace $0x8FFFFFFF  }
0x9a: {  	s20 =	sld [smem:$0x3FDB];
	_ =	sdelay $0x1  }
0x9b: {  	s6 =	simm.s32 $_scs_section_size  }
0x9c: {  	s7 =	simm.s32 $_size__tile_overlayer_lowered;
	s8 =	simm.s32 $_tile_overlayer_lowered  }
0x9d: {  	s23 =	simm.s32 $0x1BFF;
	s22 =	sshll.u32 s8, $0x1;
	s5 =	sadd.s32 s6, s20  }
0x9e: {  	s9 =	simm.s32 $0x0;
	s21 =	sshll.u32 s7, $0x1;
	s7 =	sadd.s32 s22, s5  }
0x9f: {  	[timem:s9], [sflag:s23] =	dma.local [hbm:s7], s21  }
0xa0: {  	_ =	swait.ge [sflag:s23], s21  }
0xa1: {  	s6 =	ssub.s32 $0x0, s21;
	[sflag:s23] =	ssyncset.done $0x0  }
0xa2: {  	[sflag:s23] =	ssyncadd.s32 s6;
	_ =	sdelay $0x1  }
0xa3: {  	s24 =	simm.s32 $0x1B8B  }
0xa4: {  	_ =	swait.ge [sflag:s24], $0x1  }
0xa5: {  	[sflag:s24] =	ssyncset.done $0x0  }
0xa6: {  	s25 =	simm.s32 $0x1B8E;
	[sflag:s24] =	ssyncadd.s32 $0xFFFFFFFF  }
0xa7: {  	s26 =	simm.s32 $execute0_lowered;
	[smem:$0x3FD2] =	sst s25  }
0xa8: {  	s6 =	sshll.u32 s26, $0x1;
	_ =	strace $0x80000046;
	[dreg:$0x1] =	wrdreg $0xFFFFFFFF  }
0xa9: {  	s28 =	simm.s32 $_size_execute0_lowered;
	s5 =	sadd.s32 s5, s6;
	[dreg:$0x0] =	wrdreg $0x0  }
0xaa: {  	s6 =	sshll.u32 s28, $0x1;
	[dreg:$0x2] =	wrdreg s5  }
0xab: {  	[dreg:$0x3] =	wrdreg s6  }
0xac: {  	[dreg:$0x4] =	wrdreg $0xC0  }
0xad: {  	_ =	task [dreg:s9], $0x5FFFF  }
0xae: {  	[dreg:$0x1] =	wrdreg $0xFFFFFFFF  }
0xaf: {  	[dreg:$0x0] =	wrdreg $0x60  }
0xb0: {  	[dreg:$0x2] =	wrdreg s2  }
0xb1: {  	[dreg:$0x3] =	wrdreg s19  }
0xb2: {  	[dreg:$0x4] =	wrdreg s4  }
0xb3: {  	[dreg:$0x5] =	wrdreg $0x9  }
0xb4: {  	_ =	task.clear_ibuf [dreg:s9], $0x6FFFF;
	_ =	strace $0x90000046  }
0xb5: {  	s29 =	simm.s32 $0x9;
	_ =	strace $0x80000048  }
0xb6: {  	_ =	swait.ge [sflag:s29], $0x1  }
0xb7: {  	[sflag:s29] =	ssyncadd.s32 $0xFFFFFFFF  }
0xb8: {  	_ =	strace $0x90000048  }
0xb9: {  	_ =	sfence  }
0xba: {  	s30 =	sld [smem:$0x0];
	_ =	sdelay $0x2  }
0xbb: {  	s31 =	sshll.u32 s1, $0xD;
	s1 =	sshrl.u32 s1, $0x2  }
0xbc: {  	s3 =	sand.u32 $0x4000, s31;
	s1 =	sadd.s32 s1, s30  }
0xbd: {  	s0 =	sor.u32 s3, s0;
	s1 =	sshll.u32 s1, $0x11  }
0xbe: {  	s0 =	sor.u32 s1, s0  }
0xbf: {  	s0 =	sadd.s32 $0x8F2B, s0  }
0xc0: {  	[sflag:s0] =	ssyncadd.remote.s32 $0x1  }
0xc1: {  	_ =	sfence.sel $0xFFFF  }
0xc2: {  	[dreg:$0x0] =	wrdreg $0xFFFFFFFF;
	(pc) =	sbr.abs _section_cstart, $3  }
0xc3: {  	[dreg:$0x1] =	wrdreg $0xFFFFFFFF  }
0xc4: {  	_ =	task.clear_ibuf [dreg:s9], $0x2FFFF;
	_ =	strace $0x9FFFFFFF  }
0xc5: {  	(tm) =	ssettm $0x7FFFFFFF  }
tec
execute0_lowered:
.L_overlay_start_1:
0x0: {  	(tag) =	ssettag $0x1  }
0x1: {  	s0 =	srdreg.scid;
	s1 =	stileid.u32  }
0x2: {  	s0 =	sand.u32 $0x1, s0;
	s1 =	sshll.u32 s1, $0x1  }
0x3: {  	s1 =	sor.u32 s0, s1;
	s0 =	ssub.s32 $0x2, s0  }
0x4: {  	s3 =	smul.u32 $0xD, s1;
	s6 =	sshrl.u32 s0, $0x1  }
0x5: {  	s12 =	rddreg [dreg:$0x0];
	s0 =	ssub.s32 s0, s6  }
0x6: {  	s2 =	sshrl.u32 s3, $0x4;
	s4 =	sand.u32 $0x8, s3;
	s7 =	sshll.u32 s3, $0x7  }
0x7: {  	[smem:$0x7FD] =	sst s0;
	s1 =	sand.u32 $0x70, s3;
	s19 =	sadd.s32 $0x2, s3  }
0x8: {  	s4 =	sshrl.u32 s4, $0x3;
	s5 =	smul.u32 $0x187000, s2;
	s31 =	sand.u32 $0x380, s7  }
0x9: {  	s7 =	sand.u32 $0xC000, s7;
	s6 =	sadd.s32 s12, s1;
	s2 =	sshll.u32 s2, $0x12  }
0xa: {  	s21 =	sshrl.u32 s19, $0x4;
	s22 =	sand.u32 $0xF, s19;
	s26 =	sshll.u32 s19, $0x7  }
0xb: {  	s8 =	smul.u32 $0xC3800, s4;
	s6 =	sadd.s32 s7, s6;
	s7 =	sadd.s32 $0x1, s3  }
0xc: {  	s4 =	sshll.u32 s4, $0x11;
	[smem:$0x7F6] =	sst s22;
	s24 =	sshrl.u32 s22, $0x3  }
0xd: {  	s25 =	smul.u32 $0x187000, s21;
	s29 =	sand.u32 $0x380, s26;
	s22 =	sadd.s32 $0x4, s3  }
0xe: {  	[dreg:$0x5] =	wrdreg s6;
	s9 =	sand.u32 $0xF, s7;
	s2 =	sor.u32 s2, s4  }
0xf: {  	s13 =	sshll.u32 s7, $0x7;
	s15 =	sand.u32 $0x70, s7;
	s6 =	sadd.s32 $0x3, s3  }
0x10: {  	s5 =	sadd.s32 s5, s8;
	s8 =	sshrl.u32 s7, $0x4;
	[smem:$0x7F4] =	sst s9  }
0x11: {  	s10 =	sshrl.u32 s9, $0x3;
	s0 =	sor.u32 s31, s2;
	s14 =	sand.u32 $0x380, s13  }
0x12: {  	s4 =	sand.u32 $0x1C000, s13;
	s2 =	sadd.s32 s12, s15;
	s7 =	sand.u32 $0x1C000, s26  }
0x13: {  	s13 =	sshll.u32 s24, $0x11;
	s5 =	sor.u32 s31, s5;
	s11 =	smul.u32 $0x187000, s8  }
0x14: {  	s9 =	smul.u32 $0xC3800, s10;
	[smem:$0x7CC] =	sst s0;
	s18 =	sadd.s32 s4, s2  }
0x15: {  	s20 =	sshll.u32 s8, $0x12;
	s23 =	sshll.u32 s10, $0x11;
	s10 =	smul.u32 $0xC3800, s24  }
0x16: {  	s2 =	sand.u32 $0x70, s19;
	s8 =	sshrl.u32 s6, $0x4;
	[smem:$0x7C9] =	sst s5  }
0x17: {  	s24 =	sshrl.u32 s22, $0x4;
	[dreg:$0x4] =	wrdreg s18;
	s4 =	sor.u32 s20, s23  }
0x18: {  	s2 =	sadd.s32 s12, s2;
	s15 =	smul.u32 $0x187000, s8;
	s20 =	sshll.u32 s8, $0x12  }
0x19: {  	s26 =	smul.u32 $0x187000, s24;
	s5 =	sand.u32 $0x70, s22;
	s16 =	sadd.s32 s11, s9  }
0x1a: {  	s0 =	sor.u32 s14, s4;
	s30 =	sadd.s32 s25, s10;
	s4 =	sadd.s32 s7, s2  }
0x1b: {  	s7 =	sshll.u32 s21, $0x12;
	s11 =	sand.u32 $0xF, s6;
	s2 =	sand.u32 $0x70, s6  }
0x1c: {  	s21 =	sand.u32 $0xF, s22;
	s9 =	sadd.s32 $0x5, s3;
	[smem:$0x7CD] =	sst s0  }
0x1d: {  	s17 =	sor.u32 s14, s16;
	s31 =	sor.u32 s29, s30;
	[dreg:$0x6] =	wrdreg s4  }
0x1e: {  	[smem:$0x7F8] =	sst s11;
	s14 =	sshrl.u32 s11, $0x3;
	s4 =	sor.u32 s7, s13  }
0x1f: {  	s16 =	sshll.u32 s6, $0x7;
	s2 =	sadd.s32 s12, s2;
	s25 =	sshrl.u32 s21, $0x3  }
0x20: {  	s13 =	sshll.u32 s22, $0x7;
	s10 =	sshrl.u32 s9, $0x4;
	[smem:$0x7CA] =	sst s17  }
0x21: {  	s22 =	sand.u32 $0xF, s9;
	[smem:$0x7CB] =	sst s31;
	s11 =	smul.u32 $0xC3800, s14  }
0x22: {  	s0 =	sor.u32 s29, s4;
	s17 =	sand.u32 $0x380, s16;
	s7 =	sand.u32 $0x1C000, s16  }
0x23: {  	s23 =	sshll.u32 s14, $0x11;
	s14 =	smul.u32 $0xC3800, s25;
	s29 =	sadd.s32 s12, s5  }
0x24: {  	s30 =	sand.u32 $0x1C000, s13;
	s8 =	sshll.u32 s25, $0x11;
	s13 =	sand.u32 $0x380, s13  }
0x25: {  	s16 =	smul.u32 $0x187000, s10;
	s5 =	sand.u32 $0x70, s9;
	[smem:$0x7D4] =	sst s0  }
0x26: {  	s19 =	sadd.s32 s7, s2;
	s2 =	sor.u32 s20, s23;
	s6 =	sadd.s32 s30, s29  }
0x27: {  	s7 =	sshll.u32 s24, $0x12;
	s20 =	sadd.s32 s12, s5;
	s30 =	sadd.s32 $0x6, s3  }
0x28: {  	s18 =	sadd.s32 s15, s11;
	[dreg:$0x7] =	wrdreg s19;
	s0 =	sor.u32 s17, s2  }
0x29: {  	s31 =	sadd.s32 s26, s14;
	[dreg:$0x8] =	wrdreg s6;
	s2 =	sor.u32 s7, s8  }
0x2a: {  	s14 =	sshrl.u32 s22, $0x3;
	s26 =	sshll.u32 s10, $0x12;
	s5 =	sand.u32 $0x70, s30  }
0x2b: {  	s19 =	sor.u32 s17, s18;
	[smem:$0x7D9] =	sst s0;
	s18 =	sshll.u32 s9, $0x7  }
0x2c: {  	s15 =	smul.u32 $0xC3800, s14;
	s17 =	sor.u32 s13, s31;
	s24 =	sor.u32 s13, s2  }
0x2d: {  	s29 =	sshll.u32 s14, $0x11;
	s31 =	sshrl.u32 s30, $0x4;
	s9 =	sshll.u32 s30, $0x7  }
0x2e: {  	s14 =	sadd.s32 s12, s5;
	s5 =	sadd.s32 $0x8, s3;
	s23 =	sand.u32 $0x1C000, s18  }
0x2f: {  	[smem:$0x7DA] =	sst s24;
	s6 =	sand.u32 $0x380, s18;
	s8 =	smul.u32 $0x187000, s31  }
0x30: {  	s18 =	sand.u32 $0x1C000, s9;
	s13 =	sand.u32 $0x70, s5;
	s0 =	sadd.s32 s23, s20  }
0x31: {  	s25 =	sadd.s32 s16, s15;
	s23 =	sand.u32 $0xF, s30;
	[dreg:$0x9] =	wrdreg s0  }
0x32: {  	s0 =	sor.u32 s26, s29;
	s7 =	sshrl.u32 s23, $0x3;
	s16 =	sor.u32 s6, s25  }
0x33: {  	s26 =	sadd.s32 s18, s14;
	s29 =	sshll.u32 s31, $0x12;
	s31 =	sadd.s32 $0x7, s3  }
0x34: {  	s24 =	smul.u32 $0xC3800, s7;
	s0 =	sor.u32 s6, s0;
	[dreg:$0xa] =	wrdreg s26  }
0x35: {  	s30 =	sshll.u32 s7, $0x11;
	s1 =	sshrl.u32 s31, $0x4;
	s6 =	sand.u32 $0x380, s9  }
0x36: {  	s26 =	sshll.u32 s31, $0x7;
	s25 =	sand.u32 $0x70, s31;
	[smem:$0x7E3] =	sst s0  }
0x37: {  	s2 =	sor.u32 s29, s30;
	s9 =	sadd.s32 s12, s25;
	s10 =	sand.u32 $0x1C000, s26  }
0x38: {  	s25 =	sand.u32 $0xF, s5;
	s29 =	sshll.u32 s5, $0x7;
	s20 =	sadd.s32 s8, s24  }
0x39: {  	s24 =	sand.u32 $0xF, s31;
	s8 =	smul.u32 $0x187000, s1;
	s0 =	sadd.s32 s10, s9  }
0x3a: {  	s31 =	sshll.u32 s1, $0x12;
	s9 =	sshrl.u32 s25, $0x3;
	s10 =	sand.u32 $0x1C000, s29  }
0x3b: {  	s29 =	sand.u32 $0x380, s29;
	s7 =	sshrl.u32 s24, $0x3;
	s14 =	sor.u32 s6, s20  }
0x3c: {  	s20 =	sor.u32 s6, s2;
	[dreg:$0xb] =	wrdreg s0;
	s30 =	smul.u32 $0xC3800, s9  }
0x3d: {  	s2 =	sadd.s32 $0x9, s3;
	s28 =	smul.u32 $0xC3800, s7;
	s1 =	sshll.u32 s7, $0x11  }
0x3e: {  	s7 =	sshrl.u32 s5, $0x4;
	s15 =	sand.u32 $0x70, s2;
	s6 =	sor.u32 s31, s1  }
0x3f: {  	s31 =	sadd.s32 s12, s13;
	s18 =	sadd.s32 s8, s28;
	s8 =	sand.u32 $0x380, s26  }
0x40: {  	s28 =	smul.u32 $0x187000, s7;
	s0 =	sadd.s32 s10, s31;
	s31 =	sshll.u32 s9, $0x11  }
0x41: {  	s26 =	sand.u32 $0xF, s2;
	s9 =	sadd.s32 s12, s15;
	s11 =	sor.u32 s8, s18  }
0x42: {  	s18 =	sor.u32 s8, s6;
	[dreg:$0xc] =	wrdreg s0;
	s0 =	sshrl.u32 s26, $0x3  }
0x43: {  	s13 =	sadd.s32 s28, s30;
	s30 =	sshll.u32 s7, $0x12;
	s28 =	sshrl.u32 s2, $0x4  }
0x44: {  	s7 =	sshll.u32 s2, $0x7;
	s8 =	smul.u32 $0xC3800, s0;
	s4 =	sor.u32 s30, s31  }
0x45: {  	s6 =	smul.u32 $0x187000, s28;
	s10 =	sor.u32 s29, s13;
	s13 =	sand.u32 $0x1C000, s7  }
0x46: {  	s15 =	sor.u32 s29, s4;
	s1 =	sadd.s32 s13, s9;
	s9 =	sshll.u32 s0, $0x11  }
0x47: {  	s13 =	sadd.s32 $0xA, s3;
	s0 =	sand.u32 $0x380, s7;
	s6 =	sadd.s32 s6, s8  }
0x48: {  	[dreg:$0xd] =	wrdreg s1;
	s8 =	sshll.u32 s28, $0x12;
	s2 =	sshrl.u32 s13, $0x4  }
0x49: {  	s28 =	sand.u32 $0xF, s13;
	s31 =	sshll.u32 s13, $0x7;
	s5 =	sand.u32 $0x70, s13  }
0x4a: {  	s4 =	sor.u32 s8, s9;
	s29 =	sshrl.u32 s28, $0x3;
	s8 =	smul.u32 $0x187000, s2  }
0x4b: {  	s9 =	sor.u32 s0, s6;
	s5 =	sadd.s32 s12, s5;
	s7 =	sand.u32 $0x1C000, s31  }
0x4c: {  	s30 =	sshll.u32 s2, $0x12;
	s6 =	sand.u32 $0x380, s31;
	s1 =	smul.u32 $0xC3800, s29  }
0x4d: {  	s13 =	sor.u32 s0, s4;
	s7 =	sadd.s32 s7, s5;
	s0 =	sshll.u32 s29, $0x11  }
0x4e: {  	s4 =	sadd.s32 $0xB, s3;
	[dreg:$0xe] =	wrdreg s7;
	s7 =	sor.u32 s30, s0  }
0x4f: {  	s2 =	sshrl.u32 s4, $0x4;
	s29 =	sand.u32 $0xF, s4;
	s0 =	sshll.u32 s4, $0x7  }
0x50: {  	s5 =	sand.u32 $0x70, s4;
	s8 =	sadd.s32 s8, s1;
	s30 =	sshrl.u32 s29, $0x3  }
0x51: {  	s31 =	smul.u32 $0x187000, s2;
	s5 =	sadd.s32 s12, s5;
	s1 =	sand.u32 $0x1C000, s0  }
0x52: {  	s2 =	sshll.u32 s2, $0x12;
	s0 =	sand.u32 $0x380, s0;
	s4 =	smul.u32 $0xC3800, s30  }
0x53: {  	s8 =	sor.u32 s6, s8;
	s6 =	sor.u32 s6, s7;
	s1 =	sadd.s32 s1, s5  }
0x54: {  	s7 =	sshll.u32 s30, $0x11;
	s5 =	sadd.s32 $0xC, s3;
	[dreg:$0xf] =	wrdreg s1  }
0x55: {  	s1 =	sor.u32 s2, s7;
	s2 =	sshrl.u32 s5, $0x4;
	s30 =	sand.u32 $0xF, s5  }
0x56: {  	s4 =	sadd.s32 s31, s4;
	s7 =	sshrl.u32 s30, $0x3;
	s31 =	smul.u32 $0x187000, s2  }
0x57: {  	s3 =	sor.u32 s0, s1;
	s1 =	sshll.u32 s2, $0x12;
	s4 =	sor.u32 s0, s4  }
0x58: {  	s0 =	smul.u32 $0xC3800, s7;
	s2 =	sshll.u32 s7, $0x11;
	s7 =	sand.u32 $0x70, s5  }
0x59: {  	s7 =	sadd.s32 s12, s7;
	s12 =	sld [smem:$0x7C9]  }
0x5a: {  	s0 =	sadd.s32 s31, s0;
	s31 =	sld [smem:$0x7CA];
	_ =	sdelay $0x1  }
0x5b: {  	s1 =	sor.u32 s1, s2  }
0x5c: {  	s2 =	sshrl.u32 s12, $0x3;
	s12 =	sshrl.u32 s31, $0x3;
	s31 =	rddreg [dreg:$0x1]  }
0x5d: {  	s12 =	sadd.s32 s31, s12  }
0x5e: {  	[dreg:$0x11] =	wrdreg s12  }
0x5f: {  	s12 =	sld [smem:$0x7CB]  }
0x60: {  	s2 =	sadd.s32 s31, s2  }
0x61: {  	s17 =	sshrl.u32 s17, $0x3;
	s11 =	sshrl.u32 s11, $0x3;
	[dreg:$0x10] =	wrdreg s2  }
0x62: {  	s2 =	sshrl.u32 s12, $0x3;
	s12 =	sshrl.u32 s19, $0x3;
	s19 =	sadd.s32 s31, s17  }
0x63: {  	s5 =	sshll.u32 s5, $0x7;
	s17 =	sadd.s32 s31, s11;
	[dreg:$0x14] =	wrdreg s19  }
0x64: {  	s11 =	sand.u32 $0x380, s5;
	[dreg:$0x17] =	wrdreg s17  }
0x65: {  	s2 =	sadd.s32 s31, s2;
	s0 =	sor.u32 s11, s0;
	s17 =	sld [smem:$0x7CC]  }
0x66: {  	[dreg:$0x12] =	wrdreg s2;
	s2 =	sadd.s32 s31, s12;
	s12 =	sshrl.u32 s16, $0x3  }
0x67: {  	s0 =	sshrl.u32 s0, $0x3;
	[dreg:$0x13] =	wrdreg s2;
	s2 =	sadd.s32 s31, s12  }
0x68: {  	s0 =	sadd.s32 s31, s0;
	[dreg:$0x15] =	wrdreg s2  }
0x69: {  	s16 =	sshrl.u32 s14, $0x3;
	s14 =	sand.u32 $0x1C000, s5;
	[dreg:$0x1c] =	wrdreg s0  }
0x6a: {  	s2 =	sadd.s32 s31, s16;
	s16 =	sadd.s32 s14, s7;
	s14 =	rddreg [dreg:$0x2]  }
0x6b: {  	s9 =	sshrl.u32 s9, $0x3;
	[dreg:$0x16] =	wrdreg s2  }
0x6c: {  	s19 =	sshrl.u32 s10, $0x3;
	s12 =	sshrl.u32 s4, $0x3;
	[dreg:$0x1d] =	wrdreg s16  }
0x6d: {  	s0 =	sshrl.u32 s17, $0x3;
	s2 =	sadd.s32 s31, s19;
	s19 =	sld [smem:$0x7CD]  }
0x6e: {  	s16 =	sadd.s32 $0x1000, s14;
	[dreg:$0x18] =	wrdreg s2;
	s2 =	sadd.s32 s31, s9  }
0x6f: {  	s17 =	sadd.s32 $0x2000, s14;
	s4 =	sadd.s32 s0, s16;
	[dreg:$0x19] =	wrdreg s2  }
0x70: {  	s5 =	sadd.s32 s0, s17;
	[dreg:$0x1f] =	wrdreg s4  }
0x71: {  	s10 =	sshrl.u32 s8, $0x3;
	[smem:$0x7CE] =	sst s5  }
0x72: {  	s2 =	sadd.s32 s31, s10;
	s5 =	sld [smem:$0x7D9]  }
0x73: {  	s9 =	sor.u32 s11, s1;
	[dreg:$0x1a] =	wrdreg s2  }
0x74: {  	s2 =	sadd.s32 s31, s12;
	s1 =	sshrl.u32 s19, $0x3;
	s12 =	sld [smem:$0x7D4]  }
0x75: {  	s31 =	sadd.s32 s14, s0;
	s19 =	sadd.s32 $0x3000, s14;
	[dreg:$0x1b] =	wrdreg s2  }
0x76: {  	[dreg:$0x1e] =	wrdreg s31;
	s0 =	sadd.s32 s0, s19  }
0x77: {  	s7 =	sadd.s32 s14, s1;
	[smem:$0x7CF] =	sst s0  }
0x78: {  	s8 =	sadd.s32 s1, s16;
	[smem:$0x7D0] =	sst s7  }
0x79: {  	s10 =	sadd.s32 s1, s17;
	[smem:$0x7D1] =	sst s8  }
0x7a: {  	s11 =	sadd.s32 s1, s19;
	[smem:$0x7D2] =	sst s10  }
0x7b: {  	[smem:$0x7D3] =	sst s11;
	s0 =	sshrl.u32 s12, $0x3  }
0x7c: {  	s7 =	sld [smem:$0x7DA];
	s31 =	sadd.s32 s14, s0  }
0x7d: {  	s2 =	sadd.s32 s0, s16;
	[smem:$0x7D5] =	sst s31  }
0x7e: {  	s4 =	sadd.s32 s0, s17;
	[smem:$0x7D6] =	sst s2  }
0x7f: {  	s0 =	sadd.s32 s0, s19;
	[smem:$0x7D7] =	sst s4  }
0x80: {  	[smem:$0x7D8] =	sst s0;
	s0 =	sshrl.u32 s5, $0x3  }
0x81: {  	s5 =	sld [smem:$0x7E3];
	s8 =	sadd.s32 s14, s0  }
0x82: {  	s10 =	sadd.s32 s0, s16;
	[smem:$0x7DB] =	sst s8  }
0x83: {  	s11 =	sadd.s32 s0, s17;
	[smem:$0x7DC] =	sst s10  }
0x84: {  	s1 =	sshrl.u32 s7, $0x3;
	s0 =	sadd.s32 s0, s19;
	[smem:$0x7DD] =	sst s11  }
0x85: {  	s12 =	sadd.s32 s14, s1;
	[smem:$0x7DE] =	sst s0  }
0x86: {  	s31 =	sadd.s32 s1, s16;
	[smem:$0x7DF] =	sst s12  }
0x87: {  	s2 =	sadd.s32 s1, s17;
	[smem:$0x7E0] =	sst s31  }
0x88: {  	s4 =	sadd.s32 s1, s19;
	[smem:$0x7E1] =	sst s2;
	s11 =	sshrl.u32 s20, $0x3  }
0x89: {  	[smem:$0x7E2] =	sst s4;
	s12 =	sshrl.u32 s18, $0x3;
	s18 =	sadd.s32 s14, s11  }
0x8a: {  	s20 =	sadd.s32 s11, s16;
	[smem:$0x7E8] =	sst s18  }
0x8b: {  	s31 =	sadd.s32 s11, s17;
	[smem:$0x7E9] =	sst s20  }
0x8c: {  	s4 =	sadd.s32 s14, s12;
	[smem:$0x7EA] =	sst s31  }
0x8d: {  	s0 =	sshrl.u32 s5, $0x3;
	s5 =	sadd.s32 s12, s16;
	[smem:$0x7EC] =	sst s4  }
0x8e: {  	s7 =	sadd.s32 s14, s0;
	[smem:$0x7ED] =	sst s5  }
0x8f: {  	s3 =	sshrl.u32 s3, $0x3;
	s8 =	sadd.s32 s0, s16;
	[smem:$0x7E4] =	sst s7  }
0x90: {  	s10 =	sadd.s32 s0, s17;
	s0 =	sadd.s32 s0, s19;
	[smem:$0x7E5] =	sst s8  }
0x91: {  	s18 =	sshrl.u32 s13, $0x3;
	s20 =	sshrl.u32 s6, $0x3;
	[smem:$0x7E6] =	sst s10  }
0x92: {  	s31 =	sshrl.u32 s9, $0x3;
	s9 =	sadd.s32 s14, s3;
	[smem:$0x7E7] =	sst s0  }
0x93: {  	s0 =	sadd.s32 s11, s19;
	s7 =	sadd.s32 s12, s17;
	s8 =	sadd.s32 s12, s19  }
0x94: {  	s10 =	sshrl.u32 s15, $0x3;
	s1 =	sadd.s32 s14, s18;
	s2 =	sadd.s32 s18, s16  }
0x95: {  	s4 =	sadd.s32 s18, s19;
	s5 =	sadd.s32 s14, s20;
	[smem:$0x7EB] =	sst s0  }
0x96: {  	s6 =	sadd.s32 s20, s16;
	s13 =	sadd.s32 s14, s31;
	[smem:$0x7EE] =	sst s7  }
0x97: {  	[smem:$0x7EF] =	sst s8;
	s11 =	sadd.s32 s14, s10;
	s0 =	sadd.s32 s10, s19  }
0x98: {  	s12 =	sadd.s32 s10, s16;
	s15 =	sadd.s32 s10, s17;
	[smem:$0x7F3] =	sst s0  }
0x99: {  	s8 =	sadd.s32 s20, s19;
	s0 =	sadd.s32 s18, s17;
	s18 =	sld [smem:$0x7F4]  }
0x9a: {  	s10 =	sadd.s32 s3, s16;
	s14 =	sadd.s32 s31, s16;
	[smem:$0x7F1] =	sst s12  }
0x9b: {  	s16 =	sadd.s32 s31, s19;
	s12 =	sadd.s32 s3, s19;
	s19 =	sld [smem:$0x7F6]  }
0x9c: {  	s7 =	sadd.s32 s20, s17;
	s20 =	sld [smem:$0x7F8];
	p0 =	sne.s32 s18, $0x0  }
0x9d: {  	[smem:$0x7F0] =	sst s11;
	s11 =	sadd.s32 s3, s17;
	s3 =	simm.s32 @!p0 $0x0  }
0x9e: {  	s3 =	simm.s32 @p0 $0x1;
	p0 =	sne.s32 s19, $0x0  }
0x9f: {  	[smem:$0x7F5] =	sst s3;
	s3 =	simm.s32 @!p0 $0x0  }
0xa0: {  	s3 =	simm.s32 @p0 $0x1;
	p0 =	sne.s32 s20, $0x0  }
0xa1: {  	[smem:$0x7F7] =	sst s3;
	s3 =	simm.s32 @!p0 $0x0  }
0xa2: {  	s3 =	simm.s32 @p0 $0x1;
	p0 =	sne.s32 s21, $0x0  }
0xa3: {  	[smem:$0x7F9] =	sst s3;
	s3 =	simm.s32 @!p0 $0x0  }
0xa4: {  	[smem:$0x7F2] =	sst s15;
	s3 =	simm.s32 @p0 $0x1;
	p0 =	sne.s32 s22, $0x0  }
0xa5: {  	[smem:$0x7FA] =	sst s3;
	s3 =	simm.s32 @!p0 $0x0  }
0xa6: {  	s15 =	sadd.s32 s31, s17;
	s3 =	simm.s32 @p0 $0x1;
	p0 =	sne.s32 s23, $0x0  }
0xa7: {  	s17 =	simm.s32 $0x0;
	[smem:$0x7FB] =	sst s3;
	s3 =	simm.s32 @!p0 $0x0  }
0xa8: {  	p6 =	sne.s32 s24, $0x0;
	[smem:$0x7FF] =	sst s17;
	s3 =	simm.s32 @p0 $0x1  }
0xa9: {  	s24 =	simm.s32 $0x1D700;
	p1 =	sne.s32 s26, $0x0;
	[smem:$0x7FC] =	sst s3  }
0xaa: {  	s26 =	simm.s32 $0x3;
	p2 =	sne.s32 s28, $0x0;
	_ =	strace $0x80000047  }
0xab: {  	s28 =	simm.s32 $0x0;
	p3 =	sne.s32 s29, $0x0;
	s31 =	sld [smem:$0x7FD]  }
0xac: {  	p4 =	sne.s32 s30, $0x0;
	s19 =	simm.s32 $0x80;
	s20 =	simm.s32 $0x400  }
0xad: {  	s21 =	simm.s32 $0x4;
	s22 =	simm.s32 $0x1;
	s23 =	simm.s32 $0x1C700  }
0xae: {  	p0 =	sne.s32 s25, $0x0;
	s25 =	simm.s32 $0x2;
	s18 =	smax.u32 s31, $0x1  }
.LBB2_1:
0xaf: {  	s3 =	rddreg [dreg:$0x10]  }
0xb0: {  	[tilespmem:s17], [sflag:$0x1] =	stream.strided.gather [hbm4b:s3+s19], $0x18700, s20, s19, $0x38;
	[tilespmem:$0x1E700] =	vst v63  }
0xb1: {  	s31 =	rddreg [dreg:$0x5];
	s29 =	simm.s32 $0x18700  }
0xb2: {  	[tilespmem:s29], [sflag:$0x4] =	stream.strided.gather [hbm4b:s31+s19], $0x4000, s20, s19, $0x38;
	[tilespmem:$0x1E700] =	vst v63  }
0xb3: {  	_ =	swait.ge [sflag:s21], $0x4000  }
0xb4: {  	[sflag:s21] =	ssyncset.done $0x0  }
0xb5: {  	[sflag:s21] =	ssyncadd.s32 $0xFFFFC000  }
0xb6: {  	_ =	swait.ge [sflag:s22], $0x18700  }
0xb7: {  	[sflag:s22] =	ssyncset.done $0x0  }
0xb8: {  	s31 =	simm.s32 $0x18740;
	[sflag:s22] =	ssyncadd.s32 $0xFFFE7900  }
0xb9: {  	v0 =	vld [tilespmem:s31+$0x30]  }
0xba: {  	v1 =	vld [tilespmem:s31+$0xFFFFFFD0]  }
0xbb: {  	v2 =	vld [tilespmem:s31+$0xFFFFFFE0]  }
0xbc: {  	v3 =	vld [tilespmem:s31+$0xFFFFFFF0]  }
0xbd: {  	v4 =	vld [tilespmem:s31+$0x0]  }
0xbe: {  	v6 =	vld [tilespmem:s31+$0x10]  }
0xbf: {  	v7 =	vld [tilespmem:s31+$0x20]  }
0xc0: {  	v8 =	vld [tilespmem:s31+$0xFFFFFFC0]  }
0xc1: {  	v9 =	vld.idx.msk [tilespmem:v0+s17+$0x0], $0xffff  }
0xc2: {  	v10 =	vld.idx.msk [tilespmem:v1+s17+$0x0], $0xffff  }
0xc3: {  	v5 =	vld.idx.msk [tilespmem:v2+s17+$0x0], $0xffff  }
0xc4: {  	v3 =	vld.idx.msk [tilespmem:v3+s17+$0x0], $0xffff  }
0xc5: {  	v0 =	vld.idx.msk [tilespmem:v4+s17+$0x0], $0xffff  }
0xc6: {  	s3 =	simm.s32 $0x1C740;
	v1 =	vld.idx.msk [tilespmem:v6+s17+$0x0], $0xffff  }
0xc7: {  	v2 =	vld.idx.msk [tilespmem:v7+s17+$0x0], $0xffff;
	[tilespmem:s3+$0x30] =	vst v9  }
0xc8: {  	s30 =	simm.s32 $0x187C0;
	s29 =	simm.s32 $0x0;
	v4 =	vld.idx.msk [tilespmem:v8+s17+$0x0], $0xffff;
	[tilespmem:s3+$0xFFFFFFD0] =	vst v10  }
.LBB2_2:
0xc9: {  	v6 =	vld [tilespmem:s30+$0x30];
	s29 =	sadd.s32 $0x8, s29;
	[tilespmem:s3+$0xFFFFFFE0] =	vst v5  }
0xca: {  	v5 =	vld [tilespmem:s30+$0xFFFFFFD0];
	p5 =	slt.u32 s29, $0xF8;
	[tilespmem:s3+$0xFFFFFFF0] =	vst v3  }
0xcb: {  	v3 =	vld [tilespmem:s30+$0xFFFFFFE0];
	[tilespmem:s3+$0x0] =	vst v0  }
0xcc: {  	v0 =	vld [tilespmem:s30+$0xFFFFFFF0];
	[tilespmem:s3+$0x10] =	vst v1  }
0xcd: {  	v1 =	vld [tilespmem:s30+$0x0];
	[tilespmem:s3+$0x20] =	vst v2  }
0xce: {  	v2 =	vld [tilespmem:s30+$0x10];
	[tilespmem:s3+$0xFFFFFFC0] =	vst v4  }
0xcf: {  	v4 =	vld [tilespmem:s30+$0x20]  }
0xd0: {  	v7 =	vld [tilespmem:s30+$0xFFFFFFC0]  }
0xd1: {  	v6 =	vld.idx.msk [tilespmem:v6+s17+$0x0], $0xffff  }
0xd2: {  	v8 =	vld.idx.msk [tilespmem:v5+s17+$0x0], $0xffff  }
0xd3: {  	v5 =	vld.idx.msk [tilespmem:v3+s17+$0x0], $0xffff  }
.Ltmp0:
0xd4: {  	v3 =	vld.idx.msk [tilespmem:v0+s17+$0x0], $0xffff;
	(pc) =	sbr.rel @p5 .LBB2_2-.Ltmp0, $4  }
0xd5: {  	v0 =	vld.idx.msk [tilespmem:v1+s17+$0x0], $0xffff  }
0xd6: {  	s3 =	sadd.s32 $0x80, s3;
	v1 =	vld.idx.msk [tilespmem:v2+s17+$0x0], $0xffff  }
0xd7: {  	v2 =	vld.idx.msk [tilespmem:v4+s17+$0x0], $0xffff;
	[tilespmem:s3+$0x30] =	vst v6  }
0xd8: {  	s30 =	sadd.s32 $0x80, s30;
	v4 =	vld.idx.msk [tilespmem:v7+s17+$0x0], $0xffff;
	[tilespmem:s3+$0xFFFFFFD0] =	vst v8  }
0xd9: {  	[tilespmem:s3+$0xFFFFFFE0] =	vst v5  }
0xda: {  	[tilespmem:s3+$0xFFFFFFF0] =	vst v3  }
0xdb: {  	[tilespmem:s3+$0x0] =	vst v0  }
0xdc: {  	[tilespmem:s3+$0x10] =	vst v1  }
0xdd: {  	[tilespmem:s3+$0x20] =	vst v2  }
0xde: {  	[tilespmem:s3+$0xFFFFFFC0] =	vst v4  }
0xdf: {  	s31 =	simm.s32 $0x19770;
	s3 =	rddreg [dreg:$0x1e]  }
0xe0: {  	[hbm4b:s3+s19] =	stream.strided.scatter [tilespmem:s23], [sflag:$0x2], $0x1000, s20, s19, $0x38;
	[tilespmem:$0x1E700] =	vst v63  }
0xe1: {  	v0 =	vld [tilespmem:s31+$0x0]  }
0xe2: {  	v1 =	vld [tilespmem:s31+$0xFFFFFFA0]  }
0xe3: {  	v2 =	vld [tilespmem:s31+$0xFFFFFFB0]  }
0xe4: {  	v3 =	vld [tilespmem:s31+$0xFFFFFFC0]  }
0xe5: {  	v4 =	vld [tilespmem:s31+$0xFFFFFFD0]  }
0xe6: {  	v6 =	vld [tilespmem:s31+$0xFFFFFFE0]  }
0xe7: {  	v7 =	vld [tilespmem:s31+$0xFFFFFFF0]  }
0xe8: {  	v8 =	vld [tilespmem:s31+$0xFFFFFF90]  }
0xe9: {  	v9 =	vld.idx.msk [tilespmem:v0+s17+$0x0], $0xffff  }
0xea: {  	v10 =	vld.idx.msk [tilespmem:v1+s17+$0x0], $0xffff  }
0xeb: {  	v5 =	vld.idx.msk [tilespmem:v2+s17+$0x0], $0xffff  }
0xec: {  	v3 =	vld.idx.msk [tilespmem:v3+s17+$0x0], $0xffff  }
0xed: {  	v0 =	vld.idx.msk [tilespmem:v4+s17+$0x0], $0xffff  }
0xee: {  	s3 =	simm.s32 $0x1D740;
	v1 =	vld.idx.msk [tilespmem:v6+s17+$0x0], $0xffff  }
0xef: {  	v2 =	vld.idx.msk [tilespmem:v7+s17+$0x0], $0xffff;
	[tilespmem:s3+$0x30] =	vst v9  }
0xf0: {  	s29 =	simm.s32 $0x0;
	s30 =	simm.s32 $0x197F0;
	v4 =	vld.idx.msk [tilespmem:v8+s17+$0x0], $0xffff;
	[tilespmem:s3+$0xFFFFFFD0] =	vst v10  }
.LBB2_4:
0xf1: {  	v6 =	vld [tilespmem:s30+$0x0];
	s29 =	sadd.s32 $0x8, s29;
	[tilespmem:s3+$0xFFFFFFE0] =	vst v5  }
0xf2: {  	v5 =	vld [tilespmem:s30+$0xFFFFFFA0];
	p5 =	slt.u32 s29, $0xF8;
	[tilespmem:s3+$0xFFFFFFF0] =	vst v3  }
0xf3: {  	v3 =	vld [tilespmem:s30+$0xFFFFFFB0];
	[tilespmem:s3+$0x0] =	vst v0  }
0xf4: {  	v0 =	vld [tilespmem:s30+$0xFFFFFFC0];
	[tilespmem:s3+$0x10] =	vst v1  }
0xf5: {  	v1 =	vld [tilespmem:s30+$0xFFFFFFD0];
	[tilespmem:s3+$0x20] =	vst v2  }
0xf6: {  	v2 =	vld [tilespmem:s30+$0xFFFFFFE0];
	[tilespmem:s3+$0xFFFFFFC0] =	vst v4  }
0xf7: {  	v4 =	vld [tilespmem:s30+$0xFFFFFFF0]  }
0xf8: {  	v7 =	vld [tilespmem:s30+$0xFFFFFF90]  }
0xf9: {  	v6 =	vld.idx.msk [tilespmem:v6+s17+$0x0], $0xffff  }
0xfa: {  	v8 =	vld.idx.msk [tilespmem:v5+s17+$0x0], $0xffff  }
0xfb: {  	v5 =	vld.idx.msk [tilespmem:v3+s17+$0x0], $0xffff  }
.Ltmp1:
0xfc: {  	v3 =	vld.idx.msk [tilespmem:v0+s17+$0x0], $0xffff;
	(pc) =	sbr.rel @p5 .LBB2_4-.Ltmp1, $4  }
0xfd: {  	v0 =	vld.idx.msk [tilespmem:v1+s17+$0x0], $0xffff  }
0xfe: {  	s3 =	sadd.s32 $0x80, s3;
	v1 =	vld.idx.msk [tilespmem:v2+s17+$0x0], $0xffff  }
0xff: {  	v2 =	vld.idx.msk [tilespmem:v4+s17+$0x0], $0xffff;
	[tilespmem:s3+$0x30] =	vst v6  }
0x100: {  	s30 =	sadd.s32 $0x80, s30;
	v4 =	vld.idx.msk [tilespmem:v7+s17+$0x0], $0xffff;
	[tilespmem:s3+$0xFFFFFFD0] =	vst v8  }
0x101: {  	[tilespmem:s3+$0xFFFFFFE0] =	vst v5  }
0x102: {  	[tilespmem:s3+$0xFFFFFFF0] =	vst v3  }
0x103: {  	[tilespmem:s3+$0x0] =	vst v0  }
0x104: {  	[tilespmem:s3+$0x10] =	vst v1  }
0x105: {  	[tilespmem:s3+$0x20] =	vst v2  }
0x106: {  	[tilespmem:s3+$0xFFFFFFC0] =	vst v4  }
0x107: {  	s3 =	rddreg [dreg:$0x1f]  }
0x108: {  	[hbm4b:s3+s19] =	stream.strided.scatter [tilespmem:s24], [sflag:$0x3], $0x1000, s20, s19, $0x38;
	[tilespmem:$0x1E700] =	vst v63  }
0x109: {  	_ =	swait.ge [sflag:s25], $0x1000  }
0x10a: {  	[sflag:s25] =	ssyncset.done $0x0  }
0x10b: {  	s31 =	simm.s32 $0x1A770;
	[sflag:s25] =	ssyncadd.s32 $0xFFFFF000  }
0x10c: {  	v0 =	vld [tilespmem:s31+$0x0]  }
0x10d: {  	v1 =	vld [tilespmem:s31+$0xFFFFFFA0]  }
0x10e: {  	v2 =	vld [tilespmem:s31+$0xFFFFFFB0]  }
0x10f: {  	v3 =	vld [tilespmem:s31+$0xFFFFFFC0]  }
0x110: {  	v4 =	vld [tilespmem:s31+$0xFFFFFFD0]  }
0x111: {  	v6 =	vld [tilespmem:s31+$0xFFFFFFE0]  }
0x112: {  	v7 =	vld [tilespmem:s31+$0xFFFFFFF0]  }
0x113: {  	v8 =	vld [tilespmem:s31+$0xFFFFFF90]  }
0x114: {  	v9 =	vld.idx.msk [tilespmem:v0+s17+$0x0], $0xffff  }
0x115: {  	v10 =	vld.idx.msk [tilespmem:v1+s17+$0x0], $0xffff  }
0x116: {  	v5 =	vld.idx.msk [tilespmem:v2+s17+$0x0], $0xffff  }
0x117: {  	v3 =	vld.idx.msk [tilespmem:v3+s17+$0x0], $0xffff  }
0x118: {  	v0 =	vld.idx.msk [tilespmem:v4+s17+$0x0], $0xffff  }
0x119: {  	s3 =	simm.s32 $0x1C740;
	v1 =	vld.idx.msk [tilespmem:v6+s17+$0x0], $0xffff  }
0x11a: {  	v2 =	vld.idx.msk [tilespmem:v7+s17+$0x0], $0xffff;
	[tilespmem:s3+$0x30] =	vst v9  }
0x11b: {  	s29 =	simm.s32 $0x0;
	s30 =	simm.s32 $0x1A7F0;
	v4 =	vld.idx.msk [tilespmem:v8+s17+$0x0], $0xffff;
	[tilespmem:s3+$0xFFFFFFD0] =	vst v10  }
.LBB2_6:
0x11c: {  	v6 =	vld [tilespmem:s30+$0x0];
	s29 =	sadd.s32 $0x8, s29;
	[tilespmem:s3+$0xFFFFFFE0] =	vst v5  }
0x11d: {  	v5 =	vld [tilespmem:s30+$0xFFFFFFA0];
	p5 =	slt.u32 s29, $0xF8;
	[tilespmem:s3+$0xFFFFFFF0] =	vst v3  }
0x11e: {  	v3 =	vld [tilespmem:s30+$0xFFFFFFB0];
	[tilespmem:s3+$0x0] =	vst v0  }
0x11f: {  	v0 =	vld [tilespmem:s30+$0xFFFFFFC0];
	[tilespmem:s3+$0x10] =	vst v1  }
0x120: {  	v1 =	vld [tilespmem:s30+$0xFFFFFFD0];
	[tilespmem:s3+$0x20] =	vst v2  }
0x121: {  	v2 =	vld [tilespmem:s30+$0xFFFFFFE0];
	[tilespmem:s3+$0xFFFFFFC0] =	vst v4  }
0x122: {  	v4 =	vld [tilespmem:s30+$0xFFFFFFF0]  }
0x123: {  	v7 =	vld [tilespmem:s30+$0xFFFFFF90]  }
0x124: {  	v6 =	vld.idx.msk [tilespmem:v6+s17+$0x0], $0xffff  }
0x125: {  	v8 =	vld.idx.msk [tilespmem:v5+s17+$0x0], $0xffff  }
0x126: {  	v5 =	vld.idx.msk [tilespmem:v3+s17+$0x0], $0xffff  }
.Ltmp2:
0x127: {  	v3 =	vld.idx.msk [tilespmem:v0+s17+$0x0], $0xffff;
	(pc) =	sbr.rel @p5 .LBB2_6-.Ltmp2, $4  }
0x128: {  	v0 =	vld.idx.msk [tilespmem:v1+s17+$0x0], $0xffff  }
0x129: {  	s3 =	sadd.s32 $0x80, s3;
	v1 =	vld.idx.msk [tilespmem:v2+s17+$0x0], $0xffff  }
0x12a: {  	v2 =	vld.idx.msk [tilespmem:v4+s17+$0x0], $0xffff;
	[tilespmem:s3+$0x30] =	vst v6  }
0x12b: {  	s30 =	sadd.s32 $0x80, s30;
	v4 =	vld.idx.msk [tilespmem:v7+s17+$0x0], $0xffff;
	[tilespmem:s3+$0xFFFFFFD0] =	vst v8  }
0x12c: {  	[tilespmem:s3+$0xFFFFFFE0] =	vst v5  }
0x12d: {  	[tilespmem:s3+$0xFFFFFFF0] =	vst v3  }
0x12e: {  	[tilespmem:s3+$0x0] =	vst v0  }
0x12f: {  	[tilespmem:s3+$0x10] =	vst v1  }
0x130: {  	[tilespmem:s3+$0x20] =	vst v2  }
0x131: {  	[tilespmem:s3+$0xFFFFFFC0] =	vst v4  }
0x132: {  	s3 =	sld [smem:$0x7CE];
	_ =	sdelay $0x2  }
0x133: {  	[hbm4b:s3+s19] =	stream.strided.scatter [tilespmem:s23], [sflag:$0x2], $0x1000, s20, s19, $0x38;
	[tilespmem:$0x1E700] =	vst v63  }
0x134: {  	_ =	swait.ge [sflag:s26], $0x1000  }
0x135: {  	[sflag:s26] =	ssyncset.done $0x0  }
0x136: {  	s31 =	simm.s32 $0x1B770;
	[sflag:s26] =	ssyncadd.s32 $0xFFFFF000  }
0x137: {  	v0 =	vld [tilespmem:s31+$0x0]  }
0x138: {  	v1 =	vld [tilespmem:s31+$0xFFFFFFA0]  }
0x139: {  	v2 =	vld [tilespmem:s31+$0xFFFFFFB0]  }
0x13a: {  	v3 =	vld [tilespmem:s31+$0xFFFFFFC0]  }
0x13b: {  	v4 =	vld [tilespmem:s31+$0xFFFFFFD0]  }
0x13c: {  	v6 =	vld [tilespmem:s31+$0xFFFFFFE0]  }
0x13d: {  	v7 =	vld [tilespmem:s31+$0xFFFFFFF0]  }
0x13e: {  	v8 =	vld [tilespmem:s31+$0xFFFFFF90]  }
0x13f: {  	v9 =	vld.idx.msk [tilespmem:v0+s17+$0x0], $0xffff  }
0x140: {  	v10 =	vld.idx.msk [tilespmem:v1+s17+$0x0], $0xffff  }
0x141: {  	v5 =	vld.idx.msk [tilespmem:v2+s17+$0x0], $0xffff  }
0x142: {  	v3 =	vld.idx.msk [tilespmem:v3+s17+$0x0], $0xffff  }
0x143: {  	v0 =	vld.idx.msk [tilespmem:v4+s17+$0x0], $0xffff  }
0x144: {  	s3 =	simm.s32 $0x1D740;
	v1 =	vld.idx.msk [tilespmem:v6+s17+$0x0], $0xffff  }
0x145: {  	v2 =	vld.idx.msk [tilespmem:v7+s17+$0x0], $0xffff;
	[tilespmem:s3+$0x30] =	vst v9  }
0x146: {  	s29 =	simm.s32 $0x0;
	s30 =	simm.s32 $0x1B7F0;
	v4 =	vld.idx.msk [tilespmem:v8+s17+$0x0], $0xffff;
	[tilespmem:s3+$0xFFFFFFD0] =	vst v10  }
.LBB2_8:
0x147: {  	v6 =	vld [tilespmem:s30+$0x0];
	s29 =	sadd.s32 $0x8, s29;
	[tilespmem:s3+$0xFFFFFFE0] =	vst v5  }
0x148: {  	v5 =	vld [tilespmem:s30+$0xFFFFFFA0];
	p5 =	slt.u32 s29, $0xF8;
	[tilespmem:s3+$0xFFFFFFF0] =	vst v3  }
0x149: {  	v3 =	vld [tilespmem:s30+$0xFFFFFFB0];
	[tilespmem:s3+$0x0] =	vst v0  }
0x14a: {  	v0 =	vld [tilespmem:s30+$0xFFFFFFC0];
	[tilespmem:s3+$0x10] =	vst v1  }
0x14b: {  	v1 =	vld [tilespmem:s30+$0xFFFFFFD0];
	[tilespmem:s3+$0x20] =	vst v2  }
0x14c: {  	v2 =	vld [tilespmem:s30+$0xFFFFFFE0];
	[tilespmem:s3+$0xFFFFFFC0] =	vst v4  }
0x14d: {  	v4 =	vld [tilespmem:s30+$0xFFFFFFF0]  }
0x14e: {  	v7 =	vld [tilespmem:s30+$0xFFFFFF90]  }
0x14f: {  	v6 =	vld.idx.msk [tilespmem:v6+s17+$0x0], $0xffff  }
0x150: {  	v8 =	vld.idx.msk [tilespmem:v5+s17+$0x0], $0xffff  }
0x151: {  	v5 =	vld.idx.msk [tilespmem:v3+s17+$0x0], $0xffff  }
.Ltmp3:
0x152: {  	v3 =	vld.idx.msk [tilespmem:v0+s17+$0x0], $0xffff;
	(pc) =	sbr.rel @p5 .LBB2_8-.Ltmp3, $4  }
0x153: {  	v0 =	vld.idx.msk [tilespmem:v1+s17+$0x0], $0xffff  }
0x154: {  	s3 =	sadd.s32 $0x80, s3;
	v1 =	vld.idx.msk [tilespmem:v2+s17+$0x0], $0xffff  }
0x155: {  	v2 =	vld.idx.msk [tilespmem:v4+s17+$0x0], $0xffff;
	[tilespmem:s3+$0x30] =	vst v6  }
0x156: {  	s30 =	sadd.s32 $0x80, s30;
	v4 =	vld.idx.msk [tilespmem:v7+s17+$0x0], $0xffff;
	[tilespmem:s3+$0xFFFFFFD0] =	vst v8  }
0x157: {  	[tilespmem:s3+$0xFFFFFFE0] =	vst v5  }
0x158: {  	[tilespmem:s3+$0xFFFFFFF0] =	vst v3  }
0x159: {  	[tilespmem:s3+$0x0] =	vst v0  }
0x15a: {  	[tilespmem:s3+$0x10] =	vst v1  }
0x15b: {  	[tilespmem:s3+$0x20] =	vst v2  }
0x15c: {  	[tilespmem:s3+$0xFFFFFFC0] =	vst v4  }
0x15d: {  	s3 =	sld [smem:$0x7CF];
	_ =	sdelay $0x2  }
0x15e: {  	[hbm4b:s3+s19] =	stream.strided.scatter [tilespmem:s24], [sflag:$0x3], $0x1000, s20, s19, $0x38;
	[tilespmem:$0x1E700] =	vst v63  }
0x15f: {  	s31 =	rddreg [dreg:$0x11]  }
0x160: {  	[tilespmem:s17], [sflag:$0x1] =	stream.strided.gather [hbm4b:s31+s19], $0x18700, s20, s19, $0x38;
	[tilespmem:$0x1E700] =	vst v63  }
0x161: {  	s31 =	sld [smem:$0x7F5];
	_ =	sdelay $0x2  }
0x162: {  	p5 =	seq.s32 s31, $0x1;
	s31 =	rddreg [dreg:$0x4]  }
0x163: {  	s3 =	simm.s32 @!p5 $0x80;
	s29 =	simm.s32 @!p5 $0x400;
	s30 =	simm.s32 @!p5 $0x18700  }
0x164: {  	[tilespmem:s30], [sflag:$0x4] =	stream.strided.gather @!p5 [hbm4b:s31+s3], $0x4000, s29, s3, $0x38;
	[tilespmem:$0x1E700] =	vst v63  }
0x165: {  	s3 =	simm.s32 @!p5 $0x4  }
0x166: {  	_ =	swait.ge @!p5 [sflag:s3], $0x4000  }
0x167: {  	[sflag:s3] =	ssyncset.done @!p5 $0x0  }
0x168: {  	[sflag:s3] =	ssyncadd.s32 @!p5 $0xFFFFC000  }
0x169: {  	_ =	swait.ge [sflag:s22], $0x18700  }
0x16a: {  	[sflag:s22] =	ssyncset.done $0x0  }
0x16b: {  	[sflag:s22] =	ssyncadd.s32 $0xFFFE7900  }
0x16c: {  	_ =	swait.ge [sflag:s25], $0x1000  }
0x16d: {  	[sflag:s25] =	ssyncset.done $0x0  }
0x16e: {  	s31 =	simm.s32 $0x18740;
	[sflag:s25] =	ssyncadd.s32 $0xFFFFF000  }
0x16f: {  	v0 =	vld [tilespmem:s31+$0x30]  }
0x170: {  	v1 =	vld [tilespmem:s31+$0xFFFFFFD0]  }
0x171: {  	v2 =	vld [tilespmem:s31+$0xFFFFFFE0]  }
0x172: {  	v3 =	vld [tilespmem:s31+$0xFFFFFFF0]  }
0x173: {  	v4 =	vld [tilespmem:s31+$0x0]  }
0x174: {  	v6 =	vld [tilespmem:s31+$0x10]  }
0x175: {  	v7 =	vld [tilespmem:s31+$0x20]  }
0x176: {  	v8 =	vld [tilespmem:s31+$0xFFFFFFC0]  }
0x177: {  	v9 =	vld.idx.msk [tilespmem:v0+s17+$0x0], $0xffff  }
0x178: {  	v10 =	vld.idx.msk [tilespmem:v1+s17+$0x0], $0xffff  }
0x179: {  	v5 =	vld.idx.msk [tilespmem:v2+s17+$0x0], $0xffff  }
0x17a: {  	v3 =	vld.idx.msk [tilespmem:v3+s17+$0x0], $0xffff  }
0x17b: {  	v0 =	vld.idx.msk [tilespmem:v4+s17+$0x0], $0xffff  }
0x17c: {  	s3 =	simm.s32 $0x1C740;
	v1 =	vld.idx.msk [tilespmem:v6+s17+$0x0], $0xffff  }
0x17d: {  	v2 =	vld.idx.msk [tilespmem:v7+s17+$0x0], $0xffff;
	[tilespmem:s3+$0x30] =	vst v9  }
0x17e: {  	s29 =	simm.s32 $0x0;
	s30 =	simm.s32 $0x187C0;
	v4 =	vld.idx.msk [tilespmem:v8+s17+$0x0], $0xffff;
	[tilespmem:s3+$0xFFFFFFD0] =	vst v10  }
.LBB2_10:
0x17f: {  	v6 =	vld [tilespmem:s30+$0x30];
	s29 =	sadd.s32 $0x8, s29;
	[tilespmem:s3+$0xFFFFFFE0] =	vst v5  }
0x180: {  	v5 =	vld [tilespmem:s30+$0xFFFFFFD0];
	p5 =	slt.u32 s29, $0xF8;
	[tilespmem:s3+$0xFFFFFFF0] =	vst v3  }
0x181: {  	v3 =	vld [tilespmem:s30+$0xFFFFFFE0];
	[tilespmem:s3+$0x0] =	vst v0  }
0x182: {  	v0 =	vld [tilespmem:s30+$0xFFFFFFF0];
	[tilespmem:s3+$0x10] =	vst v1  }
0x183: {  	v1 =	vld [tilespmem:s30+$0x0];
	[tilespmem:s3+$0x20] =	vst v2  }
0x184: {  	v2 =	vld [tilespmem:s30+$0x10];
	[tilespmem:s3+$0xFFFFFFC0] =	vst v4  }
0x185: {  	v4 =	vld [tilespmem:s30+$0x20]  }
0x186: {  	v7 =	vld [tilespmem:s30+$0xFFFFFFC0]  }
0x187: {  	v6 =	vld.idx.msk [tilespmem:v6+s17+$0x0], $0xffff  }
0x188: {  	v8 =	vld.idx.msk [tilespmem:v5+s17+$0x0], $0xffff  }
0x189: {  	v5 =	vld.idx.msk [tilespmem:v3+s17+$0x0], $0xffff  }
.Ltmp4:
0x18a: {  	v3 =	vld.idx.msk [tilespmem:v0+s17+$0x0], $0xffff;
	(pc) =	sbr.rel @p5 .LBB2_10-.Ltmp4, $4  }
0x18b: {  	v0 =	vld.idx.msk [tilespmem:v1+s17+$0x0], $0xffff  }
0x18c: {  	s3 =	sadd.s32 $0x80, s3;
	v1 =	vld.idx.msk [tilespmem:v2+s17+$0x0], $0xffff  }
0x18d: {  	v2 =	vld.idx.msk [tilespmem:v4+s17+$0x0], $0xffff;
	[tilespmem:s3+$0x30] =	vst v6  }
0x18e: {  	s30 =	sadd.s32 $0x80, s30;
	v4 =	vld.idx.msk [tilespmem:v7+s17+$0x0], $0xffff;
	[tilespmem:s3+$0xFFFFFFD0] =	vst v8  }
0x18f: {  	[tilespmem:s3+$0xFFFFFFE0] =	vst v5  }
0x190: {  	[tilespmem:s3+$0xFFFFFFF0] =	vst v3  }
0x191: {  	[tilespmem:s3+$0x0] =	vst v0  }
0x192: {  	[tilespmem:s3+$0x10] =	vst v1  }
0x193: {  	[tilespmem:s3+$0x20] =	vst v2  }
0x194: {  	[tilespmem:s3+$0xFFFFFFC0] =	vst v4  }
0x195: {  	s3 =	sld [smem:$0x7D0];
	_ =	sdelay $0x2  }
0x196: {  	[hbm4b:s3+s19] =	stream.strided.scatter [tilespmem:s23], [sflag:$0x2], $0x1000, s20, s19, $0x38;
	[tilespmem:$0x1E700] =	vst v63  }
0x197: {  	_ =	swait.ge [sflag:s26], $0x1000  }
0x198: {  	[sflag:s26] =	ssyncset.done $0x0  }
0x199: {  	s31 =	simm.s32 $0x19770;
	[sflag:s26] =	ssyncadd.s32 $0xFFFFF000  }
0x19a: {  	v0 =	vld [tilespmem:s31+$0x0]  }
0x19b: {  	v1 =	vld [tilespmem:s31+$0xFFFFFFA0]  }
0x19c: {  	v2 =	vld [tilespmem:s31+$0xFFFFFFB0]  }
0x19d: {  	v3 =	vld [tilespmem:s31+$0xFFFFFFC0]  }
0x19e: {  	v4 =	vld [tilespmem:s31+$0xFFFFFFD0]  }
0x19f: {  	v6 =	vld [tilespmem:s31+$0xFFFFFFE0]  }
0x1a0: {  	v7 =	vld [tilespmem:s31+$0xFFFFFFF0]  }
0x1a1: {  	v8 =	vld [tilespmem:s31+$0xFFFFFF90]  }
0x1a2: {  	v9 =	vld.idx.msk [tilespmem:v0+s17+$0x0], $0xffff  }
0x1a3: {  	v10 =	vld.idx.msk [tilespmem:v1+s17+$0x0], $0xffff  }
0x1a4: {  	v5 =	vld.idx.msk [tilespmem:v2+s17+$0x0], $0xffff  }
0x1a5: {  	v3 =	vld.idx.msk [tilespmem:v3+s17+$0x0], $0xffff  }
0x1a6: {  	v0 =	vld.idx.msk [tilespmem:v4+s17+$0x0], $0xffff  }
0x1a7: {  	s3 =	simm.s32 $0x1D740;
	v1 =	vld.idx.msk [tilespmem:v6+s17+$0x0], $0xffff  }
0x1a8: {  	v2 =	vld.idx.msk [tilespmem:v7+s17+$0x0], $0xffff;
	[tilespmem:s3+$0x30] =	vst v9  }
0x1a9: {  	s29 =	simm.s32 $0x0;
	s30 =	simm.s32 $0x197F0;
	v4 =	vld.idx.msk [tilespmem:v8+s17+$0x0], $0xffff;
	[tilespmem:s3+$0xFFFFFFD0] =	vst v10  }
.LBB2_12:
0x1aa: {  	v6 =	vld [tilespmem:s30+$0x0];
	s29 =	sadd.s32 $0x8, s29;
	[tilespmem:s3+$0xFFFFFFE0] =	vst v5  }
0x1ab: {  	v5 =	vld [tilespmem:s30+$0xFFFFFFA0];
	p5 =	slt.u32 s29, $0xF8;
	[tilespmem:s3+$0xFFFFFFF0] =	vst v3  }
0x1ac: {  	v3 =	vld [tilespmem:s30+$0xFFFFFFB0];
	[tilespmem:s3+$0x0] =	vst v0  }
0x1ad: {  	v0 =	vld [tilespmem:s30+$0xFFFFFFC0];
	[tilespmem:s3+$0x10] =	vst v1  }
0x1ae: {  	v1 =	vld [tilespmem:s30+$0xFFFFFFD0];
	[tilespmem:s3+$0x20] =	vst v2  }
0x1af: {  	v2 =	vld [tilespmem:s30+$0xFFFFFFE0];
	[tilespmem:s3+$0xFFFFFFC0] =	vst v4  }
0x1b0: {  	v4 =	vld [tilespmem:s30+$0xFFFFFFF0]  }
0x1b1: {  	v7 =	vld [tilespmem:s30+$0xFFFFFF90]  }
0x1b2: {  	v6 =	vld.idx.msk [tilespmem:v6+s17+$0x0], $0xffff  }
0x1b3: {  	v8 =	vld.idx.msk [tilespmem:v5+s17+$0x0], $0xffff  }
0x1b4: {  	v5 =	vld.idx.msk [tilespmem:v3+s17+$0x0], $0xffff  }
.Ltmp5:
0x1b5: {  	v3 =	vld.idx.msk [tilespmem:v0+s17+$0x0], $0xffff;
	(pc) =	sbr.rel @p5 .LBB2_12-.Ltmp5, $4  }
0x1b6: {  	v0 =	vld.idx.msk [tilespmem:v1+s17+$0x0], $0xffff  }
0x1b7: {  	s3 =	sadd.s32 $0x80, s3;
	v1 =	vld.idx.msk [tilespmem:v2+s17+$0x0], $0xffff  }
0x1b8: {  	v2 =	vld.idx.msk [tilespmem:v4+s17+$0x0], $0xffff;
	[tilespmem:s3+$0x30] =	vst v6  }
0x1b9: {  	s30 =	sadd.s32 $0x80, s30;
	v4 =	vld.idx.msk [tilespmem:v7+s17+$0x0], $0xffff;
	[tilespmem:s3+$0xFFFFFFD0] =	vst v8  }
0x1ba: {  	[tilespmem:s3+$0xFFFFFFE0] =	vst v5  }
0x1bb: {  	[tilespmem:s3+$0xFFFFFFF0] =	vst v3  }
0x1bc: {  	[tilespmem:s3+$0x0] =	vst v0  }
0x1bd: {  	[tilespmem:s3+$0x10] =	vst v1  }
0x1be: {  	[tilespmem:s3+$0x20] =	vst v2  }
0x1bf: {  	[tilespmem:s3+$0xFFFFFFC0] =	vst v4  }
0x1c0: {  	s3 =	sld [smem:$0x7D1];
	_ =	sdelay $0x2  }
0x1c1: {  	[hbm4b:s3+s19] =	stream.strided.scatter [tilespmem:s24], [sflag:$0x3], $0x1000, s20, s19, $0x38;
	[tilespmem:$0x1E700] =	vst v63  }
0x1c2: {  	_ =	swait.ge [sflag:s25], $0x1000  }
0x1c3: {  	[sflag:s25] =	ssyncset.done $0x0  }
0x1c4: {  	s31 =	simm.s32 $0x1A770;
	[sflag:s25] =	ssyncadd.s32 $0xFFFFF000  }
0x1c5: {  	v0 =	vld [tilespmem:s31+$0x0]  }
0x1c6: {  	v1 =	vld [tilespmem:s31+$0xFFFFFFA0]  }
0x1c7: {  	v2 =	vld [tilespmem:s31+$0xFFFFFFB0]  }
0x1c8: {  	v3 =	vld [tilespmem:s31+$0xFFFFFFC0]  }
0x1c9: {  	v4 =	vld [tilespmem:s31+$0xFFFFFFD0]  }
0x1ca: {  	v6 =	vld [tilespmem:s31+$0xFFFFFFE0]  }
0x1cb: {  	v7 =	vld [tilespmem:s31+$0xFFFFFFF0]  }
0x1cc: {  	v8 =	vld [tilespmem:s31+$0xFFFFFF90]  }
0x1cd: {  	v9 =	vld.idx.msk [tilespmem:v0+s17+$0x0], $0xffff  }
0x1ce: {  	v10 =	vld.idx.msk [tilespmem:v1+s17+$0x0], $0xffff  }
0x1cf: {  	v5 =	vld.idx.msk [tilespmem:v2+s17+$0x0], $0xffff  }
0x1d0: {  	v3 =	vld.idx.msk [tilespmem:v3+s17+$0x0], $0xffff  }
0x1d1: {  	v0 =	vld.idx.msk [tilespmem:v4+s17+$0x0], $0xffff  }
0x1d2: {  	s3 =	simm.s32 $0x1C740;
	v1 =	vld.idx.msk [tilespmem:v6+s17+$0x0], $0xffff  }
0x1d3: {  	v2 =	vld.idx.msk [tilespmem:v7+s17+$0x0], $0xffff;
	[tilespmem:s3+$0x30] =	vst v9  }
0x1d4: {  	s29 =	simm.s32 $0x0;
	s30 =	simm.s32 $0x1A7F0;
	v4 =	vld.idx.msk [tilespmem:v8+s17+$0x0], $0xffff;
	[tilespmem:s3+$0xFFFFFFD0] =	vst v10  }
.LBB2_14:
0x1d5: {  	v6 =	vld [tilespmem:s30+$0x0];
	s29 =	sadd.s32 $0x8, s29;
	[tilespmem:s3+$0xFFFFFFE0] =	vst v5  }
0x1d6: {  	v5 =	vld [tilespmem:s30+$0xFFFFFFA0];
	p5 =	slt.u32 s29, $0xF8;
	[tilespmem:s3+$0xFFFFFFF0] =	vst v3  }
0x1d7: {  	v3 =	vld [tilespmem:s30+$0xFFFFFFB0];
	[tilespmem:s3+$0x0] =	vst v0  }
0x1d8: {  	v0 =	vld [tilespmem:s30+$0xFFFFFFC0];
	[tilespmem:s3+$0x10] =	vst v1  }
0x1d9: {  	v1 =	vld [tilespmem:s30+$0xFFFFFFD0];
	[tilespmem:s3+$0x20] =	vst v2  }
0x1da: {  	v2 =	vld [tilespmem:s30+$0xFFFFFFE0];
	[tilespmem:s3+$0xFFFFFFC0] =	vst v4  }
0x1db: {  	v4 =	vld [tilespmem:s30+$0xFFFFFFF0]  }
0x1dc: {  	v7 =	vld [tilespmem:s30+$0xFFFFFF90]  }
0x1dd: {  	v6 =	vld.idx.msk [tilespmem:v6+s17+$0x0], $0xffff  }
0x1de: {  	v8 =	vld.idx.msk [tilespmem:v5+s17+$0x0], $0xffff  }
0x1df: {  	v5 =	vld.idx.msk [tilespmem:v3+s17+$0x0], $0xffff  }
.Ltmp6:
0x1e0: {  	v3 =	vld.idx.msk [tilespmem:v0+s17+$0x0], $0xffff;
	(pc) =	sbr.rel @p5 .LBB2_14-.Ltmp6, $4  }
0x1e1: {  	v0 =	vld.idx.msk [tilespmem:v1+s17+$0x0], $0xffff  }
0x1e2: {  	s3 =	sadd.s32 $0x80, s3;
	v1 =	vld.idx.msk [tilespmem:v2+s17+$0x0], $0xffff  }
0x1e3: {  	v2 =	vld.idx.msk [tilespmem:v4+s17+$0x0], $0xffff;
	[tilespmem:s3+$0x30] =	vst v6  }
0x1e4: {  	s30 =	sadd.s32 $0x80, s30;
	v4 =	vld.idx.msk [tilespmem:v7+s17+$0x0], $0xffff;
	[tilespmem:s3+$0xFFFFFFD0] =	vst v8  }
0x1e5: {  	[tilespmem:s3+$0xFFFFFFE0] =	vst v5  }
0x1e6: {  	[tilespmem:s3+$0xFFFFFFF0] =	vst v3  }
0x1e7: {  	[tilespmem:s3+$0x0] =	vst v0  }
0x1e8: {  	[tilespmem:s3+$0x10] =	vst v1  }
0x1e9: {  	[tilespmem:s3+$0x20] =	vst v2  }
0x1ea: {  	[tilespmem:s3+$0xFFFFFFC0] =	vst v4  }
0x1eb: {  	s3 =	sld [smem:$0x7D2];
	_ =	sdelay $0x2  }
0x1ec: {  	[hbm4b:s3+s19] =	stream.strided.scatter [tilespmem:s23], [sflag:$0x2], $0x1000, s20, s19, $0x38;
	[tilespmem:$0x1E700] =	vst v63  }
0x1ed: {  	_ =	swait.ge [sflag:s26], $0x1000  }
0x1ee: {  	[sflag:s26] =	ssyncset.done $0x0  }
0x1ef: {  	s31 =	simm.s32 $0x1B770;
	[sflag:s26] =	ssyncadd.s32 $0xFFFFF000  }
0x1f0: {  	v0 =	vld [tilespmem:s31+$0x0]  }
0x1f1: {  	v1 =	vld [tilespmem:s31+$0xFFFFFFA0]  }
0x1f2: {  	v2 =	vld [tilespmem:s31+$0xFFFFFFB0]  }
0x1f3: {  	v3 =	vld [tilespmem:s31+$0xFFFFFFC0]  }
0x1f4: {  	v4 =	vld [tilespmem:s31+$0xFFFFFFD0]  }
0x1f5: {  	v6 =	vld [tilespmem:s31+$0xFFFFFFE0]  }
0x1f6: {  	v7 =	vld [tilespmem:s31+$0xFFFFFFF0]  }
0x1f7: {  	v8 =	vld [tilespmem:s31+$0xFFFFFF90]  }
0x1f8: {  	v9 =	vld.idx.msk [tilespmem:v0+s17+$0x0], $0xffff  }
0x1f9: {  	v10 =	vld.idx.msk [tilespmem:v1+s17+$0x0], $0xffff  }
0x1fa: {  	v5 =	vld.idx.msk [tilespmem:v2+s17+$0x0], $0xffff  }
0x1fb: {  	v3 =	vld.idx.msk [tilespmem:v3+s17+$0x0], $0xffff  }
0x1fc: {  	v0 =	vld.idx.msk [tilespmem:v4+s17+$0x0], $0xffff  }
0x1fd: {  	s3 =	simm.s32 $0x1D740;
	v1 =	vld.idx.msk [tilespmem:v6+s17+$0x0], $0xffff  }
0x1fe: {  	v2 =	vld.idx.msk [tilespmem:v7+s17+$0x0], $0xffff;
	[tilespmem:s3+$0x30] =	vst v9  }
0x1ff: {  	s29 =	simm.s32 $0x0;
	s30 =	simm.s32 $0x1B7F0;
	v4 =	vld.idx.msk [tilespmem:v8+s17+$0x0], $0xffff;
	[tilespmem:s3+$0xFFFFFFD0] =	vst v10  }
.LBB2_16:
0x200: {  	v6 =	vld [tilespmem:s30+$0x0];
	s29 =	sadd.s32 $0x8, s29;
	[tilespmem:s3+$0xFFFFFFE0] =	vst v5  }
0x201: {  	v5 =	vld [tilespmem:s30+$0xFFFFFFA0];
	p5 =	slt.u32 s29, $0xF8;
	[tilespmem:s3+$0xFFFFFFF0] =	vst v3  }
0x202: {  	v3 =	vld [tilespmem:s30+$0xFFFFFFB0];
	[tilespmem:s3+$0x0] =	vst v0  }
0x203: {  	v0 =	vld [tilespmem:s30+$0xFFFFFFC0];
	[tilespmem:s3+$0x10] =	vst v1  }
0x204: {  	v1 =	vld [tilespmem:s30+$0xFFFFFFD0];
	[tilespmem:s3+$0x20] =	vst v2  }
0x205: {  	v2 =	vld [tilespmem:s30+$0xFFFFFFE0];
	[tilespmem:s3+$0xFFFFFFC0] =	vst v4  }
0x206: {  	v4 =	vld [tilespmem:s30+$0xFFFFFFF0]  }
0x207: {  	v7 =	vld [tilespmem:s30+$0xFFFFFF90]  }
0x208: {  	v6 =	vld.idx.msk [tilespmem:v6+s17+$0x0], $0xffff  }
0x209: {  	v8 =	vld.idx.msk [tilespmem:v5+s17+$0x0], $0xffff  }
0x20a: {  	v5 =	vld.idx.msk [tilespmem:v3+s17+$0x0], $0xffff  }
.Ltmp7:
0x20b: {  	v3 =	vld.idx.msk [tilespmem:v0+s17+$0x0], $0xffff;
	(pc) =	sbr.rel @p5 .LBB2_16-.Ltmp7, $4  }
0x20c: {  	v0 =	vld.idx.msk [tilespmem:v1+s17+$0x0], $0xffff  }
0x20d: {  	s3 =	sadd.s32 $0x80, s3;
	v1 =	vld.idx.msk [tilespmem:v2+s17+$0x0], $0xffff  }
0x20e: {  	v2 =	vld.idx.msk [tilespmem:v4+s17+$0x0], $0xffff;
	[tilespmem:s3+$0x30] =	vst v6  }
0x20f: {  	s30 =	sadd.s32 $0x80, s30;
	v4 =	vld.idx.msk [tilespmem:v7+s17+$0x0], $0xffff;
	[tilespmem:s3+$0xFFFFFFD0] =	vst v8  }
0x210: {  	[tilespmem:s3+$0xFFFFFFE0] =	vst v5  }
0x211: {  	[tilespmem:s3+$0xFFFFFFF0] =	vst v3  }
0x212: {  	[tilespmem:s3+$0x0] =	vst v0  }
0x213: {  	[tilespmem:s3+$0x10] =	vst v1  }
0x214: {  	[tilespmem:s3+$0x20] =	vst v2  }
0x215: {  	[tilespmem:s3+$0xFFFFFFC0] =	vst v4  }
0x216: {  	s3 =	sld [smem:$0x7D3];
	_ =	sdelay $0x2  }
0x217: {  	[hbm4b:s3+s19] =	stream.strided.scatter [tilespmem:s24], [sflag:$0x3], $0x1000, s20, s19, $0x38;
	[tilespmem:$0x1E700] =	vst v63  }
0x218: {  	s31 =	rddreg [dreg:$0x12]  }
0x219: {  	[tilespmem:s17], [sflag:$0x1] =	stream.strided.gather [hbm4b:s31+s19], $0x18700, s20, s19, $0x38;
	[tilespmem:$0x1E700] =	vst v63  }
0x21a: {  	s31 =	sld [smem:$0x7F7];
	_ =	sdelay $0x2  }
0x21b: {  	p5 =	seq.s32 s31, $0x1;
	s31 =	rddreg [dreg:$0x6]  }
0x21c: {  	s3 =	simm.s32 @!p5 $0x80;
	s29 =	simm.s32 @!p5 $0x400;
	s30 =	simm.s32 @!p5 $0x18700  }
0x21d: {  	[tilespmem:s30], [sflag:$0x4] =	stream.strided.gather @!p5 [hbm4b:s31+s3], $0x4000, s29, s3, $0x38;
	[tilespmem:$0x1E700] =	vst v63  }
0x21e: {  	s3 =	simm.s32 @!p5 $0x4  }
0x21f: {  	_ =	swait.ge @!p5 [sflag:s3], $0x4000  }
0x220: {  	[sflag:s3] =	ssyncset.done @!p5 $0x0  }
0x221: {  	[sflag:s3] =	ssyncadd.s32 @!p5 $0xFFFFC000  }
0x222: {  	_ =	swait.ge [sflag:s22], $0x18700  }
0x223: {  	[sflag:s22] =	ssyncset.done $0x0  }
0x224: {  	[sflag:s22] =	ssyncadd.s32 $0xFFFE7900  }
0x225: {  	_ =	swait.ge [sflag:s25], $0x1000  }
0x226: {  	[sflag:s25] =	ssyncset.done $0x0  }
0x227: {  	s31 =	simm.s32 $0x18740;
	[sflag:s25] =	ssyncadd.s32 $0xFFFFF000  }
0x228: {  	v0 =	vld [tilespmem:s31+$0x30]  }
0x229: {  	v1 =	vld [tilespmem:s31+$0xFFFFFFD0]  }
0x22a: {  	v2 =	vld [tilespmem:s31+$0xFFFFFFE0]  }
0x22b: {  	v3 =	vld [tilespmem:s31+$0xFFFFFFF0]  }
0x22c: {  	v4 =	vld [tilespmem:s31+$0x0]  }
0x22d: {  	v6 =	vld [tilespmem:s31+$0x10]  }
0x22e: {  	v7 =	vld [tilespmem:s31+$0x20]  }
0x22f: {  	v8 =	vld [tilespmem:s31+$0xFFFFFFC0]  }
0x230: {  	v9 =	vld.idx.msk [tilespmem:v0+s17+$0x0], $0xffff  }
0x231: {  	v10 =	vld.idx.msk [tilespmem:v1+s17+$0x0], $0xffff  }
0x232: {  	v5 =	vld.idx.msk [tilespmem:v2+s17+$0x0], $0xffff  }
0x233: {  	v3 =	vld.idx.msk [tilespmem:v3+s17+$0x0], $0xffff  }
0x234: {  	v0 =	vld.idx.msk [tilespmem:v4+s17+$0x0], $0xffff  }
0x235: {  	s3 =	simm.s32 $0x1C740;
	v1 =	vld.idx.msk [tilespmem:v6+s17+$0x0], $0xffff  }
0x236: {  	v2 =	vld.idx.msk [tilespmem:v7+s17+$0x0], $0xffff;
	[tilespmem:s3+$0x30] =	vst v9  }
0x237: {  	s29 =	simm.s32 $0x0;
	s30 =	simm.s32 $0x187C0;
	v4 =	vld.idx.msk [tilespmem:v8+s17+$0x0], $0xffff;
	[tilespmem:s3+$0xFFFFFFD0] =	vst v10  }
.LBB2_18:
0x238: {  	v6 =	vld [tilespmem:s30+$0x30];
	s29 =	sadd.s32 $0x8, s29;
	[tilespmem:s3+$0xFFFFFFE0] =	vst v5  }
0x239: {  	v5 =	vld [tilespmem:s30+$0xFFFFFFD0];
	p5 =	slt.u32 s29, $0xF8;
	[tilespmem:s3+$0xFFFFFFF0] =	vst v3  }
0x23a: {  	v3 =	vld [tilespmem:s30+$0xFFFFFFE0];
	[tilespmem:s3+$0x0] =	vst v0  }
0x23b: {  	v0 =	vld [tilespmem:s30+$0xFFFFFFF0];
	[tilespmem:s3+$0x10] =	vst v1  }
0x23c: {  	v1 =	vld [tilespmem:s30+$0x0];
	[tilespmem:s3+$0x20] =	vst v2  }
0x23d: {  	v2 =	vld [tilespmem:s30+$0x10];
	[tilespmem:s3+$0xFFFFFFC0] =	vst v4  }
0x23e: {  	v4 =	vld [tilespmem:s30+$0x20]  }
0x23f: {  	v7 =	vld [tilespmem:s30+$0xFFFFFFC0]  }
0x240: {  	v6 =	vld.idx.msk [tilespmem:v6+s17+$0x0], $0xffff  }
0x241: {  	v8 =	vld.idx.msk [tilespmem:v5+s17+$0x0], $0xffff  }
0x242: {  	v5 =	vld.idx.msk [tilespmem:v3+s17+$0x0], $0xffff  }
.Ltmp8:
0x243: {  	v3 =	vld.idx.msk [tilespmem:v0+s17+$0x0], $0xffff;
	(pc) =	sbr.rel @p5 .LBB2_18-.Ltmp8, $4  }
0x244: {  	v0 =	vld.idx.msk [tilespmem:v1+s17+$0x0], $0xffff  }
0x245: {  	s3 =	sadd.s32 $0x80, s3;
	v1 =	vld.idx.msk [tilespmem:v2+s17+$0x0], $0xffff  }
0x246: {  	v2 =	vld.idx.msk [tilespmem:v4+s17+$0x0], $0xffff;
	[tilespmem:s3+$0x30] =	vst v6  }
0x247: {  	s30 =	sadd.s32 $0x80, s30;
	v4 =	vld.idx.msk [tilespmem:v7+s17+$0x0], $0xffff;
	[tilespmem:s3+$0xFFFFFFD0] =	vst v8  }
0x248: {  	[tilespmem:s3+$0xFFFFFFE0] =	vst v5  }
0x249: {  	[tilespmem:s3+$0xFFFFFFF0] =	vst v3  }
0x24a: {  	[tilespmem:s3+$0x0] =	vst v0  }
0x24b: {  	[tilespmem:s3+$0x10] =	vst v1  }
0x24c: {  	[tilespmem:s3+$0x20] =	vst v2  }
0x24d: {  	[tilespmem:s3+$0xFFFFFFC0] =	vst v4  }
0x24e: {  	s3 =	sld [smem:$0x7D5];
	_ =	sdelay $0x2  }
0x24f: {  	[hbm4b:s3+s19] =	stream.strided.scatter [tilespmem:s23], [sflag:$0x2], $0x1000, s20, s19, $0x38;
	[tilespmem:$0x1E700] =	vst v63  }
0x250: {  	_ =	swait.ge [sflag:s26], $0x1000  }
0x251: {  	[sflag:s26] =	ssyncset.done $0x0  }
0x252: {  	s31 =	simm.s32 $0x19770;
	[sflag:s26] =	ssyncadd.s32 $0xFFFFF000  }
0x253: {  	v0 =	vld [tilespmem:s31+$0x0]  }
0x254: {  	v1 =	vld [tilespmem:s31+$0xFFFFFFA0]  }
0x255: {  	v2 =	vld [tilespmem:s31+$0xFFFFFFB0]  }
0x256: {  	v3 =	vld [tilespmem:s31+$0xFFFFFFC0]  }
0x257: {  	v4 =	vld [tilespmem:s31+$0xFFFFFFD0]  }
0x258: {  	v6 =	vld [tilespmem:s31+$0xFFFFFFE0]  }
0x259: {  	v7 =	vld [tilespmem:s31+$0xFFFFFFF0]  }
0x25a: {  	v8 =	vld [tilespmem:s31+$0xFFFFFF90]  }
0x25b: {  	v9 =	vld.idx.msk [tilespmem:v0+s17+$0x0], $0xffff  }
0x25c: {  	v10 =	vld.idx.msk [tilespmem:v1+s17+$0x0], $0xffff  }
0x25d: {  	v5 =	vld.idx.msk [tilespmem:v2+s17+$0x0], $0xffff  }
0x25e: {  	v3 =	vld.idx.msk [tilespmem:v3+s17+$0x0], $0xffff  }
0x25f: {  	v0 =	vld.idx.msk [tilespmem:v4+s17+$0x0], $0xffff  }
0x260: {  	s3 =	simm.s32 $0x1D740;
	v1 =	vld.idx.msk [tilespmem:v6+s17+$0x0], $0xffff  }
0x261: {  	v2 =	vld.idx.msk [tilespmem:v7+s17+$0x0], $0xffff;
	[tilespmem:s3+$0x30] =	vst v9  }
0x262: {  	s29 =	simm.s32 $0x0;
	s30 =	simm.s32 $0x197F0;
	v4 =	vld.idx.msk [tilespmem:v8+s17+$0x0], $0xffff;
	[tilespmem:s3+$0xFFFFFFD0] =	vst v10  }
.LBB2_20:
0x263: {  	v6 =	vld [tilespmem:s30+$0x0];
	s29 =	sadd.s32 $0x8, s29;
	[tilespmem:s3+$0xFFFFFFE0] =	vst v5  }
0x264: {  	v5 =	vld [tilespmem:s30+$0xFFFFFFA0];
	p5 =	slt.u32 s29, $0xF8;
	[tilespmem:s3+$0xFFFFFFF0] =	vst v3  }
0x265: {  	v3 =	vld [tilespmem:s30+$0xFFFFFFB0];
	[tilespmem:s3+$0x0] =	vst v0  }
0x266: {  	v0 =	vld [tilespmem:s30+$0xFFFFFFC0];
	[tilespmem:s3+$0x10] =	vst v1  }
0x267: {  	v1 =	vld [tilespmem:s30+$0xFFFFFFD0];
	[tilespmem:s3+$0x20] =	vst v2  }
0x268: {  	v2 =	vld [tilespmem:s30+$0xFFFFFFE0];
	[tilespmem:s3+$0xFFFFFFC0] =	vst v4  }
0x269: {  	v4 =	vld [tilespmem:s30+$0xFFFFFFF0]  }
0x26a: {  	v7 =	vld [tilespmem:s30+$0xFFFFFF90]  }
0x26b: {  	v6 =	vld.idx.msk [tilespmem:v6+s17+$0x0], $0xffff  }
0x26c: {  	v8 =	vld.idx.msk [tilespmem:v5+s17+$0x0], $0xffff  }
0x26d: {  	v5 =	vld.idx.msk [tilespmem:v3+s17+$0x0], $0xffff  }
.Ltmp9:
0x26e: {  	v3 =	vld.idx.msk [tilespmem:v0+s17+$0x0], $0xffff;
	(pc) =	sbr.rel @p5 .LBB2_20-.Ltmp9, $4  }
0x26f: {  	v0 =	vld.idx.msk [tilespmem:v1+s17+$0x0], $0xffff  }
0x270: {  	s3 =	sadd.s32 $0x80, s3;
	v1 =	vld.idx.msk [tilespmem:v2+s17+$0x0], $0xffff  }
0x271: {  	v2 =	vld.idx.msk [tilespmem:v4+s17+$0x0], $0xffff;
	[tilespmem:s3+$0x30] =	vst v6  }
0x272: {  	s30 =	sadd.s32 $0x80, s30;
	v4 =	vld.idx.msk [tilespmem:v7+s17+$0x0], $0xffff;
	[tilespmem:s3+$0xFFFFFFD0] =	vst v8  }
0x273: {  	[tilespmem:s3+$0xFFFFFFE0] =	vst v5  }
0x274: {  	[tilespmem:s3+$0xFFFFFFF0] =	vst v3  }
0x275: {  	[tilespmem:s3+$0x0] =	vst v0  }
0x276: {  	[tilespmem:s3+$0x10] =	vst v1  }
0x277: {  	[tilespmem:s3+$0x20] =	vst v2  }
0x278: {  	[tilespmem:s3+$0xFFFFFFC0] =	vst v4  }
0x279: {  	s3 =	sld [smem:$0x7D6];
	_ =	sdelay $0x2  }
0x27a: {  	[hbm4b:s3+s19] =	stream.strided.scatter [tilespmem:s24], [sflag:$0x3], $0x1000, s20, s19, $0x38;
	[tilespmem:$0x1E700] =	vst v63  }
0x27b: {  	_ =	swait.ge [sflag:s25], $0x1000  }
0x27c: {  	[sflag:s25] =	ssyncset.done $0x0  }
0x27d: {  	s31 =	simm.s32 $0x1A770;
	[sflag:s25] =	ssyncadd.s32 $0xFFFFF000  }
0x27e: {  	v0 =	vld [tilespmem:s31+$0x0]  }
0x27f: {  	v1 =	vld [tilespmem:s31+$0xFFFFFFA0]  }
0x280: {  	v2 =	vld [tilespmem:s31+$0xFFFFFFB0]  }
0x281: {  	v3 =	vld [tilespmem:s31+$0xFFFFFFC0]  }
0x282: {  	v4 =	vld [tilespmem:s31+$0xFFFFFFD0]  }
0x283: {  	v6 =	vld [tilespmem:s31+$0xFFFFFFE0]  }
0x284: {  	v7 =	vld [tilespmem:s31+$0xFFFFFFF0]  }
0x285: {  	v8 =	vld [tilespmem:s31+$0xFFFFFF90]  }
0x286: {  	v9 =	vld.idx.msk [tilespmem:v0+s17+$0x0], $0xffff  }
0x287: {  	v10 =	vld.idx.msk [tilespmem:v1+s17+$0x0], $0xffff  }
0x288: {  	v5 =	vld.idx.msk [tilespmem:v2+s17+$0x0], $0xffff  }
0x289: {  	v3 =	vld.idx.msk [tilespmem:v3+s17+$0x0], $0xffff  }
0x28a: {  	v0 =	vld.idx.msk [tilespmem:v4+s17+$0x0], $0xffff  }
0x28b: {  	s3 =	simm.s32 $0x1C740;
	v1 =	vld.idx.msk [tilespmem:v6+s17+$0x0], $0xffff  }
0x28c: {  	v2 =	vld.idx.msk [tilespmem:v7+s17+$0x0], $0xffff;
	[tilespmem:s3+$0x30] =	vst v9  }
0x28d: {  	s29 =	simm.s32 $0x0;
	s30 =	simm.s32 $0x1A7F0;
	v4 =	vld.idx.msk [tilespmem:v8+s17+$0x0], $0xffff;
	[tilespmem:s3+$0xFFFFFFD0] =	vst v10  }
.LBB2_22:
0x28e: {  	v6 =	vld [tilespmem:s30+$0x0];
	s29 =	sadd.s32 $0x8, s29;
	[tilespmem:s3+$0xFFFFFFE0] =	vst v5  }
0x28f: {  	v5 =	vld [tilespmem:s30+$0xFFFFFFA0];
	p5 =	slt.u32 s29, $0xF8;
	[tilespmem:s3+$0xFFFFFFF0] =	vst v3  }
0x290: {  	v3 =	vld [tilespmem:s30+$0xFFFFFFB0];
	[tilespmem:s3+$0x0] =	vst v0  }
0x291: {  	v0 =	vld [tilespmem:s30+$0xFFFFFFC0];
	[tilespmem:s3+$0x10] =	vst v1  }
0x292: {  	v1 =	vld [tilespmem:s30+$0xFFFFFFD0];
	[tilespmem:s3+$0x20] =	vst v2  }
0x293: {  	v2 =	vld [tilespmem:s30+$0xFFFFFFE0];
	[tilespmem:s3+$0xFFFFFFC0] =	vst v4  }
0x294: {  	v4 =	vld [tilespmem:s30+$0xFFFFFFF0]  }
0x295: {  	v7 =	vld [tilespmem:s30+$0xFFFFFF90]  }
0x296: {  	v6 =	vld.idx.msk [tilespmem:v6+s17+$0x0], $0xffff  }
0x297: {  	v8 =	vld.idx.msk [tilespmem:v5+s17+$0x0], $0xffff  }
0x298: {  	v5 =	vld.idx.msk [tilespmem:v3+s17+$0x0], $0xffff  }
.Ltmp10:
0x299: {  	v3 =	vld.idx.msk [tilespmem:v0+s17+$0x0], $0xffff;
	(pc) =	sbr.rel @p5 .LBB2_22-.Ltmp10, $4  }
0x29a: {  	v0 =	vld.idx.msk [tilespmem:v1+s17+$0x0], $0xffff  }
0x29b: {  	s3 =	sadd.s32 $0x80, s3;
	v1 =	vld.idx.msk [tilespmem:v2+s17+$0x0], $0xffff  }
0x29c: {  	v2 =	vld.idx.msk [tilespmem:v4+s17+$0x0], $0xffff;
	[tilespmem:s3+$0x30] =	vst v6  }
0x29d: {  	s30 =	sadd.s32 $0x80, s30;
	v4 =	vld.idx.msk [tilespmem:v7+s17+$0x0], $0xffff;
	[tilespmem:s3+$0xFFFFFFD0] =	vst v8  }
0x29e: {  	[tilespmem:s3+$0xFFFFFFE0] =	vst v5  }
0x29f: {  	[tilespmem:s3+$0xFFFFFFF0] =	vst v3  }
0x2a0: {  	[tilespmem:s3+$0x0] =	vst v0  }
0x2a1: {  	[tilespmem:s3+$0x10] =	vst v1  }
0x2a2: {  	[tilespmem:s3+$0x20] =	vst v2  }
0x2a3: {  	[tilespmem:s3+$0xFFFFFFC0] =	vst v4  }
0x2a4: {  	s3 =	sld [smem:$0x7D7];
	_ =	sdelay $0x2  }
0x2a5: {  	[hbm4b:s3+s19] =	stream.strided.scatter [tilespmem:s23], [sflag:$0x2], $0x1000, s20, s19, $0x38;
	[tilespmem:$0x1E700] =	vst v63  }
0x2a6: {  	_ =	swait.ge [sflag:s26], $0x1000  }
0x2a7: {  	[sflag:s26] =	ssyncset.done $0x0  }
0x2a8: {  	s31 =	simm.s32 $0x1B770;
	[sflag:s26] =	ssyncadd.s32 $0xFFFFF000  }
0x2a9: {  	v0 =	vld [tilespmem:s31+$0x0]  }
0x2aa: {  	v1 =	vld [tilespmem:s31+$0xFFFFFFA0]  }
0x2ab: {  	v2 =	vld [tilespmem:s31+$0xFFFFFFB0]  }
0x2ac: {  	v3 =	vld [tilespmem:s31+$0xFFFFFFC0]  }
0x2ad: {  	v4 =	vld [tilespmem:s31+$0xFFFFFFD0]  }
0x2ae: {  	v6 =	vld [tilespmem:s31+$0xFFFFFFE0]  }
0x2af: {  	v7 =	vld [tilespmem:s31+$0xFFFFFFF0]  }
0x2b0: {  	v8 =	vld [tilespmem:s31+$0xFFFFFF90]  }
0x2b1: {  	v9 =	vld.idx.msk [tilespmem:v0+s17+$0x0], $0xffff  }
0x2b2: {  	v10 =	vld.idx.msk [tilespmem:v1+s17+$0x0], $0xffff  }
0x2b3: {  	v5 =	vld.idx.msk [tilespmem:v2+s17+$0x0], $0xffff  }
0x2b4: {  	v3 =	vld.idx.msk [tilespmem:v3+s17+$0x0], $0xffff  }
0x2b5: {  	v0 =	vld.idx.msk [tilespmem:v4+s17+$0x0], $0xffff  }
0x2b6: {  	s3 =	simm.s32 $0x1D740;
	v1 =	vld.idx.msk [tilespmem:v6+s17+$0x0], $0xffff  }
0x2b7: {  	v2 =	vld.idx.msk [tilespmem:v7+s17+$0x0], $0xffff;
	[tilespmem:s3+$0x30] =	vst v9  }
0x2b8: {  	s29 =	simm.s32 $0x0;
	s30 =	simm.s32 $0x1B7F0;
	v4 =	vld.idx.msk [tilespmem:v8+s17+$0x0], $0xffff;
	[tilespmem:s3+$0xFFFFFFD0] =	vst v10  }
.LBB2_24:
0x2b9: {  	v6 =	vld [tilespmem:s30+$0x0];
	s29 =	sadd.s32 $0x8, s29;
	[tilespmem:s3+$0xFFFFFFE0] =	vst v5  }
0x2ba: {  	v5 =	vld [tilespmem:s30+$0xFFFFFFA0];
	p5 =	slt.u32 s29, $0xF8;
	[tilespmem:s3+$0xFFFFFFF0] =	vst v3  }
0x2bb: {  	v3 =	vld [tilespmem:s30+$0xFFFFFFB0];
	[tilespmem:s3+$0x0] =	vst v0  }
0x2bc: {  	v0 =	vld [tilespmem:s30+$0xFFFFFFC0];
	[tilespmem:s3+$0x10] =	vst v1  }
0x2bd: {  	v1 =	vld [tilespmem:s30+$0xFFFFFFD0];
	[tilespmem:s3+$0x20] =	vst v2  }
0x2be: {  	v2 =	vld [tilespmem:s30+$0xFFFFFFE0];
	[tilespmem:s3+$0xFFFFFFC0] =	vst v4  }
0x2bf: {  	v4 =	vld [tilespmem:s30+$0xFFFFFFF0]  }
0x2c0: {  	v7 =	vld [tilespmem:s30+$0xFFFFFF90]  }
0x2c1: {  	v6 =	vld.idx.msk [tilespmem:v6+s17+$0x0], $0xffff  }
0x2c2: {  	v8 =	vld.idx.msk [tilespmem:v5+s17+$0x0], $0xffff  }
0x2c3: {  	v5 =	vld.idx.msk [tilespmem:v3+s17+$0x0], $0xffff  }
.Ltmp11:
0x2c4: {  	v3 =	vld.idx.msk [tilespmem:v0+s17+$0x0], $0xffff;
	(pc) =	sbr.rel @p5 .LBB2_24-.Ltmp11, $4  }
0x2c5: {  	v0 =	vld.idx.msk [tilespmem:v1+s17+$0x0], $0xffff  }
0x2c6: {  	s3 =	sadd.s32 $0x80, s3;
	v1 =	vld.idx.msk [tilespmem:v2+s17+$0x0], $0xffff  }
0x2c7: {  	v2 =	vld.idx.msk [tilespmem:v4+s17+$0x0], $0xffff;
	[tilespmem:s3+$0x30] =	vst v6  }
0x2c8: {  	s30 =	sadd.s32 $0x80, s30;
	v4 =	vld.idx.msk [tilespmem:v7+s17+$0x0], $0xffff;
	[tilespmem:s3+$0xFFFFFFD0] =	vst v8  }
0x2c9: {  	[tilespmem:s3+$0xFFFFFFE0] =	vst v5  }
0x2ca: {  	[tilespmem:s3+$0xFFFFFFF0] =	vst v3  }
0x2cb: {  	[tilespmem:s3+$0x0] =	vst v0  }
0x2cc: {  	[tilespmem:s3+$0x10] =	vst v1  }
0x2cd: {  	[tilespmem:s3+$0x20] =	vst v2  }
0x2ce: {  	[tilespmem:s3+$0xFFFFFFC0] =	vst v4  }
0x2cf: {  	s3 =	sld [smem:$0x7D8];
	_ =	sdelay $0x2  }
0x2d0: {  	[hbm4b:s3+s19] =	stream.strided.scatter [tilespmem:s24], [sflag:$0x3], $0x1000, s20, s19, $0x38;
	[tilespmem:$0x1E700] =	vst v63  }
0x2d1: {  	s31 =	rddreg [dreg:$0x13]  }
0x2d2: {  	[tilespmem:s17], [sflag:$0x1] =	stream.strided.gather [hbm4b:s31+s19], $0x18700, s20, s19, $0x38;
	[tilespmem:$0x1E700] =	vst v63  }
0x2d3: {  	s31 =	sld [smem:$0x7F9];
	_ =	sdelay $0x2  }
0x2d4: {  	p5 =	seq.s32 s31, $0x1;
	s31 =	rddreg [dreg:$0x7]  }
0x2d5: {  	s3 =	simm.s32 @!p5 $0x80;
	s29 =	simm.s32 @!p5 $0x400;
	s30 =	simm.s32 @!p5 $0x18700  }
0x2d6: {  	[tilespmem:s30], [sflag:$0x4] =	stream.strided.gather @!p5 [hbm4b:s31+s3], $0x4000, s29, s3, $0x38;
	[tilespmem:$0x1E700] =	vst v63  }
0x2d7: {  	s3 =	simm.s32 @!p5 $0x4  }
0x2d8: {  	_ =	swait.ge @!p5 [sflag:s3], $0x4000  }
0x2d9: {  	[sflag:s3] =	ssyncset.done @!p5 $0x0  }
0x2da: {  	[sflag:s3] =	ssyncadd.s32 @!p5 $0xFFFFC000  }
0x2db: {  	_ =	swait.ge [sflag:s22], $0x18700  }
0x2dc: {  	[sflag:s22] =	ssyncset.done $0x0  }
0x2dd: {  	[sflag:s22] =	ssyncadd.s32 $0xFFFE7900  }
0x2de: {  	_ =	swait.ge [sflag:s25], $0x1000  }
0x2df: {  	[sflag:s25] =	ssyncset.done $0x0  }
0x2e0: {  	s31 =	simm.s32 $0x18740;
	[sflag:s25] =	ssyncadd.s32 $0xFFFFF000  }
0x2e1: {  	v0 =	vld [tilespmem:s31+$0x30]  }
0x2e2: {  	v1 =	vld [tilespmem:s31+$0xFFFFFFD0]  }
0x2e3: {  	v2 =	vld [tilespmem:s31+$0xFFFFFFE0]  }
0x2e4: {  	v3 =	vld [tilespmem:s31+$0xFFFFFFF0]  }
0x2e5: {  	v4 =	vld [tilespmem:s31+$0x0]  }
0x2e6: {  	v6 =	vld [tilespmem:s31+$0x10]  }
0x2e7: {  	v7 =	vld [tilespmem:s31+$0x20]  }
0x2e8: {  	v8 =	vld [tilespmem:s31+$0xFFFFFFC0]  }
0x2e9: {  	v9 =	vld.idx.msk [tilespmem:v0+s17+$0x0], $0xffff  }
0x2ea: {  	v10 =	vld.idx.msk [tilespmem:v1+s17+$0x0], $0xffff  }
0x2eb: {  	v5 =	vld.idx.msk [tilespmem:v2+s17+$0x0], $0xffff  }
0x2ec: {  	v3 =	vld.idx.msk [tilespmem:v3+s17+$0x0], $0xffff  }
0x2ed: {  	v0 =	vld.idx.msk [tilespmem:v4+s17+$0x0], $0xffff  }
0x2ee: {  	s3 =	simm.s32 $0x1C740;
	v1 =	vld.idx.msk [tilespmem:v6+s17+$0x0], $0xffff  }
0x2ef: {  	v2 =	vld.idx.msk [tilespmem:v7+s17+$0x0], $0xffff;
	[tilespmem:s3+$0x30] =	vst v9  }
0x2f0: {  	s29 =	simm.s32 $0x0;
	s30 =	simm.s32 $0x187C0;
	v4 =	vld.idx.msk [tilespmem:v8+s17+$0x0], $0xffff;
	[tilespmem:s3+$0xFFFFFFD0] =	vst v10  }
.LBB2_26:
0x2f1: {  	v6 =	vld [tilespmem:s30+$0x30];
	s29 =	sadd.s32 $0x8, s29;
	[tilespmem:s3+$0xFFFFFFE0] =	vst v5  }
0x2f2: {  	v5 =	vld [tilespmem:s30+$0xFFFFFFD0];
	p5 =	slt.u32 s29, $0xF8;
	[tilespmem:s3+$0xFFFFFFF0] =	vst v3  }
0x2f3: {  	v3 =	vld [tilespmem:s30+$0xFFFFFFE0];
	[tilespmem:s3+$0x0] =	vst v0  }
0x2f4: {  	v0 =	vld [tilespmem:s30+$0xFFFFFFF0];
	[tilespmem:s3+$0x10] =	vst v1  }
0x2f5: {  	v1 =	vld [tilespmem:s30+$0x0];
	[tilespmem:s3+$0x20] =	vst v2  }
0x2f6: {  	v2 =	vld [tilespmem:s30+$0x10];
	[tilespmem:s3+$0xFFFFFFC0] =	vst v4  }
0x2f7: {  	v4 =	vld [tilespmem:s30+$0x20]  }
0x2f8: {  	v7 =	vld [tilespmem:s30+$0xFFFFFFC0]  }
0x2f9: {  	v6 =	vld.idx.msk [tilespmem:v6+s17+$0x0], $0xffff  }
0x2fa: {  	v8 =	vld.idx.msk [tilespmem:v5+s17+$0x0], $0xffff  }
0x2fb: {  	v5 =	vld.idx.msk [tilespmem:v3+s17+$0x0], $0xffff  }
.Ltmp12:
0x2fc: {  	v3 =	vld.idx.msk [tilespmem:v0+s17+$0x0], $0xffff;
	(pc) =	sbr.rel @p5 .LBB2_26-.Ltmp12, $4  }
0x2fd: {  	v0 =	vld.idx.msk [tilespmem:v1+s17+$0x0], $0xffff  }
0x2fe: {  	s3 =	sadd.s32 $0x80, s3;
	v1 =	vld.idx.msk [tilespmem:v2+s17+$0x0], $0xffff  }
0x2ff: {  	v2 =	vld.idx.msk [tilespmem:v4+s17+$0x0], $0xffff;
	[tilespmem:s3+$0x30] =	vst v6  }
0x300: {  	s30 =	sadd.s32 $0x80, s30;
	v4 =	vld.idx.msk [tilespmem:v7+s17+$0x0], $0xffff;
	[tilespmem:s3+$0xFFFFFFD0] =	vst v8  }
0x301: {  	[tilespmem:s3+$0xFFFFFFE0] =	vst v5  }
0x302: {  	[tilespmem:s3+$0xFFFFFFF0] =	vst v3  }
0x303: {  	[tilespmem:s3+$0x0] =	vst v0  }
0x304: {  	[tilespmem:s3+$0x10] =	vst v1  }
0x305: {  	[tilespmem:s3+$0x20] =	vst v2  }
0x306: {  	[tilespmem:s3+$0xFFFFFFC0] =	vst v4  }
0x307: {  	s3 =	sld [smem:$0x7DB];
	_ =	sdelay $0x2  }
0x308: {  	[hbm4b:s3+s19] =	stream.strided.scatter [tilespmem:s23], [sflag:$0x2], $0x1000, s20, s19, $0x38;
	[tilespmem:$0x1E700] =	vst v63  }
0x309: {  	_ =	swait.ge [sflag:s26], $0x1000  }
0x30a: {  	[sflag:s26] =	ssyncset.done $0x0  }
0x30b: {  	s31 =	simm.s32 $0x19770;
	[sflag:s26] =	ssyncadd.s32 $0xFFFFF000  }
0x30c: {  	v0 =	vld [tilespmem:s31+$0x0]  }
0x30d: {  	v1 =	vld [tilespmem:s31+$0xFFFFFFA0]  }
0x30e: {  	v2 =	vld [tilespmem:s31+$0xFFFFFFB0]  }
0x30f: {  	v3 =	vld [tilespmem:s31+$0xFFFFFFC0]  }
0x310: {  	v4 =	vld [tilespmem:s31+$0xFFFFFFD0]  }
0x311: {  	v6 =	vld [tilespmem:s31+$0xFFFFFFE0]  }
0x312: {  	v7 =	vld [tilespmem:s31+$0xFFFFFFF0]  }
0x313: {  	v8 =	vld [tilespmem:s31+$0xFFFFFF90]  }
0x314: {  	v9 =	vld.idx.msk [tilespmem:v0+s17+$0x0], $0xffff  }
0x315: {  	v10 =	vld.idx.msk [tilespmem:v1+s17+$0x0], $0xffff  }
0x316: {  	v5 =	vld.idx.msk [tilespmem:v2+s17+$0x0], $0xffff  }
0x317: {  	v3 =	vld.idx.msk [tilespmem:v3+s17+$0x0], $0xffff  }
0x318: {  	v0 =	vld.idx.msk [tilespmem:v4+s17+$0x0], $0xffff  }
0x319: {  	s3 =	simm.s32 $0x1D740;
	v1 =	vld.idx.msk [tilespmem:v6+s17+$0x0], $0xffff  }
0x31a: {  	v2 =	vld.idx.msk [tilespmem:v7+s17+$0x0], $0xffff;
	[tilespmem:s3+$0x30] =	vst v9  }
0x31b: {  	s29 =	simm.s32 $0x0;
	s30 =	simm.s32 $0x197F0;
	v4 =	vld.idx.msk [tilespmem:v8+s17+$0x0], $0xffff;
	[tilespmem:s3+$0xFFFFFFD0] =	vst v10  }
.LBB2_28:
0x31c: {  	v6 =	vld [tilespmem:s30+$0x0];
	s29 =	sadd.s32 $0x8, s29;
	[tilespmem:s3+$0xFFFFFFE0] =	vst v5  }
0x31d: {  	v5 =	vld [tilespmem:s30+$0xFFFFFFA0];
	p5 =	slt.u32 s29, $0xF8;
	[tilespmem:s3+$0xFFFFFFF0] =	vst v3  }
0x31e: {  	v3 =	vld [tilespmem:s30+$0xFFFFFFB0];
	[tilespmem:s3+$0x0] =	vst v0  }
0x31f: {  	v0 =	vld [tilespmem:s30+$0xFFFFFFC0];
	[tilespmem:s3+$0x10] =	vst v1  }
0x320: {  	v1 =	vld [tilespmem:s30+$0xFFFFFFD0];
	[tilespmem:s3+$0x20] =	vst v2  }
0x321: {  	v2 =	vld [tilespmem:s30+$0xFFFFFFE0];
	[tilespmem:s3+$0xFFFFFFC0] =	vst v4  }
0x322: {  	v4 =	vld [tilespmem:s30+$0xFFFFFFF0]  }
0x323: {  	v7 =	vld [tilespmem:s30+$0xFFFFFF90]  }
0x324: {  	v6 =	vld.idx.msk [tilespmem:v6+s17+$0x0], $0xffff  }
0x325: {  	v8 =	vld.idx.msk [tilespmem:v5+s17+$0x0], $0xffff  }
0x326: {  	v5 =	vld.idx.msk [tilespmem:v3+s17+$0x0], $0xffff  }
.Ltmp13:
0x327: {  	v3 =	vld.idx.msk [tilespmem:v0+s17+$0x0], $0xffff;
	(pc) =	sbr.rel @p5 .LBB2_28-.Ltmp13, $4  }
0x328: {  	v0 =	vld.idx.msk [tilespmem:v1+s17+$0x0], $0xffff  }
0x329: {  	s3 =	sadd.s32 $0x80, s3;
	v1 =	vld.idx.msk [tilespmem:v2+s17+$0x0], $0xffff  }
0x32a: {  	v2 =	vld.idx.msk [tilespmem:v4+s17+$0x0], $0xffff;
	[tilespmem:s3+$0x30] =	vst v6  }
0x32b: {  	s30 =	sadd.s32 $0x80, s30;
	v4 =	vld.idx.msk [tilespmem:v7+s17+$0x0], $0xffff;
	[tilespmem:s3+$0xFFFFFFD0] =	vst v8  }
0x32c: {  	[tilespmem:s3+$0xFFFFFFE0] =	vst v5  }
0x32d: {  	[tilespmem:s3+$0xFFFFFFF0] =	vst v3  }
0x32e: {  	[tilespmem:s3+$0x0] =	vst v0  }
0x32f: {  	[tilespmem:s3+$0x10] =	vst v1  }
0x330: {  	[tilespmem:s3+$0x20] =	vst v2  }
0x331: {  	[tilespmem:s3+$0xFFFFFFC0] =	vst v4  }
0x332: {  	s3 =	sld [smem:$0x7DC];
	_ =	sdelay $0x2  }
0x333: {  	[hbm4b:s3+s19] =	stream.strided.scatter [tilespmem:s24], [sflag:$0x3], $0x1000, s20, s19, $0x38;
	[tilespmem:$0x1E700] =	vst v63  }
0x334: {  	_ =	swait.ge [sflag:s25], $0x1000  }
0x335: {  	[sflag:s25] =	ssyncset.done $0x0  }
0x336: {  	s31 =	simm.s32 $0x1A770;
	[sflag:s25] =	ssyncadd.s32 $0xFFFFF000  }
0x337: {  	v0 =	vld [tilespmem:s31+$0x0]  }
0x338: {  	v1 =	vld [tilespmem:s31+$0xFFFFFFA0]  }
0x339: {  	v2 =	vld [tilespmem:s31+$0xFFFFFFB0]  }
0x33a: {  	v3 =	vld [tilespmem:s31+$0xFFFFFFC0]  }
0x33b: {  	v4 =	vld [tilespmem:s31+$0xFFFFFFD0]  }
0x33c: {  	v6 =	vld [tilespmem:s31+$0xFFFFFFE0]  }
0x33d: {  	v7 =	vld [tilespmem:s31+$0xFFFFFFF0]  }
0x33e: {  	v8 =	vld [tilespmem:s31+$0xFFFFFF90]  }
0x33f: {  	v9 =	vld.idx.msk [tilespmem:v0+s17+$0x0], $0xffff  }
0x340: {  	v10 =	vld.idx.msk [tilespmem:v1+s17+$0x0], $0xffff  }
0x341: {  	v5 =	vld.idx.msk [tilespmem:v2+s17+$0x0], $0xffff  }
0x342: {  	v3 =	vld.idx.msk [tilespmem:v3+s17+$0x0], $0xffff  }
0x343: {  	v0 =	vld.idx.msk [tilespmem:v4+s17+$0x0], $0xffff  }
0x344: {  	s3 =	simm.s32 $0x1C740;
	v1 =	vld.idx.msk [tilespmem:v6+s17+$0x0], $0xffff  }
0x345: {  	v2 =	vld.idx.msk [tilespmem:v7+s17+$0x0], $0xffff;
	[tilespmem:s3+$0x30] =	vst v9  }
0x346: {  	s29 =	simm.s32 $0x0;
	s30 =	simm.s32 $0x1A7F0;
	v4 =	vld.idx.msk [tilespmem:v8+s17+$0x0], $0xffff;
	[tilespmem:s3+$0xFFFFFFD0] =	vst v10  }
.LBB2_30:
0x347: {  	v6 =	vld [tilespmem:s30+$0x0];
	s29 =	sadd.s32 $0x8, s29;
	[tilespmem:s3+$0xFFFFFFE0] =	vst v5  }
0x348: {  	v5 =	vld [tilespmem:s30+$0xFFFFFFA0];
	p5 =	slt.u32 s29, $0xF8;
	[tilespmem:s3+$0xFFFFFFF0] =	vst v3  }
0x349: {  	v3 =	vld [tilespmem:s30+$0xFFFFFFB0];
	[tilespmem:s3+$0x0] =	vst v0  }
0x34a: {  	v0 =	vld [tilespmem:s30+$0xFFFFFFC0];
	[tilespmem:s3+$0x10] =	vst v1  }
0x34b: {  	v1 =	vld [tilespmem:s30+$0xFFFFFFD0];
	[tilespmem:s3+$0x20] =	vst v2  }
0x34c: {  	v2 =	vld [tilespmem:s30+$0xFFFFFFE0];
	[tilespmem:s3+$0xFFFFFFC0] =	vst v4  }
0x34d: {  	v4 =	vld [tilespmem:s30+$0xFFFFFFF0]  }
0x34e: {  	v7 =	vld [tilespmem:s30+$0xFFFFFF90]  }
0x34f: {  	v6 =	vld.idx.msk [tilespmem:v6+s17+$0x0], $0xffff  }
0x350: {  	v8 =	vld.idx.msk [tilespmem:v5+s17+$0x0], $0xffff  }
0x351: {  	v5 =	vld.idx.msk [tilespmem:v3+s17+$0x0], $0xffff  }
.Ltmp14:
0x352: {  	v3 =	vld.idx.msk [tilespmem:v0+s17+$0x0], $0xffff;
	(pc) =	sbr.rel @p5 .LBB2_30-.Ltmp14, $4  }
0x353: {  	v0 =	vld.idx.msk [tilespmem:v1+s17+$0x0], $0xffff  }
0x354: {  	s3 =	sadd.s32 $0x80, s3;
	v1 =	vld.idx.msk [tilespmem:v2+s17+$0x0], $0xffff  }
0x355: {  	v2 =	vld.idx.msk [tilespmem:v4+s17+$0x0], $0xffff;
	[tilespmem:s3+$0x30] =	vst v6  }
0x356: {  	s30 =	sadd.s32 $0x80, s30;
	v4 =	vld.idx.msk [tilespmem:v7+s17+$0x0], $0xffff;
	[tilespmem:s3+$0xFFFFFFD0] =	vst v8  }
0x357: {  	[tilespmem:s3+$0xFFFFFFE0] =	vst v5  }
0x358: {  	[tilespmem:s3+$0xFFFFFFF0] =	vst v3  }
0x359: {  	[tilespmem:s3+$0x0] =	vst v0  }
0x35a: {  	[tilespmem:s3+$0x10] =	vst v1  }
0x35b: {  	[tilespmem:s3+$0x20] =	vst v2  }
0x35c: {  	[tilespmem:s3+$0xFFFFFFC0] =	vst v4  }
0x35d: {  	s3 =	sld [smem:$0x7DD];
	_ =	sdelay $0x2  }
0x35e: {  	[hbm4b:s3+s19] =	stream.strided.scatter [tilespmem:s23], [sflag:$0x2], $0x1000, s20, s19, $0x38;
	[tilespmem:$0x1E700] =	vst v63  }
0x35f: {  	_ =	swait.ge [sflag:s26], $0x1000  }
0x360: {  	[sflag:s26] =	ssyncset.done $0x0  }
0x361: {  	s31 =	simm.s32 $0x1B770;
	[sflag:s26] =	ssyncadd.s32 $0xFFFFF000  }
0x362: {  	v0 =	vld [tilespmem:s31+$0x0]  }
0x363: {  	v1 =	vld [tilespmem:s31+$0xFFFFFFA0]  }
0x364: {  	v2 =	vld [tilespmem:s31+$0xFFFFFFB0]  }
0x365: {  	v3 =	vld [tilespmem:s31+$0xFFFFFFC0]  }
0x366: {  	v4 =	vld [tilespmem:s31+$0xFFFFFFD0]  }
0x367: {  	v6 =	vld [tilespmem:s31+$0xFFFFFFE0]  }
0x368: {  	v7 =	vld [tilespmem:s31+$0xFFFFFFF0]  }
0x369: {  	v8 =	vld [tilespmem:s31+$0xFFFFFF90]  }
0x36a: {  	v9 =	vld.idx.msk [tilespmem:v0+s17+$0x0], $0xffff  }
0x36b: {  	v10 =	vld.idx.msk [tilespmem:v1+s17+$0x0], $0xffff  }
0x36c: {  	v5 =	vld.idx.msk [tilespmem:v2+s17+$0x0], $0xffff  }
0x36d: {  	v3 =	vld.idx.msk [tilespmem:v3+s17+$0x0], $0xffff  }
0x36e: {  	v0 =	vld.idx.msk [tilespmem:v4+s17+$0x0], $0xffff  }
0x36f: {  	s3 =	simm.s32 $0x1D740;
	v1 =	vld.idx.msk [tilespmem:v6+s17+$0x0], $0xffff  }
0x370: {  	v2 =	vld.idx.msk [tilespmem:v7+s17+$0x0], $0xffff;
	[tilespmem:s3+$0x30] =	vst v9  }
0x371: {  	s29 =	simm.s32 $0x0;
	s30 =	simm.s32 $0x1B7F0;
	v4 =	vld.idx.msk [tilespmem:v8+s17+$0x0], $0xffff;
	[tilespmem:s3+$0xFFFFFFD0] =	vst v10  }
.LBB2_32:
0x372: {  	v6 =	vld [tilespmem:s30+$0x0];
	s29 =	sadd.s32 $0x8, s29;
	[tilespmem:s3+$0xFFFFFFE0] =	vst v5  }
0x373: {  	v5 =	vld [tilespmem:s30+$0xFFFFFFA0];
	p5 =	slt.u32 s29, $0xF8;
	[tilespmem:s3+$0xFFFFFFF0] =	vst v3  }
0x374: {  	v3 =	vld [tilespmem:s30+$0xFFFFFFB0];
	[tilespmem:s3+$0x0] =	vst v0  }
0x375: {  	v0 =	vld [tilespmem:s30+$0xFFFFFFC0];
	[tilespmem:s3+$0x10] =	vst v1  }
0x376: {  	v1 =	vld [tilespmem:s30+$0xFFFFFFD0];
	[tilespmem:s3+$0x20] =	vst v2  }
0x377: {  	v2 =	vld [tilespmem:s30+$0xFFFFFFE0];
	[tilespmem:s3+$0xFFFFFFC0] =	vst v4  }
0x378: {  	v4 =	vld [tilespmem:s30+$0xFFFFFFF0]  }
0x379: {  	v7 =	vld [tilespmem:s30+$0xFFFFFF90]  }
0x37a: {  	v6 =	vld.idx.msk [tilespmem:v6+s17+$0x0], $0xffff  }
0x37b: {  	v8 =	vld.idx.msk [tilespmem:v5+s17+$0x0], $0xffff  }
0x37c: {  	v5 =	vld.idx.msk [tilespmem:v3+s17+$0x0], $0xffff  }
.Ltmp15:
0x37d: {  	v3 =	vld.idx.msk [tilespmem:v0+s17+$0x0], $0xffff;
	(pc) =	sbr.rel @p5 .LBB2_32-.Ltmp15, $4  }
0x37e: {  	v0 =	vld.idx.msk [tilespmem:v1+s17+$0x0], $0xffff  }
0x37f: {  	s3 =	sadd.s32 $0x80, s3;
	v1 =	vld.idx.msk [tilespmem:v2+s17+$0x0], $0xffff  }
0x380: {  	v2 =	vld.idx.msk [tilespmem:v4+s17+$0x0], $0xffff;
	[tilespmem:s3+$0x30] =	vst v6  }
0x381: {  	s30 =	sadd.s32 $0x80, s30;
	v4 =	vld.idx.msk [tilespmem:v7+s17+$0x0], $0xffff;
	[tilespmem:s3+$0xFFFFFFD0] =	vst v8  }
0x382: {  	[tilespmem:s3+$0xFFFFFFE0] =	vst v5  }
0x383: {  	[tilespmem:s3+$0xFFFFFFF0] =	vst v3  }
0x384: {  	[tilespmem:s3+$0x0] =	vst v0  }
0x385: {  	[tilespmem:s3+$0x10] =	vst v1  }
0x386: {  	[tilespmem:s3+$0x20] =	vst v2  }
0x387: {  	[tilespmem:s3+$0xFFFFFFC0] =	vst v4  }
0x388: {  	s3 =	sld [smem:$0x7DE];
	_ =	sdelay $0x2  }
0x389: {  	[hbm4b:s3+s19] =	stream.strided.scatter [tilespmem:s24], [sflag:$0x3], $0x1000, s20, s19, $0x38;
	[tilespmem:$0x1E700] =	vst v63  }
0x38a: {  	s31 =	rddreg [dreg:$0x14]  }
0x38b: {  	[tilespmem:s17], [sflag:$0x1] =	stream.strided.gather [hbm4b:s31+s19], $0x18700, s20, s19, $0x38;
	[tilespmem:$0x1E700] =	vst v63  }
0x38c: {  	s31 =	sld [smem:$0x7FA];
	_ =	sdelay $0x2  }
0x38d: {  	p5 =	seq.s32 s31, $0x1;
	s31 =	rddreg [dreg:$0x8]  }
0x38e: {  	s3 =	simm.s32 @!p5 $0x80;
	s29 =	simm.s32 @!p5 $0x400;
	s30 =	simm.s32 @!p5 $0x18700  }
0x38f: {  	[tilespmem:s30], [sflag:$0x4] =	stream.strided.gather @!p5 [hbm4b:s31+s3], $0x4000, s29, s3, $0x38;
	[tilespmem:$0x1E700] =	vst v63  }
0x390: {  	s3 =	simm.s32 @!p5 $0x4  }
0x391: {  	_ =	swait.ge @!p5 [sflag:s3], $0x4000  }
0x392: {  	[sflag:s3] =	ssyncset.done @!p5 $0x0  }
0x393: {  	[sflag:s3] =	ssyncadd.s32 @!p5 $0xFFFFC000  }
0x394: {  	_ =	swait.ge [sflag:s22], $0x18700  }
0x395: {  	[sflag:s22] =	ssyncset.done $0x0  }
0x396: {  	[sflag:s22] =	ssyncadd.s32 $0xFFFE7900  }
0x397: {  	_ =	swait.ge [sflag:s25], $0x1000  }
0x398: {  	[sflag:s25] =	ssyncset.done $0x0  }
0x399: {  	s31 =	simm.s32 $0x18740;
	[sflag:s25] =	ssyncadd.s32 $0xFFFFF000  }
0x39a: {  	v0 =	vld [tilespmem:s31+$0x30]  }
0x39b: {  	v1 =	vld [tilespmem:s31+$0xFFFFFFD0]  }
0x39c: {  	v2 =	vld [tilespmem:s31+$0xFFFFFFE0]  }
0x39d: {  	v3 =	vld [tilespmem:s31+$0xFFFFFFF0]  }
0x39e: {  	v4 =	vld [tilespmem:s31+$0x0]  }
0x39f: {  	v6 =	vld [tilespmem:s31+$0x10]  }
0x3a0: {  	v7 =	vld [tilespmem:s31+$0x20]  }
0x3a1: {  	v8 =	vld [tilespmem:s31+$0xFFFFFFC0]  }
0x3a2: {  	v9 =	vld.idx.msk [tilespmem:v0+s17+$0x0], $0xffff  }
0x3a3: {  	v10 =	vld.idx.msk [tilespmem:v1+s17+$0x0], $0xffff  }
0x3a4: {  	v5 =	vld.idx.msk [tilespmem:v2+s17+$0x0], $0xffff  }
0x3a5: {  	v3 =	vld.idx.msk [tilespmem:v3+s17+$0x0], $0xffff  }
0x3a6: {  	v0 =	vld.idx.msk [tilespmem:v4+s17+$0x0], $0xffff  }
0x3a7: {  	s3 =	simm.s32 $0x1C740;
	v1 =	vld.idx.msk [tilespmem:v6+s17+$0x0], $0xffff  }
0x3a8: {  	v2 =	vld.idx.msk [tilespmem:v7+s17+$0x0], $0xffff;
	[tilespmem:s3+$0x30] =	vst v9  }
0x3a9: {  	s29 =	simm.s32 $0x0;
	s30 =	simm.s32 $0x187C0;
	v4 =	vld.idx.msk [tilespmem:v8+s17+$0x0], $0xffff;
	[tilespmem:s3+$0xFFFFFFD0] =	vst v10  }
.LBB2_34:
0x3aa: {  	v6 =	vld [tilespmem:s30+$0x30];
	s29 =	sadd.s32 $0x8, s29;
	[tilespmem:s3+$0xFFFFFFE0] =	vst v5  }
0x3ab: {  	v5 =	vld [tilespmem:s30+$0xFFFFFFD0];
	p5 =	slt.u32 s29, $0xF8;
	[tilespmem:s3+$0xFFFFFFF0] =	vst v3  }
0x3ac: {  	v3 =	vld [tilespmem:s30+$0xFFFFFFE0];
	[tilespmem:s3+$0x0] =	vst v0  }
0x3ad: {  	v0 =	vld [tilespmem:s30+$0xFFFFFFF0];
	[tilespmem:s3+$0x10] =	vst v1  }
0x3ae: {  	v1 =	vld [tilespmem:s30+$0x0];
	[tilespmem:s3+$0x20] =	vst v2  }
0x3af: {  	v2 =	vld [tilespmem:s30+$0x10];
	[tilespmem:s3+$0xFFFFFFC0] =	vst v4  }
0x3b0: {  	v4 =	vld [tilespmem:s30+$0x20]  }
0x3b1: {  	v7 =	vld [tilespmem:s30+$0xFFFFFFC0]  }
0x3b2: {  	v6 =	vld.idx.msk [tilespmem:v6+s17+$0x0], $0xffff  }
0x3b3: {  	v8 =	vld.idx.msk [tilespmem:v5+s17+$0x0], $0xffff  }
0x3b4: {  	v5 =	vld.idx.msk [tilespmem:v3+s17+$0x0], $0xffff  }
.Ltmp16:
0x3b5: {  	v3 =	vld.idx.msk [tilespmem:v0+s17+$0x0], $0xffff;
	(pc) =	sbr.rel @p5 .LBB2_34-.Ltmp16, $4  }
0x3b6: {  	v0 =	vld.idx.msk [tilespmem:v1+s17+$0x0], $0xffff  }
0x3b7: {  	s3 =	sadd.s32 $0x80, s3;
	v1 =	vld.idx.msk [tilespmem:v2+s17+$0x0], $0xffff  }
0x3b8: {  	v2 =	vld.idx.msk [tilespmem:v4+s17+$0x0], $0xffff;
	[tilespmem:s3+$0x30] =	vst v6  }
0x3b9: {  	s30 =	sadd.s32 $0x80, s30;
	v4 =	vld.idx.msk [tilespmem:v7+s17+$0x0], $0xffff;
	[tilespmem:s3+$0xFFFFFFD0] =	vst v8  }
0x3ba: {  	[tilespmem:s3+$0xFFFFFFE0] =	vst v5  }
0x3bb: {  	[tilespmem:s3+$0xFFFFFFF0] =	vst v3  }
0x3bc: {  	[tilespmem:s3+$0x0] =	vst v0  }
0x3bd: {  	[tilespmem:s3+$0x10] =	vst v1  }
0x3be: {  	[tilespmem:s3+$0x20] =	vst v2  }
0x3bf: {  	[tilespmem:s3+$0xFFFFFFC0] =	vst v4  }
0x3c0: {  	s3 =	sld [smem:$0x7DF];
	_ =	sdelay $0x2  }
0x3c1: {  	[hbm4b:s3+s19] =	stream.strided.scatter [tilespmem:s23], [sflag:$0x2], $0x1000, s20, s19, $0x38;
	[tilespmem:$0x1E700] =	vst v63  }
0x3c2: {  	_ =	swait.ge [sflag:s26], $0x1000  }
0x3c3: {  	[sflag:s26] =	ssyncset.done $0x0  }
0x3c4: {  	s31 =	simm.s32 $0x19770;
	[sflag:s26] =	ssyncadd.s32 $0xFFFFF000  }
0x3c5: {  	v0 =	vld [tilespmem:s31+$0x0]  }
0x3c6: {  	v1 =	vld [tilespmem:s31+$0xFFFFFFA0]  }
0x3c7: {  	v2 =	vld [tilespmem:s31+$0xFFFFFFB0]  }
0x3c8: {  	v3 =	vld [tilespmem:s31+$0xFFFFFFC0]  }
0x3c9: {  	v4 =	vld [tilespmem:s31+$0xFFFFFFD0]  }
0x3ca: {  	v6 =	vld [tilespmem:s31+$0xFFFFFFE0]  }
0x3cb: {  	v7 =	vld [tilespmem:s31+$0xFFFFFFF0]  }
0x3cc: {  	v8 =	vld [tilespmem:s31+$0xFFFFFF90]  }
0x3cd: {  	v9 =	vld.idx.msk [tilespmem:v0+s17+$0x0], $0xffff  }
0x3ce: {  	v10 =	vld.idx.msk [tilespmem:v1+s17+$0x0], $0xffff  }
0x3cf: {  	v5 =	vld.idx.msk [tilespmem:v2+s17+$0x0], $0xffff  }
0x3d0: {  	v3 =	vld.idx.msk [tilespmem:v3+s17+$0x0], $0xffff  }
0x3d1: {  	v0 =	vld.idx.msk [tilespmem:v4+s17+$0x0], $0xffff  }
0x3d2: {  	s3 =	simm.s32 $0x1D740;
	v1 =	vld.idx.msk [tilespmem:v6+s17+$0x0], $0xffff  }
0x3d3: {  	v2 =	vld.idx.msk [tilespmem:v7+s17+$0x0], $0xffff;
	[tilespmem:s3+$0x30] =	vst v9  }
0x3d4: {  	s29 =	simm.s32 $0x0;
	s30 =	simm.s32 $0x197F0;
	v4 =	vld.idx.msk [tilespmem:v8+s17+$0x0], $0xffff;
	[tilespmem:s3+$0xFFFFFFD0] =	vst v10  }
.LBB2_36:
0x3d5: {  	v6 =	vld [tilespmem:s30+$0x0];
	s29 =	sadd.s32 $0x8, s29;
	[tilespmem:s3+$0xFFFFFFE0] =	vst v5  }
0x3d6: {  	v5 =	vld [tilespmem:s30+$0xFFFFFFA0];
	p5 =	slt.u32 s29, $0xF8;
	[tilespmem:s3+$0xFFFFFFF0] =	vst v3  }
0x3d7: {  	v3 =	vld [tilespmem:s30+$0xFFFFFFB0];
	[tilespmem:s3+$0x0] =	vst v0  }
0x3d8: {  	v0 =	vld [tilespmem:s30+$0xFFFFFFC0];
	[tilespmem:s3+$0x10] =	vst v1  }
0x3d9: {  	v1 =	vld [tilespmem:s30+$0xFFFFFFD0];
	[tilespmem:s3+$0x20] =	vst v2  }
0x3da: {  	v2 =	vld [tilespmem:s30+$0xFFFFFFE0];
	[tilespmem:s3+$0xFFFFFFC0] =	vst v4  }
0x3db: {  	v4 =	vld [tilespmem:s30+$0xFFFFFFF0]  }
0x3dc: {  	v7 =	vld [tilespmem:s30+$0xFFFFFF90]  }
0x3dd: {  	v6 =	vld.idx.msk [tilespmem:v6+s17+$0x0], $0xffff  }
0x3de: {  	v8 =	vld.idx.msk [tilespmem:v5+s17+$0x0], $0xffff  }
0x3df: {  	v5 =	vld.idx.msk [tilespmem:v3+s17+$0x0], $0xffff  }
.Ltmp17:
0x3e0: {  	v3 =	vld.idx.msk [tilespmem:v0+s17+$0x0], $0xffff;
	(pc) =	sbr.rel @p5 .LBB2_36-.Ltmp17, $4  }
0x3e1: {  	v0 =	vld.idx.msk [tilespmem:v1+s17+$0x0], $0xffff  }
0x3e2: {  	s3 =	sadd.s32 $0x80, s3;
	v1 =	vld.idx.msk [tilespmem:v2+s17+$0x0], $0xffff  }
0x3e3: {  	v2 =	vld.idx.msk [tilespmem:v4+s17+$0x0], $0xffff;
	[tilespmem:s3+$0x30] =	vst v6  }
0x3e4: {  	s30 =	sadd.s32 $0x80, s30;
	v4 =	vld.idx.msk [tilespmem:v7+s17+$0x0], $0xffff;
	[tilespmem:s3+$0xFFFFFFD0] =	vst v8  }
0x3e5: {  	[tilespmem:s3+$0xFFFFFFE0] =	vst v5  }
0x3e6: {  	[tilespmem:s3+$0xFFFFFFF0] =	vst v3  }
0x3e7: {  	[tilespmem:s3+$0x0] =	vst v0  }
0x3e8: {  	[tilespmem:s3+$0x10] =	vst v1  }
0x3e9: {  	[tilespmem:s3+$0x20] =	vst v2  }
0x3ea: {  	[tilespmem:s3+$0xFFFFFFC0] =	vst v4  }
0x3eb: {  	s3 =	sld [smem:$0x7E0];
	_ =	sdelay $0x2  }
0x3ec: {  	[hbm4b:s3+s19] =	stream.strided.scatter [tilespmem:s24], [sflag:$0x3], $0x1000, s20, s19, $0x38;
	[tilespmem:$0x1E700] =	vst v63  }
0x3ed: {  	_ =	swait.ge [sflag:s25], $0x1000  }
0x3ee: {  	[sflag:s25] =	ssyncset.done $0x0  }
0x3ef: {  	s31 =	simm.s32 $0x1A770;
	[sflag:s25] =	ssyncadd.s32 $0xFFFFF000  }
0x3f0: {  	v0 =	vld [tilespmem:s31+$0x0]  }
0x3f1: {  	v1 =	vld [tilespmem:s31+$0xFFFFFFA0]  }
0x3f2: {  	v2 =	vld [tilespmem:s31+$0xFFFFFFB0]  }
0x3f3: {  	v3 =	vld [tilespmem:s31+$0xFFFFFFC0]  }
0x3f4: {  	v4 =	vld [tilespmem:s31+$0xFFFFFFD0]  }
0x3f5: {  	v6 =	vld [tilespmem:s31+$0xFFFFFFE0]  }
0x3f6: {  	v7 =	vld [tilespmem:s31+$0xFFFFFFF0]  }
0x3f7: {  	v8 =	vld [tilespmem:s31+$0xFFFFFF90]  }
0x3f8: {  	v9 =	vld.idx.msk [tilespmem:v0+s17+$0x0], $0xffff  }
0x3f9: {  	v10 =	vld.idx.msk [tilespmem:v1+s17+$0x0], $0xffff  }
0x3fa: {  	v5 =	vld.idx.msk [tilespmem:v2+s17+$0x0], $0xffff  }
0x3fb: {  	v3 =	vld.idx.msk [tilespmem:v3+s17+$0x0], $0xffff  }
0x3fc: {  	v0 =	vld.idx.msk [tilespmem:v4+s17+$0x0], $0xffff  }
0x3fd: {  	s3 =	simm.s32 $0x1C740;
	v1 =	vld.idx.msk [tilespmem:v6+s17+$0x0], $0xffff  }
0x3fe: {  	v2 =	vld.idx.msk [tilespmem:v7+s17+$0x0], $0xffff;
	[tilespmem:s3+$0x30] =	vst v9  }
0x3ff: {  	s29 =	simm.s32 $0x0;
	s30 =	simm.s32 $0x1A7F0;
	v4 =	vld.idx.msk [tilespmem:v8+s17+$0x0], $0xffff;
	[tilespmem:s3+$0xFFFFFFD0] =	vst v10  }
.LBB2_38:
0x400: {  	v6 =	vld [tilespmem:s30+$0x0];
	s29 =	sadd.s32 $0x8, s29;
	[tilespmem:s3+$0xFFFFFFE0] =	vst v5  }
0x401: {  	v5 =	vld [tilespmem:s30+$0xFFFFFFA0];
	p5 =	slt.u32 s29, $0xF8;
	[tilespmem:s3+$0xFFFFFFF0] =	vst v3  }
0x402: {  	v3 =	vld [tilespmem:s30+$0xFFFFFFB0];
	[tilespmem:s3+$0x0] =	vst v0  }
0x403: {  	v0 =	vld [tilespmem:s30+$0xFFFFFFC0];
	[tilespmem:s3+$0x10] =	vst v1  }
0x404: {  	v1 =	vld [tilespmem:s30+$0xFFFFFFD0];
	[tilespmem:s3+$0x20] =	vst v2  }
0x405: {  	v2 =	vld [tilespmem:s30+$0xFFFFFFE0];
	[tilespmem:s3+$0xFFFFFFC0] =	vst v4  }
0x406: {  	v4 =	vld [tilespmem:s30+$0xFFFFFFF0]  }
0x407: {  	v7 =	vld [tilespmem:s30+$0xFFFFFF90]  }
0x408: {  	v6 =	vld.idx.msk [tilespmem:v6+s17+$0x0], $0xffff  }
0x409: {  	v8 =	vld.idx.msk [tilespmem:v5+s17+$0x0], $0xffff  }
0x40a: {  	v5 =	vld.idx.msk [tilespmem:v3+s17+$0x0], $0xffff  }
.Ltmp18:
0x40b: {  	v3 =	vld.idx.msk [tilespmem:v0+s17+$0x0], $0xffff;
	(pc) =	sbr.rel @p5 .LBB2_38-.Ltmp18, $4  }
0x40c: {  	v0 =	vld.idx.msk [tilespmem:v1+s17+$0x0], $0xffff  }
0x40d: {  	s3 =	sadd.s32 $0x80, s3;
	v1 =	vld.idx.msk [tilespmem:v2+s17+$0x0], $0xffff  }
0x40e: {  	v2 =	vld.idx.msk [tilespmem:v4+s17+$0x0], $0xffff;
	[tilespmem:s3+$0x30] =	vst v6  }
0x40f: {  	s30 =	sadd.s32 $0x80, s30;
	v4 =	vld.idx.msk [tilespmem:v7+s17+$0x0], $0xffff;
	[tilespmem:s3+$0xFFFFFFD0] =	vst v8  }
0x410: {  	[tilespmem:s3+$0xFFFFFFE0] =	vst v5  }
0x411: {  	[tilespmem:s3+$0xFFFFFFF0] =	vst v3  }
0x412: {  	[tilespmem:s3+$0x0] =	vst v0  }
0x413: {  	[tilespmem:s3+$0x10] =	vst v1  }
0x414: {  	[tilespmem:s3+$0x20] =	vst v2  }
0x415: {  	[tilespmem:s3+$0xFFFFFFC0] =	vst v4  }
0x416: {  	s3 =	sld [smem:$0x7E1];
	_ =	sdelay $0x2  }
0x417: {  	[hbm4b:s3+s19] =	stream.strided.scatter [tilespmem:s23], [sflag:$0x2], $0x1000, s20, s19, $0x38;
	[tilespmem:$0x1E700] =	vst v63  }
0x418: {  	_ =	swait.ge [sflag:s26], $0x1000  }
0x419: {  	[sflag:s26] =	ssyncset.done $0x0  }
0x41a: {  	s31 =	simm.s32 $0x1B770;
	[sflag:s26] =	ssyncadd.s32 $0xFFFFF000  }
0x41b: {  	v0 =	vld [tilespmem:s31+$0x0]  }
0x41c: {  	v1 =	vld [tilespmem:s31+$0xFFFFFFA0]  }
0x41d: {  	v2 =	vld [tilespmem:s31+$0xFFFFFFB0]  }
0x41e: {  	v3 =	vld [tilespmem:s31+$0xFFFFFFC0]  }
0x41f: {  	v4 =	vld [tilespmem:s31+$0xFFFFFFD0]  }
0x420: {  	v6 =	vld [tilespmem:s31+$0xFFFFFFE0]  }
0x421: {  	v7 =	vld [tilespmem:s31+$0xFFFFFFF0]  }
0x422: {  	v8 =	vld [tilespmem:s31+$0xFFFFFF90]  }
0x423: {  	v9 =	vld.idx.msk [tilespmem:v0+s17+$0x0], $0xffff  }
0x424: {  	v10 =	vld.idx.msk [tilespmem:v1+s17+$0x0], $0xffff  }
0x425: {  	v5 =	vld.idx.msk [tilespmem:v2+s17+$0x0], $0xffff  }
0x426: {  	v3 =	vld.idx.msk [tilespmem:v3+s17+$0x0], $0xffff  }
0x427: {  	v0 =	vld.idx.msk [tilespmem:v4+s17+$0x0], $0xffff  }
0x428: {  	s3 =	simm.s32 $0x1D740;
	v1 =	vld.idx.msk [tilespmem:v6+s17+$0x0], $0xffff  }
0x429: {  	v2 =	vld.idx.msk [tilespmem:v7+s17+$0x0], $0xffff;
	[tilespmem:s3+$0x30] =	vst v9  }
0x42a: {  	s29 =	simm.s32 $0x0;
	s30 =	simm.s32 $0x1B7F0;
	v4 =	vld.idx.msk [tilespmem:v8+s17+$0x0], $0xffff;
	[tilespmem:s3+$0xFFFFFFD0] =	vst v10  }
.LBB2_40:
0x42b: {  	v6 =	vld [tilespmem:s30+$0x0];
	s29 =	sadd.s32 $0x8, s29;
	[tilespmem:s3+$0xFFFFFFE0] =	vst v5  }
0x42c: {  	v5 =	vld [tilespmem:s30+$0xFFFFFFA0];
	p5 =	slt.u32 s29, $0xF8;
	[tilespmem:s3+$0xFFFFFFF0] =	vst v3  }
0x42d: {  	v3 =	vld [tilespmem:s30+$0xFFFFFFB0];
	[tilespmem:s3+$0x0] =	vst v0  }
0x42e: {  	v0 =	vld [tilespmem:s30+$0xFFFFFFC0];
	[tilespmem:s3+$0x10] =	vst v1  }
0x42f: {  	v1 =	vld [tilespmem:s30+$0xFFFFFFD0];
	[tilespmem:s3+$0x20] =	vst v2  }
0x430: {  	v2 =	vld [tilespmem:s30+$0xFFFFFFE0];
	[tilespmem:s3+$0xFFFFFFC0] =	vst v4  }
0x431: {  	v4 =	vld [tilespmem:s30+$0xFFFFFFF0]  }
0x432: {  	v7 =	vld [tilespmem:s30+$0xFFFFFF90]  }
0x433: {  	v6 =	vld.idx.msk [tilespmem:v6+s17+$0x0], $0xffff  }
0x434: {  	v8 =	vld.idx.msk [tilespmem:v5+s17+$0x0], $0xffff  }
0x435: {  	v5 =	vld.idx.msk [tilespmem:v3+s17+$0x0], $0xffff  }
.Ltmp19:
0x436: {  	v3 =	vld.idx.msk [tilespmem:v0+s17+$0x0], $0xffff;
	(pc) =	sbr.rel @p5 .LBB2_40-.Ltmp19, $4  }
0x437: {  	v0 =	vld.idx.msk [tilespmem:v1+s17+$0x0], $0xffff  }
0x438: {  	s3 =	sadd.s32 $0x80, s3;
	v1 =	vld.idx.msk [tilespmem:v2+s17+$0x0], $0xffff  }
0x439: {  	v2 =	vld.idx.msk [tilespmem:v4+s17+$0x0], $0xffff;
	[tilespmem:s3+$0x30] =	vst v6  }
0x43a: {  	s30 =	sadd.s32 $0x80, s30;
	v4 =	vld.idx.msk [tilespmem:v7+s17+$0x0], $0xffff;
	[tilespmem:s3+$0xFFFFFFD0] =	vst v8  }
0x43b: {  	[tilespmem:s3+$0xFFFFFFE0] =	vst v5  }
0x43c: {  	[tilespmem:s3+$0xFFFFFFF0] =	vst v3  }
0x43d: {  	[tilespmem:s3+$0x0] =	vst v0  }
0x43e: {  	[tilespmem:s3+$0x10] =	vst v1  }
0x43f: {  	[tilespmem:s3+$0x20] =	vst v2  }
0x440: {  	[tilespmem:s3+$0xFFFFFFC0] =	vst v4  }
0x441: {  	s3 =	sld [smem:$0x7E2];
	_ =	sdelay $0x2  }
0x442: {  	[hbm4b:s3+s19] =	stream.strided.scatter [tilespmem:s24], [sflag:$0x3], $0x1000, s20, s19, $0x38;
	[tilespmem:$0x1E700] =	vst v63  }
0x443: {  	s31 =	rddreg [dreg:$0x15]  }
0x444: {  	[tilespmem:s17], [sflag:$0x1] =	stream.strided.gather [hbm4b:s31+s19], $0x18700, s20, s19, $0x38;
	[tilespmem:$0x1E700] =	vst v63  }
0x445: {  	s31 =	sld [smem:$0x7FB];
	_ =	sdelay $0x2  }
0x446: {  	p5 =	seq.s32 s31, $0x1;
	s31 =	rddreg [dreg:$0x9]  }
0x447: {  	s3 =	simm.s32 @!p5 $0x80;
	s29 =	simm.s32 @!p5 $0x400;
	s30 =	simm.s32 @!p5 $0x18700  }
0x448: {  	[tilespmem:s30], [sflag:$0x4] =	stream.strided.gather @!p5 [hbm4b:s31+s3], $0x4000, s29, s3, $0x38;
	[tilespmem:$0x1E700] =	vst v63  }
0x449: {  	s3 =	simm.s32 @!p5 $0x4  }
0x44a: {  	_ =	swait.ge @!p5 [sflag:s3], $0x4000  }
0x44b: {  	[sflag:s3] =	ssyncset.done @!p5 $0x0  }
0x44c: {  	[sflag:s3] =	ssyncadd.s32 @!p5 $0xFFFFC000  }
0x44d: {  	_ =	swait.ge [sflag:s22], $0x18700  }
0x44e: {  	[sflag:s22] =	ssyncset.done $0x0  }
0x44f: {  	[sflag:s22] =	ssyncadd.s32 $0xFFFE7900  }
0x450: {  	_ =	swait.ge [sflag:s25], $0x1000  }
0x451: {  	[sflag:s25] =	ssyncset.done $0x0  }
0x452: {  	s31 =	simm.s32 $0x18740;
	[sflag:s25] =	ssyncadd.s32 $0xFFFFF000  }
0x453: {  	v0 =	vld [tilespmem:s31+$0x30]  }
0x454: {  	v1 =	vld [tilespmem:s31+$0xFFFFFFD0]  }
0x455: {  	v2 =	vld [tilespmem:s31+$0xFFFFFFE0]  }
0x456: {  	v3 =	vld [tilespmem:s31+$0xFFFFFFF0]  }
0x457: {  	v4 =	vld [tilespmem:s31+$0x0]  }
0x458: {  	v6 =	vld [tilespmem:s31+$0x10]  }
0x459: {  	v7 =	vld [tilespmem:s31+$0x20]  }
0x45a: {  	v8 =	vld [tilespmem:s31+$0xFFFFFFC0]  }
0x45b: {  	v9 =	vld.idx.msk [tilespmem:v0+s17+$0x0], $0xffff  }
0x45c: {  	v10 =	vld.idx.msk [tilespmem:v1+s17+$0x0], $0xffff  }
0x45d: {  	v5 =	vld.idx.msk [tilespmem:v2+s17+$0x0], $0xffff  }
0x45e: {  	v3 =	vld.idx.msk [tilespmem:v3+s17+$0x0], $0xffff  }
0x45f: {  	v0 =	vld.idx.msk [tilespmem:v4+s17+$0x0], $0xffff  }
0x460: {  	s3 =	simm.s32 $0x1C740;
	v1 =	vld.idx.msk [tilespmem:v6+s17+$0x0], $0xffff  }
0x461: {  	v2 =	vld.idx.msk [tilespmem:v7+s17+$0x0], $0xffff;
	[tilespmem:s3+$0x30] =	vst v9  }
0x462: {  	s29 =	simm.s32 $0x0;
	s30 =	simm.s32 $0x187C0;
	v4 =	vld.idx.msk [tilespmem:v8+s17+$0x0], $0xffff;
	[tilespmem:s3+$0xFFFFFFD0] =	vst v10  }
.LBB2_42:
0x463: {  	v6 =	vld [tilespmem:s30+$0x30];
	s29 =	sadd.s32 $0x8, s29;
	[tilespmem:s3+$0xFFFFFFE0] =	vst v5  }
0x464: {  	v5 =	vld [tilespmem:s30+$0xFFFFFFD0];
	p5 =	slt.u32 s29, $0xF8;
	[tilespmem:s3+$0xFFFFFFF0] =	vst v3  }
0x465: {  	v3 =	vld [tilespmem:s30+$0xFFFFFFE0];
	[tilespmem:s3+$0x0] =	vst v0  }
0x466: {  	v0 =	vld [tilespmem:s30+$0xFFFFFFF0];
	[tilespmem:s3+$0x10] =	vst v1  }
0x467: {  	v1 =	vld [tilespmem:s30+$0x0];
	[tilespmem:s3+$0x20] =	vst v2  }
0x468: {  	v2 =	vld [tilespmem:s30+$0x10];
	[tilespmem:s3+$0xFFFFFFC0] =	vst v4  }
0x469: {  	v4 =	vld [tilespmem:s30+$0x20]  }
0x46a: {  	v7 =	vld [tilespmem:s30+$0xFFFFFFC0]  }
0x46b: {  	v6 =	vld.idx.msk [tilespmem:v6+s17+$0x0], $0xffff  }
0x46c: {  	v8 =	vld.idx.msk [tilespmem:v5+s17+$0x0], $0xffff  }
0x46d: {  	v5 =	vld.idx.msk [tilespmem:v3+s17+$0x0], $0xffff  }
.Ltmp20:
0x46e: {  	v3 =	vld.idx.msk [tilespmem:v0+s17+$0x0], $0xffff;
	(pc) =	sbr.rel @p5 .LBB2_42-.Ltmp20, $4  }
0x46f: {  	v0 =	vld.idx.msk [tilespmem:v1+s17+$0x0], $0xffff  }
0x470: {  	s3 =	sadd.s32 $0x80, s3;
	v1 =	vld.idx.msk [tilespmem:v2+s17+$0x0], $0xffff  }
0x471: {  	v2 =	vld.idx.msk [tilespmem:v4+s17+$0x0], $0xffff;
	[tilespmem:s3+$0x30] =	vst v6  }
0x472: {  	s30 =	sadd.s32 $0x80, s30;
	v4 =	vld.idx.msk [tilespmem:v7+s17+$0x0], $0xffff;
	[tilespmem:s3+$0xFFFFFFD0] =	vst v8  }
0x473: {  	[tilespmem:s3+$0xFFFFFFE0] =	vst v5  }
0x474: {  	[tilespmem:s3+$0xFFFFFFF0] =	vst v3  }
0x475: {  	[tilespmem:s3+$0x0] =	vst v0  }
0x476: {  	[tilespmem:s3+$0x10] =	vst v1  }
0x477: {  	[tilespmem:s3+$0x20] =	vst v2  }
0x478: {  	[tilespmem:s3+$0xFFFFFFC0] =	vst v4  }
0x479: {  	s3 =	sld [smem:$0x7E4];
	_ =	sdelay $0x2  }
0x47a: {  	[hbm4b:s3+s19] =	stream.strided.scatter [tilespmem:s23], [sflag:$0x2], $0x1000, s20, s19, $0x38;
	[tilespmem:$0x1E700] =	vst v63  }
0x47b: {  	_ =	swait.ge [sflag:s26], $0x1000  }
0x47c: {  	[sflag:s26] =	ssyncset.done $0x0  }
0x47d: {  	s31 =	simm.s32 $0x19770;
	[sflag:s26] =	ssyncadd.s32 $0xFFFFF000  }
0x47e: {  	v0 =	vld [tilespmem:s31+$0x0]  }
0x47f: {  	v1 =	vld [tilespmem:s31+$0xFFFFFFA0]  }
0x480: {  	v2 =	vld [tilespmem:s31+$0xFFFFFFB0]  }
0x481: {  	v3 =	vld [tilespmem:s31+$0xFFFFFFC0]  }
0x482: {  	v4 =	vld [tilespmem:s31+$0xFFFFFFD0]  }
0x483: {  	v6 =	vld [tilespmem:s31+$0xFFFFFFE0]  }
0x484: {  	v7 =	vld [tilespmem:s31+$0xFFFFFFF0]  }
0x485: {  	v8 =	vld [tilespmem:s31+$0xFFFFFF90]  }
0x486: {  	v9 =	vld.idx.msk [tilespmem:v0+s17+$0x0], $0xffff  }
0x487: {  	v10 =	vld.idx.msk [tilespmem:v1+s17+$0x0], $0xffff  }
0x488: {  	v5 =	vld.idx.msk [tilespmem:v2+s17+$0x0], $0xffff  }
0x489: {  	v3 =	vld.idx.msk [tilespmem:v3+s17+$0x0], $0xffff  }
0x48a: {  	v0 =	vld.idx.msk [tilespmem:v4+s17+$0x0], $0xffff  }
0x48b: {  	s3 =	simm.s32 $0x1D740;
	v1 =	vld.idx.msk [tilespmem:v6+s17+$0x0], $0xffff  }
0x48c: {  	v2 =	vld.idx.msk [tilespmem:v7+s17+$0x0], $0xffff;
	[tilespmem:s3+$0x30] =	vst v9  }
0x48d: {  	s29 =	simm.s32 $0x0;
	s30 =	simm.s32 $0x197F0;
	v4 =	vld.idx.msk [tilespmem:v8+s17+$0x0], $0xffff;
	[tilespmem:s3+$0xFFFFFFD0] =	vst v10  }
.LBB2_44:
0x48e: {  	v6 =	vld [tilespmem:s30+$0x0];
	s29 =	sadd.s32 $0x8, s29;
	[tilespmem:s3+$0xFFFFFFE0] =	vst v5  }
0x48f: {  	v5 =	vld [tilespmem:s30+$0xFFFFFFA0];
	p5 =	slt.u32 s29, $0xF8;
	[tilespmem:s3+$0xFFFFFFF0] =	vst v3  }
0x490: {  	v3 =	vld [tilespmem:s30+$0xFFFFFFB0];
	[tilespmem:s3+$0x0] =	vst v0  }
0x491: {  	v0 =	vld [tilespmem:s30+$0xFFFFFFC0];
	[tilespmem:s3+$0x10] =	vst v1  }
0x492: {  	v1 =	vld [tilespmem:s30+$0xFFFFFFD0];
	[tilespmem:s3+$0x20] =	vst v2  }
0x493: {  	v2 =	vld [tilespmem:s30+$0xFFFFFFE0];
	[tilespmem:s3+$0xFFFFFFC0] =	vst v4  }
0x494: {  	v4 =	vld [tilespmem:s30+$0xFFFFFFF0]  }
0x495: {  	v7 =	vld [tilespmem:s30+$0xFFFFFF90]  }
0x496: {  	v6 =	vld.idx.msk [tilespmem:v6+s17+$0x0], $0xffff  }
0x497: {  	v8 =	vld.idx.msk [tilespmem:v5+s17+$0x0], $0xffff  }
0x498: {  	v5 =	vld.idx.msk [tilespmem:v3+s17+$0x0], $0xffff  }
.Ltmp21:
0x499: {  	v3 =	vld.idx.msk [tilespmem:v0+s17+$0x0], $0xffff;
	(pc) =	sbr.rel @p5 .LBB2_44-.Ltmp21, $4  }
0x49a: {  	v0 =	vld.idx.msk [tilespmem:v1+s17+$0x0], $0xffff  }
0x49b: {  	s3 =	sadd.s32 $0x80, s3;
	v1 =	vld.idx.msk [tilespmem:v2+s17+$0x0], $0xffff  }
0x49c: {  	v2 =	vld.idx.msk [tilespmem:v4+s17+$0x0], $0xffff;
	[tilespmem:s3+$0x30] =	vst v6  }
0x49d: {  	s30 =	sadd.s32 $0x80, s30;
	v4 =	vld.idx.msk [tilespmem:v7+s17+$0x0], $0xffff;
	[tilespmem:s3+$0xFFFFFFD0] =	vst v8  }
0x49e: {  	[tilespmem:s3+$0xFFFFFFE0] =	vst v5  }
0x49f: {  	[tilespmem:s3+$0xFFFFFFF0] =	vst v3  }
0x4a0: {  	[tilespmem:s3+$0x0] =	vst v0  }
0x4a1: {  	[tilespmem:s3+$0x10] =	vst v1  }
0x4a2: {  	[tilespmem:s3+$0x20] =	vst v2  }
0x4a3: {  	[tilespmem:s3+$0xFFFFFFC0] =	vst v4  }
0x4a4: {  	s3 =	sld [smem:$0x7E5];
	_ =	sdelay $0x2  }
0x4a5: {  	[hbm4b:s3+s19] =	stream.strided.scatter [tilespmem:s24], [sflag:$0x3], $0x1000, s20, s19, $0x38;
	[tilespmem:$0x1E700] =	vst v63  }
0x4a6: {  	_ =	swait.ge [sflag:s25], $0x1000  }
0x4a7: {  	[sflag:s25] =	ssyncset.done $0x0  }
0x4a8: {  	s31 =	simm.s32 $0x1A770;
	[sflag:s25] =	ssyncadd.s32 $0xFFFFF000  }
0x4a9: {  	v0 =	vld [tilespmem:s31+$0x0]  }
0x4aa: {  	v1 =	vld [tilespmem:s31+$0xFFFFFFA0]  }
0x4ab: {  	v2 =	vld [tilespmem:s31+$0xFFFFFFB0]  }
0x4ac: {  	v3 =	vld [tilespmem:s31+$0xFFFFFFC0]  }
0x4ad: {  	v4 =	vld [tilespmem:s31+$0xFFFFFFD0]  }
0x4ae: {  	v6 =	vld [tilespmem:s31+$0xFFFFFFE0]  }
0x4af: {  	v7 =	vld [tilespmem:s31+$0xFFFFFFF0]  }
0x4b0: {  	v8 =	vld [tilespmem:s31+$0xFFFFFF90]  }
0x4b1: {  	v9 =	vld.idx.msk [tilespmem:v0+s17+$0x0], $0xffff  }
0x4b2: {  	v10 =	vld.idx.msk [tilespmem:v1+s17+$0x0], $0xffff  }
0x4b3: {  	v5 =	vld.idx.msk [tilespmem:v2+s17+$0x0], $0xffff  }
0x4b4: {  	v3 =	vld.idx.msk [tilespmem:v3+s17+$0x0], $0xffff  }
0x4b5: {  	v0 =	vld.idx.msk [tilespmem:v4+s17+$0x0], $0xffff  }
0x4b6: {  	s3 =	simm.s32 $0x1C740;
	v1 =	vld.idx.msk [tilespmem:v6+s17+$0x0], $0xffff  }
0x4b7: {  	v2 =	vld.idx.msk [tilespmem:v7+s17+$0x0], $0xffff;
	[tilespmem:s3+$0x30] =	vst v9  }
0x4b8: {  	s29 =	simm.s32 $0x0;
	s30 =	simm.s32 $0x1A7F0;
	v4 =	vld.idx.msk [tilespmem:v8+s17+$0x0], $0xffff;
	[tilespmem:s3+$0xFFFFFFD0] =	vst v10  }
.LBB2_46:
0x4b9: {  	v6 =	vld [tilespmem:s30+$0x0];
	s29 =	sadd.s32 $0x8, s29;
	[tilespmem:s3+$0xFFFFFFE0] =	vst v5  }
0x4ba: {  	v5 =	vld [tilespmem:s30+$0xFFFFFFA0];
	p5 =	slt.u32 s29, $0xF8;
	[tilespmem:s3+$0xFFFFFFF0] =	vst v3  }
0x4bb: {  	v3 =	vld [tilespmem:s30+$0xFFFFFFB0];
	[tilespmem:s3+$0x0] =	vst v0  }
0x4bc: {  	v0 =	vld [tilespmem:s30+$0xFFFFFFC0];
	[tilespmem:s3+$0x10] =	vst v1  }
0x4bd: {  	v1 =	vld [tilespmem:s30+$0xFFFFFFD0];
	[tilespmem:s3+$0x20] =	vst v2  }
0x4be: {  	v2 =	vld [tilespmem:s30+$0xFFFFFFE0];
	[tilespmem:s3+$0xFFFFFFC0] =	vst v4  }
0x4bf: {  	v4 =	vld [tilespmem:s30+$0xFFFFFFF0]  }
0x4c0: {  	v7 =	vld [tilespmem:s30+$0xFFFFFF90]  }
0x4c1: {  	v6 =	vld.idx.msk [tilespmem:v6+s17+$0x0], $0xffff  }
0x4c2: {  	v8 =	vld.idx.msk [tilespmem:v5+s17+$0x0], $0xffff  }
0x4c3: {  	v5 =	vld.idx.msk [tilespmem:v3+s17+$0x0], $0xffff  }
.Ltmp22:
0x4c4: {  	v3 =	vld.idx.msk [tilespmem:v0+s17+$0x0], $0xffff;
	(pc) =	sbr.rel @p5 .LBB2_46-.Ltmp22, $4  }
0x4c5: {  	v0 =	vld.idx.msk [tilespmem:v1+s17+$0x0], $0xffff  }
0x4c6: {  	s3 =	sadd.s32 $0x80, s3;
	v1 =	vld.idx.msk [tilespmem:v2+s17+$0x0], $0xffff  }
0x4c7: {  	v2 =	vld.idx.msk [tilespmem:v4+s17+$0x0], $0xffff;
	[tilespmem:s3+$0x30] =	vst v6  }
0x4c8: {  	s30 =	sadd.s32 $0x80, s30;
	v4 =	vld.idx.msk [tilespmem:v7+s17+$0x0], $0xffff;
	[tilespmem:s3+$0xFFFFFFD0] =	vst v8  }
0x4c9: {  	[tilespmem:s3+$0xFFFFFFE0] =	vst v5  }
0x4ca: {  	[tilespmem:s3+$0xFFFFFFF0] =	vst v3  }
0x4cb: {  	[tilespmem:s3+$0x0] =	vst v0  }
0x4cc: {  	[tilespmem:s3+$0x10] =	vst v1  }
0x4cd: {  	[tilespmem:s3+$0x20] =	vst v2  }
0x4ce: {  	[tilespmem:s3+$0xFFFFFFC0] =	vst v4  }
0x4cf: {  	s3 =	sld [smem:$0x7E6];
	_ =	sdelay $0x2  }
0x4d0: {  	[hbm4b:s3+s19] =	stream.strided.scatter [tilespmem:s23], [sflag:$0x2], $0x1000, s20, s19, $0x38;
	[tilespmem:$0x1E700] =	vst v63  }
0x4d1: {  	_ =	swait.ge [sflag:s26], $0x1000  }
0x4d2: {  	[sflag:s26] =	ssyncset.done $0x0  }
0x4d3: {  	s31 =	simm.s32 $0x1B770;
	[sflag:s26] =	ssyncadd.s32 $0xFFFFF000  }
0x4d4: {  	v0 =	vld [tilespmem:s31+$0x0]  }
0x4d5: {  	v1 =	vld [tilespmem:s31+$0xFFFFFFA0]  }
0x4d6: {  	v2 =	vld [tilespmem:s31+$0xFFFFFFB0]  }
0x4d7: {  	v3 =	vld [tilespmem:s31+$0xFFFFFFC0]  }
0x4d8: {  	v4 =	vld [tilespmem:s31+$0xFFFFFFD0]  }
0x4d9: {  	v6 =	vld [tilespmem:s31+$0xFFFFFFE0]  }
0x4da: {  	v7 =	vld [tilespmem:s31+$0xFFFFFFF0]  }
0x4db: {  	v8 =	vld [tilespmem:s31+$0xFFFFFF90]  }
0x4dc: {  	v9 =	vld.idx.msk [tilespmem:v0+s17+$0x0], $0xffff  }
0x4dd: {  	v10 =	vld.idx.msk [tilespmem:v1+s17+$0x0], $0xffff  }
0x4de: {  	v5 =	vld.idx.msk [tilespmem:v2+s17+$0x0], $0xffff  }
0x4df: {  	v3 =	vld.idx.msk [tilespmem:v3+s17+$0x0], $0xffff  }
0x4e0: {  	v0 =	vld.idx.msk [tilespmem:v4+s17+$0x0], $0xffff  }
0x4e1: {  	s3 =	simm.s32 $0x1D740;
	v1 =	vld.idx.msk [tilespmem:v6+s17+$0x0], $0xffff  }
0x4e2: {  	v2 =	vld.idx.msk [tilespmem:v7+s17+$0x0], $0xffff;
	[tilespmem:s3+$0x30] =	vst v9  }
0x4e3: {  	s29 =	simm.s32 $0x0;
	s30 =	simm.s32 $0x1B7F0;
	v4 =	vld.idx.msk [tilespmem:v8+s17+$0x0], $0xffff;
	[tilespmem:s3+$0xFFFFFFD0] =	vst v10  }
.LBB2_48:
0x4e4: {  	v6 =	vld [tilespmem:s30+$0x0];
	s29 =	sadd.s32 $0x8, s29;
	[tilespmem:s3+$0xFFFFFFE0] =	vst v5  }
0x4e5: {  	v5 =	vld [tilespmem:s30+$0xFFFFFFA0];
	p5 =	slt.u32 s29, $0xF8;
	[tilespmem:s3+$0xFFFFFFF0] =	vst v3  }
0x4e6: {  	v3 =	vld [tilespmem:s30+$0xFFFFFFB0];
	[tilespmem:s3+$0x0] =	vst v0  }
0x4e7: {  	v0 =	vld [tilespmem:s30+$0xFFFFFFC0];
	[tilespmem:s3+$0x10] =	vst v1  }
0x4e8: {  	v1 =	vld [tilespmem:s30+$0xFFFFFFD0];
	[tilespmem:s3+$0x20] =	vst v2  }
0x4e9: {  	v2 =	vld [tilespmem:s30+$0xFFFFFFE0];
	[tilespmem:s3+$0xFFFFFFC0] =	vst v4  }
0x4ea: {  	v4 =	vld [tilespmem:s30+$0xFFFFFFF0]  }
0x4eb: {  	v7 =	vld [tilespmem:s30+$0xFFFFFF90]  }
0x4ec: {  	v6 =	vld.idx.msk [tilespmem:v6+s17+$0x0], $0xffff  }
0x4ed: {  	v8 =	vld.idx.msk [tilespmem:v5+s17+$0x0], $0xffff  }
0x4ee: {  	v5 =	vld.idx.msk [tilespmem:v3+s17+$0x0], $0xffff  }
.Ltmp23:
0x4ef: {  	v3 =	vld.idx.msk [tilespmem:v0+s17+$0x0], $0xffff;
	(pc) =	sbr.rel @p5 .LBB2_48-.Ltmp23, $4  }
0x4f0: {  	v0 =	vld.idx.msk [tilespmem:v1+s17+$0x0], $0xffff  }
0x4f1: {  	s3 =	sadd.s32 $0x80, s3;
	v1 =	vld.idx.msk [tilespmem:v2+s17+$0x0], $0xffff  }
0x4f2: {  	v2 =	vld.idx.msk [tilespmem:v4+s17+$0x0], $0xffff;
	[tilespmem:s3+$0x30] =	vst v6  }
0x4f3: {  	s30 =	sadd.s32 $0x80, s30;
	v4 =	vld.idx.msk [tilespmem:v7+s17+$0x0], $0xffff;
	[tilespmem:s3+$0xFFFFFFD0] =	vst v8  }
0x4f4: {  	[tilespmem:s3+$0xFFFFFFE0] =	vst v5  }
0x4f5: {  	[tilespmem:s3+$0xFFFFFFF0] =	vst v3  }
0x4f6: {  	[tilespmem:s3+$0x0] =	vst v0  }
0x4f7: {  	[tilespmem:s3+$0x10] =	vst v1  }
0x4f8: {  	[tilespmem:s3+$0x20] =	vst v2  }
0x4f9: {  	[tilespmem:s3+$0xFFFFFFC0] =	vst v4  }
0x4fa: {  	s3 =	sld [smem:$0x7E7];
	_ =	sdelay $0x2  }
0x4fb: {  	[hbm4b:s3+s19] =	stream.strided.scatter [tilespmem:s24], [sflag:$0x3], $0x1000, s20, s19, $0x38;
	[tilespmem:$0x1E700] =	vst v63  }
0x4fc: {  	s31 =	rddreg [dreg:$0x16]  }
0x4fd: {  	[tilespmem:s17], [sflag:$0x1] =	stream.strided.gather [hbm4b:s31+s19], $0x18700, s20, s19, $0x38;
	[tilespmem:$0x1E700] =	vst v63  }
0x4fe: {  	s31 =	sld [smem:$0x7FC];
	_ =	sdelay $0x2  }
0x4ff: {  	p5 =	seq.s32 s31, $0x1;
	s31 =	rddreg [dreg:$0xa]  }
0x500: {  	s3 =	simm.s32 @!p5 $0x80;
	s29 =	simm.s32 @!p5 $0x400;
	s30 =	simm.s32 @!p5 $0x18700  }
0x501: {  	[tilespmem:s30], [sflag:$0x4] =	stream.strided.gather @!p5 [hbm4b:s31+s3], $0x4000, s29, s3, $0x38;
	[tilespmem:$0x1E700] =	vst v63  }
0x502: {  	s3 =	simm.s32 @!p5 $0x4  }
0x503: {  	_ =	swait.ge @!p5 [sflag:s3], $0x4000  }
0x504: {  	[sflag:s3] =	ssyncset.done @!p5 $0x0  }
0x505: {  	[sflag:s3] =	ssyncadd.s32 @!p5 $0xFFFFC000  }
0x506: {  	_ =	swait.ge [sflag:s22], $0x18700  }
0x507: {  	[sflag:s22] =	ssyncset.done $0x0  }
0x508: {  	[sflag:s22] =	ssyncadd.s32 $0xFFFE7900  }
0x509: {  	_ =	swait.ge [sflag:s25], $0x1000  }
0x50a: {  	[sflag:s25] =	ssyncset.done $0x0  }
0x50b: {  	s31 =	simm.s32 $0x18740;
	[sflag:s25] =	ssyncadd.s32 $0xFFFFF000  }
0x50c: {  	v0 =	vld [tilespmem:s31+$0x30]  }
0x50d: {  	v1 =	vld [tilespmem:s31+$0xFFFFFFD0]  }
0x50e: {  	v2 =	vld [tilespmem:s31+$0xFFFFFFE0]  }
0x50f: {  	v3 =	vld [tilespmem:s31+$0xFFFFFFF0]  }
0x510: {  	v4 =	vld [tilespmem:s31+$0x0]  }
0x511: {  	v6 =	vld [tilespmem:s31+$0x10]  }
0x512: {  	v7 =	vld [tilespmem:s31+$0x20]  }
0x513: {  	v8 =	vld [tilespmem:s31+$0xFFFFFFC0]  }
0x514: {  	v9 =	vld.idx.msk [tilespmem:v0+s17+$0x0], $0xffff  }
0x515: {  	v10 =	vld.idx.msk [tilespmem:v1+s17+$0x0], $0xffff  }
0x516: {  	v5 =	vld.idx.msk [tilespmem:v2+s17+$0x0], $0xffff  }
0x517: {  	v3 =	vld.idx.msk [tilespmem:v3+s17+$0x0], $0xffff  }
0x518: {  	v0 =	vld.idx.msk [tilespmem:v4+s17+$0x0], $0xffff  }
0x519: {  	s3 =	simm.s32 $0x1C740;
	v1 =	vld.idx.msk [tilespmem:v6+s17+$0x0], $0xffff  }
0x51a: {  	v2 =	vld.idx.msk [tilespmem:v7+s17+$0x0], $0xffff;
	[tilespmem:s3+$0x30] =	vst v9  }
0x51b: {  	s29 =	simm.s32 $0x0;
	s30 =	simm.s32 $0x187C0;
	v4 =	vld.idx.msk [tilespmem:v8+s17+$0x0], $0xffff;
	[tilespmem:s3+$0xFFFFFFD0] =	vst v10  }
.LBB2_50:
0x51c: {  	v6 =	vld [tilespmem:s30+$0x30];
	s29 =	sadd.s32 $0x8, s29;
	[tilespmem:s3+$0xFFFFFFE0] =	vst v5  }
0x51d: {  	v5 =	vld [tilespmem:s30+$0xFFFFFFD0];
	p5 =	slt.u32 s29, $0xF8;
	[tilespmem:s3+$0xFFFFFFF0] =	vst v3  }
0x51e: {  	v3 =	vld [tilespmem:s30+$0xFFFFFFE0];
	[tilespmem:s3+$0x0] =	vst v0  }
0x51f: {  	v0 =	vld [tilespmem:s30+$0xFFFFFFF0];
	[tilespmem:s3+$0x10] =	vst v1  }
0x520: {  	v1 =	vld [tilespmem:s30+$0x0];
	[tilespmem:s3+$0x20] =	vst v2  }
0x521: {  	v2 =	vld [tilespmem:s30+$0x10];
	[tilespmem:s3+$0xFFFFFFC0] =	vst v4  }
0x522: {  	v4 =	vld [tilespmem:s30+$0x20]  }
0x523: {  	v7 =	vld [tilespmem:s30+$0xFFFFFFC0]  }
0x524: {  	v6 =	vld.idx.msk [tilespmem:v6+s17+$0x0], $0xffff  }
0x525: {  	v8 =	vld.idx.msk [tilespmem:v5+s17+$0x0], $0xffff  }
0x526: {  	v5 =	vld.idx.msk [tilespmem:v3+s17+$0x0], $0xffff  }
.Ltmp24:
0x527: {  	v3 =	vld.idx.msk [tilespmem:v0+s17+$0x0], $0xffff;
	(pc) =	sbr.rel @p5 .LBB2_50-.Ltmp24, $4  }
0x528: {  	v0 =	vld.idx.msk [tilespmem:v1+s17+$0x0], $0xffff  }
0x529: {  	s3 =	sadd.s32 $0x80, s3;
	v1 =	vld.idx.msk [tilespmem:v2+s17+$0x0], $0xffff  }
0x52a: {  	v2 =	vld.idx.msk [tilespmem:v4+s17+$0x0], $0xffff;
	[tilespmem:s3+$0x30] =	vst v6  }
0x52b: {  	s30 =	sadd.s32 $0x80, s30;
	v4 =	vld.idx.msk [tilespmem:v7+s17+$0x0], $0xffff;
	[tilespmem:s3+$0xFFFFFFD0] =	vst v8  }
0x52c: {  	[tilespmem:s3+$0xFFFFFFE0] =	vst v5  }
0x52d: {  	[tilespmem:s3+$0xFFFFFFF0] =	vst v3  }
0x52e: {  	[tilespmem:s3+$0x0] =	vst v0  }
0x52f: {  	[tilespmem:s3+$0x10] =	vst v1  }
0x530: {  	[tilespmem:s3+$0x20] =	vst v2  }
0x531: {  	[tilespmem:s3+$0xFFFFFFC0] =	vst v4  }
0x532: {  	s3 =	sld [smem:$0x7E8];
	_ =	sdelay $0x2  }
0x533: {  	[hbm4b:s3+s19] =	stream.strided.scatter [tilespmem:s23], [sflag:$0x2], $0x1000, s20, s19, $0x38;
	[tilespmem:$0x1E700] =	vst v63  }
0x534: {  	_ =	swait.ge [sflag:s26], $0x1000  }
0x535: {  	[sflag:s26] =	ssyncset.done $0x0  }
0x536: {  	s31 =	simm.s32 $0x19770;
	[sflag:s26] =	ssyncadd.s32 $0xFFFFF000  }
0x537: {  	v0 =	vld [tilespmem:s31+$0x0]  }
0x538: {  	v1 =	vld [tilespmem:s31+$0xFFFFFFA0]  }
0x539: {  	v2 =	vld [tilespmem:s31+$0xFFFFFFB0]  }
0x53a: {  	v3 =	vld [tilespmem:s31+$0xFFFFFFC0]  }
0x53b: {  	v4 =	vld [tilespmem:s31+$0xFFFFFFD0]  }
0x53c: {  	v6 =	vld [tilespmem:s31+$0xFFFFFFE0]  }
0x53d: {  	v7 =	vld [tilespmem:s31+$0xFFFFFFF0]  }
0x53e: {  	v8 =	vld [tilespmem:s31+$0xFFFFFF90]  }
0x53f: {  	v9 =	vld.idx.msk [tilespmem:v0+s17+$0x0], $0xffff  }
0x540: {  	v10 =	vld.idx.msk [tilespmem:v1+s17+$0x0], $0xffff  }
0x541: {  	v5 =	vld.idx.msk [tilespmem:v2+s17+$0x0], $0xffff  }
0x542: {  	v3 =	vld.idx.msk [tilespmem:v3+s17+$0x0], $0xffff  }
0x543: {  	v0 =	vld.idx.msk [tilespmem:v4+s17+$0x0], $0xffff  }
0x544: {  	s3 =	simm.s32 $0x1D740;
	v1 =	vld.idx.msk [tilespmem:v6+s17+$0x0], $0xffff  }
0x545: {  	v2 =	vld.idx.msk [tilespmem:v7+s17+$0x0], $0xffff;
	[tilespmem:s3+$0x30] =	vst v9  }
0x546: {  	s29 =	simm.s32 $0x0;
	s30 =	simm.s32 $0x197F0;
	v4 =	vld.idx.msk [tilespmem:v8+s17+$0x0], $0xffff;
	[tilespmem:s3+$0xFFFFFFD0] =	vst v10  }
.LBB2_52:
0x547: {  	v6 =	vld [tilespmem:s30+$0x0];
	s29 =	sadd.s32 $0x8, s29;
	[tilespmem:s3+$0xFFFFFFE0] =	vst v5  }
0x548: {  	v5 =	vld [tilespmem:s30+$0xFFFFFFA0];
	p5 =	slt.u32 s29, $0xF8;
	[tilespmem:s3+$0xFFFFFFF0] =	vst v3  }
0x549: {  	v3 =	vld [tilespmem:s30+$0xFFFFFFB0];
	[tilespmem:s3+$0x0] =	vst v0  }
0x54a: {  	v0 =	vld [tilespmem:s30+$0xFFFFFFC0];
	[tilespmem:s3+$0x10] =	vst v1  }
0x54b: {  	v1 =	vld [tilespmem:s30+$0xFFFFFFD0];
	[tilespmem:s3+$0x20] =	vst v2  }
0x54c: {  	v2 =	vld [tilespmem:s30+$0xFFFFFFE0];
	[tilespmem:s3+$0xFFFFFFC0] =	vst v4  }
0x54d: {  	v4 =	vld [tilespmem:s30+$0xFFFFFFF0]  }
0x54e: {  	v7 =	vld [tilespmem:s30+$0xFFFFFF90]  }
0x54f: {  	v6 =	vld.idx.msk [tilespmem:v6+s17+$0x0], $0xffff  }
0x550: {  	v8 =	vld.idx.msk [tilespmem:v5+s17+$0x0], $0xffff  }
0x551: {  	v5 =	vld.idx.msk [tilespmem:v3+s17+$0x0], $0xffff  }
.Ltmp25:
0x552: {  	v3 =	vld.idx.msk [tilespmem:v0+s17+$0x0], $0xffff;
	(pc) =	sbr.rel @p5 .LBB2_52-.Ltmp25, $4  }
0x553: {  	v0 =	vld.idx.msk [tilespmem:v1+s17+$0x0], $0xffff  }
0x554: {  	s3 =	sadd.s32 $0x80, s3;
	v1 =	vld.idx.msk [tilespmem:v2+s17+$0x0], $0xffff  }
0x555: {  	v2 =	vld.idx.msk [tilespmem:v4+s17+$0x0], $0xffff;
	[tilespmem:s3+$0x30] =	vst v6  }
0x556: {  	s30 =	sadd.s32 $0x80, s30;
	v4 =	vld.idx.msk [tilespmem:v7+s17+$0x0], $0xffff;
	[tilespmem:s3+$0xFFFFFFD0] =	vst v8  }
0x557: {  	[tilespmem:s3+$0xFFFFFFE0] =	vst v5  }
0x558: {  	[tilespmem:s3+$0xFFFFFFF0] =	vst v3  }
0x559: {  	[tilespmem:s3+$0x0] =	vst v0  }
0x55a: {  	[tilespmem:s3+$0x10] =	vst v1  }
0x55b: {  	[tilespmem:s3+$0x20] =	vst v2  }
0x55c: {  	[tilespmem:s3+$0xFFFFFFC0] =	vst v4  }
0x55d: {  	s3 =	sld [smem:$0x7E9];
	_ =	sdelay $0x2  }
0x55e: {  	[hbm4b:s3+s19] =	stream.strided.scatter [tilespmem:s24], [sflag:$0x3], $0x1000, s20, s19, $0x38;
	[tilespmem:$0x1E700] =	vst v63  }
0x55f: {  	_ =	swait.ge [sflag:s25], $0x1000  }
0x560: {  	[sflag:s25] =	ssyncset.done $0x0  }
0x561: {  	s31 =	simm.s32 $0x1A770;
	[sflag:s25] =	ssyncadd.s32 $0xFFFFF000  }
0x562: {  	v0 =	vld [tilespmem:s31+$0x0]  }
0x563: {  	v1 =	vld [tilespmem:s31+$0xFFFFFFA0]  }
0x564: {  	v2 =	vld [tilespmem:s31+$0xFFFFFFB0]  }
0x565: {  	v3 =	vld [tilespmem:s31+$0xFFFFFFC0]  }
0x566: {  	v4 =	vld [tilespmem:s31+$0xFFFFFFD0]  }
0x567: {  	v6 =	vld [tilespmem:s31+$0xFFFFFFE0]  }
0x568: {  	v7 =	vld [tilespmem:s31+$0xFFFFFFF0]  }
0x569: {  	v8 =	vld [tilespmem:s31+$0xFFFFFF90]  }
0x56a: {  	v9 =	vld.idx.msk [tilespmem:v0+s17+$0x0], $0xffff  }
0x56b: {  	v10 =	vld.idx.msk [tilespmem:v1+s17+$0x0], $0xffff  }
0x56c: {  	v5 =	vld.idx.msk [tilespmem:v2+s17+$0x0], $0xffff  }
0x56d: {  	v3 =	vld.idx.msk [tilespmem:v3+s17+$0x0], $0xffff  }
0x56e: {  	v0 =	vld.idx.msk [tilespmem:v4+s17+$0x0], $0xffff  }
0x56f: {  	s3 =	simm.s32 $0x1C740;
	v1 =	vld.idx.msk [tilespmem:v6+s17+$0x0], $0xffff  }
0x570: {  	v2 =	vld.idx.msk [tilespmem:v7+s17+$0x0], $0xffff;
	[tilespmem:s3+$0x30] =	vst v9  }
0x571: {  	s29 =	simm.s32 $0x0;
	s30 =	simm.s32 $0x1A7F0;
	v4 =	vld.idx.msk [tilespmem:v8+s17+$0x0], $0xffff;
	[tilespmem:s3+$0xFFFFFFD0] =	vst v10  }
.LBB2_54:
0x572: {  	v6 =	vld [tilespmem:s30+$0x0];
	s29 =	sadd.s32 $0x8, s29;
	[tilespmem:s3+$0xFFFFFFE0] =	vst v5  }
0x573: {  	v5 =	vld [tilespmem:s30+$0xFFFFFFA0];
	p5 =	slt.u32 s29, $0xF8;
	[tilespmem:s3+$0xFFFFFFF0] =	vst v3  }
0x574: {  	v3 =	vld [tilespmem:s30+$0xFFFFFFB0];
	[tilespmem:s3+$0x0] =	vst v0  }
0x575: {  	v0 =	vld [tilespmem:s30+$0xFFFFFFC0];
	[tilespmem:s3+$0x10] =	vst v1  }
0x576: {  	v1 =	vld [tilespmem:s30+$0xFFFFFFD0];
	[tilespmem:s3+$0x20] =	vst v2  }
0x577: {  	v2 =	vld [tilespmem:s30+$0xFFFFFFE0];
	[tilespmem:s3+$0xFFFFFFC0] =	vst v4  }
0x578: {  	v4 =	vld [tilespmem:s30+$0xFFFFFFF0]  }
0x579: {  	v7 =	vld [tilespmem:s30+$0xFFFFFF90]  }
0x57a: {  	v6 =	vld.idx.msk [tilespmem:v6+s17+$0x0], $0xffff  }
0x57b: {  	v8 =	vld.idx.msk [tilespmem:v5+s17+$0x0], $0xffff  }
0x57c: {  	v5 =	vld.idx.msk [tilespmem:v3+s17+$0x0], $0xffff  }
.Ltmp26:
0x57d: {  	v3 =	vld.idx.msk [tilespmem:v0+s17+$0x0], $0xffff;
	(pc) =	sbr.rel @p5 .LBB2_54-.Ltmp26, $4  }
0x57e: {  	v0 =	vld.idx.msk [tilespmem:v1+s17+$0x0], $0xffff  }
0x57f: {  	s3 =	sadd.s32 $0x80, s3;
	v1 =	vld.idx.msk [tilespmem:v2+s17+$0x0], $0xffff  }
0x580: {  	v2 =	vld.idx.msk [tilespmem:v4+s17+$0x0], $0xffff;
	[tilespmem:s3+$0x30] =	vst v6  }
0x581: {  	s30 =	sadd.s32 $0x80, s30;
	v4 =	vld.idx.msk [tilespmem:v7+s17+$0x0], $0xffff;
	[tilespmem:s3+$0xFFFFFFD0] =	vst v8  }
0x582: {  	[tilespmem:s3+$0xFFFFFFE0] =	vst v5  }
0x583: {  	[tilespmem:s3+$0xFFFFFFF0] =	vst v3  }
0x584: {  	[tilespmem:s3+$0x0] =	vst v0  }
0x585: {  	[tilespmem:s3+$0x10] =	vst v1  }
0x586: {  	[tilespmem:s3+$0x20] =	vst v2  }
0x587: {  	[tilespmem:s3+$0xFFFFFFC0] =	vst v4  }
0x588: {  	s3 =	sld [smem:$0x7EA];
	_ =	sdelay $0x2  }
0x589: {  	[hbm4b:s3+s19] =	stream.strided.scatter [tilespmem:s23], [sflag:$0x2], $0x1000, s20, s19, $0x38;
	[tilespmem:$0x1E700] =	vst v63  }
0x58a: {  	_ =	swait.ge [sflag:s26], $0x1000  }
0x58b: {  	[sflag:s26] =	ssyncset.done $0x0  }
0x58c: {  	s31 =	simm.s32 $0x1B770;
	[sflag:s26] =	ssyncadd.s32 $0xFFFFF000  }
0x58d: {  	v0 =	vld [tilespmem:s31+$0x0]  }
0x58e: {  	v1 =	vld [tilespmem:s31+$0xFFFFFFA0]  }
0x58f: {  	v2 =	vld [tilespmem:s31+$0xFFFFFFB0]  }
0x590: {  	v3 =	vld [tilespmem:s31+$0xFFFFFFC0]  }
0x591: {  	v4 =	vld [tilespmem:s31+$0xFFFFFFD0]  }
0x592: {  	v6 =	vld [tilespmem:s31+$0xFFFFFFE0]  }
0x593: {  	v7 =	vld [tilespmem:s31+$0xFFFFFFF0]  }
0x594: {  	v8 =	vld [tilespmem:s31+$0xFFFFFF90]  }
0x595: {  	v9 =	vld.idx.msk [tilespmem:v0+s17+$0x0], $0xffff  }
0x596: {  	v10 =	vld.idx.msk [tilespmem:v1+s17+$0x0], $0xffff  }
0x597: {  	v5 =	vld.idx.msk [tilespmem:v2+s17+$0x0], $0xffff  }
0x598: {  	v3 =	vld.idx.msk [tilespmem:v3+s17+$0x0], $0xffff  }
0x599: {  	v0 =	vld.idx.msk [tilespmem:v4+s17+$0x0], $0xffff  }
0x59a: {  	s3 =	simm.s32 $0x1D740;
	v1 =	vld.idx.msk [tilespmem:v6+s17+$0x0], $0xffff  }
0x59b: {  	v2 =	vld.idx.msk [tilespmem:v7+s17+$0x0], $0xffff;
	[tilespmem:s3+$0x30] =	vst v9  }
0x59c: {  	s29 =	simm.s32 $0x0;
	s30 =	simm.s32 $0x1B7F0;
	v4 =	vld.idx.msk [tilespmem:v8+s17+$0x0], $0xffff;
	[tilespmem:s3+$0xFFFFFFD0] =	vst v10  }
.LBB2_56:
0x59d: {  	v6 =	vld [tilespmem:s30+$0x0];
	s29 =	sadd.s32 $0x8, s29;
	[tilespmem:s3+$0xFFFFFFE0] =	vst v5  }
0x59e: {  	v5 =	vld [tilespmem:s30+$0xFFFFFFA0];
	p5 =	slt.u32 s29, $0xF8;
	[tilespmem:s3+$0xFFFFFFF0] =	vst v3  }
0x59f: {  	v3 =	vld [tilespmem:s30+$0xFFFFFFB0];
	[tilespmem:s3+$0x0] =	vst v0  }
0x5a0: {  	v0 =	vld [tilespmem:s30+$0xFFFFFFC0];
	[tilespmem:s3+$0x10] =	vst v1  }
0x5a1: {  	v1 =	vld [tilespmem:s30+$0xFFFFFFD0];
	[tilespmem:s3+$0x20] =	vst v2  }
0x5a2: {  	v2 =	vld [tilespmem:s30+$0xFFFFFFE0];
	[tilespmem:s3+$0xFFFFFFC0] =	vst v4  }
0x5a3: {  	v4 =	vld [tilespmem:s30+$0xFFFFFFF0]  }
0x5a4: {  	v7 =	vld [tilespmem:s30+$0xFFFFFF90]  }
0x5a5: {  	v6 =	vld.idx.msk [tilespmem:v6+s17+$0x0], $0xffff  }
0x5a6: {  	v8 =	vld.idx.msk [tilespmem:v5+s17+$0x0], $0xffff  }
0x5a7: {  	v5 =	vld.idx.msk [tilespmem:v3+s17+$0x0], $0xffff  }
.Ltmp27:
0x5a8: {  	v3 =	vld.idx.msk [tilespmem:v0+s17+$0x0], $0xffff;
	(pc) =	sbr.rel @p5 .LBB2_56-.Ltmp27, $4  }
0x5a9: {  	v0 =	vld.idx.msk [tilespmem:v1+s17+$0x0], $0xffff  }
0x5aa: {  	s3 =	sadd.s32 $0x80, s3;
	v1 =	vld.idx.msk [tilespmem:v2+s17+$0x0], $0xffff  }
0x5ab: {  	v2 =	vld.idx.msk [tilespmem:v4+s17+$0x0], $0xffff;
	[tilespmem:s3+$0x30] =	vst v6  }
0x5ac: {  	s30 =	sadd.s32 $0x80, s30;
	v4 =	vld.idx.msk [tilespmem:v7+s17+$0x0], $0xffff;
	[tilespmem:s3+$0xFFFFFFD0] =	vst v8  }
0x5ad: {  	[tilespmem:s3+$0xFFFFFFE0] =	vst v5  }
0x5ae: {  	[tilespmem:s3+$0xFFFFFFF0] =	vst v3  }
0x5af: {  	[tilespmem:s3+$0x0] =	vst v0  }
0x5b0: {  	[tilespmem:s3+$0x10] =	vst v1  }
0x5b1: {  	[tilespmem:s3+$0x20] =	vst v2  }
0x5b2: {  	[tilespmem:s3+$0xFFFFFFC0] =	vst v4  }
0x5b3: {  	s3 =	sld [smem:$0x7EB];
	_ =	sdelay $0x2  }
0x5b4: {  	[hbm4b:s3+s19] =	stream.strided.scatter [tilespmem:s24], [sflag:$0x3], $0x1000, s20, s19, $0x38;
	[tilespmem:$0x1E700] =	vst v63  }
0x5b5: {  	s29 =	simm.s32 @!p6 $0x400;
	s31 =	rddreg [dreg:$0x17]  }
0x5b6: {  	[tilespmem:s17], [sflag:$0x1] =	stream.strided.gather [hbm4b:s31+s19], $0x18700, s20, s19, $0x38;
	[tilespmem:$0x1E700] =	vst v63  }
0x5b7: {  	s30 =	simm.s32 @!p6 $0x18700;
	s3 =	simm.s32 @!p6 $0x80;
	s31 =	rddreg [dreg:$0xb]  }
0x5b8: {  	[tilespmem:s30], [sflag:$0x4] =	stream.strided.gather @!p6 [hbm4b:s31+s3], $0x4000, s29, s3, $0x38;
	[tilespmem:$0x1E700] =	vst v63  }
0x5b9: {  	s3 =	simm.s32 @!p6 $0x4  }
0x5ba: {  	_ =	swait.ge @!p6 [sflag:s3], $0x4000  }
0x5bb: {  	[sflag:s3] =	ssyncset.done @!p6 $0x0  }
0x5bc: {  	[sflag:s3] =	ssyncadd.s32 @!p6 $0xFFFFC000  }
0x5bd: {  	_ =	swait.ge [sflag:s22], $0x18700  }
0x5be: {  	[sflag:s22] =	ssyncset.done $0x0  }
0x5bf: {  	[sflag:s22] =	ssyncadd.s32 $0xFFFE7900  }
0x5c0: {  	_ =	swait.ge [sflag:s25], $0x1000  }
0x5c1: {  	[sflag:s25] =	ssyncset.done $0x0  }
0x5c2: {  	s31 =	simm.s32 $0x18740;
	[sflag:s25] =	ssyncadd.s32 $0xFFFFF000  }
0x5c3: {  	v0 =	vld [tilespmem:s31+$0x30]  }
0x5c4: {  	v1 =	vld [tilespmem:s31+$0xFFFFFFD0]  }
0x5c5: {  	v2 =	vld [tilespmem:s31+$0xFFFFFFE0]  }
0x5c6: {  	v3 =	vld [tilespmem:s31+$0xFFFFFFF0]  }
0x5c7: {  	v4 =	vld [tilespmem:s31+$0x0]  }
0x5c8: {  	v6 =	vld [tilespmem:s31+$0x10]  }
0x5c9: {  	v7 =	vld [tilespmem:s31+$0x20]  }
0x5ca: {  	v8 =	vld [tilespmem:s31+$0xFFFFFFC0]  }
0x5cb: {  	v9 =	vld.idx.msk [tilespmem:v0+s17+$0x0], $0xffff  }
0x5cc: {  	v10 =	vld.idx.msk [tilespmem:v1+s17+$0x0], $0xffff  }
0x5cd: {  	v5 =	vld.idx.msk [tilespmem:v2+s17+$0x0], $0xffff  }
0x5ce: {  	v3 =	vld.idx.msk [tilespmem:v3+s17+$0x0], $0xffff  }
0x5cf: {  	v0 =	vld.idx.msk [tilespmem:v4+s17+$0x0], $0xffff  }
0x5d0: {  	s3 =	simm.s32 $0x1C740;
	v1 =	vld.idx.msk [tilespmem:v6+s17+$0x0], $0xffff  }
0x5d1: {  	v2 =	vld.idx.msk [tilespmem:v7+s17+$0x0], $0xffff;
	[tilespmem:s3+$0x30] =	vst v9  }
0x5d2: {  	s29 =	simm.s32 $0x0;
	s30 =	simm.s32 $0x187C0;
	v4 =	vld.idx.msk [tilespmem:v8+s17+$0x0], $0xffff;
	[tilespmem:s3+$0xFFFFFFD0] =	vst v10  }
.LBB2_58:
0x5d3: {  	v6 =	vld [tilespmem:s30+$0x30];
	s29 =	sadd.s32 $0x8, s29;
	[tilespmem:s3+$0xFFFFFFE0] =	vst v5  }
0x5d4: {  	v5 =	vld [tilespmem:s30+$0xFFFFFFD0];
	p5 =	slt.u32 s29, $0xF8;
	[tilespmem:s3+$0xFFFFFFF0] =	vst v3  }
0x5d5: {  	v3 =	vld [tilespmem:s30+$0xFFFFFFE0];
	[tilespmem:s3+$0x0] =	vst v0  }
0x5d6: {  	v0 =	vld [tilespmem:s30+$0xFFFFFFF0];
	[tilespmem:s3+$0x10] =	vst v1  }
0x5d7: {  	v1 =	vld [tilespmem:s30+$0x0];
	[tilespmem:s3+$0x20] =	vst v2  }
0x5d8: {  	v2 =	vld [tilespmem:s30+$0x10];
	[tilespmem:s3+$0xFFFFFFC0] =	vst v4  }
0x5d9: {  	v4 =	vld [tilespmem:s30+$0x20]  }
0x5da: {  	v7 =	vld [tilespmem:s30+$0xFFFFFFC0]  }
0x5db: {  	v6 =	vld.idx.msk [tilespmem:v6+s17+$0x0], $0xffff  }
0x5dc: {  	v8 =	vld.idx.msk [tilespmem:v5+s17+$0x0], $0xffff  }
0x5dd: {  	v5 =	vld.idx.msk [tilespmem:v3+s17+$0x0], $0xffff  }
.Ltmp28:
0x5de: {  	v3 =	vld.idx.msk [tilespmem:v0+s17+$0x0], $0xffff;
	(pc) =	sbr.rel @p5 .LBB2_58-.Ltmp28, $4  }
0x5df: {  	v0 =	vld.idx.msk [tilespmem:v1+s17+$0x0], $0xffff  }
0x5e0: {  	s3 =	sadd.s32 $0x80, s3;
	v1 =	vld.idx.msk [tilespmem:v2+s17+$0x0], $0xffff  }
0x5e1: {  	v2 =	vld.idx.msk [tilespmem:v4+s17+$0x0], $0xffff;
	[tilespmem:s3+$0x30] =	vst v6  }
0x5e2: {  	s30 =	sadd.s32 $0x80, s30;
	v4 =	vld.idx.msk [tilespmem:v7+s17+$0x0], $0xffff;
	[tilespmem:s3+$0xFFFFFFD0] =	vst v8  }
0x5e3: {  	[tilespmem:s3+$0xFFFFFFE0] =	vst v5  }
0x5e4: {  	[tilespmem:s3+$0xFFFFFFF0] =	vst v3  }
0x5e5: {  	[tilespmem:s3+$0x0] =	vst v0  }
0x5e6: {  	[tilespmem:s3+$0x10] =	vst v1  }
0x5e7: {  	[tilespmem:s3+$0x20] =	vst v2  }
0x5e8: {  	[tilespmem:s3+$0xFFFFFFC0] =	vst v4  }
0x5e9: {  	s3 =	sld [smem:$0x7EC];
	_ =	sdelay $0x2  }
0x5ea: {  	[hbm4b:s3+s19] =	stream.strided.scatter [tilespmem:s23], [sflag:$0x2], $0x1000, s20, s19, $0x38;
	[tilespmem:$0x1E700] =	vst v63  }
0x5eb: {  	_ =	swait.ge [sflag:s26], $0x1000  }
0x5ec: {  	[sflag:s26] =	ssyncset.done $0x0  }
0x5ed: {  	s31 =	simm.s32 $0x19770;
	[sflag:s26] =	ssyncadd.s32 $0xFFFFF000  }
0x5ee: {  	v0 =	vld [tilespmem:s31+$0x0]  }
0x5ef: {  	v1 =	vld [tilespmem:s31+$0xFFFFFFA0]  }
0x5f0: {  	v2 =	vld [tilespmem:s31+$0xFFFFFFB0]  }
0x5f1: {  	v3 =	vld [tilespmem:s31+$0xFFFFFFC0]  }
0x5f2: {  	v4 =	vld [tilespmem:s31+$0xFFFFFFD0]  }
0x5f3: {  	v6 =	vld [tilespmem:s31+$0xFFFFFFE0]  }
0x5f4: {  	v7 =	vld [tilespmem:s31+$0xFFFFFFF0]  }
0x5f5: {  	v8 =	vld [tilespmem:s31+$0xFFFFFF90]  }
0x5f6: {  	v9 =	vld.idx.msk [tilespmem:v0+s17+$0x0], $0xffff  }
0x5f7: {  	v10 =	vld.idx.msk [tilespmem:v1+s17+$0x0], $0xffff  }
0x5f8: {  	v5 =	vld.idx.msk [tilespmem:v2+s17+$0x0], $0xffff  }
0x5f9: {  	v3 =	vld.idx.msk [tilespmem:v3+s17+$0x0], $0xffff  }
0x5fa: {  	v0 =	vld.idx.msk [tilespmem:v4+s17+$0x0], $0xffff  }
0x5fb: {  	s3 =	simm.s32 $0x1D740;
	v1 =	vld.idx.msk [tilespmem:v6+s17+$0x0], $0xffff  }
0x5fc: {  	v2 =	vld.idx.msk [tilespmem:v7+s17+$0x0], $0xffff;
	[tilespmem:s3+$0x30] =	vst v9  }
0x5fd: {  	s29 =	simm.s32 $0x0;
	s30 =	simm.s32 $0x197F0;
	v4 =	vld.idx.msk [tilespmem:v8+s17+$0x0], $0xffff;
	[tilespmem:s3+$0xFFFFFFD0] =	vst v10  }
.LBB2_60:
0x5fe: {  	v6 =	vld [tilespmem:s30+$0x0];
	s29 =	sadd.s32 $0x8, s29;
	[tilespmem:s3+$0xFFFFFFE0] =	vst v5  }
0x5ff: {  	v5 =	vld [tilespmem:s30+$0xFFFFFFA0];
	p5 =	slt.u32 s29, $0xF8;
	[tilespmem:s3+$0xFFFFFFF0] =	vst v3  }
0x600: {  	v3 =	vld [tilespmem:s30+$0xFFFFFFB0];
	[tilespmem:s3+$0x0] =	vst v0  }
0x601: {  	v0 =	vld [tilespmem:s30+$0xFFFFFFC0];
	[tilespmem:s3+$0x10] =	vst v1  }
0x602: {  	v1 =	vld [tilespmem:s30+$0xFFFFFFD0];
	[tilespmem:s3+$0x20] =	vst v2  }
0x603: {  	v2 =	vld [tilespmem:s30+$0xFFFFFFE0];
	[tilespmem:s3+$0xFFFFFFC0] =	vst v4  }
0x604: {  	v4 =	vld [tilespmem:s30+$0xFFFFFFF0]  }
0x605: {  	v7 =	vld [tilespmem:s30+$0xFFFFFF90]  }
0x606: {  	v6 =	vld.idx.msk [tilespmem:v6+s17+$0x0], $0xffff  }
0x607: {  	v8 =	vld.idx.msk [tilespmem:v5+s17+$0x0], $0xffff  }
0x608: {  	v5 =	vld.idx.msk [tilespmem:v3+s17+$0x0], $0xffff  }
.Ltmp29:
0x609: {  	v3 =	vld.idx.msk [tilespmem:v0+s17+$0x0], $0xffff;
	(pc) =	sbr.rel @p5 .LBB2_60-.Ltmp29, $4  }
0x60a: {  	v0 =	vld.idx.msk [tilespmem:v1+s17+$0x0], $0xffff  }
0x60b: {  	s3 =	sadd.s32 $0x80, s3;
	v1 =	vld.idx.msk [tilespmem:v2+s17+$0x0], $0xffff  }
0x60c: {  	v2 =	vld.idx.msk [tilespmem:v4+s17+$0x0], $0xffff;
	[tilespmem:s3+$0x30] =	vst v6  }
0x60d: {  	s30 =	sadd.s32 $0x80, s30;
	v4 =	vld.idx.msk [tilespmem:v7+s17+$0x0], $0xffff;
	[tilespmem:s3+$0xFFFFFFD0] =	vst v8  }
0x60e: {  	[tilespmem:s3+$0xFFFFFFE0] =	vst v5  }
0x60f: {  	[tilespmem:s3+$0xFFFFFFF0] =	vst v3  }
0x610: {  	[tilespmem:s3+$0x0] =	vst v0  }
0x611: {  	[tilespmem:s3+$0x10] =	vst v1  }
0x612: {  	[tilespmem:s3+$0x20] =	vst v2  }
0x613: {  	[tilespmem:s3+$0xFFFFFFC0] =	vst v4  }
0x614: {  	s3 =	sld [smem:$0x7ED];
	_ =	sdelay $0x2  }
0x615: {  	[hbm4b:s3+s19] =	stream.strided.scatter [tilespmem:s24], [sflag:$0x3], $0x1000, s20, s19, $0x38;
	[tilespmem:$0x1E700] =	vst v63  }
0x616: {  	_ =	swait.ge [sflag:s25], $0x1000  }
0x617: {  	[sflag:s25] =	ssyncset.done $0x0  }
0x618: {  	s31 =	simm.s32 $0x1A770;
	[sflag:s25] =	ssyncadd.s32 $0xFFFFF000  }
0x619: {  	v0 =	vld [tilespmem:s31+$0x0]  }
0x61a: {  	v1 =	vld [tilespmem:s31+$0xFFFFFFA0]  }
0x61b: {  	v2 =	vld [tilespmem:s31+$0xFFFFFFB0]  }
0x61c: {  	v3 =	vld [tilespmem:s31+$0xFFFFFFC0]  }
0x61d: {  	v4 =	vld [tilespmem:s31+$0xFFFFFFD0]  }
0x61e: {  	v6 =	vld [tilespmem:s31+$0xFFFFFFE0]  }
0x61f: {  	v7 =	vld [tilespmem:s31+$0xFFFFFFF0]  }
0x620: {  	v8 =	vld [tilespmem:s31+$0xFFFFFF90]  }
0x621: {  	v9 =	vld.idx.msk [tilespmem:v0+s17+$0x0], $0xffff  }
0x622: {  	v10 =	vld.idx.msk [tilespmem:v1+s17+$0x0], $0xffff  }
0x623: {  	v5 =	vld.idx.msk [tilespmem:v2+s17+$0x0], $0xffff  }
0x624: {  	v3 =	vld.idx.msk [tilespmem:v3+s17+$0x0], $0xffff  }
0x625: {  	v0 =	vld.idx.msk [tilespmem:v4+s17+$0x0], $0xffff  }
0x626: {  	s3 =	simm.s32 $0x1C740;
	v1 =	vld.idx.msk [tilespmem:v6+s17+$0x0], $0xffff  }
0x627: {  	v2 =	vld.idx.msk [tilespmem:v7+s17+$0x0], $0xffff;
	[tilespmem:s3+$0x30] =	vst v9  }
0x628: {  	s29 =	simm.s32 $0x0;
	s30 =	simm.s32 $0x1A7F0;
	v4 =	vld.idx.msk [tilespmem:v8+s17+$0x0], $0xffff;
	[tilespmem:s3+$0xFFFFFFD0] =	vst v10  }
.LBB2_62:
0x629: {  	v6 =	vld [tilespmem:s30+$0x0];
	s29 =	sadd.s32 $0x8, s29;
	[tilespmem:s3+$0xFFFFFFE0] =	vst v5  }
0x62a: {  	v5 =	vld [tilespmem:s30+$0xFFFFFFA0];
	p5 =	slt.u32 s29, $0xF8;
	[tilespmem:s3+$0xFFFFFFF0] =	vst v3  }
0x62b: {  	v3 =	vld [tilespmem:s30+$0xFFFFFFB0];
	[tilespmem:s3+$0x0] =	vst v0  }
0x62c: {  	v0 =	vld [tilespmem:s30+$0xFFFFFFC0];
	[tilespmem:s3+$0x10] =	vst v1  }
0x62d: {  	v1 =	vld [tilespmem:s30+$0xFFFFFFD0];
	[tilespmem:s3+$0x20] =	vst v2  }
0x62e: {  	v2 =	vld [tilespmem:s30+$0xFFFFFFE0];
	[tilespmem:s3+$0xFFFFFFC0] =	vst v4  }
0x62f: {  	v4 =	vld [tilespmem:s30+$0xFFFFFFF0]  }
0x630: {  	v7 =	vld [tilespmem:s30+$0xFFFFFF90]  }
0x631: {  	v6 =	vld.idx.msk [tilespmem:v6+s17+$0x0], $0xffff  }
0x632: {  	v8 =	vld.idx.msk [tilespmem:v5+s17+$0x0], $0xffff  }
0x633: {  	v5 =	vld.idx.msk [tilespmem:v3+s17+$0x0], $0xffff  }
.Ltmp30:
0x634: {  	v3 =	vld.idx.msk [tilespmem:v0+s17+$0x0], $0xffff;
	(pc) =	sbr.rel @p5 .LBB2_62-.Ltmp30, $4  }
0x635: {  	v0 =	vld.idx.msk [tilespmem:v1+s17+$0x0], $0xffff  }
0x636: {  	s3 =	sadd.s32 $0x80, s3;
	v1 =	vld.idx.msk [tilespmem:v2+s17+$0x0], $0xffff  }
0x637: {  	v2 =	vld.idx.msk [tilespmem:v4+s17+$0x0], $0xffff;
	[tilespmem:s3+$0x30] =	vst v6  }
0x638: {  	s30 =	sadd.s32 $0x80, s30;
	v4 =	vld.idx.msk [tilespmem:v7+s17+$0x0], $0xffff;
	[tilespmem:s3+$0xFFFFFFD0] =	vst v8  }
0x639: {  	[tilespmem:s3+$0xFFFFFFE0] =	vst v5  }
0x63a: {  	[tilespmem:s3+$0xFFFFFFF0] =	vst v3  }
0x63b: {  	[tilespmem:s3+$0x0] =	vst v0  }
0x63c: {  	[tilespmem:s3+$0x10] =	vst v1  }
0x63d: {  	[tilespmem:s3+$0x20] =	vst v2  }
0x63e: {  	[tilespmem:s3+$0xFFFFFFC0] =	vst v4  }
0x63f: {  	s3 =	sld [smem:$0x7EE];
	_ =	sdelay $0x2  }
0x640: {  	[hbm4b:s3+s19] =	stream.strided.scatter [tilespmem:s23], [sflag:$0x2], $0x1000, s20, s19, $0x38;
	[tilespmem:$0x1E700] =	vst v63  }
0x641: {  	_ =	swait.ge [sflag:s26], $0x1000  }
0x642: {  	[sflag:s26] =	ssyncset.done $0x0  }
0x643: {  	s31 =	simm.s32 $0x1B770;
	[sflag:s26] =	ssyncadd.s32 $0xFFFFF000  }
0x644: {  	v0 =	vld [tilespmem:s31+$0x0]  }
0x645: {  	v1 =	vld [tilespmem:s31+$0xFFFFFFA0]  }
0x646: {  	v2 =	vld [tilespmem:s31+$0xFFFFFFB0]  }
0x647: {  	v3 =	vld [tilespmem:s31+$0xFFFFFFC0]  }
0x648: {  	v4 =	vld [tilespmem:s31+$0xFFFFFFD0]  }
0x649: {  	v6 =	vld [tilespmem:s31+$0xFFFFFFE0]  }
0x64a: {  	v7 =	vld [tilespmem:s31+$0xFFFFFFF0]  }
0x64b: {  	v8 =	vld [tilespmem:s31+$0xFFFFFF90]  }
0x64c: {  	v9 =	vld.idx.msk [tilespmem:v0+s17+$0x0], $0xffff  }
0x64d: {  	v10 =	vld.idx.msk [tilespmem:v1+s17+$0x0], $0xffff  }
0x64e: {  	v5 =	vld.idx.msk [tilespmem:v2+s17+$0x0], $0xffff  }
0x64f: {  	v3 =	vld.idx.msk [tilespmem:v3+s17+$0x0], $0xffff  }
0x650: {  	v0 =	vld.idx.msk [tilespmem:v4+s17+$0x0], $0xffff  }
0x651: {  	s3 =	simm.s32 $0x1D740;
	v1 =	vld.idx.msk [tilespmem:v6+s17+$0x0], $0xffff  }
0x652: {  	v2 =	vld.idx.msk [tilespmem:v7+s17+$0x0], $0xffff;
	[tilespmem:s3+$0x30] =	vst v9  }
0x653: {  	s29 =	simm.s32 $0x0;
	s30 =	simm.s32 $0x1B7F0;
	v4 =	vld.idx.msk [tilespmem:v8+s17+$0x0], $0xffff;
	[tilespmem:s3+$0xFFFFFFD0] =	vst v10  }
.LBB2_64:
0x654: {  	v6 =	vld [tilespmem:s30+$0x0];
	s29 =	sadd.s32 $0x8, s29;
	[tilespmem:s3+$0xFFFFFFE0] =	vst v5  }
0x655: {  	v5 =	vld [tilespmem:s30+$0xFFFFFFA0];
	p5 =	slt.u32 s29, $0xF8;
	[tilespmem:s3+$0xFFFFFFF0] =	vst v3  }
0x656: {  	v3 =	vld [tilespmem:s30+$0xFFFFFFB0];
	[tilespmem:s3+$0x0] =	vst v0  }
0x657: {  	v0 =	vld [tilespmem:s30+$0xFFFFFFC0];
	[tilespmem:s3+$0x10] =	vst v1  }
0x658: {  	v1 =	vld [tilespmem:s30+$0xFFFFFFD0];
	[tilespmem:s3+$0x20] =	vst v2  }
0x659: {  	v2 =	vld [tilespmem:s30+$0xFFFFFFE0];
	[tilespmem:s3+$0xFFFFFFC0] =	vst v4  }
0x65a: {  	v4 =	vld [tilespmem:s30+$0xFFFFFFF0]  }
0x65b: {  	v7 =	vld [tilespmem:s30+$0xFFFFFF90]  }
0x65c: {  	v6 =	vld.idx.msk [tilespmem:v6+s17+$0x0], $0xffff  }
0x65d: {  	v8 =	vld.idx.msk [tilespmem:v5+s17+$0x0], $0xffff  }
0x65e: {  	v5 =	vld.idx.msk [tilespmem:v3+s17+$0x0], $0xffff  }
.Ltmp31:
0x65f: {  	v3 =	vld.idx.msk [tilespmem:v0+s17+$0x0], $0xffff;
	(pc) =	sbr.rel @p5 .LBB2_64-.Ltmp31, $4  }
0x660: {  	v0 =	vld.idx.msk [tilespmem:v1+s17+$0x0], $0xffff  }
0x661: {  	s3 =	sadd.s32 $0x80, s3;
	v1 =	vld.idx.msk [tilespmem:v2+s17+$0x0], $0xffff  }
0x662: {  	v2 =	vld.idx.msk [tilespmem:v4+s17+$0x0], $0xffff;
	[tilespmem:s3+$0x30] =	vst v6  }
0x663: {  	s30 =	sadd.s32 $0x80, s30;
	v4 =	vld.idx.msk [tilespmem:v7+s17+$0x0], $0xffff;
	[tilespmem:s3+$0xFFFFFFD0] =	vst v8  }
0x664: {  	[tilespmem:s3+$0xFFFFFFE0] =	vst v5  }
0x665: {  	[tilespmem:s3+$0xFFFFFFF0] =	vst v3  }
0x666: {  	[tilespmem:s3+$0x0] =	vst v0  }
0x667: {  	[tilespmem:s3+$0x10] =	vst v1  }
0x668: {  	[tilespmem:s3+$0x20] =	vst v2  }
0x669: {  	[tilespmem:s3+$0xFFFFFFC0] =	vst v4  }
0x66a: {  	s3 =	sld [smem:$0x7EF];
	_ =	sdelay $0x2  }
0x66b: {  	[hbm4b:s3+s19] =	stream.strided.scatter [tilespmem:s24], [sflag:$0x3], $0x1000, s20, s19, $0x38;
	[tilespmem:$0x1E700] =	vst v63  }
0x66c: {  	s29 =	simm.s32 @!p0 $0x400;
	s31 =	rddreg [dreg:$0x18]  }
0x66d: {  	[tilespmem:s17], [sflag:$0x1] =	stream.strided.gather [hbm4b:s31+s19], $0x18700, s20, s19, $0x38;
	[tilespmem:$0x1E700] =	vst v63  }
0x66e: {  	s30 =	simm.s32 @!p0 $0x18700;
	s3 =	simm.s32 @!p0 $0x80;
	s31 =	rddreg [dreg:$0xc]  }
0x66f: {  	[tilespmem:s30], [sflag:$0x4] =	stream.strided.gather @!p0 [hbm4b:s31+s3], $0x4000, s29, s3, $0x38;
	[tilespmem:$0x1E700] =	vst v63  }
0x670: {  	s3 =	simm.s32 @!p0 $0x4  }
0x671: {  	_ =	swait.ge @!p0 [sflag:s3], $0x4000  }
0x672: {  	[sflag:s3] =	ssyncset.done @!p0 $0x0  }
0x673: {  	[sflag:s3] =	ssyncadd.s32 @!p0 $0xFFFFC000  }
0x674: {  	_ =	swait.ge [sflag:s22], $0x18700  }
0x675: {  	[sflag:s22] =	ssyncset.done $0x0  }
0x676: {  	[sflag:s22] =	ssyncadd.s32 $0xFFFE7900  }
0x677: {  	_ =	swait.ge [sflag:s25], $0x1000  }
0x678: {  	[sflag:s25] =	ssyncset.done $0x0  }
0x679: {  	s31 =	simm.s32 $0x18740;
	[sflag:s25] =	ssyncadd.s32 $0xFFFFF000  }
0x67a: {  	v0 =	vld [tilespmem:s31+$0x30]  }
0x67b: {  	v1 =	vld [tilespmem:s31+$0xFFFFFFD0]  }
0x67c: {  	v2 =	vld [tilespmem:s31+$0xFFFFFFE0]  }
0x67d: {  	v3 =	vld [tilespmem:s31+$0xFFFFFFF0]  }
0x67e: {  	v4 =	vld [tilespmem:s31+$0x0]  }
0x67f: {  	v6 =	vld [tilespmem:s31+$0x10]  }
0x680: {  	v7 =	vld [tilespmem:s31+$0x20]  }
0x681: {  	v8 =	vld [tilespmem:s31+$0xFFFFFFC0]  }
0x682: {  	v9 =	vld.idx.msk [tilespmem:v0+s17+$0x0], $0xffff  }
0x683: {  	v10 =	vld.idx.msk [tilespmem:v1+s17+$0x0], $0xffff  }
0x684: {  	v5 =	vld.idx.msk [tilespmem:v2+s17+$0x0], $0xffff  }
0x685: {  	v3 =	vld.idx.msk [tilespmem:v3+s17+$0x0], $0xffff  }
0x686: {  	v0 =	vld.idx.msk [tilespmem:v4+s17+$0x0], $0xffff  }
0x687: {  	s3 =	simm.s32 $0x1C740;
	v1 =	vld.idx.msk [tilespmem:v6+s17+$0x0], $0xffff  }
0x688: {  	v2 =	vld.idx.msk [tilespmem:v7+s17+$0x0], $0xffff;
	[tilespmem:s3+$0x30] =	vst v9  }
0x689: {  	s29 =	simm.s32 $0x0;
	s30 =	simm.s32 $0x187C0;
	v4 =	vld.idx.msk [tilespmem:v8+s17+$0x0], $0xffff;
	[tilespmem:s3+$0xFFFFFFD0] =	vst v10  }
.LBB2_66:
0x68a: {  	v6 =	vld [tilespmem:s30+$0x30];
	s29 =	sadd.s32 $0x8, s29;
	[tilespmem:s3+$0xFFFFFFE0] =	vst v5  }
0x68b: {  	v5 =	vld [tilespmem:s30+$0xFFFFFFD0];
	p5 =	slt.u32 s29, $0xF8;
	[tilespmem:s3+$0xFFFFFFF0] =	vst v3  }
0x68c: {  	v3 =	vld [tilespmem:s30+$0xFFFFFFE0];
	[tilespmem:s3+$0x0] =	vst v0  }
0x68d: {  	v0 =	vld [tilespmem:s30+$0xFFFFFFF0];
	[tilespmem:s3+$0x10] =	vst v1  }
0x68e: {  	v1 =	vld [tilespmem:s30+$0x0];
	[tilespmem:s3+$0x20] =	vst v2  }
0x68f: {  	v2 =	vld [tilespmem:s30+$0x10];
	[tilespmem:s3+$0xFFFFFFC0] =	vst v4  }
0x690: {  	v4 =	vld [tilespmem:s30+$0x20]  }
0x691: {  	v7 =	vld [tilespmem:s30+$0xFFFFFFC0]  }
0x692: {  	v6 =	vld.idx.msk [tilespmem:v6+s17+$0x0], $0xffff  }
0x693: {  	v8 =	vld.idx.msk [tilespmem:v5+s17+$0x0], $0xffff  }
0x694: {  	v5 =	vld.idx.msk [tilespmem:v3+s17+$0x0], $0xffff  }
.Ltmp32:
0x695: {  	v3 =	vld.idx.msk [tilespmem:v0+s17+$0x0], $0xffff;
	(pc) =	sbr.rel @p5 .LBB2_66-.Ltmp32, $4  }
0x696: {  	v0 =	vld.idx.msk [tilespmem:v1+s17+$0x0], $0xffff  }
0x697: {  	s3 =	sadd.s32 $0x80, s3;
	v1 =	vld.idx.msk [tilespmem:v2+s17+$0x0], $0xffff  }
0x698: {  	v2 =	vld.idx.msk [tilespmem:v4+s17+$0x0], $0xffff;
	[tilespmem:s3+$0x30] =	vst v6  }
0x699: {  	s30 =	sadd.s32 $0x80, s30;
	v4 =	vld.idx.msk [tilespmem:v7+s17+$0x0], $0xffff;
	[tilespmem:s3+$0xFFFFFFD0] =	vst v8  }
0x69a: {  	[tilespmem:s3+$0xFFFFFFE0] =	vst v5  }
0x69b: {  	[tilespmem:s3+$0xFFFFFFF0] =	vst v3  }
0x69c: {  	[tilespmem:s3+$0x0] =	vst v0  }
0x69d: {  	[tilespmem:s3+$0x10] =	vst v1  }
0x69e: {  	[tilespmem:s3+$0x20] =	vst v2  }
0x69f: {  	[tilespmem:s3+$0xFFFFFFC0] =	vst v4  }
0x6a0: {  	s3 =	sld [smem:$0x7F0];
	_ =	sdelay $0x2  }
0x6a1: {  	[hbm4b:s3+s19] =	stream.strided.scatter [tilespmem:s23], [sflag:$0x2], $0x1000, s20, s19, $0x38;
	[tilespmem:$0x1E700] =	vst v63  }
0x6a2: {  	_ =	swait.ge [sflag:s26], $0x1000  }
0x6a3: {  	[sflag:s26] =	ssyncset.done $0x0  }
0x6a4: {  	s31 =	simm.s32 $0x19770;
	[sflag:s26] =	ssyncadd.s32 $0xFFFFF000  }
0x6a5: {  	v0 =	vld [tilespmem:s31+$0x0]  }
0x6a6: {  	v1 =	vld [tilespmem:s31+$0xFFFFFFA0]  }
0x6a7: {  	v2 =	vld [tilespmem:s31+$0xFFFFFFB0]  }
0x6a8: {  	v3 =	vld [tilespmem:s31+$0xFFFFFFC0]  }
0x6a9: {  	v4 =	vld [tilespmem:s31+$0xFFFFFFD0]  }
0x6aa: {  	v6 =	vld [tilespmem:s31+$0xFFFFFFE0]  }
0x6ab: {  	v7 =	vld [tilespmem:s31+$0xFFFFFFF0]  }
0x6ac: {  	v8 =	vld [tilespmem:s31+$0xFFFFFF90]  }
0x6ad: {  	v9 =	vld.idx.msk [tilespmem:v0+s17+$0x0], $0xffff  }
0x6ae: {  	v10 =	vld.idx.msk [tilespmem:v1+s17+$0x0], $0xffff  }
0x6af: {  	v5 =	vld.idx.msk [tilespmem:v2+s17+$0x0], $0xffff  }
0x6b0: {  	v3 =	vld.idx.msk [tilespmem:v3+s17+$0x0], $0xffff  }
0x6b1: {  	v0 =	vld.idx.msk [tilespmem:v4+s17+$0x0], $0xffff  }
0x6b2: {  	s3 =	simm.s32 $0x1D740;
	v1 =	vld.idx.msk [tilespmem:v6+s17+$0x0], $0xffff  }
0x6b3: {  	v2 =	vld.idx.msk [tilespmem:v7+s17+$0x0], $0xffff;
	[tilespmem:s3+$0x30] =	vst v9  }
0x6b4: {  	s29 =	simm.s32 $0x0;
	s30 =	simm.s32 $0x197F0;
	v4 =	vld.idx.msk [tilespmem:v8+s17+$0x0], $0xffff;
	[tilespmem:s3+$0xFFFFFFD0] =	vst v10  }
.LBB2_68:
0x6b5: {  	v6 =	vld [tilespmem:s30+$0x0];
	s29 =	sadd.s32 $0x8, s29;
	[tilespmem:s3+$0xFFFFFFE0] =	vst v5  }
0x6b6: {  	v5 =	vld [tilespmem:s30+$0xFFFFFFA0];
	p5 =	slt.u32 s29, $0xF8;
	[tilespmem:s3+$0xFFFFFFF0] =	vst v3  }
0x6b7: {  	v3 =	vld [tilespmem:s30+$0xFFFFFFB0];
	[tilespmem:s3+$0x0] =	vst v0  }
0x6b8: {  	v0 =	vld [tilespmem:s30+$0xFFFFFFC0];
	[tilespmem:s3+$0x10] =	vst v1  }
0x6b9: {  	v1 =	vld [tilespmem:s30+$0xFFFFFFD0];
	[tilespmem:s3+$0x20] =	vst v2  }
0x6ba: {  	v2 =	vld [tilespmem:s30+$0xFFFFFFE0];
	[tilespmem:s3+$0xFFFFFFC0] =	vst v4  }
0x6bb: {  	v4 =	vld [tilespmem:s30+$0xFFFFFFF0]  }
0x6bc: {  	v7 =	vld [tilespmem:s30+$0xFFFFFF90]  }
0x6bd: {  	v6 =	vld.idx.msk [tilespmem:v6+s17+$0x0], $0xffff  }
0x6be: {  	v8 =	vld.idx.msk [tilespmem:v5+s17+$0x0], $0xffff  }
0x6bf: {  	v5 =	vld.idx.msk [tilespmem:v3+s17+$0x0], $0xffff  }
.Ltmp33:
0x6c0: {  	v3 =	vld.idx.msk [tilespmem:v0+s17+$0x0], $0xffff;
	(pc) =	sbr.rel @p5 .LBB2_68-.Ltmp33, $4  }
0x6c1: {  	v0 =	vld.idx.msk [tilespmem:v1+s17+$0x0], $0xffff  }
0x6c2: {  	s3 =	sadd.s32 $0x80, s3;
	v1 =	vld.idx.msk [tilespmem:v2+s17+$0x0], $0xffff  }
0x6c3: {  	v2 =	vld.idx.msk [tilespmem:v4+s17+$0x0], $0xffff;
	[tilespmem:s3+$0x30] =	vst v6  }
0x6c4: {  	s30 =	sadd.s32 $0x80, s30;
	v4 =	vld.idx.msk [tilespmem:v7+s17+$0x0], $0xffff;
	[tilespmem:s3+$0xFFFFFFD0] =	vst v8  }
0x6c5: {  	[tilespmem:s3+$0xFFFFFFE0] =	vst v5  }
0x6c6: {  	[tilespmem:s3+$0xFFFFFFF0] =	vst v3  }
0x6c7: {  	[tilespmem:s3+$0x0] =	vst v0  }
0x6c8: {  	[tilespmem:s3+$0x10] =	vst v1  }
0x6c9: {  	[tilespmem:s3+$0x20] =	vst v2  }
0x6ca: {  	[tilespmem:s3+$0xFFFFFFC0] =	vst v4  }
0x6cb: {  	s3 =	sld [smem:$0x7F1];
	_ =	sdelay $0x2  }
0x6cc: {  	[hbm4b:s3+s19] =	stream.strided.scatter [tilespmem:s24], [sflag:$0x3], $0x1000, s20, s19, $0x38;
	[tilespmem:$0x1E700] =	vst v63  }
0x6cd: {  	_ =	swait.ge [sflag:s25], $0x1000  }
0x6ce: {  	[sflag:s25] =	ssyncset.done $0x0  }
0x6cf: {  	s31 =	simm.s32 $0x1A770;
	[sflag:s25] =	ssyncadd.s32 $0xFFFFF000  }
0x6d0: {  	v0 =	vld [tilespmem:s31+$0x0]  }
0x6d1: {  	v1 =	vld [tilespmem:s31+$0xFFFFFFA0]  }
0x6d2: {  	v2 =	vld [tilespmem:s31+$0xFFFFFFB0]  }
0x6d3: {  	v3 =	vld [tilespmem:s31+$0xFFFFFFC0]  }
0x6d4: {  	v4 =	vld [tilespmem:s31+$0xFFFFFFD0]  }
0x6d5: {  	v6 =	vld [tilespmem:s31+$0xFFFFFFE0]  }
0x6d6: {  	v7 =	vld [tilespmem:s31+$0xFFFFFFF0]  }
0x6d7: {  	v8 =	vld [tilespmem:s31+$0xFFFFFF90]  }
0x6d8: {  	v9 =	vld.idx.msk [tilespmem:v0+s17+$0x0], $0xffff  }
0x6d9: {  	v10 =	vld.idx.msk [tilespmem:v1+s17+$0x0], $0xffff  }
0x6da: {  	v5 =	vld.idx.msk [tilespmem:v2+s17+$0x0], $0xffff  }
0x6db: {  	v3 =	vld.idx.msk [tilespmem:v3+s17+$0x0], $0xffff  }
0x6dc: {  	v0 =	vld.idx.msk [tilespmem:v4+s17+$0x0], $0xffff  }
0x6dd: {  	s3 =	simm.s32 $0x1C740;
	v1 =	vld.idx.msk [tilespmem:v6+s17+$0x0], $0xffff  }
0x6de: {  	v2 =	vld.idx.msk [tilespmem:v7+s17+$0x0], $0xffff;
	[tilespmem:s3+$0x30] =	vst v9  }
0x6df: {  	s29 =	simm.s32 $0x0;
	s30 =	simm.s32 $0x1A7F0;
	v4 =	vld.idx.msk [tilespmem:v8+s17+$0x0], $0xffff;
	[tilespmem:s3+$0xFFFFFFD0] =	vst v10  }
.LBB2_70:
0x6e0: {  	v6 =	vld [tilespmem:s30+$0x0];
	s29 =	sadd.s32 $0x8, s29;
	[tilespmem:s3+$0xFFFFFFE0] =	vst v5  }
0x6e1: {  	v5 =	vld [tilespmem:s30+$0xFFFFFFA0];
	p5 =	slt.u32 s29, $0xF8;
	[tilespmem:s3+$0xFFFFFFF0] =	vst v3  }
0x6e2: {  	v3 =	vld [tilespmem:s30+$0xFFFFFFB0];
	[tilespmem:s3+$0x0] =	vst v0  }
0x6e3: {  	v0 =	vld [tilespmem:s30+$0xFFFFFFC0];
	[tilespmem:s3+$0x10] =	vst v1  }
0x6e4: {  	v1 =	vld [tilespmem:s30+$0xFFFFFFD0];
	[tilespmem:s3+$0x20] =	vst v2  }
0x6e5: {  	v2 =	vld [tilespmem:s30+$0xFFFFFFE0];
	[tilespmem:s3+$0xFFFFFFC0] =	vst v4  }
0x6e6: {  	v4 =	vld [tilespmem:s30+$0xFFFFFFF0]  }
0x6e7: {  	v7 =	vld [tilespmem:s30+$0xFFFFFF90]  }
0x6e8: {  	v6 =	vld.idx.msk [tilespmem:v6+s17+$0x0], $0xffff  }
0x6e9: {  	v8 =	vld.idx.msk [tilespmem:v5+s17+$0x0], $0xffff  }
0x6ea: {  	v5 =	vld.idx.msk [tilespmem:v3+s17+$0x0], $0xffff  }
.Ltmp34:
0x6eb: {  	v3 =	vld.idx.msk [tilespmem:v0+s17+$0x0], $0xffff;
	(pc) =	sbr.rel @p5 .LBB2_70-.Ltmp34, $4  }
0x6ec: {  	v0 =	vld.idx.msk [tilespmem:v1+s17+$0x0], $0xffff  }
0x6ed: {  	s3 =	sadd.s32 $0x80, s3;
	v1 =	vld.idx.msk [tilespmem:v2+s17+$0x0], $0xffff  }
0x6ee: {  	v2 =	vld.idx.msk [tilespmem:v4+s17+$0x0], $0xffff;
	[tilespmem:s3+$0x30] =	vst v6  }
0x6ef: {  	s30 =	sadd.s32 $0x80, s30;
	v4 =	vld.idx.msk [tilespmem:v7+s17+$0x0], $0xffff;
	[tilespmem:s3+$0xFFFFFFD0] =	vst v8  }
0x6f0: {  	[tilespmem:s3+$0xFFFFFFE0] =	vst v5  }
0x6f1: {  	[tilespmem:s3+$0xFFFFFFF0] =	vst v3  }
0x6f2: {  	[tilespmem:s3+$0x0] =	vst v0  }
0x6f3: {  	[tilespmem:s3+$0x10] =	vst v1  }
0x6f4: {  	[tilespmem:s3+$0x20] =	vst v2  }
0x6f5: {  	[tilespmem:s3+$0xFFFFFFC0] =	vst v4  }
0x6f6: {  	s3 =	sld [smem:$0x7F2];
	_ =	sdelay $0x2  }
0x6f7: {  	[hbm4b:s3+s19] =	stream.strided.scatter [tilespmem:s23], [sflag:$0x2], $0x1000, s20, s19, $0x38;
	[tilespmem:$0x1E700] =	vst v63  }
0x6f8: {  	_ =	swait.ge [sflag:s26], $0x1000  }
0x6f9: {  	[sflag:s26] =	ssyncset.done $0x0  }
0x6fa: {  	s31 =	simm.s32 $0x1B770;
	[sflag:s26] =	ssyncadd.s32 $0xFFFFF000  }
0x6fb: {  	v0 =	vld [tilespmem:s31+$0x0]  }
0x6fc: {  	v1 =	vld [tilespmem:s31+$0xFFFFFFA0]  }
0x6fd: {  	v2 =	vld [tilespmem:s31+$0xFFFFFFB0]  }
0x6fe: {  	v3 =	vld [tilespmem:s31+$0xFFFFFFC0]  }
0x6ff: {  	v4 =	vld [tilespmem:s31+$0xFFFFFFD0]  }
0x700: {  	v6 =	vld [tilespmem:s31+$0xFFFFFFE0]  }
0x701: {  	v7 =	vld [tilespmem:s31+$0xFFFFFFF0]  }
0x702: {  	v8 =	vld [tilespmem:s31+$0xFFFFFF90]  }
0x703: {  	v9 =	vld.idx.msk [tilespmem:v0+s17+$0x0], $0xffff  }
0x704: {  	v10 =	vld.idx.msk [tilespmem:v1+s17+$0x0], $0xffff  }
0x705: {  	v5 =	vld.idx.msk [tilespmem:v2+s17+$0x0], $0xffff  }
0x706: {  	v3 =	vld.idx.msk [tilespmem:v3+s17+$0x0], $0xffff  }
0x707: {  	v0 =	vld.idx.msk [tilespmem:v4+s17+$0x0], $0xffff  }
0x708: {  	s3 =	simm.s32 $0x1D740;
	v1 =	vld.idx.msk [tilespmem:v6+s17+$0x0], $0xffff  }
0x709: {  	v2 =	vld.idx.msk [tilespmem:v7+s17+$0x0], $0xffff;
	[tilespmem:s3+$0x30] =	vst v9  }
0x70a: {  	s29 =	simm.s32 $0x0;
	s30 =	simm.s32 $0x1B7F0;
	v4 =	vld.idx.msk [tilespmem:v8+s17+$0x0], $0xffff;
	[tilespmem:s3+$0xFFFFFFD0] =	vst v10  }
.LBB2_72:
0x70b: {  	v6 =	vld [tilespmem:s30+$0x0];
	s29 =	sadd.s32 $0x8, s29;
	[tilespmem:s3+$0xFFFFFFE0] =	vst v5  }
0x70c: {  	v5 =	vld [tilespmem:s30+$0xFFFFFFA0];
	p5 =	slt.u32 s29, $0xF8;
	[tilespmem:s3+$0xFFFFFFF0] =	vst v3  }
0x70d: {  	v3 =	vld [tilespmem:s30+$0xFFFFFFB0];
	[tilespmem:s3+$0x0] =	vst v0  }
0x70e: {  	v0 =	vld [tilespmem:s30+$0xFFFFFFC0];
	[tilespmem:s3+$0x10] =	vst v1  }
0x70f: {  	v1 =	vld [tilespmem:s30+$0xFFFFFFD0];
	[tilespmem:s3+$0x20] =	vst v2  }
0x710: {  	v2 =	vld [tilespmem:s30+$0xFFFFFFE0];
	[tilespmem:s3+$0xFFFFFFC0] =	vst v4  }
0x711: {  	v4 =	vld [tilespmem:s30+$0xFFFFFFF0]  }
0x712: {  	v7 =	vld [tilespmem:s30+$0xFFFFFF90]  }
0x713: {  	v6 =	vld.idx.msk [tilespmem:v6+s17+$0x0], $0xffff  }
0x714: {  	v8 =	vld.idx.msk [tilespmem:v5+s17+$0x0], $0xffff  }
0x715: {  	v5 =	vld.idx.msk [tilespmem:v3+s17+$0x0], $0xffff  }
.Ltmp35:
0x716: {  	v3 =	vld.idx.msk [tilespmem:v0+s17+$0x0], $0xffff;
	(pc) =	sbr.rel @p5 .LBB2_72-.Ltmp35, $4  }
0x717: {  	v0 =	vld.idx.msk [tilespmem:v1+s17+$0x0], $0xffff  }
0x718: {  	s3 =	sadd.s32 $0x80, s3;
	v1 =	vld.idx.msk [tilespmem:v2+s17+$0x0], $0xffff  }
0x719: {  	v2 =	vld.idx.msk [tilespmem:v4+s17+$0x0], $0xffff;
	[tilespmem:s3+$0x30] =	vst v6  }
0x71a: {  	s30 =	sadd.s32 $0x80, s30;
	v4 =	vld.idx.msk [tilespmem:v7+s17+$0x0], $0xffff;
	[tilespmem:s3+$0xFFFFFFD0] =	vst v8  }
0x71b: {  	[tilespmem:s3+$0xFFFFFFE0] =	vst v5  }
0x71c: {  	[tilespmem:s3+$0xFFFFFFF0] =	vst v3  }
0x71d: {  	[tilespmem:s3+$0x0] =	vst v0  }
0x71e: {  	[tilespmem:s3+$0x10] =	vst v1  }
0x71f: {  	[tilespmem:s3+$0x20] =	vst v2  }
0x720: {  	[tilespmem:s3+$0xFFFFFFC0] =	vst v4  }
0x721: {  	s3 =	sld [smem:$0x7F3];
	_ =	sdelay $0x2  }
0x722: {  	[hbm4b:s3+s19] =	stream.strided.scatter [tilespmem:s24], [sflag:$0x3], $0x1000, s20, s19, $0x38;
	[tilespmem:$0x1E700] =	vst v63  }
0x723: {  	s29 =	simm.s32 @!p1 $0x400;
	s31 =	rddreg [dreg:$0x19]  }
0x724: {  	[tilespmem:s17], [sflag:$0x1] =	stream.strided.gather [hbm4b:s31+s19], $0x18700, s20, s19, $0x38;
	[tilespmem:$0x1E700] =	vst v63  }
0x725: {  	s30 =	simm.s32 @!p1 $0x18700;
	s3 =	simm.s32 @!p1 $0x80;
	s31 =	rddreg [dreg:$0xd]  }
0x726: {  	[tilespmem:s30], [sflag:$0x4] =	stream.strided.gather @!p1 [hbm4b:s31+s3], $0x4000, s29, s3, $0x38;
	[tilespmem:$0x1E700] =	vst v63  }
0x727: {  	s3 =	simm.s32 @!p1 $0x4  }
0x728: {  	_ =	swait.ge @!p1 [sflag:s3], $0x4000  }
0x729: {  	[sflag:s3] =	ssyncset.done @!p1 $0x0  }
0x72a: {  	[sflag:s3] =	ssyncadd.s32 @!p1 $0xFFFFC000  }
0x72b: {  	_ =	swait.ge [sflag:s22], $0x18700  }
0x72c: {  	[sflag:s22] =	ssyncset.done $0x0  }
0x72d: {  	[sflag:s22] =	ssyncadd.s32 $0xFFFE7900  }
0x72e: {  	_ =	swait.ge [sflag:s25], $0x1000  }
0x72f: {  	[sflag:s25] =	ssyncset.done $0x0  }
0x730: {  	s31 =	simm.s32 $0x18740;
	[sflag:s25] =	ssyncadd.s32 $0xFFFFF000  }
0x731: {  	v0 =	vld [tilespmem:s31+$0x30]  }
0x732: {  	v1 =	vld [tilespmem:s31+$0xFFFFFFD0]  }
0x733: {  	v2 =	vld [tilespmem:s31+$0xFFFFFFE0]  }
0x734: {  	v3 =	vld [tilespmem:s31+$0xFFFFFFF0]  }
0x735: {  	v4 =	vld [tilespmem:s31+$0x0]  }
0x736: {  	v6 =	vld [tilespmem:s31+$0x10]  }
0x737: {  	v7 =	vld [tilespmem:s31+$0x20]  }
0x738: {  	v8 =	vld [tilespmem:s31+$0xFFFFFFC0]  }
0x739: {  	v9 =	vld.idx.msk [tilespmem:v0+s17+$0x0], $0xffff  }
0x73a: {  	v10 =	vld.idx.msk [tilespmem:v1+s17+$0x0], $0xffff  }
0x73b: {  	v5 =	vld.idx.msk [tilespmem:v2+s17+$0x0], $0xffff  }
0x73c: {  	v3 =	vld.idx.msk [tilespmem:v3+s17+$0x0], $0xffff  }
0x73d: {  	v0 =	vld.idx.msk [tilespmem:v4+s17+$0x0], $0xffff  }
0x73e: {  	s3 =	simm.s32 $0x1C740;
	v1 =	vld.idx.msk [tilespmem:v6+s17+$0x0], $0xffff  }
0x73f: {  	v2 =	vld.idx.msk [tilespmem:v7+s17+$0x0], $0xffff;
	[tilespmem:s3+$0x30] =	vst v9  }
0x740: {  	s29 =	simm.s32 $0x0;
	s30 =	simm.s32 $0x187C0;
	v4 =	vld.idx.msk [tilespmem:v8+s17+$0x0], $0xffff;
	[tilespmem:s3+$0xFFFFFFD0] =	vst v10  }
.LBB2_74:
0x741: {  	v6 =	vld [tilespmem:s30+$0x30];
	s29 =	sadd.s32 $0x8, s29;
	[tilespmem:s3+$0xFFFFFFE0] =	vst v5  }
0x742: {  	v5 =	vld [tilespmem:s30+$0xFFFFFFD0];
	p5 =	slt.u32 s29, $0xF8;
	[tilespmem:s3+$0xFFFFFFF0] =	vst v3  }
0x743: {  	v3 =	vld [tilespmem:s30+$0xFFFFFFE0];
	[tilespmem:s3+$0x0] =	vst v0  }
0x744: {  	v0 =	vld [tilespmem:s30+$0xFFFFFFF0];
	[tilespmem:s3+$0x10] =	vst v1  }
0x745: {  	v1 =	vld [tilespmem:s30+$0x0];
	[tilespmem:s3+$0x20] =	vst v2  }
0x746: {  	v2 =	vld [tilespmem:s30+$0x10];
	[tilespmem:s3+$0xFFFFFFC0] =	vst v4  }
0x747: {  	v4 =	vld [tilespmem:s30+$0x20]  }
0x748: {  	v7 =	vld [tilespmem:s30+$0xFFFFFFC0]  }
0x749: {  	v6 =	vld.idx.msk [tilespmem:v6+s17+$0x0], $0xffff  }
0x74a: {  	v8 =	vld.idx.msk [tilespmem:v5+s17+$0x0], $0xffff  }
0x74b: {  	v5 =	vld.idx.msk [tilespmem:v3+s17+$0x0], $0xffff  }
.Ltmp36:
0x74c: {  	v3 =	vld.idx.msk [tilespmem:v0+s17+$0x0], $0xffff;
	(pc) =	sbr.rel @p5 .LBB2_74-.Ltmp36, $4  }
0x74d: {  	v0 =	vld.idx.msk [tilespmem:v1+s17+$0x0], $0xffff  }
0x74e: {  	s3 =	sadd.s32 $0x80, s3;
	v1 =	vld.idx.msk [tilespmem:v2+s17+$0x0], $0xffff  }
0x74f: {  	v2 =	vld.idx.msk [tilespmem:v4+s17+$0x0], $0xffff;
	[tilespmem:s3+$0x30] =	vst v6  }
0x750: {  	s30 =	sadd.s32 $0x80, s30;
	v4 =	vld.idx.msk [tilespmem:v7+s17+$0x0], $0xffff;
	[tilespmem:s3+$0xFFFFFFD0] =	vst v8  }
0x751: {  	[tilespmem:s3+$0xFFFFFFE0] =	vst v5  }
0x752: {  	[tilespmem:s3+$0xFFFFFFF0] =	vst v3  }
0x753: {  	[tilespmem:s3+$0x0] =	vst v0  }
0x754: {  	[tilespmem:s3+$0x10] =	vst v1  }
0x755: {  	[tilespmem:s3+$0x20] =	vst v2  }
0x756: {  	[tilespmem:s3+$0xFFFFFFC0] =	vst v4  }
0x757: {  	[hbm4b:s1+s19] =	stream.strided.scatter [tilespmem:s23], [sflag:$0x2], $0x1000, s20, s19, $0x38;
	[tilespmem:$0x1E700] =	vst v63  }
0x758: {  	_ =	swait.ge [sflag:s26], $0x1000  }
0x759: {  	[sflag:s26] =	ssyncset.done $0x0  }
0x75a: {  	s31 =	simm.s32 $0x19770;
	[sflag:s26] =	ssyncadd.s32 $0xFFFFF000  }
0x75b: {  	v0 =	vld [tilespmem:s31+$0x0]  }
0x75c: {  	v1 =	vld [tilespmem:s31+$0xFFFFFFA0]  }
0x75d: {  	v2 =	vld [tilespmem:s31+$0xFFFFFFB0]  }
0x75e: {  	v3 =	vld [tilespmem:s31+$0xFFFFFFC0]  }
0x75f: {  	v4 =	vld [tilespmem:s31+$0xFFFFFFD0]  }
0x760: {  	v6 =	vld [tilespmem:s31+$0xFFFFFFE0]  }
0x761: {  	v7 =	vld [tilespmem:s31+$0xFFFFFFF0]  }
0x762: {  	v8 =	vld [tilespmem:s31+$0xFFFFFF90]  }
0x763: {  	v9 =	vld.idx.msk [tilespmem:v0+s17+$0x0], $0xffff  }
0x764: {  	v10 =	vld.idx.msk [tilespmem:v1+s17+$0x0], $0xffff  }
0x765: {  	v5 =	vld.idx.msk [tilespmem:v2+s17+$0x0], $0xffff  }
0x766: {  	v3 =	vld.idx.msk [tilespmem:v3+s17+$0x0], $0xffff  }
0x767: {  	v0 =	vld.idx.msk [tilespmem:v4+s17+$0x0], $0xffff  }
0x768: {  	s3 =	simm.s32 $0x1D740;
	v1 =	vld.idx.msk [tilespmem:v6+s17+$0x0], $0xffff  }
0x769: {  	v2 =	vld.idx.msk [tilespmem:v7+s17+$0x0], $0xffff;
	[tilespmem:s3+$0x30] =	vst v9  }
0x76a: {  	s29 =	simm.s32 $0x0;
	s30 =	simm.s32 $0x197F0;
	v4 =	vld.idx.msk [tilespmem:v8+s17+$0x0], $0xffff;
	[tilespmem:s3+$0xFFFFFFD0] =	vst v10  }
.LBB2_76:
0x76b: {  	v6 =	vld [tilespmem:s30+$0x0];
	s29 =	sadd.s32 $0x8, s29;
	[tilespmem:s3+$0xFFFFFFE0] =	vst v5  }
0x76c: {  	v5 =	vld [tilespmem:s30+$0xFFFFFFA0];
	p5 =	slt.u32 s29, $0xF8;
	[tilespmem:s3+$0xFFFFFFF0] =	vst v3  }
0x76d: {  	v3 =	vld [tilespmem:s30+$0xFFFFFFB0];
	[tilespmem:s3+$0x0] =	vst v0  }
0x76e: {  	v0 =	vld [tilespmem:s30+$0xFFFFFFC0];
	[tilespmem:s3+$0x10] =	vst v1  }
0x76f: {  	v1 =	vld [tilespmem:s30+$0xFFFFFFD0];
	[tilespmem:s3+$0x20] =	vst v2  }
0x770: {  	v2 =	vld [tilespmem:s30+$0xFFFFFFE0];
	[tilespmem:s3+$0xFFFFFFC0] =	vst v4  }
0x771: {  	v4 =	vld [tilespmem:s30+$0xFFFFFFF0]  }
0x772: {  	v7 =	vld [tilespmem:s30+$0xFFFFFF90]  }
0x773: {  	v6 =	vld.idx.msk [tilespmem:v6+s17+$0x0], $0xffff  }
0x774: {  	v8 =	vld.idx.msk [tilespmem:v5+s17+$0x0], $0xffff  }
0x775: {  	v5 =	vld.idx.msk [tilespmem:v3+s17+$0x0], $0xffff  }
.Ltmp37:
0x776: {  	v3 =	vld.idx.msk [tilespmem:v0+s17+$0x0], $0xffff;
	(pc) =	sbr.rel @p5 .LBB2_76-.Ltmp37, $4  }
0x777: {  	v0 =	vld.idx.msk [tilespmem:v1+s17+$0x0], $0xffff  }
0x778: {  	s3 =	sadd.s32 $0x80, s3;
	v1 =	vld.idx.msk [tilespmem:v2+s17+$0x0], $0xffff  }
0x779: {  	v2 =	vld.idx.msk [tilespmem:v4+s17+$0x0], $0xffff;
	[tilespmem:s3+$0x30] =	vst v6  }
0x77a: {  	s30 =	sadd.s32 $0x80, s30;
	v4 =	vld.idx.msk [tilespmem:v7+s17+$0x0], $0xffff;
	[tilespmem:s3+$0xFFFFFFD0] =	vst v8  }
0x77b: {  	[tilespmem:s3+$0xFFFFFFE0] =	vst v5  }
0x77c: {  	[tilespmem:s3+$0xFFFFFFF0] =	vst v3  }
0x77d: {  	[tilespmem:s3+$0x0] =	vst v0  }
0x77e: {  	[tilespmem:s3+$0x10] =	vst v1  }
0x77f: {  	[tilespmem:s3+$0x20] =	vst v2  }
0x780: {  	[tilespmem:s3+$0xFFFFFFC0] =	vst v4  }
0x781: {  	[hbm4b:s2+s19] =	stream.strided.scatter [tilespmem:s24], [sflag:$0x3], $0x1000, s20, s19, $0x38;
	[tilespmem:$0x1E700] =	vst v63  }
0x782: {  	_ =	swait.ge [sflag:s25], $0x1000  }
0x783: {  	[sflag:s25] =	ssyncset.done $0x0  }
0x784: {  	s31 =	simm.s32 $0x1A770;
	[sflag:s25] =	ssyncadd.s32 $0xFFFFF000  }
0x785: {  	v0 =	vld [tilespmem:s31+$0x0]  }
0x786: {  	v1 =	vld [tilespmem:s31+$0xFFFFFFA0]  }
0x787: {  	v2 =	vld [tilespmem:s31+$0xFFFFFFB0]  }
0x788: {  	v3 =	vld [tilespmem:s31+$0xFFFFFFC0]  }
0x789: {  	v4 =	vld [tilespmem:s31+$0xFFFFFFD0]  }
0x78a: {  	v6 =	vld [tilespmem:s31+$0xFFFFFFE0]  }
0x78b: {  	v7 =	vld [tilespmem:s31+$0xFFFFFFF0]  }
0x78c: {  	v8 =	vld [tilespmem:s31+$0xFFFFFF90]  }
0x78d: {  	v9 =	vld.idx.msk [tilespmem:v0+s17+$0x0], $0xffff  }
0x78e: {  	v10 =	vld.idx.msk [tilespmem:v1+s17+$0x0], $0xffff  }
0x78f: {  	v5 =	vld.idx.msk [tilespmem:v2+s17+$0x0], $0xffff  }
0x790: {  	v3 =	vld.idx.msk [tilespmem:v3+s17+$0x0], $0xffff  }
0x791: {  	v0 =	vld.idx.msk [tilespmem:v4+s17+$0x0], $0xffff  }
0x792: {  	s3 =	simm.s32 $0x1C740;
	v1 =	vld.idx.msk [tilespmem:v6+s17+$0x0], $0xffff  }
0x793: {  	v2 =	vld.idx.msk [tilespmem:v7+s17+$0x0], $0xffff;
	[tilespmem:s3+$0x30] =	vst v9  }
0x794: {  	s29 =	simm.s32 $0x0;
	s30 =	simm.s32 $0x1A7F0;
	v4 =	vld.idx.msk [tilespmem:v8+s17+$0x0], $0xffff;
	[tilespmem:s3+$0xFFFFFFD0] =	vst v10  }
.LBB2_78:
0x795: {  	v6 =	vld [tilespmem:s30+$0x0];
	s29 =	sadd.s32 $0x8, s29;
	[tilespmem:s3+$0xFFFFFFE0] =	vst v5  }
0x796: {  	v5 =	vld [tilespmem:s30+$0xFFFFFFA0];
	p5 =	slt.u32 s29, $0xF8;
	[tilespmem:s3+$0xFFFFFFF0] =	vst v3  }
0x797: {  	v3 =	vld [tilespmem:s30+$0xFFFFFFB0];
	[tilespmem:s3+$0x0] =	vst v0  }
0x798: {  	v0 =	vld [tilespmem:s30+$0xFFFFFFC0];
	[tilespmem:s3+$0x10] =	vst v1  }
0x799: {  	v1 =	vld [tilespmem:s30+$0xFFFFFFD0];
	[tilespmem:s3+$0x20] =	vst v2  }
0x79a: {  	v2 =	vld [tilespmem:s30+$0xFFFFFFE0];
	[tilespmem:s3+$0xFFFFFFC0] =	vst v4  }
0x79b: {  	v4 =	vld [tilespmem:s30+$0xFFFFFFF0]  }
0x79c: {  	v7 =	vld [tilespmem:s30+$0xFFFFFF90]  }
0x79d: {  	v6 =	vld.idx.msk [tilespmem:v6+s17+$0x0], $0xffff  }
0x79e: {  	v8 =	vld.idx.msk [tilespmem:v5+s17+$0x0], $0xffff  }
0x79f: {  	v5 =	vld.idx.msk [tilespmem:v3+s17+$0x0], $0xffff  }
.Ltmp38:
0x7a0: {  	v3 =	vld.idx.msk [tilespmem:v0+s17+$0x0], $0xffff;
	(pc) =	sbr.rel @p5 .LBB2_78-.Ltmp38, $4  }
0x7a1: {  	v0 =	vld.idx.msk [tilespmem:v1+s17+$0x0], $0xffff  }
0x7a2: {  	s3 =	sadd.s32 $0x80, s3;
	v1 =	vld.idx.msk [tilespmem:v2+s17+$0x0], $0xffff  }
0x7a3: {  	v2 =	vld.idx.msk [tilespmem:v4+s17+$0x0], $0xffff;
	[tilespmem:s3+$0x30] =	vst v6  }
0x7a4: {  	s30 =	sadd.s32 $0x80, s30;
	v4 =	vld.idx.msk [tilespmem:v7+s17+$0x0], $0xffff;
	[tilespmem:s3+$0xFFFFFFD0] =	vst v8  }
0x7a5: {  	[tilespmem:s3+$0xFFFFFFE0] =	vst v5  }
0x7a6: {  	[tilespmem:s3+$0xFFFFFFF0] =	vst v3  }
0x7a7: {  	[tilespmem:s3+$0x0] =	vst v0  }
0x7a8: {  	[tilespmem:s3+$0x10] =	vst v1  }
0x7a9: {  	[tilespmem:s3+$0x20] =	vst v2  }
0x7aa: {  	[tilespmem:s3+$0xFFFFFFC0] =	vst v4  }
0x7ab: {  	[hbm4b:s0+s19] =	stream.strided.scatter [tilespmem:s23], [sflag:$0x2], $0x1000, s20, s19, $0x38;
	[tilespmem:$0x1E700] =	vst v63  }
0x7ac: {  	_ =	swait.ge [sflag:s26], $0x1000  }
0x7ad: {  	[sflag:s26] =	ssyncset.done $0x0  }
0x7ae: {  	s31 =	simm.s32 $0x1B770;
	[sflag:s26] =	ssyncadd.s32 $0xFFFFF000  }
0x7af: {  	v0 =	vld [tilespmem:s31+$0x0]  }
0x7b0: {  	v1 =	vld [tilespmem:s31+$0xFFFFFFA0]  }
0x7b1: {  	v2 =	vld [tilespmem:s31+$0xFFFFFFB0]  }
0x7b2: {  	v3 =	vld [tilespmem:s31+$0xFFFFFFC0]  }
0x7b3: {  	v4 =	vld [tilespmem:s31+$0xFFFFFFD0]  }
0x7b4: {  	v6 =	vld [tilespmem:s31+$0xFFFFFFE0]  }
0x7b5: {  	v7 =	vld [tilespmem:s31+$0xFFFFFFF0]  }
0x7b6: {  	v8 =	vld [tilespmem:s31+$0xFFFFFF90]  }
0x7b7: {  	v9 =	vld.idx.msk [tilespmem:v0+s17+$0x0], $0xffff  }
0x7b8: {  	v10 =	vld.idx.msk [tilespmem:v1+s17+$0x0], $0xffff  }
0x7b9: {  	v5 =	vld.idx.msk [tilespmem:v2+s17+$0x0], $0xffff  }
0x7ba: {  	v3 =	vld.idx.msk [tilespmem:v3+s17+$0x0], $0xffff  }
0x7bb: {  	v0 =	vld.idx.msk [tilespmem:v4+s17+$0x0], $0xffff  }
0x7bc: {  	s3 =	simm.s32 $0x1D740;
	v1 =	vld.idx.msk [tilespmem:v6+s17+$0x0], $0xffff  }
0x7bd: {  	v2 =	vld.idx.msk [tilespmem:v7+s17+$0x0], $0xffff;
	[tilespmem:s3+$0x30] =	vst v9  }
0x7be: {  	s29 =	simm.s32 $0x0;
	s30 =	simm.s32 $0x1B7F0;
	v4 =	vld.idx.msk [tilespmem:v8+s17+$0x0], $0xffff;
	[tilespmem:s3+$0xFFFFFFD0] =	vst v10  }
.LBB2_80:
0x7bf: {  	v6 =	vld [tilespmem:s30+$0x0];
	s29 =	sadd.s32 $0x8, s29;
	[tilespmem:s3+$0xFFFFFFE0] =	vst v5  }
0x7c0: {  	v5 =	vld [tilespmem:s30+$0xFFFFFFA0];
	p5 =	slt.u32 s29, $0xF8;
	[tilespmem:s3+$0xFFFFFFF0] =	vst v3  }
0x7c1: {  	v3 =	vld [tilespmem:s30+$0xFFFFFFB0];
	[tilespmem:s3+$0x0] =	vst v0  }
0x7c2: {  	v0 =	vld [tilespmem:s30+$0xFFFFFFC0];
	[tilespmem:s3+$0x10] =	vst v1  }
0x7c3: {  	v1 =	vld [tilespmem:s30+$0xFFFFFFD0];
	[tilespmem:s3+$0x20] =	vst v2  }
0x7c4: {  	v2 =	vld [tilespmem:s30+$0xFFFFFFE0];
	[tilespmem:s3+$0xFFFFFFC0] =	vst v4  }
0x7c5: {  	v4 =	vld [tilespmem:s30+$0xFFFFFFF0]  }
0x7c6: {  	v7 =	vld [tilespmem:s30+$0xFFFFFF90]  }
0x7c7: {  	v6 =	vld.idx.msk [tilespmem:v6+s17+$0x0], $0xffff  }
0x7c8: {  	v8 =	vld.idx.msk [tilespmem:v5+s17+$0x0], $0xffff  }
0x7c9: {  	v5 =	vld.idx.msk [tilespmem:v3+s17+$0x0], $0xffff  }
.Ltmp39:
0x7ca: {  	v3 =	vld.idx.msk [tilespmem:v0+s17+$0x0], $0xffff;
	(pc) =	sbr.rel @p5 .LBB2_80-.Ltmp39, $4  }
0x7cb: {  	v0 =	vld.idx.msk [tilespmem:v1+s17+$0x0], $0xffff  }
0x7cc: {  	s3 =	sadd.s32 $0x80, s3;
	v1 =	vld.idx.msk [tilespmem:v2+s17+$0x0], $0xffff  }
0x7cd: {  	v2 =	vld.idx.msk [tilespmem:v4+s17+$0x0], $0xffff;
	[tilespmem:s3+$0x30] =	vst v6  }
0x7ce: {  	s30 =	sadd.s32 $0x80, s30;
	v4 =	vld.idx.msk [tilespmem:v7+s17+$0x0], $0xffff;
	[tilespmem:s3+$0xFFFFFFD0] =	vst v8  }
0x7cf: {  	[tilespmem:s3+$0xFFFFFFE0] =	vst v5  }
0x7d0: {  	[tilespmem:s3+$0xFFFFFFF0] =	vst v3  }
0x7d1: {  	[tilespmem:s3+$0x0] =	vst v0  }
0x7d2: {  	[tilespmem:s3+$0x10] =	vst v1  }
0x7d3: {  	[tilespmem:s3+$0x20] =	vst v2  }
0x7d4: {  	[tilespmem:s3+$0xFFFFFFC0] =	vst v4  }
0x7d5: {  	[hbm4b:s4+s19] =	stream.strided.scatter [tilespmem:s24], [sflag:$0x3], $0x1000, s20, s19, $0x38;
	[tilespmem:$0x1E700] =	vst v63  }
0x7d6: {  	s29 =	simm.s32 @!p2 $0x400;
	s3 =	rddreg [dreg:$0x1a]  }
0x7d7: {  	[tilespmem:s17], [sflag:$0x1] =	stream.strided.gather [hbm4b:s3+s19], $0x18700, s20, s19, $0x38;
	[tilespmem:$0x1E700] =	vst v63  }
0x7d8: {  	s30 =	simm.s32 @!p2 $0x18700;
	s31 =	rddreg [dreg:$0xe];
	s3 =	simm.s32 @!p2 $0x80  }
0x7d9: {  	[tilespmem:s30], [sflag:$0x4] =	stream.strided.gather @!p2 [hbm4b:s31+s3], $0x4000, s29, s3, $0x38;
	[tilespmem:$0x1E700] =	vst v63  }
0x7da: {  	s3 =	simm.s32 @!p2 $0x4  }
0x7db: {  	_ =	swait.ge @!p2 [sflag:s3], $0x4000  }
0x7dc: {  	[sflag:s3] =	ssyncset.done @!p2 $0x0  }
0x7dd: {  	[sflag:s3] =	ssyncadd.s32 @!p2 $0xFFFFC000  }
0x7de: {  	_ =	swait.ge [sflag:s22], $0x18700  }
0x7df: {  	[sflag:s22] =	ssyncset.done $0x0  }
0x7e0: {  	[sflag:s22] =	ssyncadd.s32 $0xFFFE7900  }
0x7e1: {  	_ =	swait.ge [sflag:s25], $0x1000  }
0x7e2: {  	[sflag:s25] =	ssyncset.done $0x0  }
0x7e3: {  	s31 =	simm.s32 $0x18740;
	[sflag:s25] =	ssyncadd.s32 $0xFFFFF000  }
0x7e4: {  	v0 =	vld [tilespmem:s31+$0x30]  }
0x7e5: {  	v1 =	vld [tilespmem:s31+$0xFFFFFFD0]  }
0x7e6: {  	v2 =	vld [tilespmem:s31+$0xFFFFFFE0]  }
0x7e7: {  	v3 =	vld [tilespmem:s31+$0xFFFFFFF0]  }
0x7e8: {  	v4 =	vld [tilespmem:s31+$0x0]  }
0x7e9: {  	v6 =	vld [tilespmem:s31+$0x10]  }
0x7ea: {  	v7 =	vld [tilespmem:s31+$0x20]  }
0x7eb: {  	v8 =	vld [tilespmem:s31+$0xFFFFFFC0]  }
0x7ec: {  	v9 =	vld.idx.msk [tilespmem:v0+s17+$0x0], $0xffff  }
0x7ed: {  	v10 =	vld.idx.msk [tilespmem:v1+s17+$0x0], $0xffff  }
0x7ee: {  	v5 =	vld.idx.msk [tilespmem:v2+s17+$0x0], $0xffff  }
0x7ef: {  	v3 =	vld.idx.msk [tilespmem:v3+s17+$0x0], $0xffff  }
0x7f0: {  	v0 =	vld.idx.msk [tilespmem:v4+s17+$0x0], $0xffff  }
0x7f1: {  	s3 =	simm.s32 $0x1C740;
	v1 =	vld.idx.msk [tilespmem:v6+s17+$0x0], $0xffff  }
0x7f2: {  	v2 =	vld.idx.msk [tilespmem:v7+s17+$0x0], $0xffff;
	[tilespmem:s3+$0x30] =	vst v9  }
0x7f3: {  	s29 =	simm.s32 $0x0;
	s30 =	simm.s32 $0x187C0;
	v4 =	vld.idx.msk [tilespmem:v8+s17+$0x0], $0xffff;
	[tilespmem:s3+$0xFFFFFFD0] =	vst v10  }
.LBB2_82:
0x7f4: {  	v6 =	vld [tilespmem:s30+$0x30];
	s29 =	sadd.s32 $0x8, s29;
	[tilespmem:s3+$0xFFFFFFE0] =	vst v5  }
0x7f5: {  	v5 =	vld [tilespmem:s30+$0xFFFFFFD0];
	p5 =	slt.u32 s29, $0xF8;
	[tilespmem:s3+$0xFFFFFFF0] =	vst v3  }
0x7f6: {  	v3 =	vld [tilespmem:s30+$0xFFFFFFE0];
	[tilespmem:s3+$0x0] =	vst v0  }
0x7f7: {  	v0 =	vld [tilespmem:s30+$0xFFFFFFF0];
	[tilespmem:s3+$0x10] =	vst v1  }
0x7f8: {  	v1 =	vld [tilespmem:s30+$0x0];
	[tilespmem:s3+$0x20] =	vst v2  }
0x7f9: {  	v2 =	vld [tilespmem:s30+$0x10];
	[tilespmem:s3+$0xFFFFFFC0] =	vst v4  }
0x7fa: {  	v4 =	vld [tilespmem:s30+$0x20]  }
0x7fb: {  	v7 =	vld [tilespmem:s30+$0xFFFFFFC0]  }
0x7fc: {  	v6 =	vld.idx.msk [tilespmem:v6+s17+$0x0], $0xffff  }
0x7fd: {  	v8 =	vld.idx.msk [tilespmem:v5+s17+$0x0], $0xffff  }
0x7fe: {  	v5 =	vld.idx.msk [tilespmem:v3+s17+$0x0], $0xffff  }
.Ltmp40:
0x7ff: {  	v3 =	vld.idx.msk [tilespmem:v0+s17+$0x0], $0xffff;
	(pc) =	sbr.rel @p5 .LBB2_82-.Ltmp40, $4  }
0x800: {  	v0 =	vld.idx.msk [tilespmem:v1+s17+$0x0], $0xffff  }
0x801: {  	s3 =	sadd.s32 $0x80, s3;
	v1 =	vld.idx.msk [tilespmem:v2+s17+$0x0], $0xffff  }
0x802: {  	v2 =	vld.idx.msk [tilespmem:v4+s17+$0x0], $0xffff;
	[tilespmem:s3+$0x30] =	vst v6  }
0x803: {  	s30 =	sadd.s32 $0x80, s30;
	v4 =	vld.idx.msk [tilespmem:v7+s17+$0x0], $0xffff;
	[tilespmem:s3+$0xFFFFFFD0] =	vst v8  }
0x804: {  	[tilespmem:s3+$0xFFFFFFE0] =	vst v5  }
0x805: {  	[tilespmem:s3+$0xFFFFFFF0] =	vst v3  }
0x806: {  	[tilespmem:s3+$0x0] =	vst v0  }
0x807: {  	[tilespmem:s3+$0x10] =	vst v1  }
0x808: {  	[tilespmem:s3+$0x20] =	vst v2  }
0x809: {  	[tilespmem:s3+$0xFFFFFFC0] =	vst v4  }
0x80a: {  	[hbm4b:s5+s19] =	stream.strided.scatter [tilespmem:s23], [sflag:$0x2], $0x1000, s20, s19, $0x38;
	[tilespmem:$0x1E700] =	vst v63  }
0x80b: {  	_ =	swait.ge [sflag:s26], $0x1000  }
0x80c: {  	[sflag:s26] =	ssyncset.done $0x0  }
0x80d: {  	s31 =	simm.s32 $0x19770;
	[sflag:s26] =	ssyncadd.s32 $0xFFFFF000  }
0x80e: {  	v0 =	vld [tilespmem:s31+$0x0]  }
0x80f: {  	v1 =	vld [tilespmem:s31+$0xFFFFFFA0]  }
0x810: {  	v2 =	vld [tilespmem:s31+$0xFFFFFFB0]  }
0x811: {  	v3 =	vld [tilespmem:s31+$0xFFFFFFC0]  }
0x812: {  	v4 =	vld [tilespmem:s31+$0xFFFFFFD0]  }
0x813: {  	v6 =	vld [tilespmem:s31+$0xFFFFFFE0]  }
0x814: {  	v7 =	vld [tilespmem:s31+$0xFFFFFFF0]  }
0x815: {  	v8 =	vld [tilespmem:s31+$0xFFFFFF90]  }
0x816: {  	v9 =	vld.idx.msk [tilespmem:v0+s17+$0x0], $0xffff  }
0x817: {  	v10 =	vld.idx.msk [tilespmem:v1+s17+$0x0], $0xffff  }
0x818: {  	v5 =	vld.idx.msk [tilespmem:v2+s17+$0x0], $0xffff  }
0x819: {  	v3 =	vld.idx.msk [tilespmem:v3+s17+$0x0], $0xffff  }
0x81a: {  	v0 =	vld.idx.msk [tilespmem:v4+s17+$0x0], $0xffff  }
0x81b: {  	s3 =	simm.s32 $0x1D740;
	v1 =	vld.idx.msk [tilespmem:v6+s17+$0x0], $0xffff  }
0x81c: {  	v2 =	vld.idx.msk [tilespmem:v7+s17+$0x0], $0xffff;
	[tilespmem:s3+$0x30] =	vst v9  }
0x81d: {  	s29 =	simm.s32 $0x0;
	s30 =	simm.s32 $0x197F0;
	v4 =	vld.idx.msk [tilespmem:v8+s17+$0x0], $0xffff;
	[tilespmem:s3+$0xFFFFFFD0] =	vst v10  }
.LBB2_84:
0x81e: {  	v6 =	vld [tilespmem:s30+$0x0];
	s29 =	sadd.s32 $0x8, s29;
	[tilespmem:s3+$0xFFFFFFE0] =	vst v5  }
0x81f: {  	v5 =	vld [tilespmem:s30+$0xFFFFFFA0];
	p5 =	slt.u32 s29, $0xF8;
	[tilespmem:s3+$0xFFFFFFF0] =	vst v3  }
0x820: {  	v3 =	vld [tilespmem:s30+$0xFFFFFFB0];
	[tilespmem:s3+$0x0] =	vst v0  }
0x821: {  	v0 =	vld [tilespmem:s30+$0xFFFFFFC0];
	[tilespmem:s3+$0x10] =	vst v1  }
0x822: {  	v1 =	vld [tilespmem:s30+$0xFFFFFFD0];
	[tilespmem:s3+$0x20] =	vst v2  }
0x823: {  	v2 =	vld [tilespmem:s30+$0xFFFFFFE0];
	[tilespmem:s3+$0xFFFFFFC0] =	vst v4  }
0x824: {  	v4 =	vld [tilespmem:s30+$0xFFFFFFF0]  }
0x825: {  	v7 =	vld [tilespmem:s30+$0xFFFFFF90]  }
0x826: {  	v6 =	vld.idx.msk [tilespmem:v6+s17+$0x0], $0xffff  }
0x827: {  	v8 =	vld.idx.msk [tilespmem:v5+s17+$0x0], $0xffff  }
0x828: {  	v5 =	vld.idx.msk [tilespmem:v3+s17+$0x0], $0xffff  }
.Ltmp41:
0x829: {  	v3 =	vld.idx.msk [tilespmem:v0+s17+$0x0], $0xffff;
	(pc) =	sbr.rel @p5 .LBB2_84-.Ltmp41, $4  }
0x82a: {  	v0 =	vld.idx.msk [tilespmem:v1+s17+$0x0], $0xffff  }
0x82b: {  	s3 =	sadd.s32 $0x80, s3;
	v1 =	vld.idx.msk [tilespmem:v2+s17+$0x0], $0xffff  }
0x82c: {  	v2 =	vld.idx.msk [tilespmem:v4+s17+$0x0], $0xffff;
	[tilespmem:s3+$0x30] =	vst v6  }
0x82d: {  	s30 =	sadd.s32 $0x80, s30;
	v4 =	vld.idx.msk [tilespmem:v7+s17+$0x0], $0xffff;
	[tilespmem:s3+$0xFFFFFFD0] =	vst v8  }
0x82e: {  	[tilespmem:s3+$0xFFFFFFE0] =	vst v5  }
0x82f: {  	[tilespmem:s3+$0xFFFFFFF0] =	vst v3  }
0x830: {  	[tilespmem:s3+$0x0] =	vst v0  }
0x831: {  	[tilespmem:s3+$0x10] =	vst v1  }
0x832: {  	[tilespmem:s3+$0x20] =	vst v2  }
0x833: {  	[tilespmem:s3+$0xFFFFFFC0] =	vst v4  }
0x834: {  	[hbm4b:s6+s19] =	stream.strided.scatter [tilespmem:s24], [sflag:$0x3], $0x1000, s20, s19, $0x38;
	[tilespmem:$0x1E700] =	vst v63  }
0x835: {  	_ =	swait.ge [sflag:s25], $0x1000  }
0x836: {  	[sflag:s25] =	ssyncset.done $0x0  }
0x837: {  	s31 =	simm.s32 $0x1A770;
	[sflag:s25] =	ssyncadd.s32 $0xFFFFF000  }
0x838: {  	v0 =	vld [tilespmem:s31+$0x0]  }
0x839: {  	v1 =	vld [tilespmem:s31+$0xFFFFFFA0]  }
0x83a: {  	v2 =	vld [tilespmem:s31+$0xFFFFFFB0]  }
0x83b: {  	v3 =	vld [tilespmem:s31+$0xFFFFFFC0]  }
0x83c: {  	v4 =	vld [tilespmem:s31+$0xFFFFFFD0]  }
0x83d: {  	v6 =	vld [tilespmem:s31+$0xFFFFFFE0]  }
0x83e: {  	v7 =	vld [tilespmem:s31+$0xFFFFFFF0]  }
0x83f: {  	v8 =	vld [tilespmem:s31+$0xFFFFFF90]  }
0x840: {  	v9 =	vld.idx.msk [tilespmem:v0+s17+$0x0], $0xffff  }
0x841: {  	v10 =	vld.idx.msk [tilespmem:v1+s17+$0x0], $0xffff  }
0x842: {  	v5 =	vld.idx.msk [tilespmem:v2+s17+$0x0], $0xffff  }
0x843: {  	v3 =	vld.idx.msk [tilespmem:v3+s17+$0x0], $0xffff  }
0x844: {  	v0 =	vld.idx.msk [tilespmem:v4+s17+$0x0], $0xffff  }
0x845: {  	s3 =	simm.s32 $0x1C740;
	v1 =	vld.idx.msk [tilespmem:v6+s17+$0x0], $0xffff  }
0x846: {  	v2 =	vld.idx.msk [tilespmem:v7+s17+$0x0], $0xffff;
	[tilespmem:s3+$0x30] =	vst v9  }
0x847: {  	s29 =	simm.s32 $0x0;
	s30 =	simm.s32 $0x1A7F0;
	v4 =	vld.idx.msk [tilespmem:v8+s17+$0x0], $0xffff;
	[tilespmem:s3+$0xFFFFFFD0] =	vst v10  }
.LBB2_86:
0x848: {  	v6 =	vld [tilespmem:s30+$0x0];
	s29 =	sadd.s32 $0x8, s29;
	[tilespmem:s3+$0xFFFFFFE0] =	vst v5  }
0x849: {  	v5 =	vld [tilespmem:s30+$0xFFFFFFA0];
	p5 =	slt.u32 s29, $0xF8;
	[tilespmem:s3+$0xFFFFFFF0] =	vst v3  }
0x84a: {  	v3 =	vld [tilespmem:s30+$0xFFFFFFB0];
	[tilespmem:s3+$0x0] =	vst v0  }
0x84b: {  	v0 =	vld [tilespmem:s30+$0xFFFFFFC0];
	[tilespmem:s3+$0x10] =	vst v1  }
0x84c: {  	v1 =	vld [tilespmem:s30+$0xFFFFFFD0];
	[tilespmem:s3+$0x20] =	vst v2  }
0x84d: {  	v2 =	vld [tilespmem:s30+$0xFFFFFFE0];
	[tilespmem:s3+$0xFFFFFFC0] =	vst v4  }
0x84e: {  	v4 =	vld [tilespmem:s30+$0xFFFFFFF0]  }
0x84f: {  	v7 =	vld [tilespmem:s30+$0xFFFFFF90]  }
0x850: {  	v6 =	vld.idx.msk [tilespmem:v6+s17+$0x0], $0xffff  }
0x851: {  	v8 =	vld.idx.msk [tilespmem:v5+s17+$0x0], $0xffff  }
0x852: {  	v5 =	vld.idx.msk [tilespmem:v3+s17+$0x0], $0xffff  }
.Ltmp42:
0x853: {  	v3 =	vld.idx.msk [tilespmem:v0+s17+$0x0], $0xffff;
	(pc) =	sbr.rel @p5 .LBB2_86-.Ltmp42, $4  }
0x854: {  	v0 =	vld.idx.msk [tilespmem:v1+s17+$0x0], $0xffff  }
0x855: {  	s3 =	sadd.s32 $0x80, s3;
	v1 =	vld.idx.msk [tilespmem:v2+s17+$0x0], $0xffff  }
0x856: {  	v2 =	vld.idx.msk [tilespmem:v4+s17+$0x0], $0xffff;
	[tilespmem:s3+$0x30] =	vst v6  }
0x857: {  	s30 =	sadd.s32 $0x80, s30;
	v4 =	vld.idx.msk [tilespmem:v7+s17+$0x0], $0xffff;
	[tilespmem:s3+$0xFFFFFFD0] =	vst v8  }
0x858: {  	[tilespmem:s3+$0xFFFFFFE0] =	vst v5  }
0x859: {  	[tilespmem:s3+$0xFFFFFFF0] =	vst v3  }
0x85a: {  	[tilespmem:s3+$0x0] =	vst v0  }
0x85b: {  	[tilespmem:s3+$0x10] =	vst v1  }
0x85c: {  	[tilespmem:s3+$0x20] =	vst v2  }
0x85d: {  	[tilespmem:s3+$0xFFFFFFC0] =	vst v4  }
0x85e: {  	[hbm4b:s7+s19] =	stream.strided.scatter [tilespmem:s23], [sflag:$0x2], $0x1000, s20, s19, $0x38;
	[tilespmem:$0x1E700] =	vst v63  }
0x85f: {  	_ =	swait.ge [sflag:s26], $0x1000  }
0x860: {  	[sflag:s26] =	ssyncset.done $0x0  }
0x861: {  	s31 =	simm.s32 $0x1B770;
	[sflag:s26] =	ssyncadd.s32 $0xFFFFF000  }
0x862: {  	v0 =	vld [tilespmem:s31+$0x0]  }
0x863: {  	v1 =	vld [tilespmem:s31+$0xFFFFFFA0]  }
0x864: {  	v2 =	vld [tilespmem:s31+$0xFFFFFFB0]  }
0x865: {  	v3 =	vld [tilespmem:s31+$0xFFFFFFC0]  }
0x866: {  	v4 =	vld [tilespmem:s31+$0xFFFFFFD0]  }
0x867: {  	v6 =	vld [tilespmem:s31+$0xFFFFFFE0]  }
0x868: {  	v7 =	vld [tilespmem:s31+$0xFFFFFFF0]  }
0x869: {  	v8 =	vld [tilespmem:s31+$0xFFFFFF90]  }
0x86a: {  	v9 =	vld.idx.msk [tilespmem:v0+s17+$0x0], $0xffff  }
0x86b: {  	v10 =	vld.idx.msk [tilespmem:v1+s17+$0x0], $0xffff  }
0x86c: {  	v5 =	vld.idx.msk [tilespmem:v2+s17+$0x0], $0xffff  }
0x86d: {  	v3 =	vld.idx.msk [tilespmem:v3+s17+$0x0], $0xffff  }
0x86e: {  	v0 =	vld.idx.msk [tilespmem:v4+s17+$0x0], $0xffff  }
0x86f: {  	s3 =	simm.s32 $0x1D740;
	v1 =	vld.idx.msk [tilespmem:v6+s17+$0x0], $0xffff  }
0x870: {  	v2 =	vld.idx.msk [tilespmem:v7+s17+$0x0], $0xffff;
	[tilespmem:s3+$0x30] =	vst v9  }
0x871: {  	s29 =	simm.s32 $0x0;
	s30 =	simm.s32 $0x1B7F0;
	v4 =	vld.idx.msk [tilespmem:v8+s17+$0x0], $0xffff;
	[tilespmem:s3+$0xFFFFFFD0] =	vst v10  }
.LBB2_88:
0x872: {  	v6 =	vld [tilespmem:s30+$0x0];
	s29 =	sadd.s32 $0x8, s29;
	[tilespmem:s3+$0xFFFFFFE0] =	vst v5  }
0x873: {  	v5 =	vld [tilespmem:s30+$0xFFFFFFA0];
	p5 =	slt.u32 s29, $0xF8;
	[tilespmem:s3+$0xFFFFFFF0] =	vst v3  }
0x874: {  	v3 =	vld [tilespmem:s30+$0xFFFFFFB0];
	[tilespmem:s3+$0x0] =	vst v0  }
0x875: {  	v0 =	vld [tilespmem:s30+$0xFFFFFFC0];
	[tilespmem:s3+$0x10] =	vst v1  }
0x876: {  	v1 =	vld [tilespmem:s30+$0xFFFFFFD0];
	[tilespmem:s3+$0x20] =	vst v2  }
0x877: {  	v2 =	vld [tilespmem:s30+$0xFFFFFFE0];
	[tilespmem:s3+$0xFFFFFFC0] =	vst v4  }
0x878: {  	v4 =	vld [tilespmem:s30+$0xFFFFFFF0]  }
0x879: {  	v7 =	vld [tilespmem:s30+$0xFFFFFF90]  }
0x87a: {  	v6 =	vld.idx.msk [tilespmem:v6+s17+$0x0], $0xffff  }
0x87b: {  	v8 =	vld.idx.msk [tilespmem:v5+s17+$0x0], $0xffff  }
0x87c: {  	v5 =	vld.idx.msk [tilespmem:v3+s17+$0x0], $0xffff  }
.Ltmp43:
0x87d: {  	v3 =	vld.idx.msk [tilespmem:v0+s17+$0x0], $0xffff;
	(pc) =	sbr.rel @p5 .LBB2_88-.Ltmp43, $4  }
0x87e: {  	v0 =	vld.idx.msk [tilespmem:v1+s17+$0x0], $0xffff  }
0x87f: {  	s3 =	sadd.s32 $0x80, s3;
	v1 =	vld.idx.msk [tilespmem:v2+s17+$0x0], $0xffff  }
0x880: {  	v2 =	vld.idx.msk [tilespmem:v4+s17+$0x0], $0xffff;
	[tilespmem:s3+$0x30] =	vst v6  }
0x881: {  	s30 =	sadd.s32 $0x80, s30;
	v4 =	vld.idx.msk [tilespmem:v7+s17+$0x0], $0xffff;
	[tilespmem:s3+$0xFFFFFFD0] =	vst v8  }
0x882: {  	[tilespmem:s3+$0xFFFFFFE0] =	vst v5  }
0x883: {  	[tilespmem:s3+$0xFFFFFFF0] =	vst v3  }
0x884: {  	[tilespmem:s3+$0x0] =	vst v0  }
0x885: {  	[tilespmem:s3+$0x10] =	vst v1  }
0x886: {  	[tilespmem:s3+$0x20] =	vst v2  }
0x887: {  	[tilespmem:s3+$0xFFFFFFC0] =	vst v4  }
0x888: {  	[hbm4b:s8+s19] =	stream.strided.scatter [tilespmem:s24], [sflag:$0x3], $0x1000, s20, s19, $0x38;
	[tilespmem:$0x1E700] =	vst v63  }
0x889: {  	s29 =	simm.s32 @!p3 $0x400;
	s3 =	rddreg [dreg:$0x1b]  }
0x88a: {  	[tilespmem:s17], [sflag:$0x1] =	stream.strided.gather [hbm4b:s3+s19], $0x18700, s20, s19, $0x38;
	[tilespmem:$0x1E700] =	vst v63  }
0x88b: {  	s30 =	simm.s32 @!p3 $0x18700;
	s31 =	rddreg [dreg:$0xf];
	s3 =	simm.s32 @!p3 $0x80  }
0x88c: {  	[tilespmem:s30], [sflag:$0x4] =	stream.strided.gather @!p3 [hbm4b:s31+s3], $0x4000, s29, s3, $0x38;
	[tilespmem:$0x1E700] =	vst v63  }
0x88d: {  	s3 =	simm.s32 @!p3 $0x4  }
0x88e: {  	_ =	swait.ge @!p3 [sflag:s3], $0x4000  }
0x88f: {  	[sflag:s3] =	ssyncset.done @!p3 $0x0  }
0x890: {  	[sflag:s3] =	ssyncadd.s32 @!p3 $0xFFFFC000  }
0x891: {  	_ =	swait.ge [sflag:s22], $0x18700  }
0x892: {  	[sflag:s22] =	ssyncset.done $0x0  }
0x893: {  	[sflag:s22] =	ssyncadd.s32 $0xFFFE7900  }
0x894: {  	_ =	swait.ge [sflag:s25], $0x1000  }
0x895: {  	[sflag:s25] =	ssyncset.done $0x0  }
0x896: {  	s31 =	simm.s32 $0x18740;
	[sflag:s25] =	ssyncadd.s32 $0xFFFFF000  }
0x897: {  	v0 =	vld [tilespmem:s31+$0x30]  }
0x898: {  	v1 =	vld [tilespmem:s31+$0xFFFFFFD0]  }
0x899: {  	v2 =	vld [tilespmem:s31+$0xFFFFFFE0]  }
0x89a: {  	v3 =	vld [tilespmem:s31+$0xFFFFFFF0]  }
0x89b: {  	v4 =	vld [tilespmem:s31+$0x0]  }
0x89c: {  	v6 =	vld [tilespmem:s31+$0x10]  }
0x89d: {  	v7 =	vld [tilespmem:s31+$0x20]  }
0x89e: {  	v8 =	vld [tilespmem:s31+$0xFFFFFFC0]  }
0x89f: {  	v9 =	vld.idx.msk [tilespmem:v0+s17+$0x0], $0xffff  }
0x8a0: {  	v10 =	vld.idx.msk [tilespmem:v1+s17+$0x0], $0xffff  }
0x8a1: {  	v5 =	vld.idx.msk [tilespmem:v2+s17+$0x0], $0xffff  }
0x8a2: {  	v3 =	vld.idx.msk [tilespmem:v3+s17+$0x0], $0xffff  }
0x8a3: {  	v0 =	vld.idx.msk [tilespmem:v4+s17+$0x0], $0xffff  }
0x8a4: {  	s3 =	simm.s32 $0x1C740;
	v1 =	vld.idx.msk [tilespmem:v6+s17+$0x0], $0xffff  }
0x8a5: {  	v2 =	vld.idx.msk [tilespmem:v7+s17+$0x0], $0xffff;
	[tilespmem:s3+$0x30] =	vst v9  }
0x8a6: {  	s29 =	simm.s32 $0x0;
	s30 =	simm.s32 $0x187C0;
	v4 =	vld.idx.msk [tilespmem:v8+s17+$0x0], $0xffff;
	[tilespmem:s3+$0xFFFFFFD0] =	vst v10  }
.LBB2_90:
0x8a7: {  	v6 =	vld [tilespmem:s30+$0x30];
	s29 =	sadd.s32 $0x8, s29;
	[tilespmem:s3+$0xFFFFFFE0] =	vst v5  }
0x8a8: {  	v5 =	vld [tilespmem:s30+$0xFFFFFFD0];
	p5 =	slt.u32 s29, $0xF8;
	[tilespmem:s3+$0xFFFFFFF0] =	vst v3  }
0x8a9: {  	v3 =	vld [tilespmem:s30+$0xFFFFFFE0];
	[tilespmem:s3+$0x0] =	vst v0  }
0x8aa: {  	v0 =	vld [tilespmem:s30+$0xFFFFFFF0];
	[tilespmem:s3+$0x10] =	vst v1  }
0x8ab: {  	v1 =	vld [tilespmem:s30+$0x0];
	[tilespmem:s3+$0x20] =	vst v2  }
0x8ac: {  	v2 =	vld [tilespmem:s30+$0x10];
	[tilespmem:s3+$0xFFFFFFC0] =	vst v4  }
0x8ad: {  	v4 =	vld [tilespmem:s30+$0x20]  }
0x8ae: {  	v7 =	vld [tilespmem:s30+$0xFFFFFFC0]  }
0x8af: {  	v6 =	vld.idx.msk [tilespmem:v6+s17+$0x0], $0xffff  }
0x8b0: {  	v8 =	vld.idx.msk [tilespmem:v5+s17+$0x0], $0xffff  }
0x8b1: {  	v5 =	vld.idx.msk [tilespmem:v3+s17+$0x0], $0xffff  }
.Ltmp44:
0x8b2: {  	v3 =	vld.idx.msk [tilespmem:v0+s17+$0x0], $0xffff;
	(pc) =	sbr.rel @p5 .LBB2_90-.Ltmp44, $4  }
0x8b3: {  	v0 =	vld.idx.msk [tilespmem:v1+s17+$0x0], $0xffff  }
0x8b4: {  	s3 =	sadd.s32 $0x80, s3;
	v1 =	vld.idx.msk [tilespmem:v2+s17+$0x0], $0xffff  }
0x8b5: {  	v2 =	vld.idx.msk [tilespmem:v4+s17+$0x0], $0xffff;
	[tilespmem:s3+$0x30] =	vst v6  }
0x8b6: {  	s30 =	sadd.s32 $0x80, s30;
	v4 =	vld.idx.msk [tilespmem:v7+s17+$0x0], $0xffff;
	[tilespmem:s3+$0xFFFFFFD0] =	vst v8  }
0x8b7: {  	[tilespmem:s3+$0xFFFFFFE0] =	vst v5  }
0x8b8: {  	[tilespmem:s3+$0xFFFFFFF0] =	vst v3  }
0x8b9: {  	[tilespmem:s3+$0x0] =	vst v0  }
0x8ba: {  	[tilespmem:s3+$0x10] =	vst v1  }
0x8bb: {  	[tilespmem:s3+$0x20] =	vst v2  }
0x8bc: {  	[tilespmem:s3+$0xFFFFFFC0] =	vst v4  }
0x8bd: {  	[hbm4b:s9+s19] =	stream.strided.scatter [tilespmem:s23], [sflag:$0x2], $0x1000, s20, s19, $0x38;
	[tilespmem:$0x1E700] =	vst v63  }
0x8be: {  	_ =	swait.ge [sflag:s26], $0x1000  }
0x8bf: {  	[sflag:s26] =	ssyncset.done $0x0  }
0x8c0: {  	s31 =	simm.s32 $0x19770;
	[sflag:s26] =	ssyncadd.s32 $0xFFFFF000  }
0x8c1: {  	v0 =	vld [tilespmem:s31+$0x0]  }
0x8c2: {  	v1 =	vld [tilespmem:s31+$0xFFFFFFA0]  }
0x8c3: {  	v2 =	vld [tilespmem:s31+$0xFFFFFFB0]  }
0x8c4: {  	v3 =	vld [tilespmem:s31+$0xFFFFFFC0]  }
0x8c5: {  	v4 =	vld [tilespmem:s31+$0xFFFFFFD0]  }
0x8c6: {  	v6 =	vld [tilespmem:s31+$0xFFFFFFE0]  }
0x8c7: {  	v7 =	vld [tilespmem:s31+$0xFFFFFFF0]  }
0x8c8: {  	v8 =	vld [tilespmem:s31+$0xFFFFFF90]  }
0x8c9: {  	v9 =	vld.idx.msk [tilespmem:v0+s17+$0x0], $0xffff  }
0x8ca: {  	v10 =	vld.idx.msk [tilespmem:v1+s17+$0x0], $0xffff  }
0x8cb: {  	v5 =	vld.idx.msk [tilespmem:v2+s17+$0x0], $0xffff  }
0x8cc: {  	v3 =	vld.idx.msk [tilespmem:v3+s17+$0x0], $0xffff  }
0x8cd: {  	v0 =	vld.idx.msk [tilespmem:v4+s17+$0x0], $0xffff  }
0x8ce: {  	s3 =	simm.s32 $0x1D740;
	v1 =	vld.idx.msk [tilespmem:v6+s17+$0x0], $0xffff  }
0x8cf: {  	v2 =	vld.idx.msk [tilespmem:v7+s17+$0x0], $0xffff;
	[tilespmem:s3+$0x30] =	vst v9  }
0x8d0: {  	s29 =	simm.s32 $0x0;
	s30 =	simm.s32 $0x197F0;
	v4 =	vld.idx.msk [tilespmem:v8+s17+$0x0], $0xffff;
	[tilespmem:s3+$0xFFFFFFD0] =	vst v10  }
.LBB2_92:
0x8d1: {  	v6 =	vld [tilespmem:s30+$0x0];
	s29 =	sadd.s32 $0x8, s29;
	[tilespmem:s3+$0xFFFFFFE0] =	vst v5  }
0x8d2: {  	v5 =	vld [tilespmem:s30+$0xFFFFFFA0];
	p5 =	slt.u32 s29, $0xF8;
	[tilespmem:s3+$0xFFFFFFF0] =	vst v3  }
0x8d3: {  	v3 =	vld [tilespmem:s30+$0xFFFFFFB0];
	[tilespmem:s3+$0x0] =	vst v0  }
0x8d4: {  	v0 =	vld [tilespmem:s30+$0xFFFFFFC0];
	[tilespmem:s3+$0x10] =	vst v1  }
0x8d5: {  	v1 =	vld [tilespmem:s30+$0xFFFFFFD0];
	[tilespmem:s3+$0x20] =	vst v2  }
0x8d6: {  	v2 =	vld [tilespmem:s30+$0xFFFFFFE0];
	[tilespmem:s3+$0xFFFFFFC0] =	vst v4  }
0x8d7: {  	v4 =	vld [tilespmem:s30+$0xFFFFFFF0]  }
0x8d8: {  	v7 =	vld [tilespmem:s30+$0xFFFFFF90]  }
0x8d9: {  	v6 =	vld.idx.msk [tilespmem:v6+s17+$0x0], $0xffff  }
0x8da: {  	v8 =	vld.idx.msk [tilespmem:v5+s17+$0x0], $0xffff  }
0x8db: {  	v5 =	vld.idx.msk [tilespmem:v3+s17+$0x0], $0xffff  }
.Ltmp45:
0x8dc: {  	v3 =	vld.idx.msk [tilespmem:v0+s17+$0x0], $0xffff;
	(pc) =	sbr.rel @p5 .LBB2_92-.Ltmp45, $4  }
0x8dd: {  	v0 =	vld.idx.msk [tilespmem:v1+s17+$0x0], $0xffff  }
0x8de: {  	s3 =	sadd.s32 $0x80, s3;
	v1 =	vld.idx.msk [tilespmem:v2+s17+$0x0], $0xffff  }
0x8df: {  	v2 =	vld.idx.msk [tilespmem:v4+s17+$0x0], $0xffff;
	[tilespmem:s3+$0x30] =	vst v6  }
0x8e0: {  	s30 =	sadd.s32 $0x80, s30;
	v4 =	vld.idx.msk [tilespmem:v7+s17+$0x0], $0xffff;
	[tilespmem:s3+$0xFFFFFFD0] =	vst v8  }
0x8e1: {  	[tilespmem:s3+$0xFFFFFFE0] =	vst v5  }
0x8e2: {  	[tilespmem:s3+$0xFFFFFFF0] =	vst v3  }
0x8e3: {  	[tilespmem:s3+$0x0] =	vst v0  }
0x8e4: {  	[tilespmem:s3+$0x10] =	vst v1  }
0x8e5: {  	[tilespmem:s3+$0x20] =	vst v2  }
0x8e6: {  	[tilespmem:s3+$0xFFFFFFC0] =	vst v4  }
0x8e7: {  	[hbm4b:s10+s19] =	stream.strided.scatter [tilespmem:s24], [sflag:$0x3], $0x1000, s20, s19, $0x38;
	[tilespmem:$0x1E700] =	vst v63  }
0x8e8: {  	_ =	swait.ge [sflag:s25], $0x1000  }
0x8e9: {  	[sflag:s25] =	ssyncset.done $0x0  }
0x8ea: {  	s31 =	simm.s32 $0x1A770;
	[sflag:s25] =	ssyncadd.s32 $0xFFFFF000  }
0x8eb: {  	v0 =	vld [tilespmem:s31+$0x0]  }
0x8ec: {  	v1 =	vld [tilespmem:s31+$0xFFFFFFA0]  }
0x8ed: {  	v2 =	vld [tilespmem:s31+$0xFFFFFFB0]  }
0x8ee: {  	v3 =	vld [tilespmem:s31+$0xFFFFFFC0]  }
0x8ef: {  	v4 =	vld [tilespmem:s31+$0xFFFFFFD0]  }
0x8f0: {  	v6 =	vld [tilespmem:s31+$0xFFFFFFE0]  }
0x8f1: {  	v7 =	vld [tilespmem:s31+$0xFFFFFFF0]  }
0x8f2: {  	v8 =	vld [tilespmem:s31+$0xFFFFFF90]  }
0x8f3: {  	v9 =	vld.idx.msk [tilespmem:v0+s17+$0x0], $0xffff  }
0x8f4: {  	v10 =	vld.idx.msk [tilespmem:v1+s17+$0x0], $0xffff  }
0x8f5: {  	v5 =	vld.idx.msk [tilespmem:v2+s17+$0x0], $0xffff  }
0x8f6: {  	v3 =	vld.idx.msk [tilespmem:v3+s17+$0x0], $0xffff  }
0x8f7: {  	v0 =	vld.idx.msk [tilespmem:v4+s17+$0x0], $0xffff  }
0x8f8: {  	s3 =	simm.s32 $0x1C740;
	v1 =	vld.idx.msk [tilespmem:v6+s17+$0x0], $0xffff  }
0x8f9: {  	v2 =	vld.idx.msk [tilespmem:v7+s17+$0x0], $0xffff;
	[tilespmem:s3+$0x30] =	vst v9  }
0x8fa: {  	s29 =	simm.s32 $0x0;
	s30 =	simm.s32 $0x1A7F0;
	v4 =	vld.idx.msk [tilespmem:v8+s17+$0x0], $0xffff;
	[tilespmem:s3+$0xFFFFFFD0] =	vst v10  }
.LBB2_94:
0x8fb: {  	v6 =	vld [tilespmem:s30+$0x0];
	s29 =	sadd.s32 $0x8, s29;
	[tilespmem:s3+$0xFFFFFFE0] =	vst v5  }
0x8fc: {  	v5 =	vld [tilespmem:s30+$0xFFFFFFA0];
	p5 =	slt.u32 s29, $0xF8;
	[tilespmem:s3+$0xFFFFFFF0] =	vst v3  }
0x8fd: {  	v3 =	vld [tilespmem:s30+$0xFFFFFFB0];
	[tilespmem:s3+$0x0] =	vst v0  }
0x8fe: {  	v0 =	vld [tilespmem:s30+$0xFFFFFFC0];
	[tilespmem:s3+$0x10] =	vst v1  }
0x8ff: {  	v1 =	vld [tilespmem:s30+$0xFFFFFFD0];
	[tilespmem:s3+$0x20] =	vst v2  }
0x900: {  	v2 =	vld [tilespmem:s30+$0xFFFFFFE0];
	[tilespmem:s3+$0xFFFFFFC0] =	vst v4  }
0x901: {  	v4 =	vld [tilespmem:s30+$0xFFFFFFF0]  }
0x902: {  	v7 =	vld [tilespmem:s30+$0xFFFFFF90]  }
0x903: {  	v6 =	vld.idx.msk [tilespmem:v6+s17+$0x0], $0xffff  }
0x904: {  	v8 =	vld.idx.msk [tilespmem:v5+s17+$0x0], $0xffff  }
0x905: {  	v5 =	vld.idx.msk [tilespmem:v3+s17+$0x0], $0xffff  }
.Ltmp46:
0x906: {  	v3 =	vld.idx.msk [tilespmem:v0+s17+$0x0], $0xffff;
	(pc) =	sbr.rel @p5 .LBB2_94-.Ltmp46, $4  }
0x907: {  	v0 =	vld.idx.msk [tilespmem:v1+s17+$0x0], $0xffff  }
0x908: {  	s3 =	sadd.s32 $0x80, s3;
	v1 =	vld.idx.msk [tilespmem:v2+s17+$0x0], $0xffff  }
0x909: {  	v2 =	vld.idx.msk [tilespmem:v4+s17+$0x0], $0xffff;
	[tilespmem:s3+$0x30] =	vst v6  }
0x90a: {  	s30 =	sadd.s32 $0x80, s30;
	v4 =	vld.idx.msk [tilespmem:v7+s17+$0x0], $0xffff;
	[tilespmem:s3+$0xFFFFFFD0] =	vst v8  }
0x90b: {  	[tilespmem:s3+$0xFFFFFFE0] =	vst v5  }
0x90c: {  	[tilespmem:s3+$0xFFFFFFF0] =	vst v3  }
0x90d: {  	[tilespmem:s3+$0x0] =	vst v0  }
0x90e: {  	[tilespmem:s3+$0x10] =	vst v1  }
0x90f: {  	[tilespmem:s3+$0x20] =	vst v2  }
0x910: {  	[tilespmem:s3+$0xFFFFFFC0] =	vst v4  }
0x911: {  	[hbm4b:s11+s19] =	stream.strided.scatter [tilespmem:s23], [sflag:$0x2], $0x1000, s20, s19, $0x38;
	[tilespmem:$0x1E700] =	vst v63  }
0x912: {  	_ =	swait.ge [sflag:s26], $0x1000  }
0x913: {  	[sflag:s26] =	ssyncset.done $0x0  }
0x914: {  	s31 =	simm.s32 $0x1B770;
	[sflag:s26] =	ssyncadd.s32 $0xFFFFF000  }
0x915: {  	v0 =	vld [tilespmem:s31+$0x0]  }
0x916: {  	v1 =	vld [tilespmem:s31+$0xFFFFFFA0]  }
0x917: {  	v2 =	vld [tilespmem:s31+$0xFFFFFFB0]  }
0x918: {  	v3 =	vld [tilespmem:s31+$0xFFFFFFC0]  }
0x919: {  	v4 =	vld [tilespmem:s31+$0xFFFFFFD0]  }
0x91a: {  	v6 =	vld [tilespmem:s31+$0xFFFFFFE0]  }
0x91b: {  	v7 =	vld [tilespmem:s31+$0xFFFFFFF0]  }
0x91c: {  	v8 =	vld [tilespmem:s31+$0xFFFFFF90]  }
0x91d: {  	v9 =	vld.idx.msk [tilespmem:v0+s17+$0x0], $0xffff  }
0x91e: {  	v10 =	vld.idx.msk [tilespmem:v1+s17+$0x0], $0xffff  }
0x91f: {  	v5 =	vld.idx.msk [tilespmem:v2+s17+$0x0], $0xffff  }
0x920: {  	v3 =	vld.idx.msk [tilespmem:v3+s17+$0x0], $0xffff  }
0x921: {  	v0 =	vld.idx.msk [tilespmem:v4+s17+$0x0], $0xffff  }
0x922: {  	s3 =	simm.s32 $0x1D740;
	v1 =	vld.idx.msk [tilespmem:v6+s17+$0x0], $0xffff  }
0x923: {  	v2 =	vld.idx.msk [tilespmem:v7+s17+$0x0], $0xffff;
	[tilespmem:s3+$0x30] =	vst v9  }
0x924: {  	s29 =	simm.s32 $0x0;
	s30 =	simm.s32 $0x1B7F0;
	v4 =	vld.idx.msk [tilespmem:v8+s17+$0x0], $0xffff;
	[tilespmem:s3+$0xFFFFFFD0] =	vst v10  }
.LBB2_96:
0x925: {  	v6 =	vld [tilespmem:s30+$0x0];
	s29 =	sadd.s32 $0x8, s29;
	[tilespmem:s3+$0xFFFFFFE0] =	vst v5  }
0x926: {  	v5 =	vld [tilespmem:s30+$0xFFFFFFA0];
	p5 =	slt.u32 s29, $0xF8;
	[tilespmem:s3+$0xFFFFFFF0] =	vst v3  }
0x927: {  	v3 =	vld [tilespmem:s30+$0xFFFFFFB0];
	[tilespmem:s3+$0x0] =	vst v0  }
0x928: {  	v0 =	vld [tilespmem:s30+$0xFFFFFFC0];
	[tilespmem:s3+$0x10] =	vst v1  }
0x929: {  	v1 =	vld [tilespmem:s30+$0xFFFFFFD0];
	[tilespmem:s3+$0x20] =	vst v2  }
0x92a: {  	v2 =	vld [tilespmem:s30+$0xFFFFFFE0];
	[tilespmem:s3+$0xFFFFFFC0] =	vst v4  }
0x92b: {  	v4 =	vld [tilespmem:s30+$0xFFFFFFF0]  }
0x92c: {  	v7 =	vld [tilespmem:s30+$0xFFFFFF90]  }
0x92d: {  	v6 =	vld.idx.msk [tilespmem:v6+s17+$0x0], $0xffff  }
0x92e: {  	v8 =	vld.idx.msk [tilespmem:v5+s17+$0x0], $0xffff  }
0x92f: {  	v5 =	vld.idx.msk [tilespmem:v3+s17+$0x0], $0xffff  }
.Ltmp47:
0x930: {  	v3 =	vld.idx.msk [tilespmem:v0+s17+$0x0], $0xffff;
	(pc) =	sbr.rel @p5 .LBB2_96-.Ltmp47, $4  }
0x931: {  	v0 =	vld.idx.msk [tilespmem:v1+s17+$0x0], $0xffff  }
0x932: {  	s3 =	sadd.s32 $0x80, s3;
	v1 =	vld.idx.msk [tilespmem:v2+s17+$0x0], $0xffff  }
0x933: {  	v2 =	vld.idx.msk [tilespmem:v4+s17+$0x0], $0xffff;
	[tilespmem:s3+$0x30] =	vst v6  }
0x934: {  	s30 =	sadd.s32 $0x80, s30;
	v4 =	vld.idx.msk [tilespmem:v7+s17+$0x0], $0xffff;
	[tilespmem:s3+$0xFFFFFFD0] =	vst v8  }
0x935: {  	[tilespmem:s3+$0xFFFFFFE0] =	vst v5  }
0x936: {  	[tilespmem:s3+$0xFFFFFFF0] =	vst v3  }
0x937: {  	[tilespmem:s3+$0x0] =	vst v0  }
0x938: {  	[tilespmem:s3+$0x10] =	vst v1  }
0x939: {  	[tilespmem:s3+$0x20] =	vst v2  }
0x93a: {  	[tilespmem:s3+$0xFFFFFFC0] =	vst v4  }
0x93b: {  	[hbm4b:s12+s19] =	stream.strided.scatter [tilespmem:s24], [sflag:$0x3], $0x1000, s20, s19, $0x38;
	[tilespmem:$0x1E700] =	vst v63  }
0x93c: {  	s29 =	simm.s32 @!p4 $0x400;
	s3 =	rddreg [dreg:$0x1c]  }
0x93d: {  	[tilespmem:s17], [sflag:$0x1] =	stream.strided.gather [hbm4b:s3+s19], $0x18700, s20, s19, $0x38;
	[tilespmem:$0x1E700] =	vst v63  }
0x93e: {  	s30 =	simm.s32 @!p4 $0x18700;
	s31 =	rddreg [dreg:$0x1d];
	s3 =	simm.s32 @!p4 $0x80  }
0x93f: {  	[tilespmem:s30], [sflag:$0x4] =	stream.strided.gather @!p4 [hbm4b:s31+s3], $0x4000, s29, s3, $0x38;
	[tilespmem:$0x1E700] =	vst v63  }
0x940: {  	s3 =	simm.s32 @!p4 $0x4  }
0x941: {  	_ =	swait.ge @!p4 [sflag:s3], $0x4000  }
0x942: {  	[sflag:s3] =	ssyncset.done @!p4 $0x0  }
0x943: {  	[sflag:s3] =	ssyncadd.s32 @!p4 $0xFFFFC000  }
0x944: {  	_ =	swait.ge [sflag:s22], $0x18700  }
0x945: {  	[sflag:s22] =	ssyncset.done $0x0  }
0x946: {  	[sflag:s22] =	ssyncadd.s32 $0xFFFE7900  }
0x947: {  	_ =	swait.ge [sflag:s25], $0x1000  }
0x948: {  	[sflag:s25] =	ssyncset.done $0x0  }
0x949: {  	s31 =	simm.s32 $0x18740;
	[sflag:s25] =	ssyncadd.s32 $0xFFFFF000  }
0x94a: {  	v0 =	vld [tilespmem:s31+$0x30]  }
0x94b: {  	v1 =	vld [tilespmem:s31+$0xFFFFFFD0]  }
0x94c: {  	v2 =	vld [tilespmem:s31+$0xFFFFFFE0]  }
0x94d: {  	v3 =	vld [tilespmem:s31+$0xFFFFFFF0]  }
0x94e: {  	v4 =	vld [tilespmem:s31+$0x0]  }
0x94f: {  	v6 =	vld [tilespmem:s31+$0x10]  }
0x950: {  	v7 =	vld [tilespmem:s31+$0x20]  }
0x951: {  	v8 =	vld [tilespmem:s31+$0xFFFFFFC0]  }
0x952: {  	v9 =	vld.idx.msk [tilespmem:v0+s17+$0x0], $0xffff  }
0x953: {  	v10 =	vld.idx.msk [tilespmem:v1+s17+$0x0], $0xffff  }
0x954: {  	v5 =	vld.idx.msk [tilespmem:v2+s17+$0x0], $0xffff  }
0x955: {  	v3 =	vld.idx.msk [tilespmem:v3+s17+$0x0], $0xffff  }
0x956: {  	v0 =	vld.idx.msk [tilespmem:v4+s17+$0x0], $0xffff  }
0x957: {  	s3 =	simm.s32 $0x1C740;
	v1 =	vld.idx.msk [tilespmem:v6+s17+$0x0], $0xffff  }
0x958: {  	v2 =	vld.idx.msk [tilespmem:v7+s17+$0x0], $0xffff;
	[tilespmem:s3+$0x30] =	vst v9  }
0x959: {  	s29 =	simm.s32 $0x0;
	s30 =	simm.s32 $0x187C0;
	v4 =	vld.idx.msk [tilespmem:v8+s17+$0x0], $0xffff;
	[tilespmem:s3+$0xFFFFFFD0] =	vst v10  }
.LBB2_98:
0x95a: {  	v6 =	vld [tilespmem:s30+$0x30];
	s29 =	sadd.s32 $0x8, s29;
	[tilespmem:s3+$0xFFFFFFE0] =	vst v5  }
0x95b: {  	v5 =	vld [tilespmem:s30+$0xFFFFFFD0];
	p5 =	slt.u32 s29, $0xF8;
	[tilespmem:s3+$0xFFFFFFF0] =	vst v3  }
0x95c: {  	v3 =	vld [tilespmem:s30+$0xFFFFFFE0];
	[tilespmem:s3+$0x0] =	vst v0  }
0x95d: {  	v0 =	vld [tilespmem:s30+$0xFFFFFFF0];
	[tilespmem:s3+$0x10] =	vst v1  }
0x95e: {  	v1 =	vld [tilespmem:s30+$0x0];
	[tilespmem:s3+$0x20] =	vst v2  }
0x95f: {  	v2 =	vld [tilespmem:s30+$0x10];
	[tilespmem:s3+$0xFFFFFFC0] =	vst v4  }
0x960: {  	v4 =	vld [tilespmem:s30+$0x20]  }
0x961: {  	v7 =	vld [tilespmem:s30+$0xFFFFFFC0]  }
0x962: {  	v6 =	vld.idx.msk [tilespmem:v6+s17+$0x0], $0xffff  }
0x963: {  	v8 =	vld.idx.msk [tilespmem:v5+s17+$0x0], $0xffff  }
0x964: {  	v5 =	vld.idx.msk [tilespmem:v3+s17+$0x0], $0xffff  }
.Ltmp48:
0x965: {  	v3 =	vld.idx.msk [tilespmem:v0+s17+$0x0], $0xffff;
	(pc) =	sbr.rel @p5 .LBB2_98-.Ltmp48, $4  }
0x966: {  	v0 =	vld.idx.msk [tilespmem:v1+s17+$0x0], $0xffff  }
0x967: {  	s3 =	sadd.s32 $0x80, s3;
	v1 =	vld.idx.msk [tilespmem:v2+s17+$0x0], $0xffff  }
0x968: {  	v2 =	vld.idx.msk [tilespmem:v4+s17+$0x0], $0xffff;
	[tilespmem:s3+$0x30] =	vst v6  }
0x969: {  	s30 =	sadd.s32 $0x80, s30;
	v4 =	vld.idx.msk [tilespmem:v7+s17+$0x0], $0xffff;
	[tilespmem:s3+$0xFFFFFFD0] =	vst v8  }
0x96a: {  	[tilespmem:s3+$0xFFFFFFE0] =	vst v5  }
0x96b: {  	[tilespmem:s3+$0xFFFFFFF0] =	vst v3  }
0x96c: {  	[tilespmem:s3+$0x0] =	vst v0  }
0x96d: {  	[tilespmem:s3+$0x10] =	vst v1  }
0x96e: {  	[tilespmem:s3+$0x20] =	vst v2  }
0x96f: {  	[tilespmem:s3+$0xFFFFFFC0] =	vst v4  }
0x970: {  	[hbm4b:s13+s19] =	stream.strided.scatter [tilespmem:s23], [sflag:$0x2], $0x1000, s20, s19, $0x38;
	[tilespmem:$0x1E700] =	vst v63  }
0x971: {  	_ =	swait.ge [sflag:s26], $0x1000  }
0x972: {  	[sflag:s26] =	ssyncset.done $0x0  }
0x973: {  	s31 =	simm.s32 $0x19770;
	[sflag:s26] =	ssyncadd.s32 $0xFFFFF000  }
0x974: {  	v0 =	vld [tilespmem:s31+$0x0]  }
0x975: {  	v1 =	vld [tilespmem:s31+$0xFFFFFFA0]  }
0x976: {  	v2 =	vld [tilespmem:s31+$0xFFFFFFB0]  }
0x977: {  	v3 =	vld [tilespmem:s31+$0xFFFFFFC0]  }
0x978: {  	v4 =	vld [tilespmem:s31+$0xFFFFFFD0]  }
0x979: {  	v6 =	vld [tilespmem:s31+$0xFFFFFFE0]  }
0x97a: {  	v7 =	vld [tilespmem:s31+$0xFFFFFFF0]  }
0x97b: {  	v8 =	vld [tilespmem:s31+$0xFFFFFF90]  }
0x97c: {  	v9 =	vld.idx.msk [tilespmem:v0+s17+$0x0], $0xffff  }
0x97d: {  	v10 =	vld.idx.msk [tilespmem:v1+s17+$0x0], $0xffff  }
0x97e: {  	v5 =	vld.idx.msk [tilespmem:v2+s17+$0x0], $0xffff  }
0x97f: {  	v3 =	vld.idx.msk [tilespmem:v3+s17+$0x0], $0xffff  }
0x980: {  	v0 =	vld.idx.msk [tilespmem:v4+s17+$0x0], $0xffff  }
0x981: {  	s3 =	simm.s32 $0x1D740;
	v1 =	vld.idx.msk [tilespmem:v6+s17+$0x0], $0xffff  }
0x982: {  	v2 =	vld.idx.msk [tilespmem:v7+s17+$0x0], $0xffff;
	[tilespmem:s3+$0x30] =	vst v9  }
0x983: {  	s29 =	simm.s32 $0x0;
	s30 =	simm.s32 $0x197F0;
	v4 =	vld.idx.msk [tilespmem:v8+s17+$0x0], $0xffff;
	[tilespmem:s3+$0xFFFFFFD0] =	vst v10  }
.LBB2_100:
0x984: {  	v6 =	vld [tilespmem:s30+$0x0];
	s29 =	sadd.s32 $0x8, s29;
	[tilespmem:s3+$0xFFFFFFE0] =	vst v5  }
0x985: {  	v5 =	vld [tilespmem:s30+$0xFFFFFFA0];
	p5 =	slt.u32 s29, $0xF8;
	[tilespmem:s3+$0xFFFFFFF0] =	vst v3  }
0x986: {  	v3 =	vld [tilespmem:s30+$0xFFFFFFB0];
	[tilespmem:s3+$0x0] =	vst v0  }
0x987: {  	v0 =	vld [tilespmem:s30+$0xFFFFFFC0];
	[tilespmem:s3+$0x10] =	vst v1  }
0x988: {  	v1 =	vld [tilespmem:s30+$0xFFFFFFD0];
	[tilespmem:s3+$0x20] =	vst v2  }
0x989: {  	v2 =	vld [tilespmem:s30+$0xFFFFFFE0];
	[tilespmem:s3+$0xFFFFFFC0] =	vst v4  }
0x98a: {  	v4 =	vld [tilespmem:s30+$0xFFFFFFF0]  }
0x98b: {  	v7 =	vld [tilespmem:s30+$0xFFFFFF90]  }
0x98c: {  	v6 =	vld.idx.msk [tilespmem:v6+s17+$0x0], $0xffff  }
0x98d: {  	v8 =	vld.idx.msk [tilespmem:v5+s17+$0x0], $0xffff  }
0x98e: {  	v5 =	vld.idx.msk [tilespmem:v3+s17+$0x0], $0xffff  }
.Ltmp49:
0x98f: {  	v3 =	vld.idx.msk [tilespmem:v0+s17+$0x0], $0xffff;
	(pc) =	sbr.rel @p5 .LBB2_100-.Ltmp49, $4  }
0x990: {  	v0 =	vld.idx.msk [tilespmem:v1+s17+$0x0], $0xffff  }
0x991: {  	s3 =	sadd.s32 $0x80, s3;
	v1 =	vld.idx.msk [tilespmem:v2+s17+$0x0], $0xffff  }
0x992: {  	v2 =	vld.idx.msk [tilespmem:v4+s17+$0x0], $0xffff;
	[tilespmem:s3+$0x30] =	vst v6  }
0x993: {  	s30 =	sadd.s32 $0x80, s30;
	v4 =	vld.idx.msk [tilespmem:v7+s17+$0x0], $0xffff;
	[tilespmem:s3+$0xFFFFFFD0] =	vst v8  }
0x994: {  	[tilespmem:s3+$0xFFFFFFE0] =	vst v5  }
0x995: {  	[tilespmem:s3+$0xFFFFFFF0] =	vst v3  }
0x996: {  	[tilespmem:s3+$0x0] =	vst v0  }
0x997: {  	[tilespmem:s3+$0x10] =	vst v1  }
0x998: {  	[tilespmem:s3+$0x20] =	vst v2  }
0x999: {  	[tilespmem:s3+$0xFFFFFFC0] =	vst v4  }
0x99a: {  	[hbm4b:s14+s19] =	stream.strided.scatter [tilespmem:s24], [sflag:$0x3], $0x1000, s20, s19, $0x38;
	[tilespmem:$0x1E700] =	vst v63  }
0x99b: {  	_ =	swait.ge [sflag:s25], $0x1000  }
0x99c: {  	[sflag:s25] =	ssyncset.done $0x0  }
0x99d: {  	s31 =	simm.s32 $0x1A770;
	[sflag:s25] =	ssyncadd.s32 $0xFFFFF000  }
0x99e: {  	v0 =	vld [tilespmem:s31+$0x0]  }
0x99f: {  	v1 =	vld [tilespmem:s31+$0xFFFFFFA0]  }
0x9a0: {  	v2 =	vld [tilespmem:s31+$0xFFFFFFB0]  }
0x9a1: {  	v3 =	vld [tilespmem:s31+$0xFFFFFFC0]  }
0x9a2: {  	v4 =	vld [tilespmem:s31+$0xFFFFFFD0]  }
0x9a3: {  	v6 =	vld [tilespmem:s31+$0xFFFFFFE0]  }
0x9a4: {  	v7 =	vld [tilespmem:s31+$0xFFFFFFF0]  }
0x9a5: {  	v8 =	vld [tilespmem:s31+$0xFFFFFF90]  }
0x9a6: {  	v9 =	vld.idx.msk [tilespmem:v0+s17+$0x0], $0xffff  }
0x9a7: {  	v10 =	vld.idx.msk [tilespmem:v1+s17+$0x0], $0xffff  }
0x9a8: {  	v5 =	vld.idx.msk [tilespmem:v2+s17+$0x0], $0xffff  }
0x9a9: {  	v3 =	vld.idx.msk [tilespmem:v3+s17+$0x0], $0xffff  }
0x9aa: {  	v0 =	vld.idx.msk [tilespmem:v4+s17+$0x0], $0xffff  }
0x9ab: {  	s3 =	simm.s32 $0x1C740;
	v1 =	vld.idx.msk [tilespmem:v6+s17+$0x0], $0xffff  }
0x9ac: {  	v2 =	vld.idx.msk [tilespmem:v7+s17+$0x0], $0xffff;
	[tilespmem:s3+$0x30] =	vst v9  }
0x9ad: {  	s29 =	simm.s32 $0x0;
	s30 =	simm.s32 $0x1A7F0;
	v4 =	vld.idx.msk [tilespmem:v8+s17+$0x0], $0xffff;
	[tilespmem:s3+$0xFFFFFFD0] =	vst v10  }
.LBB2_102:
0x9ae: {  	v6 =	vld [tilespmem:s30+$0x0];
	s29 =	sadd.s32 $0x8, s29;
	[tilespmem:s3+$0xFFFFFFE0] =	vst v5  }
0x9af: {  	v5 =	vld [tilespmem:s30+$0xFFFFFFA0];
	p5 =	slt.u32 s29, $0xF8;
	[tilespmem:s3+$0xFFFFFFF0] =	vst v3  }
0x9b0: {  	v3 =	vld [tilespmem:s30+$0xFFFFFFB0];
	[tilespmem:s3+$0x0] =	vst v0  }
0x9b1: {  	v0 =	vld [tilespmem:s30+$0xFFFFFFC0];
	[tilespmem:s3+$0x10] =	vst v1  }
0x9b2: {  	v1 =	vld [tilespmem:s30+$0xFFFFFFD0];
	[tilespmem:s3+$0x20] =	vst v2  }
0x9b3: {  	v2 =	vld [tilespmem:s30+$0xFFFFFFE0];
	[tilespmem:s3+$0xFFFFFFC0] =	vst v4  }
0x9b4: {  	v4 =	vld [tilespmem:s30+$0xFFFFFFF0]  }
0x9b5: {  	v7 =	vld [tilespmem:s30+$0xFFFFFF90]  }
0x9b6: {  	v6 =	vld.idx.msk [tilespmem:v6+s17+$0x0], $0xffff  }
0x9b7: {  	v8 =	vld.idx.msk [tilespmem:v5+s17+$0x0], $0xffff  }
0x9b8: {  	v5 =	vld.idx.msk [tilespmem:v3+s17+$0x0], $0xffff  }
.Ltmp50:
0x9b9: {  	v3 =	vld.idx.msk [tilespmem:v0+s17+$0x0], $0xffff;
	(pc) =	sbr.rel @p5 .LBB2_102-.Ltmp50, $4  }
0x9ba: {  	v0 =	vld.idx.msk [tilespmem:v1+s17+$0x0], $0xffff  }
0x9bb: {  	s3 =	sadd.s32 $0x80, s3;
	v1 =	vld.idx.msk [tilespmem:v2+s17+$0x0], $0xffff  }
0x9bc: {  	v2 =	vld.idx.msk [tilespmem:v4+s17+$0x0], $0xffff;
	[tilespmem:s3+$0x30] =	vst v6  }
0x9bd: {  	s30 =	sadd.s32 $0x80, s30;
	v4 =	vld.idx.msk [tilespmem:v7+s17+$0x0], $0xffff;
	[tilespmem:s3+$0xFFFFFFD0] =	vst v8  }
0x9be: {  	[tilespmem:s3+$0xFFFFFFE0] =	vst v5  }
0x9bf: {  	[tilespmem:s3+$0xFFFFFFF0] =	vst v3  }
0x9c0: {  	[tilespmem:s3+$0x0] =	vst v0  }
0x9c1: {  	[tilespmem:s3+$0x10] =	vst v1  }
0x9c2: {  	[tilespmem:s3+$0x20] =	vst v2  }
0x9c3: {  	[tilespmem:s3+$0xFFFFFFC0] =	vst v4  }
0x9c4: {  	[hbm4b:s15+s19] =	stream.strided.scatter [tilespmem:s23], [sflag:$0x2], $0x1000, s20, s19, $0x38;
	[tilespmem:$0x1E700] =	vst v63  }
0x9c5: {  	_ =	swait.ge [sflag:s26], $0x1000  }
0x9c6: {  	[sflag:s26] =	ssyncset.done $0x0  }
0x9c7: {  	s31 =	simm.s32 $0x1B770;
	[sflag:s26] =	ssyncadd.s32 $0xFFFFF000  }
0x9c8: {  	v0 =	vld [tilespmem:s31+$0x0]  }
0x9c9: {  	v1 =	vld [tilespmem:s31+$0xFFFFFFA0]  }
0x9ca: {  	v2 =	vld [tilespmem:s31+$0xFFFFFFB0]  }
0x9cb: {  	v3 =	vld [tilespmem:s31+$0xFFFFFFC0]  }
0x9cc: {  	v4 =	vld [tilespmem:s31+$0xFFFFFFD0]  }
0x9cd: {  	v6 =	vld [tilespmem:s31+$0xFFFFFFE0]  }
0x9ce: {  	v7 =	vld [tilespmem:s31+$0xFFFFFFF0]  }
0x9cf: {  	v8 =	vld [tilespmem:s31+$0xFFFFFF90]  }
0x9d0: {  	v9 =	vld.idx.msk [tilespmem:v0+s17+$0x0], $0xffff  }
0x9d1: {  	v10 =	vld.idx.msk [tilespmem:v1+s17+$0x0], $0xffff  }
0x9d2: {  	v5 =	vld.idx.msk [tilespmem:v2+s17+$0x0], $0xffff  }
0x9d3: {  	v3 =	vld.idx.msk [tilespmem:v3+s17+$0x0], $0xffff  }
0x9d4: {  	v0 =	vld.idx.msk [tilespmem:v4+s17+$0x0], $0xffff  }
0x9d5: {  	s3 =	simm.s32 $0x1D740;
	v1 =	vld.idx.msk [tilespmem:v6+s17+$0x0], $0xffff  }
0x9d6: {  	v2 =	vld.idx.msk [tilespmem:v7+s17+$0x0], $0xffff;
	[tilespmem:s3+$0x30] =	vst v9  }
0x9d7: {  	s29 =	simm.s32 $0x0;
	s30 =	simm.s32 $0x1B7F0;
	v4 =	vld.idx.msk [tilespmem:v8+s17+$0x0], $0xffff;
	[tilespmem:s3+$0xFFFFFFD0] =	vst v10  }
.LBB2_104:
0x9d8: {  	v6 =	vld [tilespmem:s30+$0x0];
	s29 =	sadd.s32 $0x8, s29;
	[tilespmem:s3+$0xFFFFFFE0] =	vst v5  }
0x9d9: {  	v5 =	vld [tilespmem:s30+$0xFFFFFFA0];
	p5 =	slt.u32 s29, $0xF8;
	[tilespmem:s3+$0xFFFFFFF0] =	vst v3  }
0x9da: {  	v3 =	vld [tilespmem:s30+$0xFFFFFFB0];
	[tilespmem:s3+$0x0] =	vst v0  }
0x9db: {  	v0 =	vld [tilespmem:s30+$0xFFFFFFC0];
	[tilespmem:s3+$0x10] =	vst v1  }
0x9dc: {  	v1 =	vld [tilespmem:s30+$0xFFFFFFD0];
	[tilespmem:s3+$0x20] =	vst v2  }
0x9dd: {  	v2 =	vld [tilespmem:s30+$0xFFFFFFE0];
	[tilespmem:s3+$0xFFFFFFC0] =	vst v4  }
0x9de: {  	v4 =	vld [tilespmem:s30+$0xFFFFFFF0]  }
0x9df: {  	v7 =	vld [tilespmem:s30+$0xFFFFFF90]  }
0x9e0: {  	v6 =	vld.idx.msk [tilespmem:v6+s17+$0x0], $0xffff  }
0x9e1: {  	v8 =	vld.idx.msk [tilespmem:v5+s17+$0x0], $0xffff  }
0x9e2: {  	v5 =	vld.idx.msk [tilespmem:v3+s17+$0x0], $0xffff  }
.Ltmp51:
0x9e3: {  	v3 =	vld.idx.msk [tilespmem:v0+s17+$0x0], $0xffff;
	(pc) =	sbr.rel @p5 .LBB2_104-.Ltmp51, $4  }
0x9e4: {  	v0 =	vld.idx.msk [tilespmem:v1+s17+$0x0], $0xffff  }
0x9e5: {  	s3 =	sadd.s32 $0x80, s3;
	v1 =	vld.idx.msk [tilespmem:v2+s17+$0x0], $0xffff  }
0x9e6: {  	v2 =	vld.idx.msk [tilespmem:v4+s17+$0x0], $0xffff;
	[tilespmem:s3+$0x30] =	vst v6  }
0x9e7: {  	s30 =	sadd.s32 $0x80, s30;
	v4 =	vld.idx.msk [tilespmem:v7+s17+$0x0], $0xffff;
	[tilespmem:s3+$0xFFFFFFD0] =	vst v8  }
0x9e8: {  	[tilespmem:s3+$0xFFFFFFE0] =	vst v5  }
0x9e9: {  	[tilespmem:s3+$0xFFFFFFF0] =	vst v3  }
0x9ea: {  	[tilespmem:s3+$0x0] =	vst v0  }
0x9eb: {  	[tilespmem:s3+$0x10] =	vst v1  }
0x9ec: {  	[tilespmem:s3+$0x20] =	vst v2  }
0x9ed: {  	s28 =	sadd.s32 $0x1, s28;
	[tilespmem:s3+$0xFFFFFFC0] =	vst v4  }
0x9ee: {  	[hbm4b:s16+s19] =	stream.strided.scatter [tilespmem:s24], [sflag:$0x3], $0x1000, s20, s19, $0x38;
	[tilespmem:$0x1E700] =	vst v63  }
0x9ef: {  	p5 =	sne.s32 s28, s18;
	_ =	swait.ge [sflag:s25], $0x1000  }
.Ltmp52:
0x9f0: {  	[sflag:s25] =	ssyncset.done $0x0;
	(pc) =	sbr.rel @p5 .LBB2_1-.Ltmp52, $4  }
0x9f1: {  	[sflag:s25] =	ssyncadd.s32 $0xFFFFF000  }
0x9f2: {  	_ =	swait.ge [sflag:s26], $0x1000  }
0x9f3: {  	[sflag:s26] =	ssyncset.done $0x0  }
0x9f4: {  	[sflag:s26] =	ssyncadd.s32 $0xFFFFF000  }
0x9f5: {  	_ =	sfence.sel $0x180000  }
0x9f6: {  	[bflag:$0x0] =	sbarrier.arrive $0xFFFF  }
0x9f7: {  	_ =	strace $0x90000047  }
0x9f8: {  	s0 =	stileid.u32;
	[bflag:$0x2] =	sbarrier.arrive $0xFFFF  }
0x9f9: {  	p0 =	sne.s32 s0, $0x0;
	s0 =	rddreg [dreg:$0x3]  }
0x9fa: {  	s0 =	sadd.s32 @!p0 $0x100000, s0  }
0x9fb: {  	[sflag:s0] =	ssyncadd.tile.s32 @!p0 $0x1;
	_ =	shalt  }
.Lfunc_end2:
_tile_overlayer_lowered:
.L_overlay_start_2:
0x9fc: {  	(tag) =	ssettag $0x2  }
0x9fd: {  	s0 =	rddreg [dreg:$0x0];
	s2 =	stileid.u32  }
0x9fe: {  	s1 =	rddreg [dreg:$0x1];
	p0 =	sne.s32 s2, $0x0  }
0x9ff: {  	s3 =	rddreg [dreg:$0x2];
	[bflag:$0x3] =	sbarrier.arrive $0xFFFF;
	s2 =	simm.s32 @!p0 $0x1C04  }
0xa00: {  	[timem:s3], [sflag:s2] =	dma.local @!p0 [hbm:s0], s1  }
0xa01: {  	s0 =	simm.s32 @!p0 $0x4  }
0xa02: {  	_ =	swait.ge @!p0 [sflag:s0], s1  }
0xa03: {  	s1 =	ssub.s32 @!p0 $0x0, s1;
	[sflag:s0] =	ssyncset.done @!p0 $0x0  }
0xa04: {  	[sflag:s0] =	ssyncadd.s32 @!p0 s1  }
0xa05: {  	[bflag:$0x3] =	sbarrier.arrive $0xFFFF  }
0xa06: {  	_ =	shalt  }

</sc_bundles>
